<compile_context>
chip_gen: v7x
topology: tpu7x:2x2x1
jax: 0.10.2.dev20260603
libtpu: 0.0.44.dev20260713+nightly
codegen_flags: <defaults>
</compile_context>

<pallas_src>
import functools

import jax
import jax.numpy as jnp
from jax import lax
from jax.experimental import pallas as pl
from jax.experimental.pallas import tpu as pltpu
from jax.experimental.pallas import tpu_sc as plsc

B = 8
N = 4096
S = 1024
K = 32
C_IN = 32
RAD2 = 0.2 * 0.2
EPS = 1e-3
NROWS = B * S * K
NW = 32
CPW = (B * S) // NW


def _fps_body(xT_ref, newxT_ref):
    x = xT_ref[0]
    y = xT_ref[1]
    z = xT_ref[2]
    lane = lax.broadcasted_iota(jnp.int32, (B, N), 1)
    lane128 = lax.broadcasted_iota(jnp.int32, (B, 128), 1)

    def inner(ii, carry):
        dists, fvec, bx, by, bz = carry
        oh = lane == fvec
        cx = jnp.sum(jnp.where(oh, x, 0.0), axis=1, keepdims=True)
        cy = jnp.sum(jnp.where(oh, y, 0.0), axis=1, keepdims=True)
        cz = jnp.sum(jnp.where(oh, z, 0.0), axis=1, keepdims=True)
        sel = lane128 == ii
        bx = jnp.where(sel, cx, bx)
        by = jnp.where(sel, cy, by)
        bz = jnp.where(sel, cz, bz)
        dx = x - cx
        dy = y - cy
        dz = z - cz
        d = (dx * dx + dy * dy) + dz * dz
        dists = jnp.minimum(dists, d)
        m = jnp.max(dists, axis=1, keepdims=True)
        fvec = jnp.min(jnp.where(dists == m, lane, N), axis=1, keepdims=True)
        return dists, fvec, bx, by, bz

    def outer(o, carry):
        dists, fvec = carry
        zb = jnp.zeros((B, 128), jnp.float32)
        dists, fvec, bx, by, bz = lax.fori_loop(
            0, 128, inner, (dists, fvec, zb, zb, zb))
        col = pl.multiple_of(o * 128, 128)
        newxT_ref[0, :, pl.ds(col, 128)] = bx
        newxT_ref[1, :, pl.ds(col, 128)] = by
        newxT_ref[2, :, pl.ds(col, 128)] = bz
        return dists, fvec

    d0 = jnp.full((B, N), 1e10, jnp.float32)
    f0 = jnp.zeros((B, 1), jnp.int32)
    lax.fori_loop(0, S // 128, outer, (d0, f0))


def _fps(xT):
    return pl.pallas_call(
        _fps_body,
        out_shape=jax.ShapeDtypeStruct((3, B, S), jnp.float32),
    )(xT)


def _proj_c_body(nx_ref, w1a_ref, c1_ref, c2_ref):
    nx = nx_ref[...]
    sq = nx * nx
    c2_ref[...] = jnp.sum(sq, axis=1, keepdims=True)
    c1_ref[...] = jnp.dot(nx, w1a_ref[...], preferred_element_type=jnp.float32)


def _proj_c(nx_rows, W1a):
    return pl.pallas_call(
        _proj_c_body,
        out_shape=(
            jax.ShapeDtypeStruct((B * S, C_IN), jnp.float32),
            jax.ShapeDtypeStruct((B * S, 1), jnp.float32),
        ),
    )(nx_rows, W1a)


def _proj_y_body(x_ref, p_ref, w1a_ref, w1b_ref, y_ref, x2_ref):
    xb = x_ref[...]
    pb = p_ref[...]
    sq = xb * xb
    x2_ref[...] = jnp.sum(sq, axis=1, keepdims=True)
    y_ref[...] = (jnp.dot(xb, w1a_ref[...], preferred_element_type=jnp.float32)
                  + jnp.dot(pb, w1b_ref[...], preferred_element_type=jnp.float32))


def _proj_y(xyz_rows, pts_rows, W1a, W1b):
    blk = 4096
    grid = (B * N) // blk
    return pl.pallas_call(
        _proj_y_body,
        grid=(grid,),
        in_specs=[
            pl.BlockSpec((blk, 3), lambda i: (i, 0)),
            pl.BlockSpec((blk, C_IN), lambda i: (i, 0)),
            pl.BlockSpec((3, C_IN), lambda i: (0, 0)),
            pl.BlockSpec((C_IN, C_IN), lambda i: (0, 0)),
        ],
        out_specs=(
            pl.BlockSpec((blk, C_IN), lambda i: (i, 0)),
            pl.BlockSpec((blk, 1), lambda i: (i, 0)),
        ),
        out_shape=(
            jax.ShapeDtypeStruct((B * N, C_IN), jnp.float32),
            jax.ShapeDtypeStruct((B * N, 1), jnp.float32),
        ),
    )(xyz_rows, pts_rows, W1a, W1b)


def _sc_body(xT, newxT, x2f, c2f, c1h, yh,
             h1h, statsh,
             xv, yv, zv, cxv, cyv, czv, x2v, c2v, c1v,
             idxbuf, gidx0, gidx1, rows0, rows1, acc, sbuf,
             semg0, semg1, semw0, semw1, sem):
    wid = lax.axis_index("s") * 2 + lax.axis_index("c")
    b = wid // 4
    q = wid % 4
    cb = wid * CPW

    pltpu.sync_copy(xT.at[0, b], xv)
    pltpu.sync_copy(xT.at[1, b], yv)
    pltpu.sync_copy(xT.at[2, b], zv)
    pltpu.sync_copy(newxT.at[0, b, pl.ds(q * CPW, CPW)], cxv)
    pltpu.sync_copy(newxT.at[1, b, pl.ds(q * CPW, CPW)], cyv)
    pltpu.sync_copy(newxT.at[2, b, pl.ds(q * CPW, CPW)], czv)
    pltpu.sync_copy(x2f.at[pl.ds(b * N, N)], x2v)
    pltpu.sync_copy(c2f.at[pl.ds(cb, CPW)], c2v)
    pltpu.sync_copy(c1h.at[pl.ds(cb, CPW)], c1v)

    zf = jnp.zeros((16,), jnp.float32)
    for t in range(4):
        acc[pl.ds(16 * t, 16)] = zf
    iota16 = lax.iota(jnp.int32, 16)
    zi = jnp.zeros((16,), jnp.int32)
    nbase = b * N

    def scan_issue(i, gidx, rows, semg):
        iv = zi + i
        cx = plsc.load_gather(cxv, [iv])
        cy = plsc.load_gather(cyv, [iv])
        cz = plsc.load_gather(czv, [iv])
        c2s = plsc.load_gather(c2v, [iv])

        def cond(st):
            c, cnt = st
            return jnp.logical_and(cnt < K, c < N // 32)

        def sbody(st):
            c, cnt = st
            o0 = c * 32
            px = xv[pl.ds(o0, 16)]
            py = yv[pl.ds(o0, 16)]
            pz = zv[pl.ds(o0, 16)]
            x2c = x2v[pl.ds(o0, 16)]
            inner = (cx * px + cy * py) + cz * pz
            d2 = (c2s + x2c) - 2.0 * inner
            msk = d2 <= RAD2
            plsc.store_compressed(idxbuf.at[pl.ds(cnt, 16)], iota16 + o0, mask=msk)
            npos = plsc.all_reduce_population_count(msk)
            if getattr(npos, "ndim", 0):
                npos = jnp.max(npos)
            cnt1 = cnt + npos
            o1 = o0 + 16
            px = xv[pl.ds(o1, 16)]
            py = yv[pl.ds(o1, 16)]
            pz = zv[pl.ds(o1, 16)]
            x2c = x2v[pl.ds(o1, 16)]
            inner = (cx * px + cy * py) + cz * pz
            d2 = (c2s + x2c) - 2.0 * inner
            msk = d2 <= RAD2
            plsc.store_compressed(idxbuf.at[pl.ds(cnt1, 16)], iota16 + o1, mask=msk)
            npos = plsc.all_reduce_population_count(msk)
            if getattr(npos, "ndim", 0):
                npos = jnp.max(npos)
            return c + 1, cnt1 + npos

        _, cnt = lax.while_loop(cond, sbody, (jnp.int32(0), jnp.int32(0)))

        lo = idxbuf[pl.ds(0, 16)]
        hi = idxbuf[pl.ds(16, 16)]
        first = zi + jnp.min(jnp.where(iota16 < cnt, lo, 2147483647))
        sel_lo = jnp.where(iota16 < cnt, lo, first)
        sel_hi = jnp.where(iota16 + 16 < cnt, hi, first)
        gidx[pl.ds(0, 16)] = sel_lo + nbase
        gidx[pl.ds(16, 16)] = sel_hi + nbase
        pltpu.async_copy(yh.at[gidx], rows, semg)

    def finish(j, rows, semg, semw):
        pltpu.make_async_copy(yh.at[gidx0], rows, semg).wait()
        jv = zi + j
        c1a = plsc.load_gather(c1v, [jv, iota16])
        c1b = plsc.load_gather(c1v, [jv, iota16 + 16])
        s0 = acc[pl.ds(0, 16)]
        s1 = acc[pl.ds(16, 16)]
        q0 = acc[pl.ds(32, 16)]
        q1 = acc[pl.ds(48, 16)]
        for jj in range(K):
            r0 = rows[jj, pl.ds(0, 16)] - c1a
            r1 = rows[jj, pl.ds(16, 16)] - c1b
            rows[jj, pl.ds(0, 16)] = r0
            rows[jj, pl.ds(16, 16)] = r1
            s0 = s0 + r0
            s1 = s1 + r1
            q0 = q0 + r0 * r0
            q1 = q1 + r1 * r1
        acc[pl.ds(0, 16)] = s0
        acc[pl.ds(16, 16)] = s1
        acc[pl.ds(32, 16)] = q0
        acc[pl.ds(48, 16)] = q1
        pltpu.async_copy(rows, h1h.at[pl.ds((cb + j) * K, K)], semw)

    def body(i, _):
        even = (i % 2) == 0

        @pl.when(jnp.logical_and(even, i >= 2))
        def _():
            pltpu.make_async_copy(rows0, h1h.at[pl.ds(cb * K, K)], semw0).wait()

        @pl.when(jnp.logical_and(~even, i >= 2))
        def _():
            pltpu.make_async_copy(rows1, h1h.at[pl.ds(cb * K, K)], semw1).wait()

        @pl.when(even)
        def _():
            scan_issue(i, gidx0, rows0, semg0)

        @pl.when(~even)
        def _():
            scan_issue(i, gidx1, rows1, semg1)

        @pl.when(jnp.logical_and(even, i >= 1))
        def _():
            finish(i - 1, rows1, semg1, semw1)

        @pl.when(jnp.logical_and(~even, i >= 1))
        def _():
            finish(i - 1, rows0, semg0, semw0)

        return 0

    lax.fori_loop(0, CPW, body, 0)
    finish(CPW - 1, rows1, semg1, semw1)
    pltpu.make_async_copy(rows0, h1h.at[pl.ds(cb * K, K)], semw0).wait()
    pltpu.make_async_copy(rows1, h1h.at[pl.ds(cb * K, K)], semw1).wait()

    for t in range(4):
        sbuf[pl.ds(16 * t, 16)] = acc[pl.ds(16 * t, 16)]
    pltpu.sync_copy(sbuf, statsh.at[wid])


def _sc_ballgather(xT, newxT, x2f, c2f, c1h, yh):
    mesh = plsc.VectorSubcoreMesh(core_axis_name="c", subcore_axis_name="s")
    fn = functools.partial(
        pl.kernel,
        mesh=mesh,
        compiler_params=pltpu.CompilerParams(needs_layout_passes=False, use_tc_tiling_on_sc=False),
        out_type=(
            jax.ShapeDtypeStruct((NROWS, C_IN), jnp.float32),
            jax.ShapeDtypeStruct((NW, 64), jnp.float32),
        ),
        scratch_types=[
            pltpu.VMEM((N,), jnp.float32),
            pltpu.VMEM((N,), jnp.float32),
            pltpu.VMEM((N,), jnp.float32),
            pltpu.VMEM((CPW,), jnp.float32),
            pltpu.VMEM((CPW,), jnp.float32),
            pltpu.VMEM((CPW,), jnp.float32),
            pltpu.VMEM((N,), jnp.float32),
            pltpu.VMEM((CPW,), jnp.float32),
            pltpu.VMEM((CPW, C_IN), jnp.float32),
            pltpu.VMEM((128,), jnp.int32),
            pltpu.VMEM((K,), jnp.int32),
            pltpu.VMEM((K,), jnp.int32),
            pltpu.VMEM((K, C_IN), jnp.float32),
            pltpu.VMEM((K, C_IN), jnp.float32),
            pltpu.VMEM((64,), jnp.float32),
            pltpu.VMEM((64,), jnp.float32),
            pltpu.SemaphoreType.DMA,
            pltpu.SemaphoreType.DMA,
            pltpu.SemaphoreType.DMA,
            pltpu.SemaphoreType.DMA,
            pltpu.SemaphoreType.DMA,
        ],
    )(_sc_body)
    return fn(xT, newxT, x2f, c2f, c1h, yh)


def _mlp1_body(stats_ref, g_ref, be_ref, w_ref, h_ref, o_ref, so_ref,
               cm_ref, ca_ref, as_ref, aq_ref):
    nb = pl.num_programs(0)
    i = pl.program_id(0)

    @pl.when(i == 0)
    def _():
        st = stats_ref[...]
        tot = jnp.sum(st, axis=0, keepdims=True)
        sums = tot[:, 0:C_IN]
        sqs = tot[:, C_IN:2 * C_IN]
        mean = sums / NROWS
        var = sqs / NROWS - mean * mean
        mul = g_ref[...] / jnp.sqrt(var + EPS)
        add = be_ref[...] - mean * mul
        mul4 = jnp.concatenate([mul, mul, mul, mul], axis=1)
        add4 = jnp.concatenate([add, add, add, add], axis=1)
        cm_ref[...] = mul4
        ca_ref[...] = add4
        as_ref[...] = jnp.zeros_like(as_ref)
        aq_ref[...] = jnp.zeros_like(aq_ref)

    hb = h_ref[...]
    a = jnp.maximum(hb * cm_ref[...] + ca_ref[...], 0.0)
    h2 = jnp.dot(a, w_ref[...], preferred_element_type=jnp.float32)
    o_ref[...] = h2
    as_ref[...] += jnp.sum(h2, axis=0, keepdims=True)
    aq_ref[...] += jnp.sum(h2 * h2, axis=0, keepdims=True)

    @pl.when(i == nb - 1)
    def _():
        so_ref[0:1, :] = as_ref[...]
        so_ref[1:2, :] = aq_ref[...]


def _mlp1(h1p, stats1, g1, b1, W2blk):
    blk = 8192
    rows = NROWS // 4
    grid = rows // blk
    return pl.pallas_call(
        _mlp1_body,
        grid=(grid,),
        in_specs=[
            pl.BlockSpec((NW, 64), lambda i: (0, 0)),
            pl.BlockSpec((1, C_IN), lambda i: (0, 0)),
            pl.BlockSpec((1, C_IN), lambda i: (0, 0)),
            pl.BlockSpec((128, 128), lambda i: (0, 0)),
            pl.BlockSpec((blk, 128), lambda i: (i, 0)),
        ],
        out_specs=(
            pl.BlockSpec((blk, 128), lambda i: (i, 0)),
            pl.BlockSpec((2, 128), lambda i: (0, 0)),
        ),
        out_shape=(
            jax.ShapeDtypeStruct((rows, 128), jnp.float32),
            jax.ShapeDtypeStruct((2, 128), jnp.float32),
        ),
        scratch_shapes=[
            pltpu.VMEM((1, 128), jnp.float32),
            pltpu.VMEM((1, 128), jnp.float32),
            pltpu.VMEM((1, 128), jnp.float32),
            pltpu.VMEM((1, 128), jnp.float32),
        ],
    )(stats1, g1, b1, W2blk, h1p)


def _mlp2_body(stats_ref, g_ref, be_ref, w_ref, h_ref, o_ref, so_ref,
               cm_ref, ca_ref, as_ref, aq_ref):
    nb = pl.num_programs(0)
    i = pl.program_id(0)

    @pl.when(i == 0)
    def _():
        st = stats_ref[...]
        s4 = st[0:1, 0:C_IN] + st[0:1, C_IN:2 * C_IN] + st[0:1, 2 * C_IN:3 * C_IN] + st[0:1, 3 * C_IN:4 * C_IN]
        q4 = st[1:2, 0:C_IN] + st[1:2, C_IN:2 * C_IN] + st[1:2, 2 * C_IN:3 * C_IN] + st[1:2, 3 * C_IN:4 * C_IN]
        mean = s4 / NROWS
        var = q4 / NROWS - mean * mean
        mul = g_ref[...] / jnp.sqrt(var + EPS)
        add = be_ref[...] - mean * mul
        mul4 = jnp.concatenate([mul, mul, mul, mul], axis=1)
        add4 = jnp.concatenate([add, add, add, add], axis=1)
        cm_ref[...] = mul4
        ca_ref[...] = add4
        as_ref[...] = jnp.zeros_like(as_ref)
        aq_ref[...] = jnp.zeros_like(aq_ref)

    hb = h_ref[...]
    a = jnp.maximum(hb * cm_ref[...] + ca_ref[...], 0.0)
    h3 = jnp.dot(a, w_ref[...], preferred_element_type=jnp.float32)
    as_ref[...] += jnp.sum(h3, axis=0, keepdims=True)
    aq_ref[...] += jnp.sum(h3 * h3, axis=0, keepdims=True)
    blk = h3.shape[0]
    m8 = jnp.max(h3.reshape(blk // 8, 8, 256), axis=1)
    m3 = jnp.maximum(jnp.maximum(m8[:, 0:64], m8[:, 64:128]),
                     jnp.maximum(m8[:, 128:192], m8[:, 192:256]))
    o_ref[...] = m3

    @pl.when(i == nb - 1)
    def _():
        so_ref[0:1, :] = as_ref[...]
        so_ref[1:2, :] = aq_ref[...]


def _mlp2(h2p, stats2, g2, b2, W3blk):
    blk = 8192
    rows = NROWS // 4
    grid = rows // blk
    return pl.pallas_call(
        _mlp2_body,
        grid=(grid,),
        in_specs=[
            pl.BlockSpec((2, 128), lambda i: (0, 0)),
            pl.BlockSpec((1, C_IN), lambda i: (0, 0)),
            pl.BlockSpec((1, C_IN), lambda i: (0, 0)),
            pl.BlockSpec((128, 256), lambda i: (0, 0)),
            pl.BlockSpec((blk, 128), lambda i: (i, 0)),
        ],
        out_specs=(
            pl.BlockSpec((blk // 8, 64), lambda i: (i, 0)),
            pl.BlockSpec((2, 256), lambda i: (0, 0)),
        ),
        out_shape=(
            jax.ShapeDtypeStruct((B * S, 64), jnp.float32),
            jax.ShapeDtypeStruct((2, 256), jnp.float32),
        ),
        scratch_shapes=[
            pltpu.VMEM((1, 128), jnp.float32),
            pltpu.VMEM((1, 128), jnp.float32),
            pltpu.VMEM((1, 256), jnp.float32),
            pltpu.VMEM((1, 256), jnp.float32),
        ],
    )(stats2, g2, b2, W3blk, h2p)


def _final_body(stats_ref, g_ref, be_ref, m_ref, o_ref):
    stp = stats_ref[...]
    st = (stp[:, 0:64] + stp[:, 64:128]) + (stp[:, 128:192] + stp[:, 192:256])
    mean = st[0:1, :] / NROWS
    var = st[1:2, :] / NROWS - mean * mean
    mul = g_ref[...] / jnp.sqrt(var + EPS)
    add = be_ref[...] - mean * mul
    o_ref[...] = jnp.maximum(m_ref[...] * mul + add, 0.0)


def _final(m3, stats3, g3, b3):
    return pl.pallas_call(
        _final_body,
        out_shape=jax.ShapeDtypeStruct((B * S, 64), jnp.float32),
    )(stats3, g3, b3, m3)


def _bf16_round(x):
    u = lax.bitcast_convert_type(x, jnp.uint32)
    r = (u + jnp.uint32(0x7FFF) + ((u >> 16) & jnp.uint32(1))) & jnp.uint32(0xFFFF0000)
    return lax.bitcast_convert_type(r, jnp.float32)


def kernel(xyz, points, W1, g1, b1, W2, g2, b2, W3, g3, b3):
    xT = jnp.transpose(xyz, (2, 0, 1))
    W1a = W1[:3]
    W1b = W1[3:]

    newxT = _fps(xT)
    new_xyz = jnp.transpose(newxT, (1, 2, 0))
    nx_rows = new_xyz.reshape(B * S, 3)

    c1, c2 = _proj_c(nx_rows, W1a)
    Y, x2 = _proj_y(xyz.reshape(B * N, 3), points.reshape(B * N, C_IN), W1a, W1b)

    xTr = _bf16_round(xT)
    newxTr = _bf16_round(newxT)
    h1, stats1 = _sc_ballgather(xTr, newxTr, x2.reshape(-1), c2.reshape(-1), c1, Y)

    h1p = h1.reshape(NROWS // 4, 128)
    z3232 = jnp.zeros((C_IN, C_IN), jnp.float32)
    W2blk = jnp.block([[W2 if r == c else z3232 for c in range(4)] for r in range(4)])
    z3264 = jnp.zeros((C_IN, 64), jnp.float32)
    W3blk = jnp.block([[W3 if r == c else z3264 for c in range(4)] for r in range(4)])
    h2p, stats2 = _mlp1(h1p, stats1, g1.reshape(1, -1), b1.reshape(1, -1), W2blk)
    m3, stats3 = _mlp2(h2p, stats2, g2.reshape(1, -1), b2.reshape(1, -1), W3blk)
    out2 = _final(m3, stats3, g3.reshape(1, -1), b3.reshape(1, -1))

    return new_xyz, out2.reshape(B, S, 64)

# --- scband reference (transcript-rebuilt; emitter-appended) ---
"""Pipeline reference for scband-pointnet-sa-9792525435022 (READ-ONLY COPY).

The authoritative reference and input builder live on the scoring server;
editing this copy changes nothing except your own understanding.
"""

import jax, jax.numpy as jnp
import numpy as np

NPOINT = 1024
RADIUS = 0.2
NSAMPLE = 32
EPS = 1e-3


def farthest_point_sample(xyz, npoint):
    B, N, _ = xyz.shape

    def body(i, state):
        idx, dists, farthest = state
        idx = idx.at[:, i].set(farthest)
        centroid = jnp.take_along_axis(xyz, farthest[:, None, None], axis=1)  # [B,1,3]
        d = jnp.sum((xyz - centroid) ** 2, axis=-1)  # [B,N]
        dists = jnp.minimum(dists, d)
        farthest = jnp.argmax(dists, axis=-1).astype(jnp.int32)
        return idx, dists, farthest

    idx0 = jnp.zeros((B, npoint), jnp.int32)
    d0 = jnp.full((B, N), 1e10, jnp.float32)
    f0 = jnp.zeros((B,), jnp.int32)
    idx, _, _ = jax.lax.fori_loop(0, npoint, body, (idx0, d0, f0))
    return idx


def ball_query(radius, nsample, xyz, new_xyz):
    B, N, _ = xyz.shape
    x2 = jnp.sum(xyz ** 2, axis=-1)          # [B,N]
    c2 = jnp.sum(new_xyz ** 2, axis=-1)      # [B,S]
    inner = jnp.einsum('bsd,bnd->bsn', new_xyz, xyz)
    d2 = c2[:, :, None] + x2[:, None, :] - 2.0 * inner  # [B,S,N]
    mask = d2 <= radius * radius
    arange = jnp.arange(N, dtype=jnp.int32)
    score = jnp.where(mask, arange[None, None, :], N)    # invalid -> N
    neg_vals, _ = jax.lax.top_k(-score, nsample)         # smallest valid indices first
    idx = -neg_vals                                      # [B,S,nsample]
    first = idx[:, :, :1]
    idx = jnp.where(idx >= N, jnp.broadcast_to(first, idx.shape), idx)
    idx = jnp.where(idx >= N, 0, idx)
    return idx


def batch_gather(x, idx):
    # x [B,N,C], idx [B,S,K] -> [B,S,K,C]
    B, S, K = idx.shape
    flat = idx.reshape(B, S * K)
    out = jnp.take_along_axis(x, flat[:, :, None], axis=1)
    return out.reshape(B, S, K, x.shape[-1])


def bn_relu(x, gamma, beta):
    # BatchNormalization in training mode, axis=-1, eps=1e-3, then relu
    mean = jnp.mean(x, axis=(0, 1, 2), keepdims=True)
    var = jnp.var(x, axis=(0, 1, 2), keepdims=True)
    y = (x - mean) / jnp.sqrt(var + EPS) * gamma + beta
    return jax.nn.relu(y)


def setup_inputs(seed: int = 0) -> dict:
    key = jax.random.key(seed)
    ks = jax.random.split(key, 8)
    B, N, C = 8, 4096, 32
    xyz = jax.random.uniform(ks[0], (B, N, 3), jnp.float32)
    points = jax.random.normal(ks[1], (B, N, C), jnp.float32)

    def gw(k, ci, co):
        return jax.random.normal(k, (ci, co), jnp.float32) * (2.0 / (ci + co)) ** 0.5

    W1 = gw(ks[2], 3 + C, 32)
    W2 = gw(ks[3], 32, 32)
    W3 = gw(ks[4], 32, 64)
    g1 = jnp.ones((32,), jnp.float32); b1 = jnp.zeros((32,), jnp.float32)
    g2 = jnp.ones((32,), jnp.float32); b2 = jnp.zeros((32,), jnp.float32)
    g3 = jnp.ones((64,), jnp.float32); b3 = jnp.zeros((64,), jnp.float32)
    return dict(xyz=xyz, points=points, W1=W1, g1=g1, b1=b1,
                W2=W2, g2=g2, b2=b2, W3=W3, g3=g3, b3=b3)


def reference(xyz, points, W1, g1, b1, W2, g2, b2, W3, g3, b3):
    # sample_and_group (FPS + ball query), idx computation non-differentiable
    xyz_sg = jax.lax.stop_gradient(xyz)
    fps_idx = farthest_point_sample(xyz_sg, NPOINT)            # [B,S]
    new_xyz = jnp.take_along_axis(xyz, fps_idx[:, :, None], axis=1)  # [B,S,3]
    idx = ball_query(RADIUS, NSAMPLE, xyz_sg, jax.lax.stop_gradient(new_xyz))  # [B,S,K]
    grouped_xyz = batch_gather(xyz, idx) - new_xyz[:, :, None, :]    # [B,S,K,3]
    grouped_points = batch_gather(points, idx)                       # [B,S,K,C]
    new_points = jnp.concatenate([grouped_xyz, grouped_points], axis=-1)  # use_xyz=True
    # MLP: 1x1 Conv2d + BN + relu stack
    h = bn_relu(jnp.einsum('bskc,cf->bskf', new_points, W1), g1, b1)
    h = bn_relu(jnp.einsum('bskc,cf->bskf', h, W2), g2, b2)
    h = bn_relu(jnp.einsum('bskc,cf->bskf', h, W3), g3, b3)
    h = jnp.max(h, axis=2, keepdims=True)   # [B,S,1,64]
    return new_xyz, jnp.squeeze(h)          # ([B,S,3], [B,S,64])

if __name__ == "__main__":
    import jax
    _d = setup_inputs()
    print(jax.jit(kernel)(*tuple(_d.values())))

</pallas_src>

<mosaic_0001>
#map = affine_map<(d0, d1) -> (0, 0, 0)>
#map1 = affine_map<(d0, d1) -> (0)>
#map2 = affine_map<(d0, d1) -> (0, 0)>
module attributes {stable_mosaic.version = 14 : i64} {
  func.func @_sc_body(%arg0: i32, %arg1: i32, %arg2: memref<3x8x4096xf32, #tpu.memory_space<hbm>>, %arg3: memref<3x8x1024xf32, #tpu.memory_space<hbm>>, %arg4: memref<32768xf32, #tpu.memory_space<hbm>>, %arg5: memref<8192xf32, #tpu.memory_space<hbm>>, %arg6: memref<8192x32xf32, #tpu.memory_space<hbm>>, %arg7: memref<32768x32xf32, #tpu.memory_space<hbm>>, %arg8: memref<262144x32xf32, #tpu.memory_space<hbm>>, %arg9: memref<32x64xf32, #tpu.memory_space<hbm>>, %arg10: memref<4096xf32, #tpu.memory_space<vmem>>, %arg11: memref<4096xf32, #tpu.memory_space<vmem>>, %arg12: memref<4096xf32, #tpu.memory_space<vmem>>, %arg13: memref<256xf32, #tpu.memory_space<vmem>>, %arg14: memref<256xf32, #tpu.memory_space<vmem>>, %arg15: memref<256xf32, #tpu.memory_space<vmem>>, %arg16: memref<4096xf32, #tpu.memory_space<vmem>>, %arg17: memref<256xf32, #tpu.memory_space<vmem>>, %arg18: memref<256x32xf32, #tpu.memory_space<vmem>>, %arg19: memref<128xi32, #tpu.memory_space<vmem>>, %arg20: memref<32xi32, #tpu.memory_space<vmem>>, %arg21: memref<32xi32, #tpu.memory_space<vmem>>, %arg22: memref<32x32xf32, #tpu.memory_space<vmem>>, %arg23: memref<32x32xf32, #tpu.memory_space<vmem>>, %arg24: memref<64xf32, #tpu.memory_space<vmem>>, %arg25: memref<64xf32, #tpu.memory_space<vmem>>, %arg26: memref<!tpu.dma_semaphore, #tpu.memory_space<semaphore_mem>>, %arg27: memref<!tpu.dma_semaphore, #tpu.memory_space<semaphore_mem>>, %arg28: memref<!tpu.dma_semaphore, #tpu.memory_space<semaphore_mem>>, %arg29: memref<!tpu.dma_semaphore, #tpu.memory_space<semaphore_mem>>, %arg30: memref<!tpu.dma_semaphore, #tpu.memory_space<semaphore_mem>>) attributes {dimension_semantics = [#tpu.dimension_semantics<core_parallel>, #tpu.dimension_semantics<subcore_parallel>], iteration_bounds = array<i64: 2, 16>, scalar_prefetch = 0 : i64, scratch_operands = 21 : i64, tpu.core_type = #tpu.core_type<sc_vector_subcore>, window_params = [{transform_indices = #map}, {transform_indices = #map}, {transform_indices = #map1}, {transform_indices = #map1}, {transform_indices = #map2}, {transform_indices = #map2}, {transform_indices = #map2}, {transform_indices = #map2}]} {
    %mul3A = arith.constant 2 : i32
    %mul3A_0 = arith.muli %arg1, %mul3A : i32
    %add3A = arith.addi %mul3A_0, %arg0 : i32
    %jit3A = arith.constant 4 : i32
    %div3A = arith.divsi %add3A, %jit3A : i32
    %sign3A = arith.constant 0 : i32
    %sign3A_1 = arith.cmpi sgt, %add3A, %sign3A : i32
    %sign3A_2 = arith.extui %sign3A_1 : i1 to i32
    %sign3A_3 = arith.constant 0 : i32
    %sign3A_4 = arith.cmpi slt, %add3A, %sign3A_3 : i32
    %sign3A_5 = arith.extui %sign3A_4 : i1 to i32
    %sign3A_6 = arith.subi %sign3A_2, %sign3A_5 : i32
    %sign3A_7 = arith.constant 0 : i32
    %sign3A_8 = arith.cmpi sgt, %jit3A, %sign3A_7 : i32
    %sign3A_9 = arith.extui %sign3A_8 : i1 to i32
    %sign3A_10 = arith.constant 0 : i32
    %sign3A_11 = arith.cmpi slt, %jit3A, %sign3A_10 : i32
    %sign3A_12 = arith.extui %sign3A_11 : i1 to i32
    %sign3A_13 = arith.subi %sign3A_9, %sign3A_12 : i32
    %ne3A = arith.cmpi ne, %sign3A_6, %sign3A_13 : i32
    %rem3A = arith.remsi %add3A, %jit3A : i32
    %ne3A_14 = arith.constant 0 : i32
    %ne3A_15 = arith.cmpi ne, %rem3A, %ne3A_14 : i32
    %and3A = arith.andi %ne3A, %ne3A_15 : i1
    %sub3A = arith.constant 1 : i32
    %sub3A_16 = arith.subi %div3A, %sub3A : i32
    %select_n3A = arith.select %and3A, %sub3A_16, %div3A : i32
    %jit3A_17 = arith.constant 4 : i32
    %eq3A = arith.constant 0 : i32
    %eq3A_18 = arith.cmpi eq, %jit3A_17, %eq3A : i32
    %jit3A_19 = arith.constant 1 : i32
    %select_n3A_20 = arith.select %eq3A_18, %jit3A_19, %jit3A_17 : i32
    %rem3A_21 = arith.remsi %add3A, %select_n3A_20 : i32
    %ne3A_22 = arith.constant 0 : i32
    %ne3A_23 = arith.cmpi ne, %rem3A_21, %ne3A_22 : i32
    %lt3A = arith.constant 0 : i32
    %lt3A_24 = arith.cmpi slt, %rem3A_21, %lt3A : i32
    %lt3A_25 = arith.constant 0 : i32
    %lt3A_26 = arith.cmpi slt, %select_n3A_20, %lt3A_25 : i32
    %ne3A_27 = arith.xori %lt3A_24, %lt3A_26 : i1
    %and3A_28 = arith.andi %ne3A_27, %ne3A_23 : i1
    %add3A_29 = arith.addi %rem3A_21, %select_n3A_20 : i32
    %select_n3A_30 = arith.select %and3A_28, %add3A_29, %rem3A_21 : i32
    %mul3A_31 = arith.constant 256 : i32
    %mul3A_32 = arith.muli %add3A, %mul3A_31 : i32
    %run_scoped3A = arith.constant 0 : i32
    "tpu.region"() ({
      %run_scoped3A_891 = tpu.sem_alloc : memref<!tpu.dma_semaphore, #tpu.memory_space<semaphore_mem>>
      %dma_start3A_892 = arith.constant 0 : i32
      %dma_start3A_893 = tpu.memref_slice %arg2[%run_scoped3A, %select_n3A, %dma_start3A_892] : memref<3x8x4096xf32, #tpu.memory_space<hbm>> -> memref<1x1x4096xf32, #tpu.memory_space<hbm>>
      %dma_start3A_894 = tpu.memref_squeeze %dma_start3A_893 : memref<1x1x4096xf32, #tpu.memory_space<hbm>> -> memref<4096xf32, #tpu.memory_space<hbm>>
      %dma_start3A_895 = arith.constant 0 : i32
      %dma_start3A_896 = tpu.memref_slice %arg2[%run_scoped3A, %select_n3A, %dma_start3A_895] : memref<3x8x4096xf32, #tpu.memory_space<hbm>> -> memref<1x1x4096xf32, #tpu.memory_space<hbm>>
      %dma_start3A_897 = tpu.memref_squeeze %dma_start3A_896 : memref<1x1x4096xf32, #tpu.memory_space<hbm>> -> memref<4096xf32, #tpu.memory_space<hbm>>
      tpu.enqueue_dma source(%dma_start3A_897 : memref<4096xf32, #tpu.memory_space<hbm>>) target(%arg10 : memref<4096xf32, #tpu.memory_space<vmem>>) target_semaphore(%run_scoped3A_891 : memref<!tpu.dma_semaphore, #tpu.memory_space<semaphore_mem>>)
      %dma_wait3A_898 = arith.constant 0 : i32
      %dma_wait3A_899 = tpu.memref_slice %arg2[%run_scoped3A, %select_n3A, %dma_wait3A_898] : memref<3x8x4096xf32, #tpu.memory_space<hbm>> -> memref<1x1x4096xf32, #tpu.memory_space<hbm>>
      %dma_wait3A_900 = tpu.memref_squeeze %dma_wait3A_899 : memref<1x1x4096xf32, #tpu.memory_space<hbm>> -> memref<4096xf32, #tpu.memory_space<hbm>>
      %dma_wait3A_901 = arith.constant 0 : i32
      %dma_wait3A_902 = tpu.memref_slice %arg2[%run_scoped3A, %select_n3A, %dma_wait3A_901] : memref<3x8x4096xf32, #tpu.memory_space<hbm>> -> memref<1x1x4096xf32, #tpu.memory_space<hbm>>
      %dma_wait3A_903 = tpu.memref_squeeze %dma_wait3A_902 : memref<1x1x4096xf32, #tpu.memory_space<hbm>> -> memref<4096xf32, #tpu.memory_space<hbm>>
      tpu.wait_dma2 semaphore(%run_scoped3A_891 : memref<!tpu.dma_semaphore, #tpu.memory_space<semaphore_mem>>) src(%dma_wait3A_903 : memref<4096xf32, #tpu.memory_space<hbm>>) dst(%arg10 : memref<4096xf32, #tpu.memory_space<vmem>>)
      tpu.yield
    }) : () -> ()
    %run_scoped3A_33 = arith.constant 1 : i32
    "tpu.region"() ({
      %run_scoped3A_891 = tpu.sem_alloc : memref<!tpu.dma_semaphore, #tpu.memory_space<semaphore_mem>>
      %dma_start3A_892 = arith.constant 0 : i32
      %dma_start3A_893 = tpu.memref_slice %arg2[%run_scoped3A_33, %select_n3A, %dma_start3A_892] : memref<3x8x4096xf32, #tpu.memory_space<hbm>> -> memref<1x1x4096xf32, #tpu.memory_space<hbm>>
      %dma_start3A_894 = tpu.memref_squeeze %dma_start3A_893 : memref<1x1x4096xf32, #tpu.memory_space<hbm>> -> memref<4096xf32, #tpu.memory_space<hbm>>
      %dma_start3A_895 = arith.constant 0 : i32
      %dma_start3A_896 = tpu.memref_slice %arg2[%run_scoped3A_33, %select_n3A, %dma_start3A_895] : memref<3x8x4096xf32, #tpu.memory_space<hbm>> -> memref<1x1x4096xf32, #tpu.memory_space<hbm>>
      %dma_start3A_897 = tpu.memref_squeeze %dma_start3A_896 : memref<1x1x4096xf32, #tpu.memory_space<hbm>> -> memref<4096xf32, #tpu.memory_space<hbm>>
      tpu.enqueue_dma source(%dma_start3A_897 : memref<4096xf32, #tpu.memory_space<hbm>>) target(%arg11 : memref<4096xf32, #tpu.memory_space<vmem>>) target_semaphore(%run_scoped3A_891 : memref<!tpu.dma_semaphore, #tpu.memory_space<semaphore_mem>>)
      %dma_wait3A_898 = arith.constant 0 : i32
      %dma_wait3A_899 = tpu.memref_slice %arg2[%run_scoped3A_33, %select_n3A, %dma_wait3A_898] : memref<3x8x4096xf32, #tpu.memory_space<hbm>> -> memref<1x1x4096xf32, #tpu.memory_space<hbm>>
      %dma_wait3A_900 = tpu.memref_squeeze %dma_wait3A_899 : memref<1x1x4096xf32, #tpu.memory_space<hbm>> -> memref<4096xf32, #tpu.memory_space<hbm>>
      %dma_wait3A_901 = arith.constant 0 : i32
      %dma_wait3A_902 = tpu.memref_slice %arg2[%run_scoped3A_33, %select_n3A, %dma_wait3A_901] : memref<3x8x4096xf32, #tpu.memory_space<hbm>> -> memref<1x1x4096xf32, #tpu.memory_space<hbm>>
      %dma_wait3A_903 = tpu.memref_squeeze %dma_wait3A_902 : memref<1x1x4096xf32, #tpu.memory_space<hbm>> -> memref<4096xf32, #tpu.memory_space<hbm>>
      tpu.wait_dma2 semaphore(%run_scoped3A_891 : memref<!tpu.dma_semaphore, #tpu.memory_space<semaphore_mem>>) src(%dma_wait3A_903 : memref<4096xf32, #tpu.memory_space<hbm>>) dst(%arg11 : memref<4096xf32, #tpu.memory_space<vmem>>)
      tpu.yield
    }) : () -> ()
    %run_scoped3A_34 = arith.constant 2 : i32
    "tpu.region"() ({
      %run_scoped3A_891 = tpu.sem_alloc : memref<!tpu.dma_semaphore, #tpu.memory_space<semaphore_mem>>
      %dma_start3A_892 = arith.constant 0 : i32
      %dma_start3A_893 = tpu.memref_slice %arg2[%run_scoped3A_34, %select_n3A, %dma_start3A_892] : memref<3x8x4096xf32, #tpu.memory_space<hbm>> -> memref<1x1x4096xf32, #tpu.memory_space<hbm>>
      %dma_start3A_894 = tpu.memref_squeeze %dma_start3A_893 : memref<1x1x4096xf32, #tpu.memory_space<hbm>> -> memref<4096xf32, #tpu.memory_space<hbm>>
      %dma_start3A_895 = arith.constant 0 : i32
      %dma_start3A_896 = tpu.memref_slice %arg2[%run_scoped3A_34, %select_n3A, %dma_start3A_895] : memref<3x8x4096xf32, #tpu.memory_space<hbm>> -> memref<1x1x4096xf32, #tpu.memory_space<hbm>>
      %dma_start3A_897 = tpu.memref_squeeze %dma_start3A_896 : memref<1x1x4096xf32, #tpu.memory_space<hbm>> -> memref<4096xf32, #tpu.memory_space<hbm>>
      tpu.enqueue_dma source(%dma_start3A_897 : memref<4096xf32, #tpu.memory_space<hbm>>) target(%arg12 : memref<4096xf32, #tpu.memory_space<vmem>>) target_semaphore(%run_scoped3A_891 : memref<!tpu.dma_semaphore, #tpu.memory_space<semaphore_mem>>)
      %dma_wait3A_898 = arith.constant 0 : i32
      %dma_wait3A_899 = tpu.memref_slice %arg2[%run_scoped3A_34, %select_n3A, %dma_wait3A_898] : memref<3x8x4096xf32, #tpu.memory_space<hbm>> -> memref<1x1x4096xf32, #tpu.memory_space<hbm>>
      %dma_wait3A_900 = tpu.memref_squeeze %dma_wait3A_899 : memref<1x1x4096xf32, #tpu.memory_space<hbm>> -> memref<4096xf32, #tpu.memory_space<hbm>>
      %dma_wait3A_901 = arith.constant 0 : i32
      %dma_wait3A_902 = tpu.memref_slice %arg2[%run_scoped3A_34, %select_n3A, %dma_wait3A_901] : memref<3x8x4096xf32, #tpu.memory_space<hbm>> -> memref<1x1x4096xf32, #tpu.memory_space<hbm>>
      %dma_wait3A_903 = tpu.memref_squeeze %dma_wait3A_902 : memref<1x1x4096xf32, #tpu.memory_space<hbm>> -> memref<4096xf32, #tpu.memory_space<hbm>>
      tpu.wait_dma2 semaphore(%run_scoped3A_891 : memref<!tpu.dma_semaphore, #tpu.memory_space<semaphore_mem>>) src(%dma_wait3A_903 : memref<4096xf32, #tpu.memory_space<hbm>>) dst(%arg12 : memref<4096xf32, #tpu.memory_space<vmem>>)
      tpu.yield
    }) : () -> ()
    %mul3A_35 = arith.constant 256 : i32
    %mul3A_36 = arith.muli %select_n3A_30, %mul3A_35 : i32
    %run_scoped3A_37 = arith.constant 0 : i32
    "tpu.region"() ({
      %run_scoped3A_891 = tpu.sem_alloc : memref<!tpu.dma_semaphore, #tpu.memory_space<semaphore_mem>>
      %dma_start3A_892 = tpu.memref_slice %arg3[%run_scoped3A_37, %select_n3A, %mul3A_36] : memref<3x8x1024xf32, #tpu.memory_space<hbm>> -> memref<1x1x256xf32, #tpu.memory_space<hbm>>
      %dma_start3A_893 = tpu.memref_squeeze %dma_start3A_892 : memref<1x1x256xf32, #tpu.memory_space<hbm>> -> memref<256xf32, #tpu.memory_space<hbm>>
      %dma_start3A_894 = tpu.memref_slice %arg3[%run_scoped3A_37, %select_n3A, %mul3A_36] : memref<3x8x1024xf32, #tpu.memory_space<hbm>> -> memref<1x1x256xf32, #tpu.memory_space<hbm>>
      %dma_start3A_895 = tpu.memref_squeeze %dma_start3A_894 : memref<1x1x256xf32, #tpu.memory_space<hbm>> -> memref<256xf32, #tpu.memory_space<hbm>>
      tpu.enqueue_dma source(%dma_start3A_895 : memref<256xf32, #tpu.memory_space<hbm>>) target(%arg13 : memref<256xf32, #tpu.memory_space<vmem>>) target_semaphore(%run_scoped3A_891 : memref<!tpu.dma_semaphore, #tpu.memory_space<semaphore_mem>>)
      %dma_wait3A_896 = tpu.memref_slice %arg3[%run_scoped3A_37, %select_n3A, %mul3A_36] : memref<3x8x1024xf32, #tpu.memory_space<hbm>> -> memref<1x1x256xf32, #tpu.memory_space<hbm>>
      %dma_wait3A_897 = tpu.memref_squeeze %dma_wait3A_896 : memref<1x1x256xf32, #tpu.memory_space<hbm>> -> memref<256xf32, #tpu.memory_space<hbm>>
      %dma_wait3A_898 = tpu.memref_slice %arg3[%run_scoped3A_37, %select_n3A, %mul3A_36] : memref<3x8x1024xf32, #tpu.memory_space<hbm>> -> memref<1x1x256xf32, #tpu.memory_space<hbm>>
      %dma_wait3A_899 = tpu.memref_squeeze %dma_wait3A_898 : memref<1x1x256xf32, #tpu.memory_space<hbm>> -> memref<256xf32, #tpu.memory_space<hbm>>
      tpu.wait_dma2 semaphore(%run_scoped3A_891 : memref<!tpu.dma_semaphore, #tpu.memory_space<semaphore_mem>>) src(%dma_wait3A_899 : memref<256xf32, #tpu.memory_space<hbm>>) dst(%arg13 : memref<256xf32, #tpu.memory_space<vmem>>)
      tpu.yield
    }) : () -> ()
    %mul3A_38 = arith.constant 256 : i32
    %mul3A_39 = arith.muli %select_n3A_30, %mul3A_38 : i32
    %run_scoped3A_40 = arith.constant 1 : i32
    "tpu.region"() ({
      %run_scoped3A_891 = tpu.sem_alloc : memref<!tpu.dma_semaphore, #tpu.memory_space<semaphore_mem>>
      %dma_start3A_892 = tpu.memref_slice %arg3[%run_scoped3A_40, %select_n3A, %mul3A_39] : memref<3x8x1024xf32, #tpu.memory_space<hbm>> -> memref<1x1x256xf32, #tpu.memory_space<hbm>>
      %dma_start3A_893 = tpu.memref_squeeze %dma_start3A_892 : memref<1x1x256xf32, #tpu.memory_space<hbm>> -> memref<256xf32, #tpu.memory_space<hbm>>
      %dma_start3A_894 = tpu.memref_slice %arg3[%run_scoped3A_40, %select_n3A, %mul3A_39] : memref<3x8x1024xf32, #tpu.memory_space<hbm>> -> memref<1x1x256xf32, #tpu.memory_space<hbm>>
      %dma_start3A_895 = tpu.memref_squeeze %dma_start3A_894 : memref<1x1x256xf32, #tpu.memory_space<hbm>> -> memref<256xf32, #tpu.memory_space<hbm>>
      tpu.enqueue_dma source(%dma_start3A_895 : memref<256xf32, #tpu.memory_space<hbm>>) target(%arg14 : memref<256xf32, #tpu.memory_space<vmem>>) target_semaphore(%run_scoped3A_891 : memref<!tpu.dma_semaphore, #tpu.memory_space<semaphore_mem>>)
      %dma_wait3A_896 = tpu.memref_slice %arg3[%run_scoped3A_40, %select_n3A, %mul3A_39] : memref<3x8x1024xf32, #tpu.memory_space<hbm>> -> memref<1x1x256xf32, #tpu.memory_space<hbm>>
      %dma_wait3A_897 = tpu.memref_squeeze %dma_wait3A_896 : memref<1x1x256xf32, #tpu.memory_space<hbm>> -> memref<256xf32, #tpu.memory_space<hbm>>
      %dma_wait3A_898 = tpu.memref_slice %arg3[%run_scoped3A_40, %select_n3A, %mul3A_39] : memref<3x8x1024xf32, #tpu.memory_space<hbm>> -> memref<1x1x256xf32, #tpu.memory_space<hbm>>
      %dma_wait3A_899 = tpu.memref_squeeze %dma_wait3A_898 : memref<1x1x256xf32, #tpu.memory_space<hbm>> -> memref<256xf32, #tpu.memory_space<hbm>>
      tpu.wait_dma2 semaphore(%run_scoped3A_891 : memref<!tpu.dma_semaphore, #tpu.memory_space<semaphore_mem>>) src(%dma_wait3A_899 : memref<256xf32, #tpu.memory_space<hbm>>) dst(%arg14 : memref<256xf32, #tpu.memory_space<vmem>>)
      tpu.yield
    }) : () -> ()
    %mul3A_41 = arith.constant 256 : i32
    %mul3A_42 = arith.muli %select_n3A_30, %mul3A_41 : i32
    %run_scoped3A_43 = arith.constant 2 : i32
    "tpu.region"() ({
      %run_scoped3A_891 = tpu.sem_alloc : memref<!tpu.dma_semaphore, #tpu.memory_space<semaphore_mem>>
      %dma_start3A_892 = tpu.memref_slice %arg3[%run_scoped3A_43, %select_n3A, %mul3A_42] : memref<3x8x1024xf32, #tpu.memory_space<hbm>> -> memref<1x1x256xf32, #tpu.memory_space<hbm>>
      %dma_start3A_893 = tpu.memref_squeeze %dma_start3A_892 : memref<1x1x256xf32, #tpu.memory_space<hbm>> -> memref<256xf32, #tpu.memory_space<hbm>>
      %dma_start3A_894 = tpu.memref_slice %arg3[%run_scoped3A_43, %select_n3A, %mul3A_42] : memref<3x8x1024xf32, #tpu.memory_space<hbm>> -> memref<1x1x256xf32, #tpu.memory_space<hbm>>
      %dma_start3A_895 = tpu.memref_squeeze %dma_start3A_894 : memref<1x1x256xf32, #tpu.memory_space<hbm>> -> memref<256xf32, #tpu.memory_space<hbm>>
      tpu.enqueue_dma source(%dma_start3A_895 : memref<256xf32, #tpu.memory_space<hbm>>) target(%arg15 : memref<256xf32, #tpu.memory_space<vmem>>) target_semaphore(%run_scoped3A_891 : memref<!tpu.dma_semaphore, #tpu.memory_space<semaphore_mem>>)
      %dma_wait3A_896 = tpu.memref_slice %arg3[%run_scoped3A_43, %select_n3A, %mul3A_42] : memref<3x8x1024xf32, #tpu.memory_space<hbm>> -> memref<1x1x256xf32, #tpu.memory_space<hbm>>
      %dma_wait3A_897 = tpu.memref_squeeze %dma_wait3A_896 : memref<1x1x256xf32, #tpu.memory_space<hbm>> -> memref<256xf32, #tpu.memory_space<hbm>>
      %dma_wait3A_898 = tpu.memref_slice %arg3[%run_scoped3A_43, %select_n3A, %mul3A_42] : memref<3x8x1024xf32, #tpu.memory_space<hbm>> -> memref<1x1x256xf32, #tpu.memory_space<hbm>>
      %dma_wait3A_899 = tpu.memref_squeeze %dma_wait3A_898 : memref<1x1x256xf32, #tpu.memory_space<hbm>> -> memref<256xf32, #tpu.memory_space<hbm>>
      tpu.wait_dma2 semaphore(%run_scoped3A_891 : memref<!tpu.dma_semaphore, #tpu.memory_space<semaphore_mem>>) src(%dma_wait3A_899 : memref<256xf32, #tpu.memory_space<hbm>>) dst(%arg15 : memref<256xf32, #tpu.memory_space<vmem>>)
      tpu.yield
    }) : () -> ()
    %mul3A_44 = arith.constant 4096 : i32
    %mul3A_45 = arith.muli %select_n3A, %mul3A_44 : i32
    "tpu.region"() ({
      %run_scoped3A_891 = tpu.sem_alloc : memref<!tpu.dma_semaphore, #tpu.memory_space<semaphore_mem>>
      %dma_start3A_892 = tpu.memref_slice %arg4[%mul3A_45] : memref<32768xf32, #tpu.memory_space<hbm>> -> memref<4096xf32, #tpu.memory_space<hbm>>
      %dma_start3A_893 = tpu.memref_slice %arg4[%mul3A_45] : memref<32768xf32, #tpu.memory_space<hbm>> -> memref<4096xf32, #tpu.memory_space<hbm>>
      tpu.enqueue_dma source(%dma_start3A_893 : memref<4096xf32, #tpu.memory_space<hbm>>) target(%arg16 : memref<4096xf32, #tpu.memory_space<vmem>>) target_semaphore(%run_scoped3A_891 : memref<!tpu.dma_semaphore, #tpu.memory_space<semaphore_mem>>)
      %dma_wait3A_894 = tpu.memref_slice %arg4[%mul3A_45] : memref<32768xf32, #tpu.memory_space<hbm>> -> memref<4096xf32, #tpu.memory_space<hbm>>
      %dma_wait3A_895 = tpu.memref_slice %arg4[%mul3A_45] : memref<32768xf32, #tpu.memory_space<hbm>> -> memref<4096xf32, #tpu.memory_space<hbm>>
      tpu.wait_dma2 semaphore(%run_scoped3A_891 : memref<!tpu.dma_semaphore, #tpu.memory_space<semaphore_mem>>) src(%dma_wait3A_895 : memref<4096xf32, #tpu.memory_space<hbm>>) dst(%arg16 : memref<4096xf32, #tpu.memory_space<vmem>>)
      tpu.yield
    }) : () -> ()
    "tpu.region"() ({
      %run_scoped3A_891 = tpu.sem_alloc : memref<!tpu.dma_semaphore, #tpu.memory_space<semaphore_mem>>
      %dma_start3A_892 = tpu.memref_slice %arg5[%mul3A_32] : memref<8192xf32, #tpu.memory_space<hbm>> -> memref<256xf32, #tpu.memory_space<hbm>>
      %dma_start3A_893 = tpu.memref_slice %arg5[%mul3A_32] : memref<8192xf32, #tpu.memory_space<hbm>> -> memref<256xf32, #tpu.memory_space<hbm>>
      tpu.enqueue_dma source(%dma_start3A_893 : memref<256xf32, #tpu.memory_space<hbm>>) target(%arg17 : memref<256xf32, #tpu.memory_space<vmem>>) target_semaphore(%run_scoped3A_891 : memref<!tpu.dma_semaphore, #tpu.memory_space<semaphore_mem>>)
      %dma_wait3A_894 = tpu.memref_slice %arg5[%mul3A_32] : memref<8192xf32, #tpu.memory_space<hbm>> -> memref<256xf32, #tpu.memory_space<hbm>>
      %dma_wait3A_895 = tpu.memref_slice %arg5[%mul3A_32] : memref<8192xf32, #tpu.memory_space<hbm>> -> memref<256xf32, #tpu.memory_space<hbm>>
      tpu.wait_dma2 semaphore(%run_scoped3A_891 : memref<!tpu.dma_semaphore, #tpu.memory_space<semaphore_mem>>) src(%dma_wait3A_895 : memref<256xf32, #tpu.memory_space<hbm>>) dst(%arg17 : memref<256xf32, #tpu.memory_space<vmem>>)
      tpu.yield
    }) : () -> ()
    "tpu.region"() ({
      %run_scoped3A_891 = tpu.sem_alloc : memref<!tpu.dma_semaphore, #tpu.memory_space<semaphore_mem>>
      %dma_start3A_892 = arith.constant 0 : i32
      %dma_start3A_893 = tpu.memref_slice %arg6[%mul3A_32, %dma_start3A_892] : memref<8192x32xf32, #tpu.memory_space<hbm>> -> memref<256x32xf32, #tpu.memory_space<hbm>>
      %dma_start3A_894 = arith.constant 0 : i32
      %dma_start3A_895 = tpu.memref_slice %arg6[%mul3A_32, %dma_start3A_894] : memref<8192x32xf32, #tpu.memory_space<hbm>> -> memref<256x32xf32, #tpu.memory_space<hbm>>
      tpu.enqueue_dma source(%dma_start3A_895 : memref<256x32xf32, #tpu.memory_space<hbm>>) target(%arg18 : memref<256x32xf32, #tpu.memory_space<vmem>>) target_semaphore(%run_scoped3A_891 : memref<!tpu.dma_semaphore, #tpu.memory_space<semaphore_mem>>)
      %dma_wait3A_896 = arith.constant 0 : i32
      %dma_wait3A_897 = tpu.memref_slice %arg6[%mul3A_32, %dma_wait3A_896] : memref<8192x32xf32, #tpu.memory_space<hbm>> -> memref<256x32xf32, #tpu.memory_space<hbm>>
      %dma_wait3A_898 = arith.constant 0 : i32
      %dma_wait3A_899 = tpu.memref_slice %arg6[%mul3A_32, %dma_wait3A_898] : memref<8192x32xf32, #tpu.memory_space<hbm>> -> memref<256x32xf32, #tpu.memory_space<hbm>>
      tpu.wait_dma2 semaphore(%run_scoped3A_891 : memref<!tpu.dma_semaphore, #tpu.memory_space<semaphore_mem>>) src(%dma_wait3A_899 : memref<256x32xf32, #tpu.memory_space<hbm>>) dst(%arg18 : memref<256x32xf32, #tpu.memory_space<vmem>>)
      tpu.yield
    }) : () -> ()
    %broadcast_in_dim3A = arith.constant 0.000000e+00 : f32
    %broadcast_in_dim3A_46 = vector.broadcast %broadcast_in_dim3A : f32 to vector<16xf32>
    %swap3A = arith.constant 0 : index
    %swap3A_47 = tpu.vector_load %arg24[%swap3A] {strides = array<i32>} : memref<64xf32, #tpu.memory_space<vmem>>, vector<16xf32>,
    tpu.vector_store %arg24[%swap3A], %broadcast_in_dim3A_46 {strides = array<i32>} : memref<64xf32, #tpu.memory_space<vmem>>, vector<16xf32>,
    %swap3A_48 = arith.constant 16 : index
    %swap3A_49 = tpu.vector_load %arg24[%swap3A_48] {strides = array<i32>} : memref<64xf32, #tpu.memory_space<vmem>>, vector<16xf32>,
    tpu.vector_store %arg24[%swap3A_48], %broadcast_in_dim3A_46 {strides = array<i32>} : memref<64xf32, #tpu.memory_space<vmem>>, vector<16xf32>,
    %swap3A_50 = arith.constant 32 : index
    %swap3A_51 = tpu.vector_load %arg24[%swap3A_50] {strides = array<i32>} : memref<64xf32, #tpu.memory_space<vmem>>, vector<16xf32>,
    tpu.vector_store %arg24[%swap3A_50], %broadcast_in_dim3A_46 {strides = array<i32>} : memref<64xf32, #tpu.memory_space<vmem>>, vector<16xf32>,
    %swap3A_52 = arith.constant 48 : index
    %swap3A_53 = tpu.vector_load %arg24[%swap3A_52] {strides = array<i32>} : memref<64xf32, #tpu.memory_space<vmem>>, vector<16xf32>,
    tpu.vector_store %arg24[%swap3A_52], %broadcast_in_dim3A_46 {strides = array<i32>} : memref<64xf32, #tpu.memory_space<vmem>>, vector<16xf32>,
    %iota3A = tpu.iota {dimensions = array<i32: 0>} : vector<16xi32>
    %broadcast_in_dim3A_54 = arith.constant 0 : i32
    %broadcast_in_dim3A_55 = vector.broadcast %broadcast_in_dim3A_54 : i32 to vector<16xi32>
    %mul3A_56 = arith.constant 4096 : i32
    %mul3A_57 = arith.muli %select_n3A, %mul3A_56 : i32
    %scan3A = arith.constant 0 : i32
    %scan3A_58 = arith.constant 0 : i32
    %scan3A_59 = arith.constant 256 : i32
    %scan3A_60 = arith.addi %scan3A_58, %scan3A_59 : i32
    %scan3A_61 = arith.constant 1 : i32
    %scan3A_62 = scf.for %scan3A_891 = %scan3A_58 to %scan3A_60 step %scan3A_61 iter_args(%scan3A_892 = %scan3A) -> (i32)  : i32 {
      %jit3A_893 = arith.constant 2 : i32
      %eq3A_894 = arith.constant 0 : i32
      %eq3A_895 = arith.cmpi eq, %jit3A_893, %eq3A_894 : i32
      %jit3A_896 = arith.constant 1 : i32
      %select_n3A_897 = arith.select %eq3A_895, %jit3A_896, %jit3A_893 : i32
      %rem3A_898 = arith.remsi %scan3A_891, %select_n3A_897 : i32
      %ne3A_899 = arith.constant 0 : i32
      %ne3A_900 = arith.cmpi ne, %rem3A_898, %ne3A_899 : i32
      %lt3A_901 = arith.constant 0 : i32
      %lt3A_902 = arith.cmpi slt, %rem3A_898, %lt3A_901 : i32
      %lt3A_903 = arith.constant 0 : i32
      %lt3A_904 = arith.cmpi slt, %select_n3A_897, %lt3A_903 : i32
      %ne3A_905 = arith.xori %lt3A_902, %lt3A_904 : i1
      %and3A_906 = arith.andi %ne3A_905, %ne3A_900 : i1
      %add3A_907 = arith.addi %rem3A_898, %select_n3A_897 : i32
      %select_n3A_908 = arith.select %and3A_906, %add3A_907, %rem3A_898 : i32
      %eq3A_909 = arith.constant 0 : i32
      %eq3A_910 = arith.cmpi eq, %select_n3A_908, %eq3A_909 : i32
      %ge3A = arith.constant 2 : i32
      %ge3A_911 = arith.cmpi sge, %scan3A_891, %ge3A : i32
      %and3A_912 = arith.andi %eq3A_910, %ge3A_911 : i1
      %convert_element_type3A = arith.extui %and3A_912 : i1 to i32
      %cond3A = arith.constant 0 : i32
      %cond3A_913 = arith.cmpi ne, %convert_element_type3A, %cond3A : i32
      scf.if %cond3A_913 {
        %mul3A_944 = arith.constant 32 : i32
        %mul3A_945 = arith.muli %mul3A_32, %mul3A_944 : i32
        %dma_wait3A_946 = arith.constant 0 : i32
        %dma_wait3A_947 = tpu.memref_slice %arg8[%mul3A_945, %dma_wait3A_946] : memref<262144x32xf32, #tpu.memory_space<hbm>> -> memref<32x32xf32, #tpu.memory_space<hbm>>
        %dma_wait3A_948 = arith.constant 0 : i32
        %dma_wait3A_949 = tpu.memref_slice %arg8[%mul3A_945, %dma_wait3A_948] : memref<262144x32xf32, #tpu.memory_space<hbm>> -> memref<32x32xf32, #tpu.memory_space<hbm>>
        tpu.wait_dma2 semaphore(%arg28 : memref<!tpu.dma_semaphore, #tpu.memory_space<semaphore_mem>>) src(%arg22 : memref<32x32xf32, #tpu.memory_space<vmem>>) dst(%dma_wait3A_949 : memref<32x32xf32, #tpu.memory_space<hbm>>)
      } else {
      }
      %not3A = arith.constant true
      %not3A_914 = arith.xori %eq3A_910, %not3A : i1
      %ge3A_915 = arith.constant 2 : i32
      %ge3A_916 = arith.cmpi sge, %scan3A_891, %ge3A_915 : i32
      %and3A_917 = arith.andi %not3A_914, %ge3A_916 : i1
      %convert_element_type3A_918 = arith.extui %and3A_917 : i1 to i32
      %cond3A_919 = arith.constant 0 : i32
      %cond3A_920 = arith.cmpi ne, %convert_element_type3A_918, %cond3A_919 : i32
      scf.if %cond3A_920 {
        %mul3A_944 = arith.constant 32 : i32
        %mul3A_945 = arith.muli %mul3A_32, %mul3A_944 : i32
        %dma_wait3A_946 = arith.constant 0 : i32
        %dma_wait3A_947 = tpu.memref_slice %arg8[%mul3A_945, %dma_wait3A_946] : memref<262144x32xf32, #tpu.memory_space<hbm>> -> memref<32x32xf32, #tpu.memory_space<hbm>>
        %dma_wait3A_948 = arith.constant 0 : i32
        %dma_wait3A_949 = tpu.memref_slice %arg8[%mul3A_945, %dma_wait3A_948] : memref<262144x32xf32, #tpu.memory_space<hbm>> -> memref<32x32xf32, #tpu.memory_space<hbm>>
        tpu.wait_dma2 semaphore(%arg29 : memref<!tpu.dma_semaphore, #tpu.memory_space<semaphore_mem>>) src(%arg23 : memref<32x32xf32, #tpu.memory_space<vmem>>) dst(%dma_wait3A_949 : memref<32x32xf32, #tpu.memory_space<hbm>>)
      } else {
      }
      %convert_element_type3A_921 = arith.extui %eq3A_910 : i1 to i32
      %cond3A_922 = arith.constant 0 : i32
      %cond3A_923 = arith.cmpi ne, %convert_element_type3A_921, %cond3A_922 : i32
      scf.if %cond3A_923 {
        %add3A_944 = vector.broadcast %scan3A_891 : i32 to vector<16xi32>
        %add3A_945 = arith.addi %broadcast_in_dim3A_55, %add3A_944 : vector<16xi32>
        %gather3A_946 = tpu.vector_load_idx %arg13[%add3A_945] : memref<256xf32, #tpu.memory_space<vmem>>[vector<16xi32>], vector<16xf32>,
        %gather3A_947 = tpu.vector_load_idx %arg14[%add3A_945] : memref<256xf32, #tpu.memory_space<vmem>>[vector<16xi32>], vector<16xf32>,
        %gather3A_948 = tpu.vector_load_idx %arg15[%add3A_945] : memref<256xf32, #tpu.memory_space<vmem>>[vector<16xi32>], vector<16xf32>,
        %gather3A_949 = tpu.vector_load_idx %arg17[%add3A_945] : memref<256xf32, #tpu.memory_space<vmem>>[vector<16xi32>], vector<16xf32>,
        %while3A = arith.constant 0 : i32
        %while3A_950 = arith.constant 0 : i32
        %while3A_951:2 = scf.while (%while3A_990 = %while3A, %while3A_991 = %while3A_950) : (i32, i32) -> (i32, i32) {
          %lt3A_992 = arith.constant 32 : i32
          %lt3A_993 = arith.cmpi slt, %while3A_991, %lt3A_992 : i32
          %lt3A_994 = arith.constant 128 : i32
          %lt3A_995 = arith.cmpi slt, %while3A_990, %lt3A_994 : i32
          %and3A_996 = arith.andi %lt3A_993, %lt3A_995 : i1
          scf.condition(%and3A_996) %while3A_990, %while3A_991 : i32, i32
        } do {
        ^bb0(%while3A_990: i32, %while3A_991: i32):
          %mul3A_992 = arith.constant 32 : i32
          %mul3A_993 = arith.muli %while3A_990, %mul3A_992 : i32
          %get3A_994 = arith.index_cast %mul3A_993 : i32 to index
          %get3A_995 = tpu.vector_load %arg10[%get3A_994] {strides = array<i32>} : memref<4096xf32, #tpu.memory_space<vmem>>, vector<16xf32>,
          %get3A_996 = arith.index_cast %mul3A_993 : i32 to index
          %get3A_997 = tpu.vector_load %arg11[%get3A_996] {strides = array<i32>} : memref<4096xf32, #tpu.memory_space<vmem>>, vector<16xf32>,
          %get3A_998 = arith.index_cast %mul3A_993 : i32 to index
          %get3A_999 = tpu.vector_load %arg12[%get3A_998] {strides = array<i32>} : memref<4096xf32, #tpu.memory_space<vmem>>, vector<16xf32>,
          %get3A_1000 = arith.index_cast %mul3A_993 : i32 to index
          %get3A_1001 = tpu.vector_load %arg16[%get3A_1000] {strides = array<i32>} : memref<4096xf32, #tpu.memory_space<vmem>>, vector<16xf32>,
          %mul3A_1002 = arith.mulf %gather3A_946, %get3A_995 : vector<16xf32>
          %mul3A_1003 = arith.mulf %gather3A_947, %get3A_997 : vector<16xf32>
          %add3A_1004 = arith.addf %mul3A_1002, %mul3A_1003 : vector<16xf32>
          %mul3A_1005 = arith.mulf %gather3A_948, %get3A_999 : vector<16xf32>
          %add3A_1006 = arith.addf %add3A_1004, %mul3A_1005 : vector<16xf32>
          %add3A_1007 = arith.addf %gather3A_949, %get3A_1001 : vector<16xf32>
          %mul3A_1008 = arith.constant 2.000000e+00 : f32
          %mul3A_1009 = vector.broadcast %mul3A_1008 : f32 to vector<16xf32>
          %mul3A_1010 = arith.mulf %mul3A_1009, %add3A_1006 : vector<16xf32>
          %sub3A_1011 = arith.subf %add3A_1007, %mul3A_1010 : vector<16xf32>
          %le3A = arith.constant 4.000000e-02 : f32
          %le3A_1012 = vector.broadcast %le3A : f32 to vector<16xf32>
          %le3A_1013 = arith.cmpf ole, %sub3A_1011, %le3A_1012 : vector<16xf32>
          %add3A_1014 = vector.broadcast %mul3A_993 : i32 to vector<16xi32>
          %add3A_1015 = arith.addi %iota3A, %add3A_1014 : vector<16xi32>
          %swap3A_1016 = arith.index_cast %while3A_991 : i32 to index
          %swap3A_1017 = tpu.vector_load %arg19[%swap3A_1016] masked %le3A_1013 {strides = array<i32>} : memref<128xi32, #tpu.memory_space<vmem>>, vector<16xi32>, vector<16xi1>
          tpu.vector_store %arg19[%swap3A_1016], %add3A_1015 masked %le3A_1013 {strides = array<i32>} : memref<128xi32, #tpu.memory_space<vmem>>, vector<16xi32>, vector<16xi1>
          %all_reduce_population_count3A = tpu.all_reduce %le3A_1013 {dim = 0 : i64, kind = #tpu.reduction_kind<sum>} : vector<16xi1> -> vector<16xi32>
          %reduce_max3A = arith.constant true
          %reduce_max3A_1018 = vector.broadcast %reduce_max3A : i1 to vector<16xi1>
          %reduce_max3A_1019 = arith.constant -2147483648 : i32
          %reduce_max3A_1020 = vector.broadcast %reduce_max3A_1019 : i32 to vector<16xi32>
          %reduce_max3A_1021 = arith.xori %all_reduce_population_count3A, %reduce_max3A_1020 : vector<16xi32>
          %reduce_max3A_1022 = tpu.scan <max>, %reduce_max3A_1021 masked %reduce_max3A_1018 : vector<16xi32>, vector<16xi1> -> vector<16xi32>
          %reduce_max3A_1023 = arith.xori %reduce_max3A_1022, %reduce_max3A_1020 : vector<16xi32>
          %reduce_max3A_1024 = vector.extract %reduce_max3A_1023[15] : i32 from vector<16xi32>
          %add3A_1025 = arith.addi %while3A_991, %reduce_max3A_1024 : i32
          %add3A_1026 = arith.constant 16 : i32
          %add3A_1027 = arith.addi %mul3A_993, %add3A_1026 : i32
          %get3A_1028 = arith.index_cast %add3A_1027 : i32 to index
          %get3A_1029 = tpu.vector_load %arg10[%get3A_1028] {strides = array<i32>} : memref<4096xf32, #tpu.memory_space<vmem>>, vector<16xf32>,
          %get3A_1030 = arith.index_cast %add3A_1027 : i32 to index
          %get3A_1031 = tpu.vector_load %arg11[%get3A_1030] {strides = array<i32>} : memref<4096xf32, #tpu.memory_space<vmem>>, vector<16xf32>,
          %get3A_1032 = arith.index_cast %add3A_1027 : i32 to index
          %get3A_1033 = tpu.vector_load %arg12[%get3A_1032] {strides = array<i32>} : memref<4096xf32, #tpu.memory_space<vmem>>, vector<16xf32>,
          %get3A_1034 = arith.index_cast %add3A_1027 : i32 to index
          %get3A_1035 = tpu.vector_load %arg16[%get3A_1034] {strides = array<i32>} : memref<4096xf32, #tpu.memory_space<vmem>>, vector<16xf32>,
          %mul3A_1036 = arith.mulf %gather3A_946, %get3A_1029 : vector<16xf32>
          %mul3A_1037 = arith.mulf %gather3A_947, %get3A_1031 : vector<16xf32>
          %add3A_1038 = arith.addf %mul3A_1036, %mul3A_1037 : vector<16xf32>
          %mul3A_1039 = arith.mulf %gather3A_948, %get3A_1033 : vector<16xf32>
          %add3A_1040 = arith.addf %add3A_1038, %mul3A_1039 : vector<16xf32>
          %add3A_1041 = arith.addf %gather3A_949, %get3A_1035 : vector<16xf32>
          %mul3A_1042 = arith.constant 2.000000e+00 : f32
          %mul3A_1043 = vector.broadcast %mul3A_1042 : f32 to vector<16xf32>
          %mul3A_1044 = arith.mulf %mul3A_1043, %add3A_1040 : vector<16xf32>
          %sub3A_1045 = arith.subf %add3A_1041, %mul3A_1044 : vector<16xf32>
          %le3A_1046 = arith.constant 4.000000e-02 : f32
          %le3A_1047 = vector.broadcast %le3A_1046 : f32 to vector<16xf32>
          %le3A_1048 = arith.cmpf ole, %sub3A_1045, %le3A_1047 : vector<16xf32>
          %add3A_1049 = vector.broadcast %add3A_1027 : i32 to vector<16xi32>
          %add3A_1050 = arith.addi %iota3A, %add3A_1049 : vector<16xi32>
          %swap3A_1051 = arith.index_cast %add3A_1025 : i32 to index
          %swap3A_1052 = tpu.vector_load %arg19[%swap3A_1051] masked %le3A_1048 {strides = array<i32>} : memref<128xi32, #tpu.memory_space<vmem>>, vector<16xi32>, vector<16xi1>
          tpu.vector_store %arg19[%swap3A_1051], %add3A_1050 masked %le3A_1048 {strides = array<i32>} : memref<128xi32, #tpu.memory_space<vmem>>, vector<16xi32>, vector<16xi1>
          %all_reduce_population_count3A_1053 = tpu.all_reduce %le3A_1048 {dim = 0 : i64, kind = #tpu.reduction_kind<sum>} : vector<16xi1> -> vector<16xi32>
          %reduce_max3A_1054 = arith.constant true
          %reduce_max3A_1055 = vector.broadcast %reduce_max3A_1054 : i1 to vector<16xi1>
          %reduce_max3A_1056 = arith.constant -2147483648 : i32
          %reduce_max3A_1057 = vector.broadcast %reduce_max3A_1056 : i32 to vector<16xi32>
          %reduce_max3A_1058 = arith.xori %all_reduce_population_count3A_1053, %reduce_max3A_1057 : vector<16xi32>
          %reduce_max3A_1059 = tpu.scan <max>, %reduce_max3A_1058 masked %reduce_max3A_1055 : vector<16xi32>, vector<16xi1> -> vector<16xi32>
          %reduce_max3A_1060 = arith.xori %reduce_max3A_1059, %reduce_max3A_1057 : vector<16xi32>
          %reduce_max3A_1061 = vector.extract %reduce_max3A_1060[15] : i32 from vector<16xi32>
          %add3A_1062 = arith.constant 1 : i32
          %add3A_1063 = arith.addi %while3A_990, %add3A_1062 : i32
          %add3A_1064 = arith.addi %add3A_1025, %reduce_max3A_1061 : i32
          scf.yield %add3A_1063, %add3A_1064 : i32, i32
        }
        %get3A_952 = arith.constant 0 : index
        %get3A_953 = tpu.vector_load %arg19[%get3A_952] {strides = array<i32>} : memref<128xi32, #tpu.memory_space<vmem>>, vector<16xi32>,
        %get3A_954 = arith.constant 16 : index
        %get3A_955 = tpu.vector_load %arg19[%get3A_954] {strides = array<i32>} : memref<128xi32, #tpu.memory_space<vmem>>, vector<16xi32>,
        %lt3A_956 = vector.broadcast %while3A_951#1 : i32 to vector<16xi32>
        %lt3A_957 = arith.cmpi slt, %iota3A, %lt3A_956 : vector<16xi32>
        %jit3A_958 = arith.constant 2147483647 : i32
        %broadcast_in_dim3A_959 = vector.broadcast %jit3A_958 : i32 to vector<16xi32>
        %select_n3A_960 = arith.select %lt3A_957, %get3A_953, %broadcast_in_dim3A_959 : vector<16xi1>, vector<16xi32>
        %reduce_min3A = arith.constant true
        %reduce_min3A_961 = vector.broadcast %reduce_min3A : i1 to vector<16xi1>
        %reduce_min3A_962 = arith.constant -2147483648 : i32
        %reduce_min3A_963 = vector.broadcast %reduce_min3A_962 : i32 to vector<16xi32>
        %reduce_min3A_964 = arith.xori %select_n3A_960, %reduce_min3A_963 : vector<16xi32>
        %reduce_min3A_965 = tpu.scan <min>, %reduce_min3A_964 masked %reduce_min3A_961 : vector<16xi32>, vector<16xi1> -> vector<16xi32>
        %reduce_min3A_966 = arith.xori %reduce_min3A_965, %reduce_min3A_963 : vector<16xi32>
        %reduce_min3A_967 = vector.extract %reduce_min3A_966[15] : i32 from vector<16xi32>
        %add3A_968 = vector.broadcast %reduce_min3A_967 : i32 to vector<16xi32>
        %add3A_969 = arith.addi %broadcast_in_dim3A_55, %add3A_968 : vector<16xi32>
        %lt3A_970 = vector.broadcast %while3A_951#1 : i32 to vector<16xi32>
        %lt3A_971 = arith.cmpi slt, %iota3A, %lt3A_970 : vector<16xi32>
        %select_n3A_972 = arith.select %lt3A_971, %get3A_953, %add3A_969 : vector<16xi1>, vector<16xi32>
        %add3A_973 = arith.constant 16 : i32
        %add3A_974 = vector.broadcast %add3A_973 : i32 to vector<16xi32>
        %add3A_975 = arith.addi %iota3A, %add3A_974 : vector<16xi32>
        %lt3A_976 = vector.broadcast %while3A_951#1 : i32 to vector<16xi32>
        %lt3A_977 = arith.cmpi slt, %add3A_975, %lt3A_976 : vector<16xi32>
        %select_n3A_978 = arith.select %lt3A_977, %get3A_955, %add3A_969 : vector<16xi1>, vector<16xi32>
        %add3A_979 = vector.broadcast %mul3A_57 : i32 to vector<16xi32>
        %add3A_980 = arith.addi %select_n3A_972, %add3A_979 : vector<16xi32>
        %swap3A_981 = arith.constant 0 : index
        %swap3A_982 = tpu.vector_load %arg20[%swap3A_981] {strides = array<i32>} : memref<32xi32, #tpu.memory_space<vmem>>, vector<16xi32>,
        tpu.vector_store %arg20[%swap3A_981], %add3A_980 {strides = array<i32>} : memref<32xi32, #tpu.memory_space<vmem>>, vector<16xi32>,
        %add3A_983 = vector.broadcast %mul3A_57 : i32 to vector<16xi32>
        %add3A_984 = arith.addi %select_n3A_978, %add3A_983 : vector<16xi32>
        %swap3A_985 = arith.constant 16 : index
        %swap3A_986 = tpu.vector_load %arg20[%swap3A_985] {strides = array<i32>} : memref<32xi32, #tpu.memory_space<vmem>>, vector<16xi32>,
        tpu.vector_store %arg20[%swap3A_985], %add3A_984 {strides = array<i32>} : memref<32xi32, #tpu.memory_space<vmem>>, vector<16xi32>,
        %dma_start3A_987 = arith.constant 0 : i32
        %dma_start3A_988 = arith.constant 0 : i32
        %dma_start3A_989 = tpu.memref_slice %arg7[%dma_start3A_987, %dma_start3A_988] : memref<32768x32xf32, #tpu.memory_space<hbm>> -> memref<32768x32xf32, #tpu.memory_space<hbm>>
        tpu.enqueue_indirect_dma source(%dma_start3A_989 : memref<32768x32xf32, #tpu.memory_space<hbm>>) target(%arg22 : memref<32x32xf32, #tpu.memory_space<vmem>>) offsets(%arg20 : memref<32xi32, #tpu.memory_space<vmem>>) semaphore(%arg26 : memref<!tpu.dma_semaphore, #tpu.memory_space<semaphore_mem>>)
      } else {
      }
      %not3A_924 = arith.constant true
      %not3A_925 = arith.xori %eq3A_910, %not3A_924 : i1
      %convert_element_type3A_926 = arith.extui %not3A_925 : i1 to i32
      %cond3A_927 = arith.constant 0 : i32
      %cond3A_928 = arith.cmpi ne, %convert_element_type3A_926, %cond3A_927 : i32
      scf.if %cond3A_928 {
        %add3A_944 = vector.broadcast %scan3A_891 : i32 to vector<16xi32>
        %add3A_945 = arith.addi %broadcast_in_dim3A_55, %add3A_944 : vector<16xi32>
        %gather3A_946 = tpu.vector_load_idx %arg13[%add3A_945] : memref<256xf32, #tpu.memory_space<vmem>>[vector<16xi32>], vector<16xf32>,
        %gather3A_947 = tpu.vector_load_idx %arg14[%add3A_945] : memref<256xf32, #tpu.memory_space<vmem>>[vector<16xi32>], vector<16xf32>,
        %gather3A_948 = tpu.vector_load_idx %arg15[%add3A_945] : memref<256xf32, #tpu.memory_space<vmem>>[vector<16xi32>], vector<16xf32>,
        %gather3A_949 = tpu.vector_load_idx %arg17[%add3A_945] : memref<256xf32, #tpu.memory_space<vmem>>[vector<16xi32>], vector<16xf32>,
        %while3A = arith.constant 0 : i32
        %while3A_950 = arith.constant 0 : i32
        %while3A_951:2 = scf.while (%while3A_990 = %while3A, %while3A_991 = %while3A_950) : (i32, i32) -> (i32, i32) {
          %lt3A_992 = arith.constant 32 : i32
          %lt3A_993 = arith.cmpi slt, %while3A_991, %lt3A_992 : i32
          %lt3A_994 = arith.constant 128 : i32
          %lt3A_995 = arith.cmpi slt, %while3A_990, %lt3A_994 : i32
          %and3A_996 = arith.andi %lt3A_993, %lt3A_995 : i1
          scf.condition(%and3A_996) %while3A_990, %while3A_991 : i32, i32
        } do {
        ^bb0(%while3A_990: i32, %while3A_991: i32):
          %mul3A_992 = arith.constant 32 : i32
          %mul3A_993 = arith.muli %while3A_990, %mul3A_992 : i32
          %get3A_994 = arith.index_cast %mul3A_993 : i32 to index
          %get3A_995 = tpu.vector_load %arg10[%get3A_994] {strides = array<i32>} : memref<4096xf32, #tpu.memory_space<vmem>>, vector<16xf32>,
          %get3A_996 = arith.index_cast %mul3A_993 : i32 to index
          %get3A_997 = tpu.vector_load %arg11[%get3A_996] {strides = array<i32>} : memref<4096xf32, #tpu.memory_space<vmem>>, vector<16xf32>,
          %get3A_998 = arith.index_cast %mul3A_993 : i32 to index
          %get3A_999 = tpu.vector_load %arg12[%get3A_998] {strides = array<i32>} : memref<4096xf32, #tpu.memory_space<vmem>>, vector<16xf32>,
          %get3A_1000 = arith.index_cast %mul3A_993 : i32 to index
          %get3A_1001 = tpu.vector_load %arg16[%get3A_1000] {strides = array<i32>} : memref<4096xf32, #tpu.memory_space<vmem>>, vector<16xf32>,
          %mul3A_1002 = arith.mulf %gather3A_946, %get3A_995 : vector<16xf32>
          %mul3A_1003 = arith.mulf %gather3A_947, %get3A_997 : vector<16xf32>
          %add3A_1004 = arith.addf %mul3A_1002, %mul3A_1003 : vector<16xf32>
          %mul3A_1005 = arith.mulf %gather3A_948, %get3A_999 : vector<16xf32>
          %add3A_1006 = arith.addf %add3A_1004, %mul3A_1005 : vector<16xf32>
          %add3A_1007 = arith.addf %gather3A_949, %get3A_1001 : vector<16xf32>
          %mul3A_1008 = arith.constant 2.000000e+00 : f32
          %mul3A_1009 = vector.broadcast %mul3A_1008 : f32 to vector<16xf32>
          %mul3A_1010 = arith.mulf %mul3A_1009, %add3A_1006 : vector<16xf32>
          %sub3A_1011 = arith.subf %add3A_1007, %mul3A_1010 : vector<16xf32>
          %le3A = arith.constant 4.000000e-02 : f32
          %le3A_1012 = vector.broadcast %le3A : f32 to vector<16xf32>
          %le3A_1013 = arith.cmpf ole, %sub3A_1011, %le3A_1012 : vector<16xf32>
          %add3A_1014 = vector.broadcast %mul3A_993 : i32 to vector<16xi32>
          %add3A_1015 = arith.addi %iota3A, %add3A_1014 : vector<16xi32>
          %swap3A_1016 = arith.index_cast %while3A_991 : i32 to index
          %swap3A_1017 = tpu.vector_load %arg19[%swap3A_1016] masked %le3A_1013 {strides = array<i32>} : memref<128xi32, #tpu.memory_space<vmem>>, vector<16xi32>, vector<16xi1>
          tpu.vector_store %arg19[%swap3A_1016], %add3A_1015 masked %le3A_1013 {strides = array<i32>} : memref<128xi32, #tpu.memory_space<vmem>>, vector<16xi32>, vector<16xi1>
          %all_reduce_population_count3A = tpu.all_reduce %le3A_1013 {dim = 0 : i64, kind = #tpu.reduction_kind<sum>} : vector<16xi1> -> vector<16xi32>
          %reduce_max3A = arith.constant true
          %reduce_max3A_1018 = vector.broadcast %reduce_max3A : i1 to vector<16xi1>
          %reduce_max3A_1019 = arith.constant -2147483648 : i32
          %reduce_max3A_1020 = vector.broadcast %reduce_max3A_1019 : i32 to vector<16xi32>
          %reduce_max3A_1021 = arith.xori %all_reduce_population_count3A, %reduce_max3A_1020 : vector<16xi32>
          %reduce_max3A_1022 = tpu.scan <max>, %reduce_max3A_1021 masked %reduce_max3A_1018 : vector<16xi32>, vector<16xi1> -> vector<16xi32>
          %reduce_max3A_1023 = arith.xori %reduce_max3A_1022, %reduce_max3A_1020 : vector<16xi32>
          %reduce_max3A_1024 = vector.extract %reduce_max3A_1023[15] : i32 from vector<16xi32>
          %add3A_1025 = arith.addi %while3A_991, %reduce_max3A_1024 : i32
          %add3A_1026 = arith.constant 16 : i32
          %add3A_1027 = arith.addi %mul3A_993, %add3A_1026 : i32
          %get3A_1028 = arith.index_cast %add3A_1027 : i32 to index
          %get3A_1029 = tpu.vector_load %arg10[%get3A_1028] {strides = array<i32>} : memref<4096xf32, #tpu.memory_space<vmem>>, vector<16xf32>,
          %get3A_1030 = arith.index_cast %add3A_1027 : i32 to index
          %get3A_1031 = tpu.vector_load %arg11[%get3A_1030] {strides = array<i32>} : memref<4096xf32, #tpu.memory_space<vmem>>, vector<16xf32>,
          %get3A_1032 = arith.index_cast %add3A_1027 : i32 to index
          %get3A_1033 = tpu.vector_load %arg12[%get3A_1032] {strides = array<i32>} : memref<4096xf32, #tpu.memory_space<vmem>>, vector<16xf32>,
          %get3A_1034 = arith.index_cast %add3A_1027 : i32 to index
          %get3A_1035 = tpu.vector_load %arg16[%get3A_1034] {strides = array<i32>} : memref<4096xf32, #tpu.memory_space<vmem>>, vector<16xf32>,
          %mul3A_1036 = arith.mulf %gather3A_946, %get3A_1029 : vector<16xf32>
          %mul3A_1037 = arith.mulf %gather3A_947, %get3A_1031 : vector<16xf32>
          %add3A_1038 = arith.addf %mul3A_1036, %mul3A_1037 : vector<16xf32>
          %mul3A_1039 = arith.mulf %gather3A_948, %get3A_1033 : vector<16xf32>
          %add3A_1040 = arith.addf %add3A_1038, %mul3A_1039 : vector<16xf32>
          %add3A_1041 = arith.addf %gather3A_949, %get3A_1035 : vector<16xf32>
          %mul3A_1042 = arith.constant 2.000000e+00 : f32
          %mul3A_1043 = vector.broadcast %mul3A_1042 : f32 to vector<16xf32>
          %mul3A_1044 = arith.mulf %mul3A_1043, %add3A_1040 : vector<16xf32>
          %sub3A_1045 = arith.subf %add3A_1041, %mul3A_1044 : vector<16xf32>
          %le3A_1046 = arith.constant 4.000000e-02 : f32
          %le3A_1047 = vector.broadcast %le3A_1046 : f32 to vector<16xf32>
          %le3A_1048 = arith.cmpf ole, %sub3A_1045, %le3A_1047 : vector<16xf32>
          %add3A_1049 = vector.broadcast %add3A_1027 : i32 to vector<16xi32>
          %add3A_1050 = arith.addi %iota3A, %add3A_1049 : vector<16xi32>
          %swap3A_1051 = arith.index_cast %add3A_1025 : i32 to index
          %swap3A_1052 = tpu.vector_load %arg19[%swap3A_1051] masked %le3A_1048 {strides = array<i32>} : memref<128xi32, #tpu.memory_space<vmem>>, vector<16xi32>, vector<16xi1>
          tpu.vector_store %arg19[%swap3A_1051], %add3A_1050 masked %le3A_1048 {strides = array<i32>} : memref<128xi32, #tpu.memory_space<vmem>>, vector<16xi32>, vector<16xi1>
          %all_reduce_population_count3A_1053 = tpu.all_reduce %le3A_1048 {dim = 0 : i64, kind = #tpu.reduction_kind<sum>} : vector<16xi1> -> vector<16xi32>
          %reduce_max3A_1054 = arith.constant true
          %reduce_max3A_1055 = vector.broadcast %reduce_max3A_1054 : i1 to vector<16xi1>
          %reduce_max3A_1056 = arith.constant -2147483648 : i32
          %reduce_max3A_1057 = vector.broadcast %reduce_max3A_1056 : i32 to vector<16xi32>
          %reduce_max3A_1058 = arith.xori %all_reduce_population_count3A_1053, %reduce_max3A_1057 : vector<16xi32>
          %reduce_max3A_1059 = tpu.scan <max>, %reduce_max3A_1058 masked %reduce_max3A_1055 : vector<16xi32>, vector<16xi1> -> vector<16xi32>
          %reduce_max3A_1060 = arith.xori %reduce_max3A_1059, %reduce_max3A_1057 : vector<16xi32>
          %reduce_max3A_1061 = vector.extract %reduce_max3A_1060[15] : i32 from vector<16xi32>
          %add3A_1062 = arith.constant 1 : i32
          %add3A_1063 = arith.addi %while3A_990, %add3A_1062 : i32
          %add3A_1064 = arith.addi %add3A_1025, %reduce_max3A_1061 : i32
          scf.yield %add3A_1063, %add3A_1064 : i32, i32
        }
        %get3A_952 = arith.constant 0 : index
        %get3A_953 = tpu.vector_load %arg19[%get3A_952] {strides = array<i32>} : memref<128xi32, #tpu.memory_space<vmem>>, vector<16xi32>,
        %get3A_954 = arith.constant 16 : index
        %get3A_955 = tpu.vector_load %arg19[%get3A_954] {strides = array<i32>} : memref<128xi32, #tpu.memory_space<vmem>>, vector<16xi32>,
        %lt3A_956 = vector.broadcast %while3A_951#1 : i32 to vector<16xi32>
        %lt3A_957 = arith.cmpi slt, %iota3A, %lt3A_956 : vector<16xi32>
        %jit3A_958 = arith.constant 2147483647 : i32
        %broadcast_in_dim3A_959 = vector.broadcast %jit3A_958 : i32 to vector<16xi32>
        %select_n3A_960 = arith.select %lt3A_957, %get3A_953, %broadcast_in_dim3A_959 : vector<16xi1>, vector<16xi32>
        %reduce_min3A = arith.constant true
        %reduce_min3A_961 = vector.broadcast %reduce_min3A : i1 to vector<16xi1>
        %reduce_min3A_962 = arith.constant -2147483648 : i32
        %reduce_min3A_963 = vector.broadcast %reduce_min3A_962 : i32 to vector<16xi32>
        %reduce_min3A_964 = arith.xori %select_n3A_960, %reduce_min3A_963 : vector<16xi32>
        %reduce_min3A_965 = tpu.scan <min>, %reduce_min3A_964 masked %reduce_min3A_961 : vector<16xi32>, vector<16xi1> -> vector<16xi32>
        %reduce_min3A_966 = arith.xori %reduce_min3A_965, %reduce_min3A_963 : vector<16xi32>
        %reduce_min3A_967 = vector.extract %reduce_min3A_966[15] : i32 from vector<16xi32>
        %add3A_968 = vector.broadcast %reduce_min3A_967 : i32 to vector<16xi32>
        %add3A_969 = arith.addi %broadcast_in_dim3A_55, %add3A_968 : vector<16xi32>
        %lt3A_970 = vector.broadcast %while3A_951#1 : i32 to vector<16xi32>
        %lt3A_971 = arith.cmpi slt, %iota3A, %lt3A_970 : vector<16xi32>
        %select_n3A_972 = arith.select %lt3A_971, %get3A_953, %add3A_969 : vector<16xi1>, vector<16xi32>
        %add3A_973 = arith.constant 16 : i32
        %add3A_974 = vector.broadcast %add3A_973 : i32 to vector<16xi32>
        %add3A_975 = arith.addi %iota3A, %add3A_974 : vector<16xi32>
        %lt3A_976 = vector.broadcast %while3A_951#1 : i32 to vector<16xi32>
        %lt3A_977 = arith.cmpi slt, %add3A_975, %lt3A_976 : vector<16xi32>
        %select_n3A_978 = arith.select %lt3A_977, %get3A_955, %add3A_969 : vector<16xi1>, vector<16xi32>
        %add3A_979 = vector.broadcast %mul3A_57 : i32 to vector<16xi32>
        %add3A_980 = arith.addi %select_n3A_972, %add3A_979 : vector<16xi32>
        %swap3A_981 = arith.constant 0 : index
        %swap3A_982 = tpu.vector_load %arg21[%swap3A_981] {strides = array<i32>} : memref<32xi32, #tpu.memory_space<vmem>>, vector<16xi32>,
        tpu.vector_store %arg21[%swap3A_981], %add3A_980 {strides = array<i32>} : memref<32xi32, #tpu.memory_space<vmem>>, vector<16xi32>,
        %add3A_983 = vector.broadcast %mul3A_57 : i32 to vector<16xi32>
        %add3A_984 = arith.addi %select_n3A_978, %add3A_983 : vector<16xi32>
        %swap3A_985 = arith.constant 16 : index
        %swap3A_986 = tpu.vector_load %arg21[%swap3A_985] {strides = array<i32>} : memref<32xi32, #tpu.memory_space<vmem>>, vector<16xi32>,
        tpu.vector_store %arg21[%swap3A_985], %add3A_984 {strides = array<i32>} : memref<32xi32, #tpu.memory_space<vmem>>, vector<16xi32>,
        %dma_start3A_987 = arith.constant 0 : i32
        %dma_start3A_988 = arith.constant 0 : i32
        %dma_start3A_989 = tpu.memref_slice %arg7[%dma_start3A_987, %dma_start3A_988] : memref<32768x32xf32, #tpu.memory_space<hbm>> -> memref<32768x32xf32, #tpu.memory_space<hbm>>
        tpu.enqueue_indirect_dma source(%dma_start3A_989 : memref<32768x32xf32, #tpu.memory_space<hbm>>) target(%arg23 : memref<32x32xf32, #tpu.memory_space<vmem>>) offsets(%arg21 : memref<32xi32, #tpu.memory_space<vmem>>) semaphore(%arg27 : memref<!tpu.dma_semaphore, #tpu.memory_space<semaphore_mem>>)
      } else {
      }
      %ge3A_929 = arith.constant 1 : i32
      %ge3A_930 = arith.cmpi sge, %scan3A_891, %ge3A_929 : i32
      %and3A_931 = arith.andi %eq3A_910, %ge3A_930 : i1
      %convert_element_type3A_932 = arith.extui %and3A_931 : i1 to i32
      %cond3A_933 = arith.constant 0 : i32
      %cond3A_934 = arith.cmpi ne, %convert_element_type3A_932, %cond3A_933 : i32
      scf.if %cond3A_934 {
        %sub3A_944 = arith.constant 1 : i32
        %sub3A_945 = arith.subi %scan3A_891, %sub3A_944 : i32
        %dma_wait3A_946 = arith.constant 0 : i32
        %dma_wait3A_947 = arith.constant 0 : i32
        %dma_wait3A_948 = tpu.memref_slice %arg7[%dma_wait3A_946, %dma_wait3A_947] : memref<32768x32xf32, #tpu.memory_space<hbm>> -> memref<32768x32xf32, #tpu.memory_space<hbm>>
        tpu.wait_indirect_dma semaphore(%arg27 : memref<!tpu.dma_semaphore, #tpu.memory_space<semaphore_mem>>) src(%dma_wait3A_948 : memref<32768x32xf32, #tpu.memory_space<hbm>>) dst(%arg23 : memref<32x32xf32, #tpu.memory_space<vmem>>)
        %add3A_949 = vector.broadcast %sub3A_945 : i32 to vector<16xi32>
        %add3A_950 = arith.addi %broadcast_in_dim3A_55, %add3A_949 : vector<16xi32>
        %gather3A_951 = tpu.vector_load_idx %arg18[%add3A_950, %iota3A] : memref<256x32xf32, #tpu.memory_space<vmem>>[vector<16xi32>, vector<16xi32>], vector<16xf32>,
        %add3A_952 = arith.constant 16 : i32
        %add3A_953 = vector.broadcast %add3A_952 : i32 to vector<16xi32>
        %add3A_954 = arith.addi %iota3A, %add3A_953 : vector<16xi32>
        %gather3A_955 = tpu.vector_load_idx %arg18[%add3A_950, %add3A_954] : memref<256x32xf32, #tpu.memory_space<vmem>>[vector<16xi32>, vector<16xi32>], vector<16xf32>,
        %get3A_956 = arith.constant 0 : index
        %get3A_957 = tpu.vector_load %arg24[%get3A_956] {strides = array<i32>} : memref<64xf32, #tpu.memory_space<vmem>>, vector<16xf32>,
        %get3A_958 = arith.constant 16 : index
        %get3A_959 = tpu.vector_load %arg24[%get3A_958] {strides = array<i32>} : memref<64xf32, #tpu.memory_space<vmem>>, vector<16xf32>,
        %get3A_960 = arith.constant 32 : index
        %get3A_961 = tpu.vector_load %arg24[%get3A_960] {strides = array<i32>} : memref<64xf32, #tpu.memory_space<vmem>>, vector<16xf32>,
        %get3A_962 = arith.constant 48 : index
        %get3A_963 = tpu.vector_load %arg24[%get3A_962] {strides = array<i32>} : memref<64xf32, #tpu.memory_space<vmem>>, vector<16xf32>,
        %get3A_964 = arith.constant 0 : i32
        %get3A_965 = arith.index_cast %get3A_964 : i32 to index
        %get3A_966 = arith.constant 0 : index
        %get3A_967 = tpu.vector_load %arg23[%get3A_965, %get3A_966] {strides = array<i32>} : memref<32x32xf32, #tpu.memory_space<vmem>>, vector<16xf32>,
        %sub3A_968 = arith.subf %get3A_967, %gather3A_951 : vector<16xf32>
        %get3A_969 = arith.constant 0 : i32
        %get3A_970 = arith.index_cast %get3A_969 : i32 to index
        %get3A_971 = arith.constant 16 : index
        %get3A_972 = tpu.vector_load %arg23[%get3A_970, %get3A_971] {strides = array<i32>} : memref<32x32xf32, #tpu.memory_space<vmem>>, vector<16xf32>,
        %sub3A_973 = arith.subf %get3A_972, %gather3A_955 : vector<16xf32>
        %swap3A_974 = arith.constant 0 : i32
        %swap3A_975 = arith.index_cast %swap3A_974 : i32 to index
        %swap3A_976 = arith.constant 0 : index
        %swap3A_977 = tpu.vector_load %arg23[%swap3A_975, %swap3A_976] {strides = array<i32>} : memref<32x32xf32, #tpu.memory_space<vmem>>, vector<16xf32>,
        tpu.vector_store %arg23[%swap3A_975, %swap3A_976], %sub3A_968 {strides = array<i32>} : memref<32x32xf32, #tpu.memory_space<vmem>>, vector<16xf32>,
        %swap3A_978 = arith.constant 0 : i32
        %swap3A_979 = arith.index_cast %swap3A_978 : i32 to index
        %swap3A_980 = arith.constant 16 : index
        %swap3A_981 = tpu.vector_load %arg23[%swap3A_979, %swap3A_980] {strides = array<i32>} : memref<32x32xf32, #tpu.memory_space<vmem>>, vector<16xf32>,
        tpu.vector_store %arg23[%swap3A_979, %swap3A_980], %sub3A_973 {strides = array<i32>} : memref<32x32xf32, #tpu.memory_space<vmem>>, vector<16xf32>,
        %add3A_982 = arith.addf %get3A_957, %sub3A_968 : vector<16xf32>
        %add3A_983 = arith.addf %get3A_959, %sub3A_973 : vector<16xf32>
        %mul3A_984 = arith.mulf %sub3A_968, %sub3A_968 : vector<16xf32>
        %add3A_985 = arith.addf %get3A_961, %mul3A_984 : vector<16xf32>
        %mul3A_986 = arith.mulf %sub3A_973, %sub3A_973 : vector<16xf32>
        %add3A_987 = arith.addf %get3A_963, %mul3A_986 : vector<16xf32>
        %get3A_988 = arith.constant 1 : i32
        %get3A_989 = arith.index_cast %get3A_988 : i32 to index
        %get3A_990 = arith.constant 0 : index
        %get3A_991 = tpu.vector_load %arg23[%get3A_989, %get3A_990] {strides = array<i32>} : memref<32x32xf32, #tpu.memory_space<vmem>>, vector<16xf32>,
        %sub3A_992 = arith.subf %get3A_991, %gather3A_951 : vector<16xf32>
        %get3A_993 = arith.constant 1 : i32
        %get3A_994 = arith.index_cast %get3A_993 : i32 to index
        %get3A_995 = arith.constant 16 : index
        %get3A_996 = tpu.vector_load %arg23[%get3A_994, %get3A_995] {strides = array<i32>} : memref<32x32xf32, #tpu.memory_space<vmem>>, vector<16xf32>,
        %sub3A_997 = arith.subf %get3A_996, %gather3A_955 : vector<16xf32>
        %swap3A_998 = arith.constant 1 : i32
        %swap3A_999 = arith.index_cast %swap3A_998 : i32 to index
        %swap3A_1000 = arith.constant 0 : index
        %swap3A_1001 = tpu.vector_load %arg23[%swap3A_999, %swap3A_1000] {strides = array<i32>} : memref<32x32xf32, #tpu.memory_space<vmem>>, vector<16xf32>,
        tpu.vector_store %arg23[%swap3A_999, %swap3A_1000], %sub3A_992 {strides = array<i32>} : memref<32x32xf32, #tpu.memory_space<vmem>>, vector<16xf32>,
        %swap3A_1002 = arith.constant 1 : i32
        %swap3A_1003 = arith.index_cast %swap3A_1002 : i32 to index
        %swap3A_1004 = arith.constant 16 : index
        %swap3A_1005 = tpu.vector_load %arg23[%swap3A_1003, %swap3A_1004] {strides = array<i32>} : memref<32x32xf32, #tpu.memory_space<vmem>>, vector<16xf32>,
        tpu.vector_store %arg23[%swap3A_1003, %swap3A_1004], %sub3A_997 {strides = array<i32>} : memref<32x32xf32, #tpu.memory_space<vmem>>, vector<16xf32>,
        %add3A_1006 = arith.addf %add3A_982, %sub3A_992 : vector<16xf32>
        %add3A_1007 = arith.addf %add3A_983, %sub3A_997 : vector<16xf32>
        %mul3A_1008 = arith.mulf %sub3A_992, %sub3A_992 : vector<16xf32>
        %add3A_1009 = arith.addf %add3A_985, %mul3A_1008 : vector<16xf32>
        %mul3A_1010 = arith.mulf %sub3A_997, %sub3A_997 : vector<16xf32>
        %add3A_1011 = arith.addf %add3A_987, %mul3A_1010 : vector<16xf32>
        %get3A_1012 = arith.constant 2 : i32
        %get3A_1013 = arith.index_cast %get3A_1012 : i32 to index
        %get3A_1014 = arith.constant 0 : index
        %get3A_1015 = tpu.vector_load %arg23[%get3A_1013, %get3A_1014] {strides = array<i32>} : memref<32x32xf32, #tpu.memory_space<vmem>>, vector<16xf32>,
        %sub3A_1016 = arith.subf %get3A_1015, %gather3A_951 : vector<16xf32>
        %get3A_1017 = arith.constant 2 : i32
        %get3A_1018 = arith.index_cast %get3A_1017 : i32 to index
        %get3A_1019 = arith.constant 16 : index
        %get3A_1020 = tpu.vector_load %arg23[%get3A_1018, %get3A_1019] {strides = array<i32>} : memref<32x32xf32, #tpu.memory_space<vmem>>, vector<16xf32>,
        %sub3A_1021 = arith.subf %get3A_1020, %gather3A_955 : vector<16xf32>
        %swap3A_1022 = arith.constant 2 : i32
        %swap3A_1023 = arith.index_cast %swap3A_1022 : i32 to index
        %swap3A_1024 = arith.constant 0 : index
        %swap3A_1025 = tpu.vector_load %arg23[%swap3A_1023, %swap3A_1024] {strides = array<i32>} : memref<32x32xf32, #tpu.memory_space<vmem>>, vector<16xf32>,
        tpu.vector_store %arg23[%swap3A_1023, %swap3A_1024], %sub3A_1016 {strides = array<i32>} : memref<32x32xf32, #tpu.memory_space<vmem>>, vector<16xf32>,
        %swap3A_1026 = arith.constant 2 : i32
        %swap3A_1027 = arith.index_cast %swap3A_1026 : i32 to index
        %swap3A_1028 = arith.constant 16 : index
        %swap3A_1029 = tpu.vector_load %arg23[%swap3A_1027, %swap3A_1028] {strides = array<i32>} : memref<32x32xf32, #tpu.memory_space<vmem>>, vector<16xf32>,
        tpu.vector_store %arg23[%swap3A_1027, %swap3A_1028], %sub3A_1021 {strides = array<i32>} : memref<32x32xf32, #tpu.memory_space<vmem>>, vector<16xf32>,
        %add3A_1030 = arith.addf %add3A_1006, %sub3A_1016 : vector<16xf32>
        %add3A_1031 = arith.addf %add3A_1007, %sub3A_1021 : vector<16xf32>
        %mul3A_1032 = arith.mulf %sub3A_1016, %sub3A_1016 : vector<16xf32>
        %add3A_1033 = arith.addf %add3A_1009, %mul3A_1032 : vector<16xf32>
        %mul3A_1034 = arith.mulf %sub3A_1021, %sub3A_1021 : vector<16xf32>
        %add3A_1035 = arith.addf %add3A_1011, %mul3A_1034 : vector<16xf32>
        %get3A_1036 = arith.constant 3 : i32
        %get3A_1037 = arith.index_cast %get3A_1036 : i32 to index
        %get3A_1038 = arith.constant 0 : index
        %get3A_1039 = tpu.vector_load %arg23[%get3A_1037, %get3A_1038] {strides = array<i32>} : memref<32x32xf32, #tpu.memory_space<vmem>>, vector<16xf32>,
        %sub3A_1040 = arith.subf %get3A_1039, %gather3A_951 : vector<16xf32>
        %get3A_1041 = arith.constant 3 : i32
        %get3A_1042 = arith.index_cast %get3A_1041 : i32 to index
        %get3A_1043 = arith.constant 16 : index
        %get3A_1044 = tpu.vector_load %arg23[%get3A_1042, %get3A_1043] {strides = array<i32>} : memref<32x32xf32, #tpu.memory_space<vmem>>, vector<16xf32>,
        %sub3A_1045 = arith.subf %get3A_1044, %gather3A_955 : vector<16xf32>
        %swap3A_1046 = arith.constant 3 : i32
        %swap3A_1047 = arith.index_cast %swap3A_1046 : i32 to index
        %swap3A_1048 = arith.constant 0 : index
        %swap3A_1049 = tpu.vector_load %arg23[%swap3A_1047, %swap3A_1048] {strides = array<i32>} : memref<32x32xf32, #tpu.memory_space<vmem>>, vector<16xf32>,
        tpu.vector_store %arg23[%swap3A_1047, %swap3A_1048], %sub3A_1040 {strides = array<i32>} : memref<32x32xf32, #tpu.memory_space<vmem>>, vector<16xf32>,
        %swap3A_1050 = arith.constant 3 : i32
        %swap3A_1051 = arith.index_cast %swap3A_1050 : i32 to index
        %swap3A_1052 = arith.constant 16 : index
        %swap3A_1053 = tpu.vector_load %arg23[%swap3A_1051, %swap3A_1052] {strides = array<i32>} : memref<32x32xf32, #tpu.memory_space<vmem>>, vector<16xf32>,
        tpu.vector_store %arg23[%swap3A_1051, %swap3A_1052], %sub3A_1045 {strides = array<i32>} : memref<32x32xf32, #tpu.memory_space<vmem>>, vector<16xf32>,
        %add3A_1054 = arith.addf %add3A_1030, %sub3A_1040 : vector<16xf32>
        %add3A_1055 = arith.addf %add3A_1031, %sub3A_1045 : vector<16xf32>
        %mul3A_1056 = arith.mulf %sub3A_1040, %sub3A_1040 : vector<16xf32>
        %add3A_1057 = arith.addf %add3A_1033, %mul3A_1056 : vector<16xf32>
        %mul3A_1058 = arith.mulf %sub3A_1045, %sub3A_1045 : vector<16xf32>
        %add3A_1059 = arith.addf %add3A_1035, %mul3A_1058 : vector<16xf32>
        %get3A_1060 = arith.constant 4 : i32
        %get3A_1061 = arith.index_cast %get3A_1060 : i32 to index
        %get3A_1062 = arith.constant 0 : index
        %get3A_1063 = tpu.vector_load %arg23[%get3A_1061, %get3A_1062] {strides = array<i32>} : memref<32x32xf32, #tpu.memory_space<vmem>>, vector<16xf32>,
        %sub3A_1064 = arith.subf %get3A_1063, %gather3A_951 : vector<16xf32>
        %get3A_1065 = arith.constant 4 : i32
        %get3A_1066 = arith.index_cast %get3A_1065 : i32 to index
        %get3A_1067 = arith.constant 16 : index
        %get3A_1068 = tpu.vector_load %arg23[%get3A_1066, %get3A_1067] {strides = array<i32>} : memref<32x32xf32, #tpu.memory_space<vmem>>, vector<16xf32>,
        %sub3A_1069 = arith.subf %get3A_1068, %gather3A_955 : vector<16xf32>
        %swap3A_1070 = arith.constant 4 : i32
        %swap3A_1071 = arith.index_cast %swap3A_1070 : i32 to index
        %swap3A_1072 = arith.constant 0 : index
        %swap3A_1073 = tpu.vector_load %arg23[%swap3A_1071, %swap3A_1072] {strides = array<i32>} : memref<32x32xf32, #tpu.memory_space<vmem>>, vector<16xf32>,
        tpu.vector_store %arg23[%swap3A_1071, %swap3A_1072], %sub3A_1064 {strides = array<i32>} : memref<32x32xf32, #tpu.memory_space<vmem>>, vector<16xf32>,
        %swap3A_1074 = arith.constant 4 : i32
        %swap3A_1075 = arith.index_cast %swap3A_1074 : i32 to index
        %swap3A_1076 = arith.constant 16 : index
        %swap3A_1077 = tpu.vector_load %arg23[%swap3A_1075, %swap3A_1076] {strides = array<i32>} : memref<32x32xf32, #tpu.memory_space<vmem>>, vector<16xf32>,
        tpu.vector_store %arg23[%swap3A_1075, %swap3A_1076], %sub3A_1069 {strides = array<i32>} : memref<32x32xf32, #tpu.memory_space<vmem>>, vector<16xf32>,
        %add3A_1078 = arith.addf %add3A_1054, %sub3A_1064 : vector<16xf32>
        %add3A_1079 = arith.addf %add3A_1055, %sub3A_1069 : vector<16xf32>
        %mul3A_1080 = arith.mulf %sub3A_1064, %sub3A_1064 : vector<16xf32>
        %add3A_1081 = arith.addf %add3A_1057, %mul3A_1080 : vector<16xf32>
        %mul3A_1082 = arith.mulf %sub3A_1069, %sub3A_1069 : vector<16xf32>
        %add3A_1083 = arith.addf %add3A_1059, %mul3A_1082 : vector<16xf32>
        %get3A_1084 = arith.constant 5 : i32
        %get3A_1085 = arith.index_cast %get3A_1084 : i32 to index
        %get3A_1086 = arith.constant 0 : index
        %get3A_1087 = tpu.vector_load %arg23[%get3A_1085, %get3A_1086] {strides = array<i32>} : memref<32x32xf32, #tpu.memory_space<vmem>>, vector<16xf32>,
        %sub3A_1088 = arith.subf %get3A_1087, %gather3A_951 : vector<16xf32>
        %get3A_1089 = arith.constant 5 : i32
        %get3A_1090 = arith.index_cast %get3A_1089 : i32 to index
        %get3A_1091 = arith.constant 16 : index
        %get3A_1092 = tpu.vector_load %arg23[%get3A_1090, %get3A_1091] {strides = array<i32>} : memref<32x32xf32, #tpu.memory_space<vmem>>, vector<16xf32>,
        %sub3A_1093 = arith.subf %get3A_1092, %gather3A_955 : vector<16xf32>
        %swap3A_1094 = arith.constant 5 : i32
        %swap3A_1095 = arith.index_cast %swap3A_1094 : i32 to index
        %swap3A_1096 = arith.constant 0 : index
        %swap3A_1097 = tpu.vector_load %arg23[%swap3A_1095, %swap3A_1096] {strides = array<i32>} : memref<32x32xf32, #tpu.memory_space<vmem>>, vector<16xf32>,
        tpu.vector_store %arg23[%swap3A_1095, %swap3A_1096], %sub3A_1088 {strides = array<i32>} : memref<32x32xf32, #tpu.memory_space<vmem>>, vector<16xf32>,
        %swap3A_1098 = arith.constant 5 : i32
        %swap3A_1099 = arith.index_cast %swap3A_1098 : i32 to index
        %swap3A_1100 = arith.constant 16 : index
        %swap3A_1101 = tpu.vector_load %arg23[%swap3A_1099, %swap3A_1100] {strides = array<i32>} : memref<32x32xf32, #tpu.memory_space<vmem>>, vector<16xf32>,
        tpu.vector_store %arg23[%swap3A_1099, %swap3A_1100], %sub3A_1093 {strides = array<i32>} : memref<32x32xf32, #tpu.memory_space<vmem>>, vector<16xf32>,
        %add3A_1102 = arith.addf %add3A_1078, %sub3A_1088 : vector<16xf32>
        %add3A_1103 = arith.addf %add3A_1079, %sub3A_1093 : vector<16xf32>
        %mul3A_1104 = arith.mulf %sub3A_1088, %sub3A_1088 : vector<16xf32>
        %add3A_1105 = arith.addf %add3A_1081, %mul3A_1104 : vector<16xf32>
        %mul3A_1106 = arith.mulf %sub3A_1093, %sub3A_1093 : vector<16xf32>
        %add3A_1107 = arith.addf %add3A_1083, %mul3A_1106 : vector<16xf32>
        %get3A_1108 = arith.constant 6 : i32
        %get3A_1109 = arith.index_cast %get3A_1108 : i32 to index
        %get3A_1110 = arith.constant 0 : index
        %get3A_1111 = tpu.vector_load %arg23[%get3A_1109, %get3A_1110] {strides = array<i32>} : memref<32x32xf32, #tpu.memory_space<vmem>>, vector<16xf32>,
        %sub3A_1112 = arith.subf %get3A_1111, %gather3A_951 : vector<16xf32>
        %get3A_1113 = arith.constant 6 : i32
        %get3A_1114 = arith.index_cast %get3A_1113 : i32 to index
        %get3A_1115 = arith.constant 16 : index
        %get3A_1116 = tpu.vector_load %arg23[%get3A_1114, %get3A_1115] {strides = array<i32>} : memref<32x32xf32, #tpu.memory_space<vmem>>, vector<16xf32>,
        %sub3A_1117 = arith.subf %get3A_1116, %gather3A_955 : vector<16xf32>
        %swap3A_1118 = arith.constant 6 : i32
        %swap3A_1119 = arith.index_cast %swap3A_1118 : i32 to index
        %swap3A_1120 = arith.constant 0 : index
        %swap3A_1121 = tpu.vector_load %arg23[%swap3A_1119, %swap3A_1120] {strides = array<i32>} : memref<32x32xf32, #tpu.memory_space<vmem>>, vector<16xf32>,
        tpu.vector_store %arg23[%swap3A_1119, %swap3A_1120], %sub3A_1112 {strides = array<i32>} : memref<32x32xf32, #tpu.memory_space<vmem>>, vector<16xf32>,
        %swap3A_1122 = arith.constant 6 : i32
        %swap3A_1123 = arith.index_cast %swap3A_1122 : i32 to index
        %swap3A_1124 = arith.constant 16 : index
        %swap3A_1125 = tpu.vector_load %arg23[%swap3A_1123, %swap3A_1124] {strides = array<i32>} : memref<32x32xf32, #tpu.memory_space<vmem>>, vector<16xf32>,
        tpu.vector_store %arg23[%swap3A_1123, %swap3A_1124], %sub3A_1117 {strides = array<i32>} : memref<32x32xf32, #tpu.memory_space<vmem>>, vector<16xf32>,
        %add3A_1126 = arith.addf %add3A_1102, %sub3A_1112 : vector<16xf32>
        %add3A_1127 = arith.addf %add3A_1103, %sub3A_1117 : vector<16xf32>
        %mul3A_1128 = arith.mulf %sub3A_1112, %sub3A_1112 : vector<16xf32>
        %add3A_1129 = arith.addf %add3A_1105, %mul3A_1128 : vector<16xf32>
        %mul3A_1130 = arith.mulf %sub3A_1117, %sub3A_1117 : vector<16xf32>
        %add3A_1131 = arith.addf %add3A_1107, %mul3A_1130 : vector<16xf32>
        %get3A_1132 = arith.constant 7 : i32
        %get3A_1133 = arith.index_cast %get3A_1132 : i32 to index
        %get3A_1134 = arith.constant 0 : index
        %get3A_1135 = tpu.vector_load %arg23[%get3A_1133, %get3A_1134] {strides = array<i32>} : memref<32x32xf32, #tpu.memory_space<vmem>>, vector<16xf32>,
        %sub3A_1136 = arith.subf %get3A_1135, %gather3A_951 : vector<16xf32>
        %get3A_1137 = arith.constant 7 : i32
        %get3A_1138 = arith.index_cast %get3A_1137 : i32 to index
        %get3A_1139 = arith.constant 16 : index
        %get3A_1140 = tpu.vector_load %arg23[%get3A_1138, %get3A_1139] {strides = array<i32>} : memref<32x32xf32, #tpu.memory_space<vmem>>, vector<16xf32>,
        %sub3A_1141 = arith.subf %get3A_1140, %gather3A_955 : vector<16xf32>
        %swap3A_1142 = arith.constant 7 : i32
        %swap3A_1143 = arith.index_cast %swap3A_1142 : i32 to index
        %swap3A_1144 = arith.constant 0 : index
        %swap3A_1145 = tpu.vector_load %arg23[%swap3A_1143, %swap3A_1144] {strides = array<i32>} : memref<32x32xf32, #tpu.memory_space<vmem>>, vector<16xf32>,
        tpu.vector_store %arg23[%swap3A_1143, %swap3A_1144], %sub3A_1136 {strides = array<i32>} : memref<32x32xf32, #tpu.memory_space<vmem>>, vector<16xf32>,
        %swap3A_1146 = arith.constant 7 : i32
        %swap3A_1147 = arith.index_cast %swap3A_1146 : i32 to index
        %swap3A_1148 = arith.constant 16 : index
        %swap3A_1149 = tpu.vector_load %arg23[%swap3A_1147, %swap3A_1148] {strides = array<i32>} : memref<32x32xf32, #tpu.memory_space<vmem>>, vector<16xf32>,
        tpu.vector_store %arg23[%swap3A_1147, %swap3A_1148], %sub3A_1141 {strides = array<i32>} : memref<32x32xf32, #tpu.memory_space<vmem>>, vector<16xf32>,
        %add3A_1150 = arith.addf %add3A_1126, %sub3A_1136 : vector<16xf32>
        %add3A_1151 = arith.addf %add3A_1127, %sub3A_1141 : vector<16xf32>
        %mul3A_1152 = arith.mulf %sub3A_1136, %sub3A_1136 : vector<16xf32>
        %add3A_1153 = arith.addf %add3A_1129, %mul3A_1152 : vector<16xf32>
        %mul3A_1154 = arith.mulf %sub3A_1141, %sub3A_1141 : vector<16xf32>
        %add3A_1155 = arith.addf %add3A_1131, %mul3A_1154 : vector<16xf32>
        %get3A_1156 = arith.constant 8 : i32
        %get3A_1157 = arith.index_cast %get3A_1156 : i32 to index
        %get3A_1158 = arith.constant 0 : index
        %get3A_1159 = tpu.vector_load %arg23[%get3A_1157, %get3A_1158] {strides = array<i32>} : memref<32x32xf32, #tpu.memory_space<vmem>>, vector<16xf32>,
        %sub3A_1160 = arith.subf %get3A_1159, %gather3A_951 : vector<16xf32>
        %get3A_1161 = arith.constant 8 : i32
        %get3A_1162 = arith.index_cast %get3A_1161 : i32 to index
        %get3A_1163 = arith.constant 16 : index
        %get3A_1164 = tpu.vector_load %arg23[%get3A_1162, %get3A_1163] {strides = array<i32>} : memref<32x32xf32, #tpu.memory_space<vmem>>, vector<16xf32>,
        %sub3A_1165 = arith.subf %get3A_1164, %gather3A_955 : vector<16xf32>
        %swap3A_1166 = arith.constant 8 : i32
        %swap3A_1167 = arith.index_cast %swap3A_1166 : i32 to index
        %swap3A_1168 = arith.constant 0 : index
        %swap3A_1169 = tpu.vector_load %arg23[%swap3A_1167, %swap3A_1168] {strides = array<i32>} : memref<32x32xf32, #tpu.memory_space<vmem>>, vector<16xf32>,
        tpu.vector_store %arg23[%swap3A_1167, %swap3A_1168], %sub3A_1160 {strides = array<i32>} : memref<32x32xf32, #tpu.memory_space<vmem>>, vector<16xf32>,
        %swap3A_1170 = arith.constant 8 : i32
        %swap3A_1171 = arith.index_cast %swap3A_1170 : i32 to index
        %swap3A_1172 = arith.constant 16 : index
        %swap3A_1173 = tpu.vector_load %arg23[%swap3A_1171, %swap3A_1172] {strides = array<i32>} : memref<32x32xf32, #tpu.memory_space<vmem>>, vector<16xf32>,
        tpu.vector_store %arg23[%swap3A_1171, %swap3A_1172], %sub3A_1165 {strides = array<i32>} : memref<32x32xf32, #tpu.memory_space<vmem>>, vector<16xf32>,
        %add3A_1174 = arith.addf %add3A_1150, %sub3A_1160 : vector<16xf32>
        %add3A_1175 = arith.addf %add3A_1151, %sub3A_1165 : vector<16xf32>
        %mul3A_1176 = arith.mulf %sub3A_1160, %sub3A_1160 : vector<16xf32>
        %add3A_1177 = arith.addf %add3A_1153, %mul3A_1176 : vector<16xf32>
        %mul3A_1178 = arith.mulf %sub3A_1165, %sub3A_1165 : vector<16xf32>
        %add3A_1179 = arith.addf %add3A_1155, %mul3A_1178 : vector<16xf32>
        %get3A_1180 = arith.constant 9 : i32
        %get3A_1181 = arith.index_cast %get3A_1180 : i32 to index
        %get3A_1182 = arith.constant 0 : index
        %get3A_1183 = tpu.vector_load %arg23[%get3A_1181, %get3A_1182] {strides = array<i32>} : memref<32x32xf32, #tpu.memory_space<vmem>>, vector<16xf32>,
        %sub3A_1184 = arith.subf %get3A_1183, %gather3A_951 : vector<16xf32>
        %get3A_1185 = arith.constant 9 : i32
        %get3A_1186 = arith.index_cast %get3A_1185 : i32 to index
        %get3A_1187 = arith.constant 16 : index
        %get3A_1188 = tpu.vector_load %arg23[%get3A_1186, %get3A_1187] {strides = array<i32>} : memref<32x32xf32, #tpu.memory_space<vmem>>, vector<16xf32>,
        %sub3A_1189 = arith.subf %get3A_1188, %gather3A_955 : vector<16xf32>
        %swap3A_1190 = arith.constant 9 : i32
        %swap3A_1191 = arith.index_cast %swap3A_1190 : i32 to index
        %swap3A_1192 = arith.constant 0 : index
        %swap3A_1193 = tpu.vector_load %arg23[%swap3A_1191, %swap3A_1192] {strides = array<i32>} : memref<32x32xf32, #tpu.memory_space<vmem>>, vector<16xf32>,
        tpu.vector_store %arg23[%swap3A_1191, %swap3A_1192], %sub3A_1184 {strides = array<i32>} : memref<32x32xf32, #tpu.memory_space<vmem>>, vector<16xf32>,
        %swap3A_1194 = arith.constant 9 : i32
        %swap3A_1195 = arith.index_cast %swap3A_1194 : i32 to index
        %swap3A_1196 = arith.constant 16 : index
        %swap3A_1197 = tpu.vector_load %arg23[%swap3A_1195, %swap3A_1196] {strides = array<i32>} : memref<32x32xf32, #tpu.memory_space<vmem>>, vector<16xf32>,
        tpu.vector_store %arg23[%swap3A_1195, %swap3A_1196], %sub3A_1189 {strides = array<i32>} : memref<32x32xf32, #tpu.memory_space<vmem>>, vector<16xf32>,
        %add3A_1198 = arith.addf %add3A_1174, %sub3A_1184 : vector<16xf32>
        %add3A_1199 = arith.addf %add3A_1175, %sub3A_1189 : vector<16xf32>
        %mul3A_1200 = arith.mulf %sub3A_1184, %sub3A_1184 : vector<16xf32>
        %add3A_1201 = arith.addf %add3A_1177, %mul3A_1200 : vector<16xf32>
        %mul3A_1202 = arith.mulf %sub3A_1189, %sub3A_1189 : vector<16xf32>
        %add3A_1203 = arith.addf %add3A_1179, %mul3A_1202 : vector<16xf32>
        %get3A_1204 = arith.constant 10 : i32
        %get3A_1205 = arith.index_cast %get3A_1204 : i32 to index
        %get3A_1206 = arith.constant 0 : index
        %get3A_1207 = tpu.vector_load %arg23[%get3A_1205, %get3A_1206] {strides = array<i32>} : memref<32x32xf32, #tpu.memory_space<vmem>>, vector<16xf32>,
        %sub3A_1208 = arith.subf %get3A_1207, %gather3A_951 : vector<16xf32>
        %get3A_1209 = arith.constant 10 : i32
        %get3A_1210 = arith.index_cast %get3A_1209 : i32 to index
        %get3A_1211 = arith.constant 16 : index
        %get3A_1212 = tpu.vector_load %arg23[%get3A_1210, %get3A_1211] {strides = array<i32>} : memref<32x32xf32, #tpu.memory_space<vmem>>, vector<16xf32>,
        %sub3A_1213 = arith.subf %get3A_1212, %gather3A_955 : vector<16xf32>
        %swap3A_1214 = arith.constant 10 : i32
        %swap3A_1215 = arith.index_cast %swap3A_1214 : i32 to index
        %swap3A_1216 = arith.constant 0 : index
        %swap3A_1217 = tpu.vector_load %arg23[%swap3A_1215, %swap3A_1216] {strides = array<i32>} : memref<32x32xf32, #tpu.memory_space<vmem>>, vector<16xf32>,
        tpu.vector_store %arg23[%swap3A_1215, %swap3A_1216], %sub3A_1208 {strides = array<i32>} : memref<32x32xf32, #tpu.memory_space<vmem>>, vector<16xf32>,
        %swap3A_1218 = arith.constant 10 : i32
        %swap3A_1219 = arith.index_cast %swap3A_1218 : i32 to index
        %swap3A_1220 = arith.constant 16 : index
        %swap3A_1221 = tpu.vector_load %arg23[%swap3A_1219, %swap3A_1220] {strides = array<i32>} : memref<32x32xf32, #tpu.memory_space<vmem>>, vector<16xf32>,
        tpu.vector_store %arg23[%swap3A_1219, %swap3A_1220], %sub3A_1213 {strides = array<i32>} : memref<32x32xf32, #tpu.memory_space<vmem>>, vector<16xf32>,
        %add3A_1222 = arith.addf %add3A_1198, %sub3A_1208 : vector<16xf32>
        %add3A_1223 = arith.addf %add3A_1199, %sub3A_1213 : vector<16xf32>
        %mul3A_1224 = arith.mulf %sub3A_1208, %sub3A_1208 : vector<16xf32>
        %add3A_1225 = arith.addf %add3A_1201, %mul3A_1224 : vector<16xf32>
        %mul3A_1226 = arith.mulf %sub3A_1213, %sub3A_1213 : vector<16xf32>
        %add3A_1227 = arith.addf %add3A_1203, %mul3A_1226 : vector<16xf32>
        %get3A_1228 = arith.constant 11 : i32
        %get3A_1229 = arith.index_cast %get3A_1228 : i32 to index
        %get3A_1230 = arith.constant 0 : index
        %get3A_1231 = tpu.vector_load %arg23[%get3A_1229, %get3A_1230] {strides = array<i32>} : memref<32x32xf32, #tpu.memory_space<vmem>>, vector<16xf32>,
        %sub3A_1232 = arith.subf %get3A_1231, %gather3A_951 : vector<16xf32>
        %get3A_1233 = arith.constant 11 : i32
        %get3A_1234 = arith.index_cast %get3A_1233 : i32 to index
        %get3A_1235 = arith.constant 16 : index
        %get3A_1236 = tpu.vector_load %arg23[%get3A_1234, %get3A_1235] {strides = array<i32>} : memref<32x32xf32, #tpu.memory_space<vmem>>, vector<16xf32>,
        %sub3A_1237 = arith.subf %get3A_1236, %gather3A_955 : vector<16xf32>
        %swap3A_1238 = arith.constant 11 : i32
        %swap3A_1239 = arith.index_cast %swap3A_1238 : i32 to index
        %swap3A_1240 = arith.constant 0 : index
        %swap3A_1241 = tpu.vector_load %arg23[%swap3A_1239, %swap3A_1240] {strides = array<i32>} : memref<32x32xf32, #tpu.memory_space<vmem>>, vector<16xf32>,
        tpu.vector_store %arg23[%swap3A_1239, %swap3A_1240], %sub3A_1232 {strides = array<i32>} : memref<32x32xf32, #tpu.memory_space<vmem>>, vector<16xf32>,
        %swap3A_1242 = arith.constant 11 : i32
        %swap3A_1243 = arith.index_cast %swap3A_1242 : i32 to index
        %swap3A_1244 = arith.constant 16 : index
        %swap3A_1245 = tpu.vector_load %arg23[%swap3A_1243, %swap3A_1244] {strides = array<i32>} : memref<32x32xf32, #tpu.memory_space<vmem>>, vector<16xf32>,
        tpu.vector_store %arg23[%swap3A_1243, %swap3A_1244], %sub3A_1237 {strides = array<i32>} : memref<32x32xf32, #tpu.memory_space<vmem>>, vector<16xf32>,
        %add3A_1246 = arith.addf %add3A_1222, %sub3A_1232 : vector<16xf32>
        %add3A_1247 = arith.addf %add3A_1223, %sub3A_1237 : vector<16xf32>
        %mul3A_1248 = arith.mulf %sub3A_1232, %sub3A_1232 : vector<16xf32>
        %add3A_1249 = arith.addf %add3A_1225, %mul3A_1248 : vector<16xf32>
        %mul3A_1250 = arith.mulf %sub3A_1237, %sub3A_1237 : vector<16xf32>
        %add3A_1251 = arith.addf %add3A_1227, %mul3A_1250 : vector<16xf32>
        %get3A_1252 = arith.constant 12 : i32
        %get3A_1253 = arith.index_cast %get3A_1252 : i32 to index
        %get3A_1254 = arith.constant 0 : index
        %get3A_1255 = tpu.vector_load %arg23[%get3A_1253, %get3A_1254] {strides = array<i32>} : memref<32x32xf32, #tpu.memory_space<vmem>>, vector<16xf32>,
        %sub3A_1256 = arith.subf %get3A_1255, %gather3A_951 : vector<16xf32>
        %get3A_1257 = arith.constant 12 : i32
        %get3A_1258 = arith.index_cast %get3A_1257 : i32 to index
        %get3A_1259 = arith.constant 16 : index
        %get3A_1260 = tpu.vector_load %arg23[%get3A_1258, %get3A_1259] {strides = array<i32>} : memref<32x32xf32, #tpu.memory_space<vmem>>, vector<16xf32>,
        %sub3A_1261 = arith.subf %get3A_1260, %gather3A_955 : vector<16xf32>
        %swap3A_1262 = arith.constant 12 : i32
        %swap3A_1263 = arith.index_cast %swap3A_1262 : i32 to index
        %swap3A_1264 = arith.constant 0 : index
        %swap3A_1265 = tpu.vector_load %arg23[%swap3A_1263, %swap3A_1264] {strides = array<i32>} : memref<32x32xf32, #tpu.memory_space<vmem>>, vector<16xf32>,
        tpu.vector_store %arg23[%swap3A_1263, %swap3A_1264], %sub3A_1256 {strides = array<i32>} : memref<32x32xf32, #tpu.memory_space<vmem>>, vector<16xf32>,
        %swap3A_1266 = arith.constant 12 : i32
        %swap3A_1267 = arith.index_cast %swap3A_1266 : i32 to index
        %swap3A_1268 = arith.constant 16 : index
        %swap3A_1269 = tpu.vector_load %arg23[%swap3A_1267, %swap3A_1268] {strides = array<i32>} : memref<32x32xf32, #tpu.memory_space<vmem>>, vector<16xf32>,
        tpu.vector_store %arg23[%swap3A_1267, %swap3A_1268], %sub3A_1261 {strides = array<i32>} : memref<32x32xf32, #tpu.memory_space<vmem>>, vector<16xf32>,
        %add3A_1270 = arith.addf %add3A_1246, %sub3A_1256 : vector<16xf32>
        %add3A_1271 = arith.addf %add3A_1247, %sub3A_1261 : vector<16xf32>
        %mul3A_1272 = arith.mulf %sub3A_1256, %sub3A_1256 : vector<16xf32>
        %add3A_1273 = arith.addf %add3A_1249, %mul3A_1272 : vector<16xf32>
        %mul3A_1274 = arith.mulf %sub3A_1261, %sub3A_1261 : vector<16xf32>
        %add3A_1275 = arith.addf %add3A_1251, %mul3A_1274 : vector<16xf32>
        %get3A_1276 = arith.constant 13 : i32
        %get3A_1277 = arith.index_cast %get3A_1276 : i32 to index
        %get3A_1278 = arith.constant 0 : index
        %get3A_1279 = tpu.vector_load %arg23[%get3A_1277, %get3A_1278] {strides = array<i32>} : memref<32x32xf32, #tpu.memory_space<vmem>>, vector<16xf32>,
        %sub3A_1280 = arith.subf %get3A_1279, %gather3A_951 : vector<16xf32>
        %get3A_1281 = arith.constant 13 : i32
        %get3A_1282 = arith.index_cast %get3A_1281 : i32 to index
        %get3A_1283 = arith.constant 16 : index
        %get3A_1284 = tpu.vector_load %arg23[%get3A_1282, %get3A_1283] {strides = array<i32>} : memref<32x32xf32, #tpu.memory_space<vmem>>, vector<16xf32>,
        %sub3A_1285 = arith.subf %get3A_1284, %gather3A_955 : vector<16xf32>
        %swap3A_1286 = arith.constant 13 : i32
        %swap3A_1287 = arith.index_cast %swap3A_1286 : i32 to index
        %swap3A_1288 = arith.constant 0 : index
        %swap3A_1289 = tpu.vector_load %arg23[%swap3A_1287, %swap3A_1288] {strides = array<i32>} : memref<32x32xf32, #tpu.memory_space<vmem>>, vector<16xf32>,
        tpu.vector_store %arg23[%swap3A_1287, %swap3A_1288], %sub3A_1280 {strides = array<i32>} : memref<32x32xf32, #tpu.memory_space<vmem>>, vector<16xf32>,
        %swap3A_1290 = arith.constant 13 : i32
        %swap3A_1291 = arith.index_cast %swap3A_1290 : i32 to index
        %swap3A_1292 = arith.constant 16 : index
        %swap3A_1293 = tpu.vector_load %arg23[%swap3A_1291, %swap3A_1292] {strides = array<i32>} : memref<32x32xf32, #tpu.memory_space<vmem>>, vector<16xf32>,
        tpu.vector_store %arg23[%swap3A_1291, %swap3A_1292], %sub3A_1285 {strides = array<i32>} : memref<32x32xf32, #tpu.memory_space<vmem>>, vector<16xf32>,
        %add3A_1294 = arith.addf %add3A_1270, %sub3A_1280 : vector<16xf32>
        %add3A_1295 = arith.addf %add3A_1271, %sub3A_1285 : vector<16xf32>
        %mul3A_1296 = arith.mulf %sub3A_1280, %sub3A_1280 : vector<16xf32>
        %add3A_1297 = arith.addf %add3A_1273, %mul3A_1296 : vector<16xf32>
        %mul3A_1298 = arith.mulf %sub3A_1285, %sub3A_1285 : vector<16xf32>
        %add3A_1299 = arith.addf %add3A_1275, %mul3A_1298 : vector<16xf32>
        %get3A_1300 = arith.constant 14 : i32
        %get3A_1301 = arith.index_cast %get3A_1300 : i32 to index
        %get3A_1302 = arith.constant 0 : index
        %get3A_1303 = tpu.vector_load %arg23[%get3A_1301, %get3A_1302] {strides = array<i32>} : memref<32x32xf32, #tpu.memory_space<vmem>>, vector<16xf32>,
        %sub3A_1304 = arith.subf %get3A_1303, %gather3A_951 : vector<16xf32>
        %get3A_1305 = arith.constant 14 : i32
        %get3A_1306 = arith.index_cast %get3A_1305 : i32 to index
        %get3A_1307 = arith.constant 16 : index
        %get3A_1308 = tpu.vector_load %arg23[%get3A_1306, %get3A_1307] {strides = array<i32>} : memref<32x32xf32, #tpu.memory_space<vmem>>, vector<16xf32>,
        %sub3A_1309 = arith.subf %get3A_1308, %gather3A_955 : vector<16xf32>
        %swap3A_1310 = arith.constant 14 : i32
        %swap3A_1311 = arith.index_cast %swap3A_1310 : i32 to index
        %swap3A_1312 = arith.constant 0 : index
        %swap3A_1313 = tpu.vector_load %arg23[%swap3A_1311, %swap3A_1312] {strides = array<i32>} : memref<32x32xf32, #tpu.memory_space<vmem>>, vector<16xf32>,
        tpu.vector_store %arg23[%swap3A_1311, %swap3A_1312], %sub3A_1304 {strides = array<i32>} : memref<32x32xf32, #tpu.memory_space<vmem>>, vector<16xf32>,
        %swap3A_1314 = arith.constant 14 : i32
        %swap3A_1315 = arith.index_cast %swap3A_1314 : i32 to index
        %swap3A_1316 = arith.constant 16 : index
        %swap3A_1317 = tpu.vector_load %arg23[%swap3A_1315, %swap3A_1316] {strides = array<i32>} : memref<32x32xf32, #tpu.memory_space<vmem>>, vector<16xf32>,
        tpu.vector_store %arg23[%swap3A_1315, %swap3A_1316], %sub3A_1309 {strides = array<i32>} : memref<32x32xf32, #tpu.memory_space<vmem>>, vector<16xf32>,
        %add3A_1318 = arith.addf %add3A_1294, %sub3A_1304 : vector<16xf32>
        %add3A_1319 = arith.addf %add3A_1295, %sub3A_1309 : vector<16xf32>
        %mul3A_1320 = arith.mulf %sub3A_1304, %sub3A_1304 : vector<16xf32>
        %add3A_1321 = arith.addf %add3A_1297, %mul3A_1320 : vector<16xf32>
        %mul3A_1322 = arith.mulf %sub3A_1309, %sub3A_1309 : vector<16xf32>
        %add3A_1323 = arith.addf %add3A_1299, %mul3A_1322 : vector<16xf32>
        %get3A_1324 = arith.constant 15 : i32
        %get3A_1325 = arith.index_cast %get3A_1324 : i32 to index
        %get3A_1326 = arith.constant 0 : index
        %get3A_1327 = tpu.vector_load %arg23[%get3A_1325, %get3A_1326] {strides = array<i32>} : memref<32x32xf32, #tpu.memory_space<vmem>>, vector<16xf32>,
        %sub3A_1328 = arith.subf %get3A_1327, %gather3A_951 : vector<16xf32>
        %get3A_1329 = arith.constant 15 : i32
        %get3A_1330 = arith.index_cast %get3A_1329 : i32 to index
        %get3A_1331 = arith.constant 16 : index
        %get3A_1332 = tpu.vector_load %arg23[%get3A_1330, %get3A_1331] {strides = array<i32>} : memref<32x32xf32, #tpu.memory_space<vmem>>, vector<16xf32>,
        %sub3A_1333 = arith.subf %get3A_1332, %gather3A_955 : vector<16xf32>
        %swap3A_1334 = arith.constant 15 : i32
        %swap3A_1335 = arith.index_cast %swap3A_1334 : i32 to index
        %swap3A_1336 = arith.constant 0 : index
        %swap3A_1337 = tpu.vector_load %arg23[%swap3A_1335, %swap3A_1336] {strides = array<i32>} : memref<32x32xf32, #tpu.memory_space<vmem>>, vector<16xf32>,
        tpu.vector_store %arg23[%swap3A_1335, %swap3A_1336], %sub3A_1328 {strides = array<i32>} : memref<32x32xf32, #tpu.memory_space<vmem>>, vector<16xf32>,
        %swap3A_1338 = arith.constant 15 : i32
        %swap3A_1339 = arith.index_cast %swap3A_1338 : i32 to index
        %swap3A_1340 = arith.constant 16 : index
        %swap3A_1341 = tpu.vector_load %arg23[%swap3A_1339, %swap3A_1340] {strides = array<i32>} : memref<32x32xf32, #tpu.memory_space<vmem>>, vector<16xf32>,
        tpu.vector_store %arg23[%swap3A_1339, %swap3A_1340], %sub3A_1333 {strides = array<i32>} : memref<32x32xf32, #tpu.memory_space<vmem>>, vector<16xf32>,
        %add3A_1342 = arith.addf %add3A_1318, %sub3A_1328 : vector<16xf32>
        %add3A_1343 = arith.addf %add3A_1319, %sub3A_1333 : vector<16xf32>
        %mul3A_1344 = arith.mulf %sub3A_1328, %sub3A_1328 : vector<16xf32>
        %add3A_1345 = arith.addf %add3A_1321, %mul3A_1344 : vector<16xf32>
        %mul3A_1346 = arith.mulf %sub3A_1333, %sub3A_1333 : vector<16xf32>
        %add3A_1347 = arith.addf %add3A_1323, %mul3A_1346 : vector<16xf32>
        %get3A_1348 = arith.constant 16 : i32
        %get3A_1349 = arith.index_cast %get3A_1348 : i32 to index
        %get3A_1350 = arith.constant 0 : index
        %get3A_1351 = tpu.vector_load %arg23[%get3A_1349, %get3A_1350] {strides = array<i32>} : memref<32x32xf32, #tpu.memory_space<vmem>>, vector<16xf32>,
        %sub3A_1352 = arith.subf %get3A_1351, %gather3A_951 : vector<16xf32>
        %get3A_1353 = arith.constant 16 : i32
        %get3A_1354 = arith.index_cast %get3A_1353 : i32 to index
        %get3A_1355 = arith.constant 16 : index
        %get3A_1356 = tpu.vector_load %arg23[%get3A_1354, %get3A_1355] {strides = array<i32>} : memref<32x32xf32, #tpu.memory_space<vmem>>, vector<16xf32>,
        %sub3A_1357 = arith.subf %get3A_1356, %gather3A_955 : vector<16xf32>
        %swap3A_1358 = arith.constant 16 : i32
        %swap3A_1359 = arith.index_cast %swap3A_1358 : i32 to index
        %swap3A_1360 = arith.constant 0 : index
        %swap3A_1361 = tpu.vector_load %arg23[%swap3A_1359, %swap3A_1360] {strides = array<i32>} : memref<32x32xf32, #tpu.memory_space<vmem>>, vector<16xf32>,
        tpu.vector_store %arg23[%swap3A_1359, %swap3A_1360], %sub3A_1352 {strides = array<i32>} : memref<32x32xf32, #tpu.memory_space<vmem>>, vector<16xf32>,
        %swap3A_1362 = arith.constant 16 : i32
        %swap3A_1363 = arith.index_cast %swap3A_1362 : i32 to index
        %swap3A_1364 = arith.constant 16 : index
        %swap3A_1365 = tpu.vector_load %arg23[%swap3A_1363, %swap3A_1364] {strides = array<i32>} : memref<32x32xf32, #tpu.memory_space<vmem>>, vector<16xf32>,
        tpu.vector_store %arg23[%swap3A_1363, %swap3A_1364], %sub3A_1357 {strides = array<i32>} : memref<32x32xf32, #tpu.memory_space<vmem>>, vector<16xf32>,
        %add3A_1366 = arith.addf %add3A_1342, %sub3A_1352 : vector<16xf32>
        %add3A_1367 = arith.addf %add3A_1343, %sub3A_1357 : vector<16xf32>
        %mul3A_1368 = arith.mulf %sub3A_1352, %sub3A_1352 : vector<16xf32>
        %add3A_1369 = arith.addf %add3A_1345, %mul3A_1368 : vector<16xf32>
        %mul3A_1370 = arith.mulf %sub3A_1357, %sub3A_1357 : vector<16xf32>
        %add3A_1371 = arith.addf %add3A_1347, %mul3A_1370 : vector<16xf32>
        %get3A_1372 = arith.constant 17 : i32
        %get3A_1373 = arith.index_cast %get3A_1372 : i32 to index
        %get3A_1374 = arith.constant 0 : index
        %get3A_1375 = tpu.vector_load %arg23[%get3A_1373, %get3A_1374] {strides = array<i32>} : memref<32x32xf32, #tpu.memory_space<vmem>>, vector<16xf32>,
        %sub3A_1376 = arith.subf %get3A_1375, %gather3A_951 : vector<16xf32>
        %get3A_1377 = arith.constant 17 : i32
        %get3A_1378 = arith.index_cast %get3A_1377 : i32 to index
        %get3A_1379 = arith.constant 16 : index
        %get3A_1380 = tpu.vector_load %arg23[%get3A_1378, %get3A_1379] {strides = array<i32>} : memref<32x32xf32, #tpu.memory_space<vmem>>, vector<16xf32>,
        %sub3A_1381 = arith.subf %get3A_1380, %gather3A_955 : vector<16xf32>
        %swap3A_1382 = arith.constant 17 : i32
        %swap3A_1383 = arith.index_cast %swap3A_1382 : i32 to index
        %swap3A_1384 = arith.constant 0 : index
        %swap3A_1385 = tpu.vector_load %arg23[%swap3A_1383, %swap3A_1384] {strides = array<i32>} : memref<32x32xf32, #tpu.memory_space<vmem>>, vector<16xf32>,
        tpu.vector_store %arg23[%swap3A_1383, %swap3A_1384], %sub3A_1376 {strides = array<i32>} : memref<32x32xf32, #tpu.memory_space<vmem>>, vector<16xf32>,
        %swap3A_1386 = arith.constant 17 : i32
        %swap3A_1387 = arith.index_cast %swap3A_1386 : i32 to index
        %swap3A_1388 = arith.constant 16 : index
        %swap3A_1389 = tpu.vector_load %arg23[%swap3A_1387, %swap3A_1388] {strides = array<i32>} : memref<32x32xf32, #tpu.memory_space<vmem>>, vector<16xf32>,
        tpu.vector_store %arg23[%swap3A_1387, %swap3A_1388], %sub3A_1381 {strides = array<i32>} : memref<32x32xf32, #tpu.memory_space<vmem>>, vector<16xf32>,
        %add3A_1390 = arith.addf %add3A_1366, %sub3A_1376 : vector<16xf32>
        %add3A_1391 = arith.addf %add3A_1367, %sub3A_1381 : vector<16xf32>
        %mul3A_1392 = arith.mulf %sub3A_1376, %sub3A_1376 : vector<16xf32>
        %add3A_1393 = arith.addf %add3A_1369, %mul3A_1392 : vector<16xf32>
        %mul3A_1394 = arith.mulf %sub3A_1381, %sub3A_1381 : vector<16xf32>
        %add3A_1395 = arith.addf %add3A_1371, %mul3A_1394 : vector<16xf32>
        %get3A_1396 = arith.constant 18 : i32
        %get3A_1397 = arith.index_cast %get3A_1396 : i32 to index
        %get3A_1398 = arith.constant 0 : index
        %get3A_1399 = tpu.vector_load %arg23[%get3A_1397, %get3A_1398] {strides = array<i32>} : memref<32x32xf32, #tpu.memory_space<vmem>>, vector<16xf32>,
        %sub3A_1400 = arith.subf %get3A_1399, %gather3A_951 : vector<16xf32>
        %get3A_1401 = arith.constant 18 : i32
        %get3A_1402 = arith.index_cast %get3A_1401 : i32 to index
        %get3A_1403 = arith.constant 16 : index
        %get3A_1404 = tpu.vector_load %arg23[%get3A_1402, %get3A_1403] {strides = array<i32>} : memref<32x32xf32, #tpu.memory_space<vmem>>, vector<16xf32>,
        %sub3A_1405 = arith.subf %get3A_1404, %gather3A_955 : vector<16xf32>
        %swap3A_1406 = arith.constant 18 : i32
        %swap3A_1407 = arith.index_cast %swap3A_1406 : i32 to index
        %swap3A_1408 = arith.constant 0 : index
        %swap3A_1409 = tpu.vector_load %arg23[%swap3A_1407, %swap3A_1408] {strides = array<i32>} : memref<32x32xf32, #tpu.memory_space<vmem>>, vector<16xf32>,
        tpu.vector_store %arg23[%swap3A_1407, %swap3A_1408], %sub3A_1400 {strides = array<i32>} : memref<32x32xf32, #tpu.memory_space<vmem>>, vector<16xf32>,
        %swap3A_1410 = arith.constant 18 : i32
        %swap3A_1411 = arith.index_cast %swap3A_1410 : i32 to index
        %swap3A_1412 = arith.constant 16 : index
        %swap3A_1413 = tpu.vector_load %arg23[%swap3A_1411, %swap3A_1412] {strides = array<i32>} : memref<32x32xf32, #tpu.memory_space<vmem>>, vector<16xf32>,
        tpu.vector_store %arg23[%swap3A_1411, %swap3A_1412], %sub3A_1405 {strides = array<i32>} : memref<32x32xf32, #tpu.memory_space<vmem>>, vector<16xf32>,
        %add3A_1414 = arith.addf %add3A_1390, %sub3A_1400 : vector<16xf32>
        %add3A_1415 = arith.addf %add3A_1391, %sub3A_1405 : vector<16xf32>
        %mul3A_1416 = arith.mulf %sub3A_1400, %sub3A_1400 : vector<16xf32>
        %add3A_1417 = arith.addf %add3A_1393, %mul3A_1416 : vector<16xf32>
        %mul3A_1418 = arith.mulf %sub3A_1405, %sub3A_1405 : vector<16xf32>
        %add3A_1419 = arith.addf %add3A_1395, %mul3A_1418 : vector<16xf32>
        %get3A_1420 = arith.constant 19 : i32
        %get3A_1421 = arith.index_cast %get3A_1420 : i32 to index
        %get3A_1422 = arith.constant 0 : index
        %get3A_1423 = tpu.vector_load %arg23[%get3A_1421, %get3A_1422] {strides = array<i32>} : memref<32x32xf32, #tpu.memory_space<vmem>>, vector<16xf32>,
        %sub3A_1424 = arith.subf %get3A_1423, %gather3A_951 : vector<16xf32>
        %get3A_1425 = arith.constant 19 : i32
        %get3A_1426 = arith.index_cast %get3A_1425 : i32 to index
        %get3A_1427 = arith.constant 16 : index
        %get3A_1428 = tpu.vector_load %arg23[%get3A_1426, %get3A_1427] {strides = array<i32>} : memref<32x32xf32, #tpu.memory_space<vmem>>, vector<16xf32>,
        %sub3A_1429 = arith.subf %get3A_1428, %gather3A_955 : vector<16xf32>
        %swap3A_1430 = arith.constant 19 : i32
        %swap3A_1431 = arith.index_cast %swap3A_1430 : i32 to index
        %swap3A_1432 = arith.constant 0 : index
        %swap3A_1433 = tpu.vector_load %arg23[%swap3A_1431, %swap3A_1432] {strides = array<i32>} : memref<32x32xf32, #tpu.memory_space<vmem>>, vector<16xf32>,
        tpu.vector_store %arg23[%swap3A_1431, %swap3A_1432], %sub3A_1424 {strides = array<i32>} : memref<32x32xf32, #tpu.memory_space<vmem>>, vector<16xf32>,
        %swap3A_1434 = arith.constant 19 : i32
        %swap3A_1435 = arith.index_cast %swap3A_1434 : i32 to index
        %swap3A_1436 = arith.constant 16 : index
        %swap3A_1437 = tpu.vector_load %arg23[%swap3A_1435, %swap3A_1436] {strides = array<i32>} : memref<32x32xf32, #tpu.memory_space<vmem>>, vector<16xf32>,
        tpu.vector_store %arg23[%swap3A_1435, %swap3A_1436], %sub3A_1429 {strides = array<i32>} : memref<32x32xf32, #tpu.memory_space<vmem>>, vector<16xf32>,
        %add3A_1438 = arith.addf %add3A_1414, %sub3A_1424 : vector<16xf32>
        %add3A_1439 = arith.addf %add3A_1415, %sub3A_1429 : vector<16xf32>
        %mul3A_1440 = arith.mulf %sub3A_1424, %sub3A_1424 : vector<16xf32>
        %add3A_1441 = arith.addf %add3A_1417, %mul3A_1440 : vector<16xf32>
        %mul3A_1442 = arith.mulf %sub3A_1429, %sub3A_1429 : vector<16xf32>
        %add3A_1443 = arith.addf %add3A_1419, %mul3A_1442 : vector<16xf32>
        %get3A_1444 = arith.constant 20 : i32
        %get3A_1445 = arith.index_cast %get3A_1444 : i32 to index
        %get3A_1446 = arith.constant 0 : index
        %get3A_1447 = tpu.vector_load %arg23[%get3A_1445, %get3A_1446] {strides = array<i32>} : memref<32x32xf32, #tpu.memory_space<vmem>>, vector<16xf32>,
        %sub3A_1448 = arith.subf %get3A_1447, %gather3A_951 : vector<16xf32>
        %get3A_1449 = arith.constant 20 : i32
        %get3A_1450 = arith.index_cast %get3A_1449 : i32 to index
        %get3A_1451 = arith.constant 16 : index
        %get3A_1452 = tpu.vector_load %arg23[%get3A_1450, %get3A_1451] {strides = array<i32>} : memref<32x32xf32, #tpu.memory_space<vmem>>, vector<16xf32>,
        %sub3A_1453 = arith.subf %get3A_1452, %gather3A_955 : vector<16xf32>
        %swap3A_1454 = arith.constant 20 : i32
        %swap3A_1455 = arith.index_cast %swap3A_1454 : i32 to index
        %swap3A_1456 = arith.constant 0 : index
        %swap3A_1457 = tpu.vector_load %arg23[%swap3A_1455, %swap3A_1456] {strides = array<i32>} : memref<32x32xf32, #tpu.memory_space<vmem>>, vector<16xf32>,
        tpu.vector_store %arg23[%swap3A_1455, %swap3A_1456], %sub3A_1448 {strides = array<i32>} : memref<32x32xf32, #tpu.memory_space<vmem>>, vector<16xf32>,
        %swap3A_1458 = arith.constant 20 : i32
        %swap3A_1459 = arith.index_cast %swap3A_1458 : i32 to index
        %swap3A_1460 = arith.constant 16 : index
        %swap3A_1461 = tpu.vector_load %arg23[%swap3A_1459, %swap3A_1460] {strides = array<i32>} : memref<32x32xf32, #tpu.memory_space<vmem>>, vector<16xf32>,
        tpu.vector_store %arg23[%swap3A_1459, %swap3A_1460], %sub3A_1453 {strides = array<i32>} : memref<32x32xf32, #tpu.memory_space<vmem>>, vector<16xf32>,
        %add3A_1462 = arith.addf %add3A_1438, %sub3A_1448 : vector<16xf32>
        %add3A_1463 = arith.addf %add3A_1439, %sub3A_1453 : vector<16xf32>
        %mul3A_1464 = arith.mulf %sub3A_1448, %sub3A_1448 : vector<16xf32>
        %add3A_1465 = arith.addf %add3A_1441, %mul3A_1464 : vector<16xf32>
        %mul3A_1466 = arith.mulf %sub3A_1453, %sub3A_1453 : vector<16xf32>
        %add3A_1467 = arith.addf %add3A_1443, %mul3A_1466 : vector<16xf32>
        %get3A_1468 = arith.constant 21 : i32
        %get3A_1469 = arith.index_cast %get3A_1468 : i32 to index
        %get3A_1470 = arith.constant 0 : index
        %get3A_1471 = tpu.vector_load %arg23[%get3A_1469, %get3A_1470] {strides = array<i32>} : memref<32x32xf32, #tpu.memory_space<vmem>>, vector<16xf32>,
        %sub3A_1472 = arith.subf %get3A_1471, %gather3A_951 : vector<16xf32>
        %get3A_1473 = arith.constant 21 : i32
        %get3A_1474 = arith.index_cast %get3A_1473 : i32 to index
        %get3A_1475 = arith.constant 16 : index
        %get3A_1476 = tpu.vector_load %arg23[%get3A_1474, %get3A_1475] {strides = array<i32>} : memref<32x32xf32, #tpu.memory_space<vmem>>, vector<16xf32>,
        %sub3A_1477 = arith.subf %get3A_1476, %gather3A_955 : vector<16xf32>
        %swap3A_1478 = arith.constant 21 : i32
        %swap3A_1479 = arith.index_cast %swap3A_1478 : i32 to index
        %swap3A_1480 = arith.constant 0 : index
        %swap3A_1481 = tpu.vector_load %arg23[%swap3A_1479, %swap3A_1480] {strides = array<i32>} : memref<32x32xf32, #tpu.memory_space<vmem>>, vector<16xf32>,
        tpu.vector_store %arg23[%swap3A_1479, %swap3A_1480], %sub3A_1472 {strides = array<i32>} : memref<32x32xf32, #tpu.memory_space<vmem>>, vector<16xf32>,
        %swap3A_1482 = arith.constant 21 : i32
        %swap3A_1483 = arith.index_cast %swap3A_1482 : i32 to index
        %swap3A_1484 = arith.constant 16 : index
        %swap3A_1485 = tpu.vector_load %arg23[%swap3A_1483, %swap3A_1484] {strides = array<i32>} : memref<32x32xf32, #tpu.memory_space<vmem>>, vector<16xf32>,
        tpu.vector_store %arg23[%swap3A_1483, %swap3A_1484], %sub3A_1477 {strides = array<i32>} : memref<32x32xf32, #tpu.memory_space<vmem>>, vector<16xf32>,
        %add3A_1486 = arith.addf %add3A_1462, %sub3A_1472 : vector<16xf32>
        %add3A_1487 = arith.addf %add3A_1463, %sub3A_1477 : vector<16xf32>
        %mul3A_1488 = arith.mulf %sub3A_1472, %sub3A_1472 : vector<16xf32>
        %add3A_1489 = arith.addf %add3A_1465, %mul3A_1488 : vector<16xf32>
        %mul3A_1490 = arith.mulf %sub3A_1477, %sub3A_1477 : vector<16xf32>
        %add3A_1491 = arith.addf %add3A_1467, %mul3A_1490 : vector<16xf32>
        %get3A_1492 = arith.constant 22 : i32
        %get3A_1493 = arith.index_cast %get3A_1492 : i32 to index
        %get3A_1494 = arith.constant 0 : index
        %get3A_1495 = tpu.vector_load %arg23[%get3A_1493, %get3A_1494] {strides = array<i32>} : memref<32x32xf32, #tpu.memory_space<vmem>>, vector<16xf32>,
        %sub3A_1496 = arith.subf %get3A_1495, %gather3A_951 : vector<16xf32>
        %get3A_1497 = arith.constant 22 : i32
        %get3A_1498 = arith.index_cast %get3A_1497 : i32 to index
        %get3A_1499 = arith.constant 16 : index
        %get3A_1500 = tpu.vector_load %arg23[%get3A_1498, %get3A_1499] {strides = array<i32>} : memref<32x32xf32, #tpu.memory_space<vmem>>, vector<16xf32>,
        %sub3A_1501 = arith.subf %get3A_1500, %gather3A_955 : vector<16xf32>
        %swap3A_1502 = arith.constant 22 : i32
        %swap3A_1503 = arith.index_cast %swap3A_1502 : i32 to index
        %swap3A_1504 = arith.constant 0 : index
        %swap3A_1505 = tpu.vector_load %arg23[%swap3A_1503, %swap3A_1504] {strides = array<i32>} : memref<32x32xf32, #tpu.memory_space<vmem>>, vector<16xf32>,
        tpu.vector_store %arg23[%swap3A_1503, %swap3A_1504], %sub3A_1496 {strides = array<i32>} : memref<32x32xf32, #tpu.memory_space<vmem>>, vector<16xf32>,
        %swap3A_1506 = arith.constant 22 : i32
        %swap3A_1507 = arith.index_cast %swap3A_1506 : i32 to index
        %swap3A_1508 = arith.constant 16 : index
        %swap3A_1509 = tpu.vector_load %arg23[%swap3A_1507, %swap3A_1508] {strides = array<i32>} : memref<32x32xf32, #tpu.memory_space<vmem>>, vector<16xf32>,
        tpu.vector_store %arg23[%swap3A_1507, %swap3A_1508], %sub3A_1501 {strides = array<i32>} : memref<32x32xf32, #tpu.memory_space<vmem>>, vector<16xf32>,
        %add3A_1510 = arith.addf %add3A_1486, %sub3A_1496 : vector<16xf32>
        %add3A_1511 = arith.addf %add3A_1487, %sub3A_1501 : vector<16xf32>
        %mul3A_1512 = arith.mulf %sub3A_1496, %sub3A_1496 : vector<16xf32>
        %add3A_1513 = arith.addf %add3A_1489, %mul3A_1512 : vector<16xf32>
        %mul3A_1514 = arith.mulf %sub3A_1501, %sub3A_1501 : vector<16xf32>
        %add3A_1515 = arith.addf %add3A_1491, %mul3A_1514 : vector<16xf32>
        %get3A_1516 = arith.constant 23 : i32
        %get3A_1517 = arith.index_cast %get3A_1516 : i32 to index
        %get3A_1518 = arith.constant 0 : index
        %get3A_1519 = tpu.vector_load %arg23[%get3A_1517, %get3A_1518] {strides = array<i32>} : memref<32x32xf32, #tpu.memory_space<vmem>>, vector<16xf32>,
        %sub3A_1520 = arith.subf %get3A_1519, %gather3A_951 : vector<16xf32>
        %get3A_1521 = arith.constant 23 : i32
        %get3A_1522 = arith.index_cast %get3A_1521 : i32 to index
        %get3A_1523 = arith.constant 16 : index
        %get3A_1524 = tpu.vector_load %arg23[%get3A_1522, %get3A_1523] {strides = array<i32>} : memref<32x32xf32, #tpu.memory_space<vmem>>, vector<16xf32>,
        %sub3A_1525 = arith.subf %get3A_1524, %gather3A_955 : vector<16xf32>
        %swap3A_1526 = arith.constant 23 : i32
        %swap3A_1527 = arith.index_cast %swap3A_1526 : i32 to index
        %swap3A_1528 = arith.constant 0 : index
        %swap3A_1529 = tpu.vector_load %arg23[%swap3A_1527, %swap3A_1528] {strides = array<i32>} : memref<32x32xf32, #tpu.memory_space<vmem>>, vector<16xf32>,
        tpu.vector_store %arg23[%swap3A_1527, %swap3A_1528], %sub3A_1520 {strides = array<i32>} : memref<32x32xf32, #tpu.memory_space<vmem>>, vector<16xf32>,
        %swap3A_1530 = arith.constant 23 : i32
        %swap3A_1531 = arith.index_cast %swap3A_1530 : i32 to index
        %swap3A_1532 = arith.constant 16 : index
        %swap3A_1533 = tpu.vector_load %arg23[%swap3A_1531, %swap3A_1532] {strides = array<i32>} : memref<32x32xf32, #tpu.memory_space<vmem>>, vector<16xf32>,
        tpu.vector_store %arg23[%swap3A_1531, %swap3A_1532], %sub3A_1525 {strides = array<i32>} : memref<32x32xf32, #tpu.memory_space<vmem>>, vector<16xf32>,
        %add3A_1534 = arith.addf %add3A_1510, %sub3A_1520 : vector<16xf32>
        %add3A_1535 = arith.addf %add3A_1511, %sub3A_1525 : vector<16xf32>
        %mul3A_1536 = arith.mulf %sub3A_1520, %sub3A_1520 : vector<16xf32>
        %add3A_1537 = arith.addf %add3A_1513, %mul3A_1536 : vector<16xf32>
        %mul3A_1538 = arith.mulf %sub3A_1525, %sub3A_1525 : vector<16xf32>
        %add3A_1539 = arith.addf %add3A_1515, %mul3A_1538 : vector<16xf32>
        %get3A_1540 = arith.constant 24 : i32
        %get3A_1541 = arith.index_cast %get3A_1540 : i32 to index
        %get3A_1542 = arith.constant 0 : index
        %get3A_1543 = tpu.vector_load %arg23[%get3A_1541, %get3A_1542] {strides = array<i32>} : memref<32x32xf32, #tpu.memory_space<vmem>>, vector<16xf32>,
        %sub3A_1544 = arith.subf %get3A_1543, %gather3A_951 : vector<16xf32>
        %get3A_1545 = arith.constant 24 : i32
        %get3A_1546 = arith.index_cast %get3A_1545 : i32 to index
        %get3A_1547 = arith.constant 16 : index
        %get3A_1548 = tpu.vector_load %arg23[%get3A_1546, %get3A_1547] {strides = array<i32>} : memref<32x32xf32, #tpu.memory_space<vmem>>, vector<16xf32>,
        %sub3A_1549 = arith.subf %get3A_1548, %gather3A_955 : vector<16xf32>
        %swap3A_1550 = arith.constant 24 : i32
        %swap3A_1551 = arith.index_cast %swap3A_1550 : i32 to index
        %swap3A_1552 = arith.constant 0 : index
        %swap3A_1553 = tpu.vector_load %arg23[%swap3A_1551, %swap3A_1552] {strides = array<i32>} : memref<32x32xf32, #tpu.memory_space<vmem>>, vector<16xf32>,
        tpu.vector_store %arg23[%swap3A_1551, %swap3A_1552], %sub3A_1544 {strides = array<i32>} : memref<32x32xf32, #tpu.memory_space<vmem>>, vector<16xf32>,
        %swap3A_1554 = arith.constant 24 : i32
        %swap3A_1555 = arith.index_cast %swap3A_1554 : i32 to index
        %swap3A_1556 = arith.constant 16 : index
        %swap3A_1557 = tpu.vector_load %arg23[%swap3A_1555, %swap3A_1556] {strides = array<i32>} : memref<32x32xf32, #tpu.memory_space<vmem>>, vector<16xf32>,
        tpu.vector_store %arg23[%swap3A_1555, %swap3A_1556], %sub3A_1549 {strides = array<i32>} : memref<32x32xf32, #tpu.memory_space<vmem>>, vector<16xf32>,
        %add3A_1558 = arith.addf %add3A_1534, %sub3A_1544 : vector<16xf32>
        %add3A_1559 = arith.addf %add3A_1535, %sub3A_1549 : vector<16xf32>
        %mul3A_1560 = arith.mulf %sub3A_1544, %sub3A_1544 : vector<16xf32>
        %add3A_1561 = arith.addf %add3A_1537, %mul3A_1560 : vector<16xf32>
        %mul3A_1562 = arith.mulf %sub3A_1549, %sub3A_1549 : vector<16xf32>
        %add3A_1563 = arith.addf %add3A_1539, %mul3A_1562 : vector<16xf32>
        %get3A_1564 = arith.constant 25 : i32
        %get3A_1565 = arith.index_cast %get3A_1564 : i32 to index
        %get3A_1566 = arith.constant 0 : index
        %get3A_1567 = tpu.vector_load %arg23[%get3A_1565, %get3A_1566] {strides = array<i32>} : memref<32x32xf32, #tpu.memory_space<vmem>>, vector<16xf32>,
        %sub3A_1568 = arith.subf %get3A_1567, %gather3A_951 : vector<16xf32>
        %get3A_1569 = arith.constant 25 : i32
        %get3A_1570 = arith.index_cast %get3A_1569 : i32 to index
        %get3A_1571 = arith.constant 16 : index
        %get3A_1572 = tpu.vector_load %arg23[%get3A_1570, %get3A_1571] {strides = array<i32>} : memref<32x32xf32, #tpu.memory_space<vmem>>, vector<16xf32>,
        %sub3A_1573 = arith.subf %get3A_1572, %gather3A_955 : vector<16xf32>
        %swap3A_1574 = arith.constant 25 : i32
        %swap3A_1575 = arith.index_cast %swap3A_1574 : i32 to index
        %swap3A_1576 = arith.constant 0 : index
        %swap3A_1577 = tpu.vector_load %arg23[%swap3A_1575, %swap3A_1576] {strides = array<i32>} : memref<32x32xf32, #tpu.memory_space<vmem>>, vector<16xf32>,
        tpu.vector_store %arg23[%swap3A_1575, %swap3A_1576], %sub3A_1568 {strides = array<i32>} : memref<32x32xf32, #tpu.memory_space<vmem>>, vector<16xf32>,
        %swap3A_1578 = arith.constant 25 : i32
        %swap3A_1579 = arith.index_cast %swap3A_1578 : i32 to index
        %swap3A_1580 = arith.constant 16 : index
        %swap3A_1581 = tpu.vector_load %arg23[%swap3A_1579, %swap3A_1580] {strides = array<i32>} : memref<32x32xf32, #tpu.memory_space<vmem>>, vector<16xf32>,
        tpu.vector_store %arg23[%swap3A_1579, %swap3A_1580], %sub3A_1573 {strides = array<i32>} : memref<32x32xf32, #tpu.memory_space<vmem>>, vector<16xf32>,
        %add3A_1582 = arith.addf %add3A_1558, %sub3A_1568 : vector<16xf32>
        %add3A_1583 = arith.addf %add3A_1559, %sub3A_1573 : vector<16xf32>
        %mul3A_1584 = arith.mulf %sub3A_1568, %sub3A_1568 : vector<16xf32>
        %add3A_1585 = arith.addf %add3A_1561, %mul3A_1584 : vector<16xf32>
        %mul3A_1586 = arith.mulf %sub3A_1573, %sub3A_1573 : vector<16xf32>
        %add3A_1587 = arith.addf %add3A_1563, %mul3A_1586 : vector<16xf32>
        %get3A_1588 = arith.constant 26 : i32
        %get3A_1589 = arith.index_cast %get3A_1588 : i32 to index
        %get3A_1590 = arith.constant 0 : index
        %get3A_1591 = tpu.vector_load %arg23[%get3A_1589, %get3A_1590] {strides = array<i32>} : memref<32x32xf32, #tpu.memory_space<vmem>>, vector<16xf32>,
        %sub3A_1592 = arith.subf %get3A_1591, %gather3A_951 : vector<16xf32>
        %get3A_1593 = arith.constant 26 : i32
        %get3A_1594 = arith.index_cast %get3A_1593 : i32 to index
        %get3A_1595 = arith.constant 16 : index
        %get3A_1596 = tpu.vector_load %arg23[%get3A_1594, %get3A_1595] {strides = array<i32>} : memref<32x32xf32, #tpu.memory_space<vmem>>, vector<16xf32>,
        %sub3A_1597 = arith.subf %get3A_1596, %gather3A_955 : vector<16xf32>
        %swap3A_1598 = arith.constant 26 : i32
        %swap3A_1599 = arith.index_cast %swap3A_1598 : i32 to index
        %swap3A_1600 = arith.constant 0 : index
        %swap3A_1601 = tpu.vector_load %arg23[%swap3A_1599, %swap3A_1600] {strides = array<i32>} : memref<32x32xf32, #tpu.memory_space<vmem>>, vector<16xf32>,
        tpu.vector_store %arg23[%swap3A_1599, %swap3A_1600], %sub3A_1592 {strides = array<i32>} : memref<32x32xf32, #tpu.memory_space<vmem>>, vector<16xf32>,
        %swap3A_1602 = arith.constant 26 : i32
        %swap3A_1603 = arith.index_cast %swap3A_1602 : i32 to index
        %swap3A_1604 = arith.constant 16 : index
        %swap3A_1605 = tpu.vector_load %arg23[%swap3A_1603, %swap3A_1604] {strides = array<i32>} : memref<32x32xf32, #tpu.memory_space<vmem>>, vector<16xf32>,
        tpu.vector_store %arg23[%swap3A_1603, %swap3A_1604], %sub3A_1597 {strides = array<i32>} : memref<32x32xf32, #tpu.memory_space<vmem>>, vector<16xf32>,
        %add3A_1606 = arith.addf %add3A_1582, %sub3A_1592 : vector<16xf32>
        %add3A_1607 = arith.addf %add3A_1583, %sub3A_1597 : vector<16xf32>
        %mul3A_1608 = arith.mulf %sub3A_1592, %sub3A_1592 : vector<16xf32>
        %add3A_1609 = arith.addf %add3A_1585, %mul3A_1608 : vector<16xf32>
        %mul3A_1610 = arith.mulf %sub3A_1597, %sub3A_1597 : vector<16xf32>
        %add3A_1611 = arith.addf %add3A_1587, %mul3A_1610 : vector<16xf32>
        %get3A_1612 = arith.constant 27 : i32
        %get3A_1613 = arith.index_cast %get3A_1612 : i32 to index
        %get3A_1614 = arith.constant 0 : index
        %get3A_1615 = tpu.vector_load %arg23[%get3A_1613, %get3A_1614] {strides = array<i32>} : memref<32x32xf32, #tpu.memory_space<vmem>>, vector<16xf32>,
        %sub3A_1616 = arith.subf %get3A_1615, %gather3A_951 : vector<16xf32>
        %get3A_1617 = arith.constant 27 : i32
        %get3A_1618 = arith.index_cast %get3A_1617 : i32 to index
        %get3A_1619 = arith.constant 16 : index
        %get3A_1620 = tpu.vector_load %arg23[%get3A_1618, %get3A_1619] {strides = array<i32>} : memref<32x32xf32, #tpu.memory_space<vmem>>, vector<16xf32>,
        %sub3A_1621 = arith.subf %get3A_1620, %gather3A_955 : vector<16xf32>
        %swap3A_1622 = arith.constant 27 : i32
        %swap3A_1623 = arith.index_cast %swap3A_1622 : i32 to index
        %swap3A_1624 = arith.constant 0 : index
        %swap3A_1625 = tpu.vector_load %arg23[%swap3A_1623, %swap3A_1624] {strides = array<i32>} : memref<32x32xf32, #tpu.memory_space<vmem>>, vector<16xf32>,
        tpu.vector_store %arg23[%swap3A_1623, %swap3A_1624], %sub3A_1616 {strides = array<i32>} : memref<32x32xf32, #tpu.memory_space<vmem>>, vector<16xf32>,
        %swap3A_1626 = arith.constant 27 : i32
        %swap3A_1627 = arith.index_cast %swap3A_1626 : i32 to index
        %swap3A_1628 = arith.constant 16 : index
        %swap3A_1629 = tpu.vector_load %arg23[%swap3A_1627, %swap3A_1628] {strides = array<i32>} : memref<32x32xf32, #tpu.memory_space<vmem>>, vector<16xf32>,
        tpu.vector_store %arg23[%swap3A_1627, %swap3A_1628], %sub3A_1621 {strides = array<i32>} : memref<32x32xf32, #tpu.memory_space<vmem>>, vector<16xf32>,
        %add3A_1630 = arith.addf %add3A_1606, %sub3A_1616 : vector<16xf32>
        %add3A_1631 = arith.addf %add3A_1607, %sub3A_1621 : vector<16xf32>
        %mul3A_1632 = arith.mulf %sub3A_1616, %sub3A_1616 : vector<16xf32>
        %add3A_1633 = arith.addf %add3A_1609, %mul3A_1632 : vector<16xf32>
        %mul3A_1634 = arith.mulf %sub3A_1621, %sub3A_1621 : vector<16xf32>
        %add3A_1635 = arith.addf %add3A_1611, %mul3A_1634 : vector<16xf32>
        %get3A_1636 = arith.constant 28 : i32
        %get3A_1637 = arith.index_cast %get3A_1636 : i32 to index
        %get3A_1638 = arith.constant 0 : index
        %get3A_1639 = tpu.vector_load %arg23[%get3A_1637, %get3A_1638] {strides = array<i32>} : memref<32x32xf32, #tpu.memory_space<vmem>>, vector<16xf32>,
        %sub3A_1640 = arith.subf %get3A_1639, %gather3A_951 : vector<16xf32>
        %get3A_1641 = arith.constant 28 : i32
        %get3A_1642 = arith.index_cast %get3A_1641 : i32 to index
        %get3A_1643 = arith.constant 16 : index
        %get3A_1644 = tpu.vector_load %arg23[%get3A_1642, %get3A_1643] {strides = array<i32>} : memref<32x32xf32, #tpu.memory_space<vmem>>, vector<16xf32>,
        %sub3A_1645 = arith.subf %get3A_1644, %gather3A_955 : vector<16xf32>
        %swap3A_1646 = arith.constant 28 : i32
        %swap3A_1647 = arith.index_cast %swap3A_1646 : i32 to index
        %swap3A_1648 = arith.constant 0 : index
        %swap3A_1649 = tpu.vector_load %arg23[%swap3A_1647, %swap3A_1648] {strides = array<i32>} : memref<32x32xf32, #tpu.memory_space<vmem>>, vector<16xf32>,
        tpu.vector_store %arg23[%swap3A_1647, %swap3A_1648], %sub3A_1640 {strides = array<i32>} : memref<32x32xf32, #tpu.memory_space<vmem>>, vector<16xf32>,
        %swap3A_1650 = arith.constant 28 : i32
        %swap3A_1651 = arith.index_cast %swap3A_1650 : i32 to index
        %swap3A_1652 = arith.constant 16 : index
        %swap3A_1653 = tpu.vector_load %arg23[%swap3A_1651, %swap3A_1652] {strides = array<i32>} : memref<32x32xf32, #tpu.memory_space<vmem>>, vector<16xf32>,
        tpu.vector_store %arg23[%swap3A_1651, %swap3A_1652], %sub3A_1645 {strides = array<i32>} : memref<32x32xf32, #tpu.memory_space<vmem>>, vector<16xf32>,
        %add3A_1654 = arith.addf %add3A_1630, %sub3A_1640 : vector<16xf32>
        %add3A_1655 = arith.addf %add3A_1631, %sub3A_1645 : vector<16xf32>
        %mul3A_1656 = arith.mulf %sub3A_1640, %sub3A_1640 : vector<16xf32>
        %add3A_1657 = arith.addf %add3A_1633, %mul3A_1656 : vector<16xf32>
        %mul3A_1658 = arith.mulf %sub3A_1645, %sub3A_1645 : vector<16xf32>
        %add3A_1659 = arith.addf %add3A_1635, %mul3A_1658 : vector<16xf32>
        %get3A_1660 = arith.constant 29 : i32
        %get3A_1661 = arith.index_cast %get3A_1660 : i32 to index
        %get3A_1662 = arith.constant 0 : index
        %get3A_1663 = tpu.vector_load %arg23[%get3A_1661, %get3A_1662] {strides = array<i32>} : memref<32x32xf32, #tpu.memory_space<vmem>>, vector<16xf32>,
        %sub3A_1664 = arith.subf %get3A_1663, %gather3A_951 : vector<16xf32>
        %get3A_1665 = arith.constant 29 : i32
        %get3A_1666 = arith.index_cast %get3A_1665 : i32 to index
        %get3A_1667 = arith.constant 16 : index
        %get3A_1668 = tpu.vector_load %arg23[%get3A_1666, %get3A_1667] {strides = array<i32>} : memref<32x32xf32, #tpu.memory_space<vmem>>, vector<16xf32>,
        %sub3A_1669 = arith.subf %get3A_1668, %gather3A_955 : vector<16xf32>
        %swap3A_1670 = arith.constant 29 : i32
        %swap3A_1671 = arith.index_cast %swap3A_1670 : i32 to index
        %swap3A_1672 = arith.constant 0 : index
        %swap3A_1673 = tpu.vector_load %arg23[%swap3A_1671, %swap3A_1672] {strides = array<i32>} : memref<32x32xf32, #tpu.memory_space<vmem>>, vector<16xf32>,
        tpu.vector_store %arg23[%swap3A_1671, %swap3A_1672], %sub3A_1664 {strides = array<i32>} : memref<32x32xf32, #tpu.memory_space<vmem>>, vector<16xf32>,
        %swap3A_1674 = arith.constant 29 : i32
        %swap3A_1675 = arith.index_cast %swap3A_1674 : i32 to index
        %swap3A_1676 = arith.constant 16 : index
        %swap3A_1677 = tpu.vector_load %arg23[%swap3A_1675, %swap3A_1676] {strides = array<i32>} : memref<32x32xf32, #tpu.memory_space<vmem>>, vector<16xf32>,
        tpu.vector_store %arg23[%swap3A_1675, %swap3A_1676], %sub3A_1669 {strides = array<i32>} : memref<32x32xf32, #tpu.memory_space<vmem>>, vector<16xf32>,
        %add3A_1678 = arith.addf %add3A_1654, %sub3A_1664 : vector<16xf32>
        %add3A_1679 = arith.addf %add3A_1655, %sub3A_1669 : vector<16xf32>
        %mul3A_1680 = arith.mulf %sub3A_1664, %sub3A_1664 : vector<16xf32>
        %add3A_1681 = arith.addf %add3A_1657, %mul3A_1680 : vector<16xf32>
        %mul3A_1682 = arith.mulf %sub3A_1669, %sub3A_1669 : vector<16xf32>
        %add3A_1683 = arith.addf %add3A_1659, %mul3A_1682 : vector<16xf32>
        %get3A_1684 = arith.constant 30 : i32
        %get3A_1685 = arith.index_cast %get3A_1684 : i32 to index
        %get3A_1686 = arith.constant 0 : index
        %get3A_1687 = tpu.vector_load %arg23[%get3A_1685, %get3A_1686] {strides = array<i32>} : memref<32x32xf32, #tpu.memory_space<vmem>>, vector<16xf32>,
        %sub3A_1688 = arith.subf %get3A_1687, %gather3A_951 : vector<16xf32>
        %get3A_1689 = arith.constant 30 : i32
        %get3A_1690 = arith.index_cast %get3A_1689 : i32 to index
        %get3A_1691 = arith.constant 16 : index
        %get3A_1692 = tpu.vector_load %arg23[%get3A_1690, %get3A_1691] {strides = array<i32>} : memref<32x32xf32, #tpu.memory_space<vmem>>, vector<16xf32>,
        %sub3A_1693 = arith.subf %get3A_1692, %gather3A_955 : vector<16xf32>
        %swap3A_1694 = arith.constant 30 : i32
        %swap3A_1695 = arith.index_cast %swap3A_1694 : i32 to index
        %swap3A_1696 = arith.constant 0 : index
        %swap3A_1697 = tpu.vector_load %arg23[%swap3A_1695, %swap3A_1696] {strides = array<i32>} : memref<32x32xf32, #tpu.memory_space<vmem>>, vector<16xf32>,
        tpu.vector_store %arg23[%swap3A_1695, %swap3A_1696], %sub3A_1688 {strides = array<i32>} : memref<32x32xf32, #tpu.memory_space<vmem>>, vector<16xf32>,
        %swap3A_1698 = arith.constant 30 : i32
        %swap3A_1699 = arith.index_cast %swap3A_1698 : i32 to index
        %swap3A_1700 = arith.constant 16 : index
        %swap3A_1701 = tpu.vector_load %arg23[%swap3A_1699, %swap3A_1700] {strides = array<i32>} : memref<32x32xf32, #tpu.memory_space<vmem>>, vector<16xf32>,
        tpu.vector_store %arg23[%swap3A_1699, %swap3A_1700], %sub3A_1693 {strides = array<i32>} : memref<32x32xf32, #tpu.memory_space<vmem>>, vector<16xf32>,
        %add3A_1702 = arith.addf %add3A_1678, %sub3A_1688 : vector<16xf32>
        %add3A_1703 = arith.addf %add3A_1679, %sub3A_1693 : vector<16xf32>
        %mul3A_1704 = arith.mulf %sub3A_1688, %sub3A_1688 : vector<16xf32>
        %add3A_1705 = arith.addf %add3A_1681, %mul3A_1704 : vector<16xf32>
        %mul3A_1706 = arith.mulf %sub3A_1693, %sub3A_1693 : vector<16xf32>
        %add3A_1707 = arith.addf %add3A_1683, %mul3A_1706 : vector<16xf32>
        %get3A_1708 = arith.constant 31 : i32
        %get3A_1709 = arith.index_cast %get3A_1708 : i32 to index
        %get3A_1710 = arith.constant 0 : index
        %get3A_1711 = tpu.vector_load %arg23[%get3A_1709, %get3A_1710] {strides = array<i32>} : memref<32x32xf32, #tpu.memory_space<vmem>>, vector<16xf32>,
        %sub3A_1712 = arith.subf %get3A_1711, %gather3A_951 : vector<16xf32>
        %get3A_1713 = arith.constant 31 : i32
        %get3A_1714 = arith.index_cast %get3A_1713 : i32 to index
        %get3A_1715 = arith.constant 16 : index
        %get3A_1716 = tpu.vector_load %arg23[%get3A_1714, %get3A_1715] {strides = array<i32>} : memref<32x32xf32, #tpu.memory_space<vmem>>, vector<16xf32>,
        %sub3A_1717 = arith.subf %get3A_1716, %gather3A_955 : vector<16xf32>
        %swap3A_1718 = arith.constant 31 : i32
        %swap3A_1719 = arith.index_cast %swap3A_1718 : i32 to index
        %swap3A_1720 = arith.constant 0 : index
        %swap3A_1721 = tpu.vector_load %arg23[%swap3A_1719, %swap3A_1720] {strides = array<i32>} : memref<32x32xf32, #tpu.memory_space<vmem>>, vector<16xf32>,
        tpu.vector_store %arg23[%swap3A_1719, %swap3A_1720], %sub3A_1712 {strides = array<i32>} : memref<32x32xf32, #tpu.memory_space<vmem>>, vector<16xf32>,
        %swap3A_1722 = arith.constant 31 : i32
        %swap3A_1723 = arith.index_cast %swap3A_1722 : i32 to index
        %swap3A_1724 = arith.constant 16 : index
        %swap3A_1725 = tpu.vector_load %arg23[%swap3A_1723, %swap3A_1724] {strides = array<i32>} : memref<32x32xf32, #tpu.memory_space<vmem>>, vector<16xf32>,
        tpu.vector_store %arg23[%swap3A_1723, %swap3A_1724], %sub3A_1717 {strides = array<i32>} : memref<32x32xf32, #tpu.memory_space<vmem>>, vector<16xf32>,
        %add3A_1726 = arith.addf %add3A_1702, %sub3A_1712 : vector<16xf32>
        %add3A_1727 = arith.addf %add3A_1703, %sub3A_1717 : vector<16xf32>
        %mul3A_1728 = arith.mulf %sub3A_1712, %sub3A_1712 : vector<16xf32>
        %add3A_1729 = arith.addf %add3A_1705, %mul3A_1728 : vector<16xf32>
        %mul3A_1730 = arith.mulf %sub3A_1717, %sub3A_1717 : vector<16xf32>
        %add3A_1731 = arith.addf %add3A_1707, %mul3A_1730 : vector<16xf32>
        %swap3A_1732 = arith.constant 0 : index
        %swap3A_1733 = tpu.vector_load %arg24[%swap3A_1732] {strides = array<i32>} : memref<64xf32, #tpu.memory_space<vmem>>, vector<16xf32>,
        tpu.vector_store %arg24[%swap3A_1732], %add3A_1726 {strides = array<i32>} : memref<64xf32, #tpu.memory_space<vmem>>, vector<16xf32>,
        %swap3A_1734 = arith.constant 16 : index
        %swap3A_1735 = tpu.vector_load %arg24[%swap3A_1734] {strides = array<i32>} : memref<64xf32, #tpu.memory_space<vmem>>, vector<16xf32>,
        tpu.vector_store %arg24[%swap3A_1734], %add3A_1727 {strides = array<i32>} : memref<64xf32, #tpu.memory_space<vmem>>, vector<16xf32>,
        %swap3A_1736 = arith.constant 32 : index
        %swap3A_1737 = tpu.vector_load %arg24[%swap3A_1736] {strides = array<i32>} : memref<64xf32, #tpu.memory_space<vmem>>, vector<16xf32>,
        tpu.vector_store %arg24[%swap3A_1736], %add3A_1729 {strides = array<i32>} : memref<64xf32, #tpu.memory_space<vmem>>, vector<16xf32>,
        %swap3A_1738 = arith.constant 48 : index
        %swap3A_1739 = tpu.vector_load %arg24[%swap3A_1738] {strides = array<i32>} : memref<64xf32, #tpu.memory_space<vmem>>, vector<16xf32>,
        tpu.vector_store %arg24[%swap3A_1738], %add3A_1731 {strides = array<i32>} : memref<64xf32, #tpu.memory_space<vmem>>, vector<16xf32>,
        %add3A_1740 = arith.addi %mul3A_32, %sub3A_945 : i32
        %mul3A_1741 = arith.constant 32 : i32
        %mul3A_1742 = arith.muli %add3A_1740, %mul3A_1741 : i32
        %dma_start3A_1743 = arith.constant 0 : i32
        %dma_start3A_1744 = tpu.memref_slice %arg8[%mul3A_1742, %dma_start3A_1743] : memref<262144x32xf32, #tpu.memory_space<hbm>> -> memref<32x32xf32, #tpu.memory_space<hbm>>
        %dma_start3A_1745 = arith.constant 0 : i32
        %dma_start3A_1746 = tpu.memref_slice %arg8[%mul3A_1742, %dma_start3A_1745] : memref<262144x32xf32, #tpu.memory_space<hbm>> -> memref<32x32xf32, #tpu.memory_space<hbm>>
        tpu.enqueue_dma source(%arg23 : memref<32x32xf32, #tpu.memory_space<vmem>>) target(%dma_start3A_1746 : memref<32x32xf32, #tpu.memory_space<hbm>>) target_semaphore(%arg29 : memref<!tpu.dma_semaphore, #tpu.memory_space<semaphore_mem>>)
      } else {
      }
      %not3A_935 = arith.constant true
      %not3A_936 = arith.xori %eq3A_910, %not3A_935 : i1
      %ge3A_937 = arith.constant 1 : i32
      %ge3A_938 = arith.cmpi sge, %scan3A_891, %ge3A_937 : i32
      %and3A_939 = arith.andi %not3A_936, %ge3A_938 : i1
      %convert_element_type3A_940 = arith.extui %and3A_939 : i1 to i32
      %cond3A_941 = arith.constant 0 : i32
      %cond3A_942 = arith.cmpi ne, %convert_element_type3A_940, %cond3A_941 : i32
      scf.if %cond3A_942 {
        %sub3A_944 = arith.constant 1 : i32
        %sub3A_945 = arith.subi %scan3A_891, %sub3A_944 : i32
        %dma_wait3A_946 = arith.constant 0 : i32
        %dma_wait3A_947 = arith.constant 0 : i32
        %dma_wait3A_948 = tpu.memref_slice %arg7[%dma_wait3A_946, %dma_wait3A_947] : memref<32768x32xf32, #tpu.memory_space<hbm>> -> memref<32768x32xf32, #tpu.memory_space<hbm>>
        tpu.wait_indirect_dma semaphore(%arg26 : memref<!tpu.dma_semaphore, #tpu.memory_space<semaphore_mem>>) src(%dma_wait3A_948 : memref<32768x32xf32, #tpu.memory_space<hbm>>) dst(%arg22 : memref<32x32xf32, #tpu.memory_space<vmem>>)
        %add3A_949 = vector.broadcast %sub3A_945 : i32 to vector<16xi32>
        %add3A_950 = arith.addi %broadcast_in_dim3A_55, %add3A_949 : vector<16xi32>
        %gather3A_951 = tpu.vector_load_idx %arg18[%add3A_950, %iota3A] : memref<256x32xf32, #tpu.memory_space<vmem>>[vector<16xi32>, vector<16xi32>], vector<16xf32>,
        %add3A_952 = arith.constant 16 : i32
        %add3A_953 = vector.broadcast %add3A_952 : i32 to vector<16xi32>
        %add3A_954 = arith.addi %iota3A, %add3A_953 : vector<16xi32>
        %gather3A_955 = tpu.vector_load_idx %arg18[%add3A_950, %add3A_954] : memref<256x32xf32, #tpu.memory_space<vmem>>[vector<16xi32>, vector<16xi32>], vector<16xf32>,
        %get3A_956 = arith.constant 0 : index
        %get3A_957 = tpu.vector_load %arg24[%get3A_956] {strides = array<i32>} : memref<64xf32, #tpu.memory_space<vmem>>, vector<16xf32>,
        %get3A_958 = arith.constant 16 : index
        %get3A_959 = tpu.vector_load %arg24[%get3A_958] {strides = array<i32>} : memref<64xf32, #tpu.memory_space<vmem>>, vector<16xf32>,
        %get3A_960 = arith.constant 32 : index
        %get3A_961 = tpu.vector_load %arg24[%get3A_960] {strides = array<i32>} : memref<64xf32, #tpu.memory_space<vmem>>, vector<16xf32>,
        %get3A_962 = arith.constant 48 : index
        %get3A_963 = tpu.vector_load %arg24[%get3A_962] {strides = array<i32>} : memref<64xf32, #tpu.memory_space<vmem>>, vector<16xf32>,
        %get3A_964 = arith.constant 0 : i32
        %get3A_965 = arith.index_cast %get3A_964 : i32 to index
        %get3A_966 = arith.constant 0 : index
        %get3A_967 = tpu.vector_load %arg22[%get3A_965, %get3A_966] {strides = array<i32>} : memref<32x32xf32, #tpu.memory_space<vmem>>, vector<16xf32>,
        %sub3A_968 = arith.subf %get3A_967, %gather3A_951 : vector<16xf32>
        %get3A_969 = arith.constant 0 : i32
        %get3A_970 = arith.index_cast %get3A_969 : i32 to index
        %get3A_971 = arith.constant 16 : index
        %get3A_972 = tpu.vector_load %arg22[%get3A_970, %get3A_971] {strides = array<i32>} : memref<32x32xf32, #tpu.memory_space<vmem>>, vector<16xf32>,
        %sub3A_973 = arith.subf %get3A_972, %gather3A_955 : vector<16xf32>
        %swap3A_974 = arith.constant 0 : i32
        %swap3A_975 = arith.index_cast %swap3A_974 : i32 to index
        %swap3A_976 = arith.constant 0 : index
        %swap3A_977 = tpu.vector_load %arg22[%swap3A_975, %swap3A_976] {strides = array<i32>} : memref<32x32xf32, #tpu.memory_space<vmem>>, vector<16xf32>,
        tpu.vector_store %arg22[%swap3A_975, %swap3A_976], %sub3A_968 {strides = array<i32>} : memref<32x32xf32, #tpu.memory_space<vmem>>, vector<16xf32>,
        %swap3A_978 = arith.constant 0 : i32
        %swap3A_979 = arith.index_cast %swap3A_978 : i32 to index
        %swap3A_980 = arith.constant 16 : index
        %swap3A_981 = tpu.vector_load %arg22[%swap3A_979, %swap3A_980] {strides = array<i32>} : memref<32x32xf32, #tpu.memory_space<vmem>>, vector<16xf32>,
        tpu.vector_store %arg22[%swap3A_979, %swap3A_980], %sub3A_973 {strides = array<i32>} : memref<32x32xf32, #tpu.memory_space<vmem>>, vector<16xf32>,
        %add3A_982 = arith.addf %get3A_957, %sub3A_968 : vector<16xf32>
        %add3A_983 = arith.addf %get3A_959, %sub3A_973 : vector<16xf32>
        %mul3A_984 = arith.mulf %sub3A_968, %sub3A_968 : vector<16xf32>
        %add3A_985 = arith.addf %get3A_961, %mul3A_984 : vector<16xf32>
        %mul3A_986 = arith.mulf %sub3A_973, %sub3A_973 : vector<16xf32>
        %add3A_987 = arith.addf %get3A_963, %mul3A_986 : vector<16xf32>
        %get3A_988 = arith.constant 1 : i32
        %get3A_989 = arith.index_cast %get3A_988 : i32 to index
        %get3A_990 = arith.constant 0 : index
        %get3A_991 = tpu.vector_load %arg22[%get3A_989, %get3A_990] {strides = array<i32>} : memref<32x32xf32, #tpu.memory_space<vmem>>, vector<16xf32>,
        %sub3A_992 = arith.subf %get3A_991, %gather3A_951 : vector<16xf32>
        %get3A_993 = arith.constant 1 : i32
        %get3A_994 = arith.index_cast %get3A_993 : i32 to index
        %get3A_995 = arith.constant 16 : index
        %get3A_996 = tpu.vector_load %arg22[%get3A_994, %get3A_995] {strides = array<i32>} : memref<32x32xf32, #tpu.memory_space<vmem>>, vector<16xf32>,
        %sub3A_997 = arith.subf %get3A_996, %gather3A_955 : vector<16xf32>
        %swap3A_998 = arith.constant 1 : i32
        %swap3A_999 = arith.index_cast %swap3A_998 : i32 to index
        %swap3A_1000 = arith.constant 0 : index
        %swap3A_1001 = tpu.vector_load %arg22[%swap3A_999, %swap3A_1000] {strides = array<i32>} : memref<32x32xf32, #tpu.memory_space<vmem>>, vector<16xf32>,
        tpu.vector_store %arg22[%swap3A_999, %swap3A_1000], %sub3A_992 {strides = array<i32>} : memref<32x32xf32, #tpu.memory_space<vmem>>, vector<16xf32>,
        %swap3A_1002 = arith.constant 1 : i32
        %swap3A_1003 = arith.index_cast %swap3A_1002 : i32 to index
        %swap3A_1004 = arith.constant 16 : index
        %swap3A_1005 = tpu.vector_load %arg22[%swap3A_1003, %swap3A_1004] {strides = array<i32>} : memref<32x32xf32, #tpu.memory_space<vmem>>, vector<16xf32>,
        tpu.vector_store %arg22[%swap3A_1003, %swap3A_1004], %sub3A_997 {strides = array<i32>} : memref<32x32xf32, #tpu.memory_space<vmem>>, vector<16xf32>,
        %add3A_1006 = arith.addf %add3A_982, %sub3A_992 : vector<16xf32>
        %add3A_1007 = arith.addf %add3A_983, %sub3A_997 : vector<16xf32>
        %mul3A_1008 = arith.mulf %sub3A_992, %sub3A_992 : vector<16xf32>
        %add3A_1009 = arith.addf %add3A_985, %mul3A_1008 : vector<16xf32>
        %mul3A_1010 = arith.mulf %sub3A_997, %sub3A_997 : vector<16xf32>
        %add3A_1011 = arith.addf %add3A_987, %mul3A_1010 : vector<16xf32>
        %get3A_1012 = arith.constant 2 : i32
        %get3A_1013 = arith.index_cast %get3A_1012 : i32 to index
        %get3A_1014 = arith.constant 0 : index
        %get3A_1015 = tpu.vector_load %arg22[%get3A_1013, %get3A_1014] {strides = array<i32>} : memref<32x32xf32, #tpu.memory_space<vmem>>, vector<16xf32>,
        %sub3A_1016 = arith.subf %get3A_1015, %gather3A_951 : vector<16xf32>
        %get3A_1017 = arith.constant 2 : i32
        %get3A_1018 = arith.index_cast %get3A_1017 : i32 to index
        %get3A_1019 = arith.constant 16 : index
        %get3A_1020 = tpu.vector_load %arg22[%get3A_1018, %get3A_1019] {strides = array<i32>} : memref<32x32xf32, #tpu.memory_space<vmem>>, vector<16xf32>,
        %sub3A_1021 = arith.subf %get3A_1020, %gather3A_955 : vector<16xf32>
        %swap3A_1022 = arith.constant 2 : i32
        %swap3A_1023 = arith.index_cast %swap3A_1022 : i32 to index
        %swap3A_1024 = arith.constant 0 : index
        %swap3A_1025 = tpu.vector_load %arg22[%swap3A_1023, %swap3A_1024] {strides = array<i32>} : memref<32x32xf32, #tpu.memory_space<vmem>>, vector<16xf32>,
        tpu.vector_store %arg22[%swap3A_1023, %swap3A_1024], %sub3A_1016 {strides = array<i32>} : memref<32x32xf32, #tpu.memory_space<vmem>>, vector<16xf32>,
        %swap3A_1026 = arith.constant 2 : i32
        %swap3A_1027 = arith.index_cast %swap3A_1026 : i32 to index
        %swap3A_1028 = arith.constant 16 : index
        %swap3A_1029 = tpu.vector_load %arg22[%swap3A_1027, %swap3A_1028] {strides = array<i32>} : memref<32x32xf32, #tpu.memory_space<vmem>>, vector<16xf32>,
        tpu.vector_store %arg22[%swap3A_1027, %swap3A_1028], %sub3A_1021 {strides = array<i32>} : memref<32x32xf32, #tpu.memory_space<vmem>>, vector<16xf32>,
        %add3A_1030 = arith.addf %add3A_1006, %sub3A_1016 : vector<16xf32>
        %add3A_1031 = arith.addf %add3A_1007, %sub3A_1021 : vector<16xf32>
        %mul3A_1032 = arith.mulf %sub3A_1016, %sub3A_1016 : vector<16xf32>
        %add3A_1033 = arith.addf %add3A_1009, %mul3A_1032 : vector<16xf32>
        %mul3A_1034 = arith.mulf %sub3A_1021, %sub3A_1021 : vector<16xf32>
        %add3A_1035 = arith.addf %add3A_1011, %mul3A_1034 : vector<16xf32>
        %get3A_1036 = arith.constant 3 : i32
        %get3A_1037 = arith.index_cast %get3A_1036 : i32 to index
        %get3A_1038 = arith.constant 0 : index
        %get3A_1039 = tpu.vector_load %arg22[%get3A_1037, %get3A_1038] {strides = array<i32>} : memref<32x32xf32, #tpu.memory_space<vmem>>, vector<16xf32>,
        %sub3A_1040 = arith.subf %get3A_1039, %gather3A_951 : vector<16xf32>
        %get3A_1041 = arith.constant 3 : i32
        %get3A_1042 = arith.index_cast %get3A_1041 : i32 to index
        %get3A_1043 = arith.constant 16 : index
        %get3A_1044 = tpu.vector_load %arg22[%get3A_1042, %get3A_1043] {strides = array<i32>} : memref<32x32xf32, #tpu.memory_space<vmem>>, vector<16xf32>,
        %sub3A_1045 = arith.subf %get3A_1044, %gather3A_955 : vector<16xf32>
        %swap3A_1046 = arith.constant 3 : i32
        %swap3A_1047 = arith.index_cast %swap3A_1046 : i32 to index
        %swap3A_1048 = arith.constant 0 : index
        %swap3A_1049 = tpu.vector_load %arg22[%swap3A_1047, %swap3A_1048] {strides = array<i32>} : memref<32x32xf32, #tpu.memory_space<vmem>>, vector<16xf32>,
        tpu.vector_store %arg22[%swap3A_1047, %swap3A_1048], %sub3A_1040 {strides = array<i32>} : memref<32x32xf32, #tpu.memory_space<vmem>>, vector<16xf32>,
        %swap3A_1050 = arith.constant 3 : i32
        %swap3A_1051 = arith.index_cast %swap3A_1050 : i32 to index
        %swap3A_1052 = arith.constant 16 : index
        %swap3A_1053 = tpu.vector_load %arg22[%swap3A_1051, %swap3A_1052] {strides = array<i32>} : memref<32x32xf32, #tpu.memory_space<vmem>>, vector<16xf32>,
        tpu.vector_store %arg22[%swap3A_1051, %swap3A_1052], %sub3A_1045 {strides = array<i32>} : memref<32x32xf32, #tpu.memory_space<vmem>>, vector<16xf32>,
        %add3A_1054 = arith.addf %add3A_1030, %sub3A_1040 : vector<16xf32>
        %add3A_1055 = arith.addf %add3A_1031, %sub3A_1045 : vector<16xf32>
        %mul3A_1056 = arith.mulf %sub3A_1040, %sub3A_1040 : vector<16xf32>
        %add3A_1057 = arith.addf %add3A_1033, %mul3A_1056 : vector<16xf32>
        %mul3A_1058 = arith.mulf %sub3A_1045, %sub3A_1045 : vector<16xf32>
        %add3A_1059 = arith.addf %add3A_1035, %mul3A_1058 : vector<16xf32>
        %get3A_1060 = arith.constant 4 : i32
        %get3A_1061 = arith.index_cast %get3A_1060 : i32 to index
        %get3A_1062 = arith.constant 0 : index
        %get3A_1063 = tpu.vector_load %arg22[%get3A_1061, %get3A_1062] {strides = array<i32>} : memref<32x32xf32, #tpu.memory_space<vmem>>, vector<16xf32>,
        %sub3A_1064 = arith.subf %get3A_1063, %gather3A_951 : vector<16xf32>
        %get3A_1065 = arith.constant 4 : i32
        %get3A_1066 = arith.index_cast %get3A_1065 : i32 to index
        %get3A_1067 = arith.constant 16 : index
        %get3A_1068 = tpu.vector_load %arg22[%get3A_1066, %get3A_1067] {strides = array<i32>} : memref<32x32xf32, #tpu.memory_space<vmem>>, vector<16xf32>,
        %sub3A_1069 = arith.subf %get3A_1068, %gather3A_955 : vector<16xf32>
        %swap3A_1070 = arith.constant 4 : i32
        %swap3A_1071 = arith.index_cast %swap3A_1070 : i32 to index
        %swap3A_1072 = arith.constant 0 : index
        %swap3A_1073 = tpu.vector_load %arg22[%swap3A_1071, %swap3A_1072] {strides = array<i32>} : memref<32x32xf32, #tpu.memory_space<vmem>>, vector<16xf32>,
        tpu.vector_store %arg22[%swap3A_1071, %swap3A_1072], %sub3A_1064 {strides = array<i32>} : memref<32x32xf32, #tpu.memory_space<vmem>>, vector<16xf32>,
        %swap3A_1074 = arith.constant 4 : i32
        %swap3A_1075 = arith.index_cast %swap3A_1074 : i32 to index
        %swap3A_1076 = arith.constant 16 : index
        %swap3A_1077 = tpu.vector_load %arg22[%swap3A_1075, %swap3A_1076] {strides = array<i32>} : memref<32x32xf32, #tpu.memory_space<vmem>>, vector<16xf32>,
        tpu.vector_store %arg22[%swap3A_1075, %swap3A_1076], %sub3A_1069 {strides = array<i32>} : memref<32x32xf32, #tpu.memory_space<vmem>>, vector<16xf32>,
        %add3A_1078 = arith.addf %add3A_1054, %sub3A_1064 : vector<16xf32>
        %add3A_1079 = arith.addf %add3A_1055, %sub3A_1069 : vector<16xf32>
        %mul3A_1080 = arith.mulf %sub3A_1064, %sub3A_1064 : vector<16xf32>
        %add3A_1081 = arith.addf %add3A_1057, %mul3A_1080 : vector<16xf32>
        %mul3A_1082 = arith.mulf %sub3A_1069, %sub3A_1069 : vector<16xf32>
        %add3A_1083 = arith.addf %add3A_1059, %mul3A_1082 : vector<16xf32>
        %get3A_1084 = arith.constant 5 : i32
        %get3A_1085 = arith.index_cast %get3A_1084 : i32 to index
        %get3A_1086 = arith.constant 0 : index
        %get3A_1087 = tpu.vector_load %arg22[%get3A_1085, %get3A_1086] {strides = array<i32>} : memref<32x32xf32, #tpu.memory_space<vmem>>, vector<16xf32>,
        %sub3A_1088 = arith.subf %get3A_1087, %gather3A_951 : vector<16xf32>
        %get3A_1089 = arith.constant 5 : i32
        %get3A_1090 = arith.index_cast %get3A_1089 : i32 to index
        %get3A_1091 = arith.constant 16 : index
        %get3A_1092 = tpu.vector_load %arg22[%get3A_1090, %get3A_1091] {strides = array<i32>} : memref<32x32xf32, #tpu.memory_space<vmem>>, vector<16xf32>,
        %sub3A_1093 = arith.subf %get3A_1092, %gather3A_955 : vector<16xf32>
        %swap3A_1094 = arith.constant 5 : i32
        %swap3A_1095 = arith.index_cast %swap3A_1094 : i32 to index
        %swap3A_1096 = arith.constant 0 : index
        %swap3A_1097 = tpu.vector_load %arg22[%swap3A_1095, %swap3A_1096] {strides = array<i32>} : memref<32x32xf32, #tpu.memory_space<vmem>>, vector<16xf32>,
        tpu.vector_store %arg22[%swap3A_1095, %swap3A_1096], %sub3A_1088 {strides = array<i32>} : memref<32x32xf32, #tpu.memory_space<vmem>>, vector<16xf32>,
        %swap3A_1098 = arith.constant 5 : i32
        %swap3A_1099 = arith.index_cast %swap3A_1098 : i32 to index
        %swap3A_1100 = arith.constant 16 : index
        %swap3A_1101 = tpu.vector_load %arg22[%swap3A_1099, %swap3A_1100] {strides = array<i32>} : memref<32x32xf32, #tpu.memory_space<vmem>>, vector<16xf32>,
        tpu.vector_store %arg22[%swap3A_1099, %swap3A_1100], %sub3A_1093 {strides = array<i32>} : memref<32x32xf32, #tpu.memory_space<vmem>>, vector<16xf32>,
        %add3A_1102 = arith.addf %add3A_1078, %sub3A_1088 : vector<16xf32>
        %add3A_1103 = arith.addf %add3A_1079, %sub3A_1093 : vector<16xf32>
        %mul3A_1104 = arith.mulf %sub3A_1088, %sub3A_1088 : vector<16xf32>
        %add3A_1105 = arith.addf %add3A_1081, %mul3A_1104 : vector<16xf32>
        %mul3A_1106 = arith.mulf %sub3A_1093, %sub3A_1093 : vector<16xf32>
        %add3A_1107 = arith.addf %add3A_1083, %mul3A_1106 : vector<16xf32>
        %get3A_1108 = arith.constant 6 : i32
        %get3A_1109 = arith.index_cast %get3A_1108 : i32 to index
        %get3A_1110 = arith.constant 0 : index
        %get3A_1111 = tpu.vector_load %arg22[%get3A_1109, %get3A_1110] {strides = array<i32>} : memref<32x32xf32, #tpu.memory_space<vmem>>, vector<16xf32>,
        %sub3A_1112 = arith.subf %get3A_1111, %gather3A_951 : vector<16xf32>
        %get3A_1113 = arith.constant 6 : i32
        %get3A_1114 = arith.index_cast %get3A_1113 : i32 to index
        %get3A_1115 = arith.constant 16 : index
        %get3A_1116 = tpu.vector_load %arg22[%get3A_1114, %get3A_1115] {strides = array<i32>} : memref<32x32xf32, #tpu.memory_space<vmem>>, vector<16xf32>,
        %sub3A_1117 = arith.subf %get3A_1116, %gather3A_955 : vector<16xf32>
        %swap3A_1118 = arith.constant 6 : i32
        %swap3A_1119 = arith.index_cast %swap3A_1118 : i32 to index
        %swap3A_1120 = arith.constant 0 : index
        %swap3A_1121 = tpu.vector_load %arg22[%swap3A_1119, %swap3A_1120] {strides = array<i32>} : memref<32x32xf32, #tpu.memory_space<vmem>>, vector<16xf32>,
        tpu.vector_store %arg22[%swap3A_1119, %swap3A_1120], %sub3A_1112 {strides = array<i32>} : memref<32x32xf32, #tpu.memory_space<vmem>>, vector<16xf32>,
        %swap3A_1122 = arith.constant 6 : i32
        %swap3A_1123 = arith.index_cast %swap3A_1122 : i32 to index
        %swap3A_1124 = arith.constant 16 : index
        %swap3A_1125 = tpu.vector_load %arg22[%swap3A_1123, %swap3A_1124] {strides = array<i32>} : memref<32x32xf32, #tpu.memory_space<vmem>>, vector<16xf32>,
        tpu.vector_store %arg22[%swap3A_1123, %swap3A_1124], %sub3A_1117 {strides = array<i32>} : memref<32x32xf32, #tpu.memory_space<vmem>>, vector<16xf32>,
        %add3A_1126 = arith.addf %add3A_1102, %sub3A_1112 : vector<16xf32>
        %add3A_1127 = arith.addf %add3A_1103, %sub3A_1117 : vector<16xf32>
        %mul3A_1128 = arith.mulf %sub3A_1112, %sub3A_1112 : vector<16xf32>
        %add3A_1129 = arith.addf %add3A_1105, %mul3A_1128 : vector<16xf32>
        %mul3A_1130 = arith.mulf %sub3A_1117, %sub3A_1117 : vector<16xf32>
        %add3A_1131 = arith.addf %add3A_1107, %mul3A_1130 : vector<16xf32>
        %get3A_1132 = arith.constant 7 : i32
        %get3A_1133 = arith.index_cast %get3A_1132 : i32 to index
        %get3A_1134 = arith.constant 0 : index
        %get3A_1135 = tpu.vector_load %arg22[%get3A_1133, %get3A_1134] {strides = array<i32>} : memref<32x32xf32, #tpu.memory_space<vmem>>, vector<16xf32>,
        %sub3A_1136 = arith.subf %get3A_1135, %gather3A_951 : vector<16xf32>
        %get3A_1137 = arith.constant 7 : i32
        %get3A_1138 = arith.index_cast %get3A_1137 : i32 to index
        %get3A_1139 = arith.constant 16 : index
        %get3A_1140 = tpu.vector_load %arg22[%get3A_1138, %get3A_1139] {strides = array<i32>} : memref<32x32xf32, #tpu.memory_space<vmem>>, vector<16xf32>,
        %sub3A_1141 = arith.subf %get3A_1140, %gather3A_955 : vector<16xf32>
        %swap3A_1142 = arith.constant 7 : i32
        %swap3A_1143 = arith.index_cast %swap3A_1142 : i32 to index
        %swap3A_1144 = arith.constant 0 : index
        %swap3A_1145 = tpu.vector_load %arg22[%swap3A_1143, %swap3A_1144] {strides = array<i32>} : memref<32x32xf32, #tpu.memory_space<vmem>>, vector<16xf32>,
        tpu.vector_store %arg22[%swap3A_1143, %swap3A_1144], %sub3A_1136 {strides = array<i32>} : memref<32x32xf32, #tpu.memory_space<vmem>>, vector<16xf32>,
        %swap3A_1146 = arith.constant 7 : i32
        %swap3A_1147 = arith.index_cast %swap3A_1146 : i32 to index
        %swap3A_1148 = arith.constant 16 : index
        %swap3A_1149 = tpu.vector_load %arg22[%swap3A_1147, %swap3A_1148] {strides = array<i32>} : memref<32x32xf32, #tpu.memory_space<vmem>>, vector<16xf32>,
        tpu.vector_store %arg22[%swap3A_1147, %swap3A_1148], %sub3A_1141 {strides = array<i32>} : memref<32x32xf32, #tpu.memory_space<vmem>>, vector<16xf32>,
        %add3A_1150 = arith.addf %add3A_1126, %sub3A_1136 : vector<16xf32>
        %add3A_1151 = arith.addf %add3A_1127, %sub3A_1141 : vector<16xf32>
        %mul3A_1152 = arith.mulf %sub3A_1136, %sub3A_1136 : vector<16xf32>
        %add3A_1153 = arith.addf %add3A_1129, %mul3A_1152 : vector<16xf32>
        %mul3A_1154 = arith.mulf %sub3A_1141, %sub3A_1141 : vector<16xf32>
        %add3A_1155 = arith.addf %add3A_1131, %mul3A_1154 : vector<16xf32>
        %get3A_1156 = arith.constant 8 : i32
        %get3A_1157 = arith.index_cast %get3A_1156 : i32 to index
        %get3A_1158 = arith.constant 0 : index
        %get3A_1159 = tpu.vector_load %arg22[%get3A_1157, %get3A_1158] {strides = array<i32>} : memref<32x32xf32, #tpu.memory_space<vmem>>, vector<16xf32>,
        %sub3A_1160 = arith.subf %get3A_1159, %gather3A_951 : vector<16xf32>
        %get3A_1161 = arith.constant 8 : i32
        %get3A_1162 = arith.index_cast %get3A_1161 : i32 to index
        %get3A_1163 = arith.constant 16 : index
        %get3A_1164 = tpu.vector_load %arg22[%get3A_1162, %get3A_1163] {strides = array<i32>} : memref<32x32xf32, #tpu.memory_space<vmem>>, vector<16xf32>,
        %sub3A_1165 = arith.subf %get3A_1164, %gather3A_955 : vector<16xf32>
        %swap3A_1166 = arith.constant 8 : i32
        %swap3A_1167 = arith.index_cast %swap3A_1166 : i32 to index
        %swap3A_1168 = arith.constant 0 : index
        %swap3A_1169 = tpu.vector_load %arg22[%swap3A_1167, %swap3A_1168] {strides = array<i32>} : memref<32x32xf32, #tpu.memory_space<vmem>>, vector<16xf32>,
        tpu.vector_store %arg22[%swap3A_1167, %swap3A_1168], %sub3A_1160 {strides = array<i32>} : memref<32x32xf32, #tpu.memory_space<vmem>>, vector<16xf32>,
        %swap3A_1170 = arith.constant 8 : i32
        %swap3A_1171 = arith.index_cast %swap3A_1170 : i32 to index
        %swap3A_1172 = arith.constant 16 : index
        %swap3A_1173 = tpu.vector_load %arg22[%swap3A_1171, %swap3A_1172] {strides = array<i32>} : memref<32x32xf32, #tpu.memory_space<vmem>>, vector<16xf32>,
        tpu.vector_store %arg22[%swap3A_1171, %swap3A_1172], %sub3A_1165 {strides = array<i32>} : memref<32x32xf32, #tpu.memory_space<vmem>>, vector<16xf32>,
        %add3A_1174 = arith.addf %add3A_1150, %sub3A_1160 : vector<16xf32>
        %add3A_1175 = arith.addf %add3A_1151, %sub3A_1165 : vector<16xf32>
        %mul3A_1176 = arith.mulf %sub3A_1160, %sub3A_1160 : vector<16xf32>
        %add3A_1177 = arith.addf %add3A_1153, %mul3A_1176 : vector<16xf32>
        %mul3A_1178 = arith.mulf %sub3A_1165, %sub3A_1165 : vector<16xf32>
        %add3A_1179 = arith.addf %add3A_1155, %mul3A_1178 : vector<16xf32>
        %get3A_1180 = arith.constant 9 : i32
        %get3A_1181 = arith.index_cast %get3A_1180 : i32 to index
        %get3A_1182 = arith.constant 0 : index
        %get3A_1183 = tpu.vector_load %arg22[%get3A_1181, %get3A_1182] {strides = array<i32>} : memref<32x32xf32, #tpu.memory_space<vmem>>, vector<16xf32>,
        %sub3A_1184 = arith.subf %get3A_1183, %gather3A_951 : vector<16xf32>
        %get3A_1185 = arith.constant 9 : i32
        %get3A_1186 = arith.index_cast %get3A_1185 : i32 to index
        %get3A_1187 = arith.constant 16 : index
        %get3A_1188 = tpu.vector_load %arg22[%get3A_1186, %get3A_1187] {strides = array<i32>} : memref<32x32xf32, #tpu.memory_space<vmem>>, vector<16xf32>,
        %sub3A_1189 = arith.subf %get3A_1188, %gather3A_955 : vector<16xf32>
        %swap3A_1190 = arith.constant 9 : i32
        %swap3A_1191 = arith.index_cast %swap3A_1190 : i32 to index
        %swap3A_1192 = arith.constant 0 : index
        %swap3A_1193 = tpu.vector_load %arg22[%swap3A_1191, %swap3A_1192] {strides = array<i32>} : memref<32x32xf32, #tpu.memory_space<vmem>>, vector<16xf32>,
        tpu.vector_store %arg22[%swap3A_1191, %swap3A_1192], %sub3A_1184 {strides = array<i32>} : memref<32x32xf32, #tpu.memory_space<vmem>>, vector<16xf32>,
        %swap3A_1194 = arith.constant 9 : i32
        %swap3A_1195 = arith.index_cast %swap3A_1194 : i32 to index
        %swap3A_1196 = arith.constant 16 : index
        %swap3A_1197 = tpu.vector_load %arg22[%swap3A_1195, %swap3A_1196] {strides = array<i32>} : memref<32x32xf32, #tpu.memory_space<vmem>>, vector<16xf32>,
        tpu.vector_store %arg22[%swap3A_1195, %swap3A_1196], %sub3A_1189 {strides = array<i32>} : memref<32x32xf32, #tpu.memory_space<vmem>>, vector<16xf32>,
        %add3A_1198 = arith.addf %add3A_1174, %sub3A_1184 : vector<16xf32>
        %add3A_1199 = arith.addf %add3A_1175, %sub3A_1189 : vector<16xf32>
        %mul3A_1200 = arith.mulf %sub3A_1184, %sub3A_1184 : vector<16xf32>
        %add3A_1201 = arith.addf %add3A_1177, %mul3A_1200 : vector<16xf32>
        %mul3A_1202 = arith.mulf %sub3A_1189, %sub3A_1189 : vector<16xf32>
        %add3A_1203 = arith.addf %add3A_1179, %mul3A_1202 : vector<16xf32>
        %get3A_1204 = arith.constant 10 : i32
        %get3A_1205 = arith.index_cast %get3A_1204 : i32 to index
        %get3A_1206 = arith.constant 0 : index
        %get3A_1207 = tpu.vector_load %arg22[%get3A_1205, %get3A_1206] {strides = array<i32>} : memref<32x32xf32, #tpu.memory_space<vmem>>, vector<16xf32>,
        %sub3A_1208 = arith.subf %get3A_1207, %gather3A_951 : vector<16xf32>
        %get3A_1209 = arith.constant 10 : i32
        %get3A_1210 = arith.index_cast %get3A_1209 : i32 to index
        %get3A_1211 = arith.constant 16 : index
        %get3A_1212 = tpu.vector_load %arg22[%get3A_1210, %get3A_1211] {strides = array<i32>} : memref<32x32xf32, #tpu.memory_space<vmem>>, vector<16xf32>,
        %sub3A_1213 = arith.subf %get3A_1212, %gather3A_955 : vector<16xf32>
        %swap3A_1214 = arith.constant 10 : i32
        %swap3A_1215 = arith.index_cast %swap3A_1214 : i32 to index
        %swap3A_1216 = arith.constant 0 : index
        %swap3A_1217 = tpu.vector_load %arg22[%swap3A_1215, %swap3A_1216] {strides = array<i32>} : memref<32x32xf32, #tpu.memory_space<vmem>>, vector<16xf32>,
        tpu.vector_store %arg22[%swap3A_1215, %swap3A_1216], %sub3A_1208 {strides = array<i32>} : memref<32x32xf32, #tpu.memory_space<vmem>>, vector<16xf32>,
        %swap3A_1218 = arith.constant 10 : i32
        %swap3A_1219 = arith.index_cast %swap3A_1218 : i32 to index
        %swap3A_1220 = arith.constant 16 : index
        %swap3A_1221 = tpu.vector_load %arg22[%swap3A_1219, %swap3A_1220] {strides = array<i32>} : memref<32x32xf32, #tpu.memory_space<vmem>>, vector<16xf32>,
        tpu.vector_store %arg22[%swap3A_1219, %swap3A_1220], %sub3A_1213 {strides = array<i32>} : memref<32x32xf32, #tpu.memory_space<vmem>>, vector<16xf32>,
        %add3A_1222 = arith.addf %add3A_1198, %sub3A_1208 : vector<16xf32>
        %add3A_1223 = arith.addf %add3A_1199, %sub3A_1213 : vector<16xf32>
        %mul3A_1224 = arith.mulf %sub3A_1208, %sub3A_1208 : vector<16xf32>
        %add3A_1225 = arith.addf %add3A_1201, %mul3A_1224 : vector<16xf32>
        %mul3A_1226 = arith.mulf %sub3A_1213, %sub3A_1213 : vector<16xf32>
        %add3A_1227 = arith.addf %add3A_1203, %mul3A_1226 : vector<16xf32>
        %get3A_1228 = arith.constant 11 : i32
        %get3A_1229 = arith.index_cast %get3A_1228 : i32 to index
        %get3A_1230 = arith.constant 0 : index
        %get3A_1231 = tpu.vector_load %arg22[%get3A_1229, %get3A_1230] {strides = array<i32>} : memref<32x32xf32, #tpu.memory_space<vmem>>, vector<16xf32>,
        %sub3A_1232 = arith.subf %get3A_1231, %gather3A_951 : vector<16xf32>
        %get3A_1233 = arith.constant 11 : i32
        %get3A_1234 = arith.index_cast %get3A_1233 : i32 to index
        %get3A_1235 = arith.constant 16 : index
        %get3A_1236 = tpu.vector_load %arg22[%get3A_1234, %get3A_1235] {strides = array<i32>} : memref<32x32xf32, #tpu.memory_space<vmem>>, vector<16xf32>,
        %sub3A_1237 = arith.subf %get3A_1236, %gather3A_955 : vector<16xf32>
        %swap3A_1238 = arith.constant 11 : i32
        %swap3A_1239 = arith.index_cast %swap3A_1238 : i32 to index
        %swap3A_1240 = arith.constant 0 : index
        %swap3A_1241 = tpu.vector_load %arg22[%swap3A_1239, %swap3A_1240] {strides = array<i32>} : memref<32x32xf32, #tpu.memory_space<vmem>>, vector<16xf32>,
        tpu.vector_store %arg22[%swap3A_1239, %swap3A_1240], %sub3A_1232 {strides = array<i32>} : memref<32x32xf32, #tpu.memory_space<vmem>>, vector<16xf32>,
        %swap3A_1242 = arith.constant 11 : i32
        %swap3A_1243 = arith.index_cast %swap3A_1242 : i32 to index
        %swap3A_1244 = arith.constant 16 : index
        %swap3A_1245 = tpu.vector_load %arg22[%swap3A_1243, %swap3A_1244] {strides = array<i32>} : memref<32x32xf32, #tpu.memory_space<vmem>>, vector<16xf32>,
        tpu.vector_store %arg22[%swap3A_1243, %swap3A_1244], %sub3A_1237 {strides = array<i32>} : memref<32x32xf32, #tpu.memory_space<vmem>>, vector<16xf32>,
        %add3A_1246 = arith.addf %add3A_1222, %sub3A_1232 : vector<16xf32>
        %add3A_1247 = arith.addf %add3A_1223, %sub3A_1237 : vector<16xf32>
        %mul3A_1248 = arith.mulf %sub3A_1232, %sub3A_1232 : vector<16xf32>
        %add3A_1249 = arith.addf %add3A_1225, %mul3A_1248 : vector<16xf32>
        %mul3A_1250 = arith.mulf %sub3A_1237, %sub3A_1237 : vector<16xf32>
        %add3A_1251 = arith.addf %add3A_1227, %mul3A_1250 : vector<16xf32>
        %get3A_1252 = arith.constant 12 : i32
        %get3A_1253 = arith.index_cast %get3A_1252 : i32 to index
        %get3A_1254 = arith.constant 0 : index
        %get3A_1255 = tpu.vector_load %arg22[%get3A_1253, %get3A_1254] {strides = array<i32>} : memref<32x32xf32, #tpu.memory_space<vmem>>, vector<16xf32>,
        %sub3A_1256 = arith.subf %get3A_1255, %gather3A_951 : vector<16xf32>
        %get3A_1257 = arith.constant 12 : i32
        %get3A_1258 = arith.index_cast %get3A_1257 : i32 to index
        %get3A_1259 = arith.constant 16 : index
        %get3A_1260 = tpu.vector_load %arg22[%get3A_1258, %get3A_1259] {strides = array<i32>} : memref<32x32xf32, #tpu.memory_space<vmem>>, vector<16xf32>,
        %sub3A_1261 = arith.subf %get3A_1260, %gather3A_955 : vector<16xf32>
        %swap3A_1262 = arith.constant 12 : i32
        %swap3A_1263 = arith.index_cast %swap3A_1262 : i32 to index
        %swap3A_1264 = arith.constant 0 : index
        %swap3A_1265 = tpu.vector_load %arg22[%swap3A_1263, %swap3A_1264] {strides = array<i32>} : memref<32x32xf32, #tpu.memory_space<vmem>>, vector<16xf32>,
        tpu.vector_store %arg22[%swap3A_1263, %swap3A_1264], %sub3A_1256 {strides = array<i32>} : memref<32x32xf32, #tpu.memory_space<vmem>>, vector<16xf32>,
        %swap3A_1266 = arith.constant 12 : i32
        %swap3A_1267 = arith.index_cast %swap3A_1266 : i32 to index
        %swap3A_1268 = arith.constant 16 : index
        %swap3A_1269 = tpu.vector_load %arg22[%swap3A_1267, %swap3A_1268] {strides = array<i32>} : memref<32x32xf32, #tpu.memory_space<vmem>>, vector<16xf32>,
        tpu.vector_store %arg22[%swap3A_1267, %swap3A_1268], %sub3A_1261 {strides = array<i32>} : memref<32x32xf32, #tpu.memory_space<vmem>>, vector<16xf32>,
        %add3A_1270 = arith.addf %add3A_1246, %sub3A_1256 : vector<16xf32>
        %add3A_1271 = arith.addf %add3A_1247, %sub3A_1261 : vector<16xf32>
        %mul3A_1272 = arith.mulf %sub3A_1256, %sub3A_1256 : vector<16xf32>
        %add3A_1273 = arith.addf %add3A_1249, %mul3A_1272 : vector<16xf32>
        %mul3A_1274 = arith.mulf %sub3A_1261, %sub3A_1261 : vector<16xf32>
        %add3A_1275 = arith.addf %add3A_1251, %mul3A_1274 : vector<16xf32>
        %get3A_1276 = arith.constant 13 : i32
        %get3A_1277 = arith.index_cast %get3A_1276 : i32 to index
        %get3A_1278 = arith.constant 0 : index
        %get3A_1279 = tpu.vector_load %arg22[%get3A_1277, %get3A_1278] {strides = array<i32>} : memref<32x32xf32, #tpu.memory_space<vmem>>, vector<16xf32>,
        %sub3A_1280 = arith.subf %get3A_1279, %gather3A_951 : vector<16xf32>
        %get3A_1281 = arith.constant 13 : i32
        %get3A_1282 = arith.index_cast %get3A_1281 : i32 to index
        %get3A_1283 = arith.constant 16 : index
        %get3A_1284 = tpu.vector_load %arg22[%get3A_1282, %get3A_1283] {strides = array<i32>} : memref<32x32xf32, #tpu.memory_space<vmem>>, vector<16xf32>,
        %sub3A_1285 = arith.subf %get3A_1284, %gather3A_955 : vector<16xf32>
        %swap3A_1286 = arith.constant 13 : i32
        %swap3A_1287 = arith.index_cast %swap3A_1286 : i32 to index
        %swap3A_1288 = arith.constant 0 : index
        %swap3A_1289 = tpu.vector_load %arg22[%swap3A_1287, %swap3A_1288] {strides = array<i32>} : memref<32x32xf32, #tpu.memory_space<vmem>>, vector<16xf32>,
        tpu.vector_store %arg22[%swap3A_1287, %swap3A_1288], %sub3A_1280 {strides = array<i32>} : memref<32x32xf32, #tpu.memory_space<vmem>>, vector<16xf32>,
        %swap3A_1290 = arith.constant 13 : i32
        %swap3A_1291 = arith.index_cast %swap3A_1290 : i32 to index
        %swap3A_1292 = arith.constant 16 : index
        %swap3A_1293 = tpu.vector_load %arg22[%swap3A_1291, %swap3A_1292] {strides = array<i32>} : memref<32x32xf32, #tpu.memory_space<vmem>>, vector<16xf32>,
        tpu.vector_store %arg22[%swap3A_1291, %swap3A_1292], %sub3A_1285 {strides = array<i32>} : memref<32x32xf32, #tpu.memory_space<vmem>>, vector<16xf32>,
        %add3A_1294 = arith.addf %add3A_1270, %sub3A_1280 : vector<16xf32>
        %add3A_1295 = arith.addf %add3A_1271, %sub3A_1285 : vector<16xf32>
        %mul3A_1296 = arith.mulf %sub3A_1280, %sub3A_1280 : vector<16xf32>
        %add3A_1297 = arith.addf %add3A_1273, %mul3A_1296 : vector<16xf32>
        %mul3A_1298 = arith.mulf %sub3A_1285, %sub3A_1285 : vector<16xf32>
        %add3A_1299 = arith.addf %add3A_1275, %mul3A_1298 : vector<16xf32>
        %get3A_1300 = arith.constant 14 : i32
        %get3A_1301 = arith.index_cast %get3A_1300 : i32 to index
        %get3A_1302 = arith.constant 0 : index
        %get3A_1303 = tpu.vector_load %arg22[%get3A_1301, %get3A_1302] {strides = array<i32>} : memref<32x32xf32, #tpu.memory_space<vmem>>, vector<16xf32>,
        %sub3A_1304 = arith.subf %get3A_1303, %gather3A_951 : vector<16xf32>
        %get3A_1305 = arith.constant 14 : i32
        %get3A_1306 = arith.index_cast %get3A_1305 : i32 to index
        %get3A_1307 = arith.constant 16 : index
        %get3A_1308 = tpu.vector_load %arg22[%get3A_1306, %get3A_1307] {strides = array<i32>} : memref<32x32xf32, #tpu.memory_space<vmem>>, vector<16xf32>,
        %sub3A_1309 = arith.subf %get3A_1308, %gather3A_955 : vector<16xf32>
        %swap3A_1310 = arith.constant 14 : i32
        %swap3A_1311 = arith.index_cast %swap3A_1310 : i32 to index
        %swap3A_1312 = arith.constant 0 : index
        %swap3A_1313 = tpu.vector_load %arg22[%swap3A_1311, %swap3A_1312] {strides = array<i32>} : memref<32x32xf32, #tpu.memory_space<vmem>>, vector<16xf32>,
        tpu.vector_store %arg22[%swap3A_1311, %swap3A_1312], %sub3A_1304 {strides = array<i32>} : memref<32x32xf32, #tpu.memory_space<vmem>>, vector<16xf32>,
        %swap3A_1314 = arith.constant 14 : i32
        %swap3A_1315 = arith.index_cast %swap3A_1314 : i32 to index
        %swap3A_1316 = arith.constant 16 : index
        %swap3A_1317 = tpu.vector_load %arg22[%swap3A_1315, %swap3A_1316] {strides = array<i32>} : memref<32x32xf32, #tpu.memory_space<vmem>>, vector<16xf32>,
        tpu.vector_store %arg22[%swap3A_1315, %swap3A_1316], %sub3A_1309 {strides = array<i32>} : memref<32x32xf32, #tpu.memory_space<vmem>>, vector<16xf32>,
        %add3A_1318 = arith.addf %add3A_1294, %sub3A_1304 : vector<16xf32>
        %add3A_1319 = arith.addf %add3A_1295, %sub3A_1309 : vector<16xf32>
        %mul3A_1320 = arith.mulf %sub3A_1304, %sub3A_1304 : vector<16xf32>
        %add3A_1321 = arith.addf %add3A_1297, %mul3A_1320 : vector<16xf32>
        %mul3A_1322 = arith.mulf %sub3A_1309, %sub3A_1309 : vector<16xf32>
        %add3A_1323 = arith.addf %add3A_1299, %mul3A_1322 : vector<16xf32>
        %get3A_1324 = arith.constant 15 : i32
        %get3A_1325 = arith.index_cast %get3A_1324 : i32 to index
        %get3A_1326 = arith.constant 0 : index
        %get3A_1327 = tpu.vector_load %arg22[%get3A_1325, %get3A_1326] {strides = array<i32>} : memref<32x32xf32, #tpu.memory_space<vmem>>, vector<16xf32>,
        %sub3A_1328 = arith.subf %get3A_1327, %gather3A_951 : vector<16xf32>
        %get3A_1329 = arith.constant 15 : i32
        %get3A_1330 = arith.index_cast %get3A_1329 : i32 to index
        %get3A_1331 = arith.constant 16 : index
        %get3A_1332 = tpu.vector_load %arg22[%get3A_1330, %get3A_1331] {strides = array<i32>} : memref<32x32xf32, #tpu.memory_space<vmem>>, vector<16xf32>,
        %sub3A_1333 = arith.subf %get3A_1332, %gather3A_955 : vector<16xf32>
        %swap3A_1334 = arith.constant 15 : i32
        %swap3A_1335 = arith.index_cast %swap3A_1334 : i32 to index
        %swap3A_1336 = arith.constant 0 : index
        %swap3A_1337 = tpu.vector_load %arg22[%swap3A_1335, %swap3A_1336] {strides = array<i32>} : memref<32x32xf32, #tpu.memory_space<vmem>>, vector<16xf32>,
        tpu.vector_store %arg22[%swap3A_1335, %swap3A_1336], %sub3A_1328 {strides = array<i32>} : memref<32x32xf32, #tpu.memory_space<vmem>>, vector<16xf32>,
        %swap3A_1338 = arith.constant 15 : i32
        %swap3A_1339 = arith.index_cast %swap3A_1338 : i32 to index
        %swap3A_1340 = arith.constant 16 : index
        %swap3A_1341 = tpu.vector_load %arg22[%swap3A_1339, %swap3A_1340] {strides = array<i32>} : memref<32x32xf32, #tpu.memory_space<vmem>>, vector<16xf32>,
        tpu.vector_store %arg22[%swap3A_1339, %swap3A_1340], %sub3A_1333 {strides = array<i32>} : memref<32x32xf32, #tpu.memory_space<vmem>>, vector<16xf32>,
        %add3A_1342 = arith.addf %add3A_1318, %sub3A_1328 : vector<16xf32>
        %add3A_1343 = arith.addf %add3A_1319, %sub3A_1333 : vector<16xf32>
        %mul3A_1344 = arith.mulf %sub3A_1328, %sub3A_1328 : vector<16xf32>
        %add3A_1345 = arith.addf %add3A_1321, %mul3A_1344 : vector<16xf32>
        %mul3A_1346 = arith.mulf %sub3A_1333, %sub3A_1333 : vector<16xf32>
        %add3A_1347 = arith.addf %add3A_1323, %mul3A_1346 : vector<16xf32>
        %get3A_1348 = arith.constant 16 : i32
        %get3A_1349 = arith.index_cast %get3A_1348 : i32 to index
        %get3A_1350 = arith.constant 0 : index
        %get3A_1351 = tpu.vector_load %arg22[%get3A_1349, %get3A_1350] {strides = array<i32>} : memref<32x32xf32, #tpu.memory_space<vmem>>, vector<16xf32>,
        %sub3A_1352 = arith.subf %get3A_1351, %gather3A_951 : vector<16xf32>
        %get3A_1353 = arith.constant 16 : i32
        %get3A_1354 = arith.index_cast %get3A_1353 : i32 to index
        %get3A_1355 = arith.constant 16 : index
        %get3A_1356 = tpu.vector_load %arg22[%get3A_1354, %get3A_1355] {strides = array<i32>} : memref<32x32xf32, #tpu.memory_space<vmem>>, vector<16xf32>,
        %sub3A_1357 = arith.subf %get3A_1356, %gather3A_955 : vector<16xf32>
        %swap3A_1358 = arith.constant 16 : i32
        %swap3A_1359 = arith.index_cast %swap3A_1358 : i32 to index
        %swap3A_1360 = arith.constant 0 : index
        %swap3A_1361 = tpu.vector_load %arg22[%swap3A_1359, %swap3A_1360] {strides = array<i32>} : memref<32x32xf32, #tpu.memory_space<vmem>>, vector<16xf32>,
        tpu.vector_store %arg22[%swap3A_1359, %swap3A_1360], %sub3A_1352 {strides = array<i32>} : memref<32x32xf32, #tpu.memory_space<vmem>>, vector<16xf32>,
        %swap3A_1362 = arith.constant 16 : i32
        %swap3A_1363 = arith.index_cast %swap3A_1362 : i32 to index
        %swap3A_1364 = arith.constant 16 : index
        %swap3A_1365 = tpu.vector_load %arg22[%swap3A_1363, %swap3A_1364] {strides = array<i32>} : memref<32x32xf32, #tpu.memory_space<vmem>>, vector<16xf32>,
        tpu.vector_store %arg22[%swap3A_1363, %swap3A_1364], %sub3A_1357 {strides = array<i32>} : memref<32x32xf32, #tpu.memory_space<vmem>>, vector<16xf32>,
        %add3A_1366 = arith.addf %add3A_1342, %sub3A_1352 : vector<16xf32>
        %add3A_1367 = arith.addf %add3A_1343, %sub3A_1357 : vector<16xf32>
        %mul3A_1368 = arith.mulf %sub3A_1352, %sub3A_1352 : vector<16xf32>
        %add3A_1369 = arith.addf %add3A_1345, %mul3A_1368 : vector<16xf32>
        %mul3A_1370 = arith.mulf %sub3A_1357, %sub3A_1357 : vector<16xf32>
        %add3A_1371 = arith.addf %add3A_1347, %mul3A_1370 : vector<16xf32>
        %get3A_1372 = arith.constant 17 : i32
        %get3A_1373 = arith.index_cast %get3A_1372 : i32 to index
        %get3A_1374 = arith.constant 0 : index
        %get3A_1375 = tpu.vector_load %arg22[%get3A_1373, %get3A_1374] {strides = array<i32>} : memref<32x32xf32, #tpu.memory_space<vmem>>, vector<16xf32>,
        %sub3A_1376 = arith.subf %get3A_1375, %gather3A_951 : vector<16xf32>
        %get3A_1377 = arith.constant 17 : i32
        %get3A_1378 = arith.index_cast %get3A_1377 : i32 to index
        %get3A_1379 = arith.constant 16 : index
        %get3A_1380 = tpu.vector_load %arg22[%get3A_1378, %get3A_1379] {strides = array<i32>} : memref<32x32xf32, #tpu.memory_space<vmem>>, vector<16xf32>,
        %sub3A_1381 = arith.subf %get3A_1380, %gather3A_955 : vector<16xf32>
        %swap3A_1382 = arith.constant 17 : i32
        %swap3A_1383 = arith.index_cast %swap3A_1382 : i32 to index
        %swap3A_1384 = arith.constant 0 : index
        %swap3A_1385 = tpu.vector_load %arg22[%swap3A_1383, %swap3A_1384] {strides = array<i32>} : memref<32x32xf32, #tpu.memory_space<vmem>>, vector<16xf32>,
        tpu.vector_store %arg22[%swap3A_1383, %swap3A_1384], %sub3A_1376 {strides = array<i32>} : memref<32x32xf32, #tpu.memory_space<vmem>>, vector<16xf32>,
        %swap3A_1386 = arith.constant 17 : i32
        %swap3A_1387 = arith.index_cast %swap3A_1386 : i32 to index
        %swap3A_1388 = arith.constant 16 : index
        %swap3A_1389 = tpu.vector_load %arg22[%swap3A_1387, %swap3A_1388] {strides = array<i32>} : memref<32x32xf32, #tpu.memory_space<vmem>>, vector<16xf32>,
        tpu.vector_store %arg22[%swap3A_1387, %swap3A_1388], %sub3A_1381 {strides = array<i32>} : memref<32x32xf32, #tpu.memory_space<vmem>>, vector<16xf32>,
        %add3A_1390 = arith.addf %add3A_1366, %sub3A_1376 : vector<16xf32>
        %add3A_1391 = arith.addf %add3A_1367, %sub3A_1381 : vector<16xf32>
        %mul3A_1392 = arith.mulf %sub3A_1376, %sub3A_1376 : vector<16xf32>
        %add3A_1393 = arith.addf %add3A_1369, %mul3A_1392 : vector<16xf32>
        %mul3A_1394 = arith.mulf %sub3A_1381, %sub3A_1381 : vector<16xf32>
        %add3A_1395 = arith.addf %add3A_1371, %mul3A_1394 : vector<16xf32>
        %get3A_1396 = arith.constant 18 : i32
        %get3A_1397 = arith.index_cast %get3A_1396 : i32 to index
        %get3A_1398 = arith.constant 0 : index
        %get3A_1399 = tpu.vector_load %arg22[%get3A_1397, %get3A_1398] {strides = array<i32>} : memref<32x32xf32, #tpu.memory_space<vmem>>, vector<16xf32>,
        %sub3A_1400 = arith.subf %get3A_1399, %gather3A_951 : vector<16xf32>
        %get3A_1401 = arith.constant 18 : i32
        %get3A_1402 = arith.index_cast %get3A_1401 : i32 to index
        %get3A_1403 = arith.constant 16 : index
        %get3A_1404 = tpu.vector_load %arg22[%get3A_1402, %get3A_1403] {strides = array<i32>} : memref<32x32xf32, #tpu.memory_space<vmem>>, vector<16xf32>,
        %sub3A_1405 = arith.subf %get3A_1404, %gather3A_955 : vector<16xf32>
        %swap3A_1406 = arith.constant 18 : i32
        %swap3A_1407 = arith.index_cast %swap3A_1406 : i32 to index
        %swap3A_1408 = arith.constant 0 : index
        %swap3A_1409 = tpu.vector_load %arg22[%swap3A_1407, %swap3A_1408] {strides = array<i32>} : memref<32x32xf32, #tpu.memory_space<vmem>>, vector<16xf32>,
        tpu.vector_store %arg22[%swap3A_1407, %swap3A_1408], %sub3A_1400 {strides = array<i32>} : memref<32x32xf32, #tpu.memory_space<vmem>>, vector<16xf32>,
        %swap3A_1410 = arith.constant 18 : i32
        %swap3A_1411 = arith.index_cast %swap3A_1410 : i32 to index
        %swap3A_1412 = arith.constant 16 : index
        %swap3A_1413 = tpu.vector_load %arg22[%swap3A_1411, %swap3A_1412] {strides = array<i32>} : memref<32x32xf32, #tpu.memory_space<vmem>>, vector<16xf32>,
        tpu.vector_store %arg22[%swap3A_1411, %swap3A_1412], %sub3A_1405 {strides = array<i32>} : memref<32x32xf32, #tpu.memory_space<vmem>>, vector<16xf32>,
        %add3A_1414 = arith.addf %add3A_1390, %sub3A_1400 : vector<16xf32>
        %add3A_1415 = arith.addf %add3A_1391, %sub3A_1405 : vector<16xf32>
        %mul3A_1416 = arith.mulf %sub3A_1400, %sub3A_1400 : vector<16xf32>
        %add3A_1417 = arith.addf %add3A_1393, %mul3A_1416 : vector<16xf32>
        %mul3A_1418 = arith.mulf %sub3A_1405, %sub3A_1405 : vector<16xf32>
        %add3A_1419 = arith.addf %add3A_1395, %mul3A_1418 : vector<16xf32>
        %get3A_1420 = arith.constant 19 : i32
        %get3A_1421 = arith.index_cast %get3A_1420 : i32 to index
        %get3A_1422 = arith.constant 0 : index
        %get3A_1423 = tpu.vector_load %arg22[%get3A_1421, %get3A_1422] {strides = array<i32>} : memref<32x32xf32, #tpu.memory_space<vmem>>, vector<16xf32>,
        %sub3A_1424 = arith.subf %get3A_1423, %gather3A_951 : vector<16xf32>
        %get3A_1425 = arith.constant 19 : i32
        %get3A_1426 = arith.index_cast %get3A_1425 : i32 to index
        %get3A_1427 = arith.constant 16 : index
        %get3A_1428 = tpu.vector_load %arg22[%get3A_1426, %get3A_1427] {strides = array<i32>} : memref<32x32xf32, #tpu.memory_space<vmem>>, vector<16xf32>,
        %sub3A_1429 = arith.subf %get3A_1428, %gather3A_955 : vector<16xf32>
        %swap3A_1430 = arith.constant 19 : i32
        %swap3A_1431 = arith.index_cast %swap3A_1430 : i32 to index
        %swap3A_1432 = arith.constant 0 : index
        %swap3A_1433 = tpu.vector_load %arg22[%swap3A_1431, %swap3A_1432] {strides = array<i32>} : memref<32x32xf32, #tpu.memory_space<vmem>>, vector<16xf32>,
        tpu.vector_store %arg22[%swap3A_1431, %swap3A_1432], %sub3A_1424 {strides = array<i32>} : memref<32x32xf32, #tpu.memory_space<vmem>>, vector<16xf32>,
        %swap3A_1434 = arith.constant 19 : i32
        %swap3A_1435 = arith.index_cast %swap3A_1434 : i32 to index
        %swap3A_1436 = arith.constant 16 : index
        %swap3A_1437 = tpu.vector_load %arg22[%swap3A_1435, %swap3A_1436] {strides = array<i32>} : memref<32x32xf32, #tpu.memory_space<vmem>>, vector<16xf32>,
        tpu.vector_store %arg22[%swap3A_1435, %swap3A_1436], %sub3A_1429 {strides = array<i32>} : memref<32x32xf32, #tpu.memory_space<vmem>>, vector<16xf32>,
        %add3A_1438 = arith.addf %add3A_1414, %sub3A_1424 : vector<16xf32>
        %add3A_1439 = arith.addf %add3A_1415, %sub3A_1429 : vector<16xf32>
        %mul3A_1440 = arith.mulf %sub3A_1424, %sub3A_1424 : vector<16xf32>
        %add3A_1441 = arith.addf %add3A_1417, %mul3A_1440 : vector<16xf32>
        %mul3A_1442 = arith.mulf %sub3A_1429, %sub3A_1429 : vector<16xf32>
        %add3A_1443 = arith.addf %add3A_1419, %mul3A_1442 : vector<16xf32>
        %get3A_1444 = arith.constant 20 : i32
        %get3A_1445 = arith.index_cast %get3A_1444 : i32 to index
        %get3A_1446 = arith.constant 0 : index
        %get3A_1447 = tpu.vector_load %arg22[%get3A_1445, %get3A_1446] {strides = array<i32>} : memref<32x32xf32, #tpu.memory_space<vmem>>, vector<16xf32>,
        %sub3A_1448 = arith.subf %get3A_1447, %gather3A_951 : vector<16xf32>
        %get3A_1449 = arith.constant 20 : i32
        %get3A_1450 = arith.index_cast %get3A_1449 : i32 to index
        %get3A_1451 = arith.constant 16 : index
        %get3A_1452 = tpu.vector_load %arg22[%get3A_1450, %get3A_1451] {strides = array<i32>} : memref<32x32xf32, #tpu.memory_space<vmem>>, vector<16xf32>,
        %sub3A_1453 = arith.subf %get3A_1452, %gather3A_955 : vector<16xf32>
        %swap3A_1454 = arith.constant 20 : i32
        %swap3A_1455 = arith.index_cast %swap3A_1454 : i32 to index
        %swap3A_1456 = arith.constant 0 : index
        %swap3A_1457 = tpu.vector_load %arg22[%swap3A_1455, %swap3A_1456] {strides = array<i32>} : memref<32x32xf32, #tpu.memory_space<vmem>>, vector<16xf32>,
        tpu.vector_store %arg22[%swap3A_1455, %swap3A_1456], %sub3A_1448 {strides = array<i32>} : memref<32x32xf32, #tpu.memory_space<vmem>>, vector<16xf32>,
        %swap3A_1458 = arith.constant 20 : i32
        %swap3A_1459 = arith.index_cast %swap3A_1458 : i32 to index
        %swap3A_1460 = arith.constant 16 : index
        %swap3A_1461 = tpu.vector_load %arg22[%swap3A_1459, %swap3A_1460] {strides = array<i32>} : memref<32x32xf32, #tpu.memory_space<vmem>>, vector<16xf32>,
        tpu.vector_store %arg22[%swap3A_1459, %swap3A_1460], %sub3A_1453 {strides = array<i32>} : memref<32x32xf32, #tpu.memory_space<vmem>>, vector<16xf32>,
        %add3A_1462 = arith.addf %add3A_1438, %sub3A_1448 : vector<16xf32>
        %add3A_1463 = arith.addf %add3A_1439, %sub3A_1453 : vector<16xf32>
        %mul3A_1464 = arith.mulf %sub3A_1448, %sub3A_1448 : vector<16xf32>
        %add3A_1465 = arith.addf %add3A_1441, %mul3A_1464 : vector<16xf32>
        %mul3A_1466 = arith.mulf %sub3A_1453, %sub3A_1453 : vector<16xf32>
        %add3A_1467 = arith.addf %add3A_1443, %mul3A_1466 : vector<16xf32>
        %get3A_1468 = arith.constant 21 : i32
        %get3A_1469 = arith.index_cast %get3A_1468 : i32 to index
        %get3A_1470 = arith.constant 0 : index
        %get3A_1471 = tpu.vector_load %arg22[%get3A_1469, %get3A_1470] {strides = array<i32>} : memref<32x32xf32, #tpu.memory_space<vmem>>, vector<16xf32>,
        %sub3A_1472 = arith.subf %get3A_1471, %gather3A_951 : vector<16xf32>
        %get3A_1473 = arith.constant 21 : i32
        %get3A_1474 = arith.index_cast %get3A_1473 : i32 to index
        %get3A_1475 = arith.constant 16 : index
        %get3A_1476 = tpu.vector_load %arg22[%get3A_1474, %get3A_1475] {strides = array<i32>} : memref<32x32xf32, #tpu.memory_space<vmem>>, vector<16xf32>,
        %sub3A_1477 = arith.subf %get3A_1476, %gather3A_955 : vector<16xf32>
        %swap3A_1478 = arith.constant 21 : i32
        %swap3A_1479 = arith.index_cast %swap3A_1478 : i32 to index
        %swap3A_1480 = arith.constant 0 : index
        %swap3A_1481 = tpu.vector_load %arg22[%swap3A_1479, %swap3A_1480] {strides = array<i32>} : memref<32x32xf32, #tpu.memory_space<vmem>>, vector<16xf32>,
        tpu.vector_store %arg22[%swap3A_1479, %swap3A_1480], %sub3A_1472 {strides = array<i32>} : memref<32x32xf32, #tpu.memory_space<vmem>>, vector<16xf32>,
        %swap3A_1482 = arith.constant 21 : i32
        %swap3A_1483 = arith.index_cast %swap3A_1482 : i32 to index
        %swap3A_1484 = arith.constant 16 : index
        %swap3A_1485 = tpu.vector_load %arg22[%swap3A_1483, %swap3A_1484] {strides = array<i32>} : memref<32x32xf32, #tpu.memory_space<vmem>>, vector<16xf32>,
        tpu.vector_store %arg22[%swap3A_1483, %swap3A_1484], %sub3A_1477 {strides = array<i32>} : memref<32x32xf32, #tpu.memory_space<vmem>>, vector<16xf32>,
        %add3A_1486 = arith.addf %add3A_1462, %sub3A_1472 : vector<16xf32>
        %add3A_1487 = arith.addf %add3A_1463, %sub3A_1477 : vector<16xf32>
        %mul3A_1488 = arith.mulf %sub3A_1472, %sub3A_1472 : vector<16xf32>
        %add3A_1489 = arith.addf %add3A_1465, %mul3A_1488 : vector<16xf32>
        %mul3A_1490 = arith.mulf %sub3A_1477, %sub3A_1477 : vector<16xf32>
        %add3A_1491 = arith.addf %add3A_1467, %mul3A_1490 : vector<16xf32>
        %get3A_1492 = arith.constant 22 : i32
        %get3A_1493 = arith.index_cast %get3A_1492 : i32 to index
        %get3A_1494 = arith.constant 0 : index
        %get3A_1495 = tpu.vector_load %arg22[%get3A_1493, %get3A_1494] {strides = array<i32>} : memref<32x32xf32, #tpu.memory_space<vmem>>, vector<16xf32>,
        %sub3A_1496 = arith.subf %get3A_1495, %gather3A_951 : vector<16xf32>
        %get3A_1497 = arith.constant 22 : i32
        %get3A_1498 = arith.index_cast %get3A_1497 : i32 to index
        %get3A_1499 = arith.constant 16 : index
        %get3A_1500 = tpu.vector_load %arg22[%get3A_1498, %get3A_1499] {strides = array<i32>} : memref<32x32xf32, #tpu.memory_space<vmem>>, vector<16xf32>,
        %sub3A_1501 = arith.subf %get3A_1500, %gather3A_955 : vector<16xf32>
        %swap3A_1502 = arith.constant 22 : i32
        %swap3A_1503 = arith.index_cast %swap3A_1502 : i32 to index
        %swap3A_1504 = arith.constant 0 : index
        %swap3A_1505 = tpu.vector_load %arg22[%swap3A_1503, %swap3A_1504] {strides = array<i32>} : memref<32x32xf32, #tpu.memory_space<vmem>>, vector<16xf32>,
        tpu.vector_store %arg22[%swap3A_1503, %swap3A_1504], %sub3A_1496 {strides = array<i32>} : memref<32x32xf32, #tpu.memory_space<vmem>>, vector<16xf32>,
        %swap3A_1506 = arith.constant 22 : i32
        %swap3A_1507 = arith.index_cast %swap3A_1506 : i32 to index
        %swap3A_1508 = arith.constant 16 : index
        %swap3A_1509 = tpu.vector_load %arg22[%swap3A_1507, %swap3A_1508] {strides = array<i32>} : memref<32x32xf32, #tpu.memory_space<vmem>>, vector<16xf32>,
        tpu.vector_store %arg22[%swap3A_1507, %swap3A_1508], %sub3A_1501 {strides = array<i32>} : memref<32x32xf32, #tpu.memory_space<vmem>>, vector<16xf32>,
        %add3A_1510 = arith.addf %add3A_1486, %sub3A_1496 : vector<16xf32>
        %add3A_1511 = arith.addf %add3A_1487, %sub3A_1501 : vector<16xf32>
        %mul3A_1512 = arith.mulf %sub3A_1496, %sub3A_1496 : vector<16xf32>
        %add3A_1513 = arith.addf %add3A_1489, %mul3A_1512 : vector<16xf32>
        %mul3A_1514 = arith.mulf %sub3A_1501, %sub3A_1501 : vector<16xf32>
        %add3A_1515 = arith.addf %add3A_1491, %mul3A_1514 : vector<16xf32>
        %get3A_1516 = arith.constant 23 : i32
        %get3A_1517 = arith.index_cast %get3A_1516 : i32 to index
        %get3A_1518 = arith.constant 0 : index
        %get3A_1519 = tpu.vector_load %arg22[%get3A_1517, %get3A_1518] {strides = array<i32>} : memref<32x32xf32, #tpu.memory_space<vmem>>, vector<16xf32>,
        %sub3A_1520 = arith.subf %get3A_1519, %gather3A_951 : vector<16xf32>
        %get3A_1521 = arith.constant 23 : i32
        %get3A_1522 = arith.index_cast %get3A_1521 : i32 to index
        %get3A_1523 = arith.constant 16 : index
        %get3A_1524 = tpu.vector_load %arg22[%get3A_1522, %get3A_1523] {strides = array<i32>} : memref<32x32xf32, #tpu.memory_space<vmem>>, vector<16xf32>,
        %sub3A_1525 = arith.subf %get3A_1524, %gather3A_955 : vector<16xf32>
        %swap3A_1526 = arith.constant 23 : i32
        %swap3A_1527 = arith.index_cast %swap3A_1526 : i32 to index
        %swap3A_1528 = arith.constant 0 : index
        %swap3A_1529 = tpu.vector_load %arg22[%swap3A_1527, %swap3A_1528] {strides = array<i32>} : memref<32x32xf32, #tpu.memory_space<vmem>>, vector<16xf32>,
        tpu.vector_store %arg22[%swap3A_1527, %swap3A_1528], %sub3A_1520 {strides = array<i32>} : memref<32x32xf32, #tpu.memory_space<vmem>>, vector<16xf32>,
        %swap3A_1530 = arith.constant 23 : i32
        %swap3A_1531 = arith.index_cast %swap3A_1530 : i32 to index
        %swap3A_1532 = arith.constant 16 : index
        %swap3A_1533 = tpu.vector_load %arg22[%swap3A_1531, %swap3A_1532] {strides = array<i32>} : memref<32x32xf32, #tpu.memory_space<vmem>>, vector<16xf32>,
        tpu.vector_store %arg22[%swap3A_1531, %swap3A_1532], %sub3A_1525 {strides = array<i32>} : memref<32x32xf32, #tpu.memory_space<vmem>>, vector<16xf32>,
        %add3A_1534 = arith.addf %add3A_1510, %sub3A_1520 : vector<16xf32>
        %add3A_1535 = arith.addf %add3A_1511, %sub3A_1525 : vector<16xf32>
        %mul3A_1536 = arith.mulf %sub3A_1520, %sub3A_1520 : vector<16xf32>
        %add3A_1537 = arith.addf %add3A_1513, %mul3A_1536 : vector<16xf32>
        %mul3A_1538 = arith.mulf %sub3A_1525, %sub3A_1525 : vector<16xf32>
        %add3A_1539 = arith.addf %add3A_1515, %mul3A_1538 : vector<16xf32>
        %get3A_1540 = arith.constant 24 : i32
        %get3A_1541 = arith.index_cast %get3A_1540 : i32 to index
        %get3A_1542 = arith.constant 0 : index
        %get3A_1543 = tpu.vector_load %arg22[%get3A_1541, %get3A_1542] {strides = array<i32>} : memref<32x32xf32, #tpu.memory_space<vmem>>, vector<16xf32>,
        %sub3A_1544 = arith.subf %get3A_1543, %gather3A_951 : vector<16xf32>
        %get3A_1545 = arith.constant 24 : i32
        %get3A_1546 = arith.index_cast %get3A_1545 : i32 to index
        %get3A_1547 = arith.constant 16 : index
        %get3A_1548 = tpu.vector_load %arg22[%get3A_1546, %get3A_1547] {strides = array<i32>} : memref<32x32xf32, #tpu.memory_space<vmem>>, vector<16xf32>,
        %sub3A_1549 = arith.subf %get3A_1548, %gather3A_955 : vector<16xf32>
        %swap3A_1550 = arith.constant 24 : i32
        %swap3A_1551 = arith.index_cast %swap3A_1550 : i32 to index
        %swap3A_1552 = arith.constant 0 : index
        %swap3A_1553 = tpu.vector_load %arg22[%swap3A_1551, %swap3A_1552] {strides = array<i32>} : memref<32x32xf32, #tpu.memory_space<vmem>>, vector<16xf32>,
        tpu.vector_store %arg22[%swap3A_1551, %swap3A_1552], %sub3A_1544 {strides = array<i32>} : memref<32x32xf32, #tpu.memory_space<vmem>>, vector<16xf32>,
        %swap3A_1554 = arith.constant 24 : i32
        %swap3A_1555 = arith.index_cast %swap3A_1554 : i32 to index
        %swap3A_1556 = arith.constant 16 : index
        %swap3A_1557 = tpu.vector_load %arg22[%swap3A_1555, %swap3A_1556] {strides = array<i32>} : memref<32x32xf32, #tpu.memory_space<vmem>>, vector<16xf32>,
        tpu.vector_store %arg22[%swap3A_1555, %swap3A_1556], %sub3A_1549 {strides = array<i32>} : memref<32x32xf32, #tpu.memory_space<vmem>>, vector<16xf32>,
        %add3A_1558 = arith.addf %add3A_1534, %sub3A_1544 : vector<16xf32>
        %add3A_1559 = arith.addf %add3A_1535, %sub3A_1549 : vector<16xf32>
        %mul3A_1560 = arith.mulf %sub3A_1544, %sub3A_1544 : vector<16xf32>
        %add3A_1561 = arith.addf %add3A_1537, %mul3A_1560 : vector<16xf32>
        %mul3A_1562 = arith.mulf %sub3A_1549, %sub3A_1549 : vector<16xf32>
        %add3A_1563 = arith.addf %add3A_1539, %mul3A_1562 : vector<16xf32>
        %get3A_1564 = arith.constant 25 : i32
        %get3A_1565 = arith.index_cast %get3A_1564 : i32 to index
        %get3A_1566 = arith.constant 0 : index
        %get3A_1567 = tpu.vector_load %arg22[%get3A_1565, %get3A_1566] {strides = array<i32>} : memref<32x32xf32, #tpu.memory_space<vmem>>, vector<16xf32>,
        %sub3A_1568 = arith.subf %get3A_1567, %gather3A_951 : vector<16xf32>
        %get3A_1569 = arith.constant 25 : i32
        %get3A_1570 = arith.index_cast %get3A_1569 : i32 to index
        %get3A_1571 = arith.constant 16 : index
        %get3A_1572 = tpu.vector_load %arg22[%get3A_1570, %get3A_1571] {strides = array<i32>} : memref<32x32xf32, #tpu.memory_space<vmem>>, vector<16xf32>,
        %sub3A_1573 = arith.subf %get3A_1572, %gather3A_955 : vector<16xf32>
        %swap3A_1574 = arith.constant 25 : i32
        %swap3A_1575 = arith.index_cast %swap3A_1574 : i32 to index
        %swap3A_1576 = arith.constant 0 : index
        %swap3A_1577 = tpu.vector_load %arg22[%swap3A_1575, %swap3A_1576] {strides = array<i32>} : memref<32x32xf32, #tpu.memory_space<vmem>>, vector<16xf32>,
        tpu.vector_store %arg22[%swap3A_1575, %swap3A_1576], %sub3A_1568 {strides = array<i32>} : memref<32x32xf32, #tpu.memory_space<vmem>>, vector<16xf32>,
        %swap3A_1578 = arith.constant 25 : i32
        %swap3A_1579 = arith.index_cast %swap3A_1578 : i32 to index
        %swap3A_1580 = arith.constant 16 : index
        %swap3A_1581 = tpu.vector_load %arg22[%swap3A_1579, %swap3A_1580] {strides = array<i32>} : memref<32x32xf32, #tpu.memory_space<vmem>>, vector<16xf32>,
        tpu.vector_store %arg22[%swap3A_1579, %swap3A_1580], %sub3A_1573 {strides = array<i32>} : memref<32x32xf32, #tpu.memory_space<vmem>>, vector<16xf32>,
        %add3A_1582 = arith.addf %add3A_1558, %sub3A_1568 : vector<16xf32>
        %add3A_1583 = arith.addf %add3A_1559, %sub3A_1573 : vector<16xf32>
        %mul3A_1584 = arith.mulf %sub3A_1568, %sub3A_1568 : vector<16xf32>
        %add3A_1585 = arith.addf %add3A_1561, %mul3A_1584 : vector<16xf32>
        %mul3A_1586 = arith.mulf %sub3A_1573, %sub3A_1573 : vector<16xf32>
        %add3A_1587 = arith.addf %add3A_1563, %mul3A_1586 : vector<16xf32>
        %get3A_1588 = arith.constant 26 : i32
        %get3A_1589 = arith.index_cast %get3A_1588 : i32 to index
        %get3A_1590 = arith.constant 0 : index
        %get3A_1591 = tpu.vector_load %arg22[%get3A_1589, %get3A_1590] {strides = array<i32>} : memref<32x32xf32, #tpu.memory_space<vmem>>, vector<16xf32>,
        %sub3A_1592 = arith.subf %get3A_1591, %gather3A_951 : vector<16xf32>
        %get3A_1593 = arith.constant 26 : i32
        %get3A_1594 = arith.index_cast %get3A_1593 : i32 to index
        %get3A_1595 = arith.constant 16 : index
        %get3A_1596 = tpu.vector_load %arg22[%get3A_1594, %get3A_1595] {strides = array<i32>} : memref<32x32xf32, #tpu.memory_space<vmem>>, vector<16xf32>,
        %sub3A_1597 = arith.subf %get3A_1596, %gather3A_955 : vector<16xf32>
        %swap3A_1598 = arith.constant 26 : i32
        %swap3A_1599 = arith.index_cast %swap3A_1598 : i32 to index
        %swap3A_1600 = arith.constant 0 : index
        %swap3A_1601 = tpu.vector_load %arg22[%swap3A_1599, %swap3A_1600] {strides = array<i32>} : memref<32x32xf32, #tpu.memory_space<vmem>>, vector<16xf32>,
        tpu.vector_store %arg22[%swap3A_1599, %swap3A_1600], %sub3A_1592 {strides = array<i32>} : memref<32x32xf32, #tpu.memory_space<vmem>>, vector<16xf32>,
        %swap3A_1602 = arith.constant 26 : i32
        %swap3A_1603 = arith.index_cast %swap3A_1602 : i32 to index
        %swap3A_1604 = arith.constant 16 : index
        %swap3A_1605 = tpu.vector_load %arg22[%swap3A_1603, %swap3A_1604] {strides = array<i32>} : memref<32x32xf32, #tpu.memory_space<vmem>>, vector<16xf32>,
        tpu.vector_store %arg22[%swap3A_1603, %swap3A_1604], %sub3A_1597 {strides = array<i32>} : memref<32x32xf32, #tpu.memory_space<vmem>>, vector<16xf32>,
        %add3A_1606 = arith.addf %add3A_1582, %sub3A_1592 : vector<16xf32>
        %add3A_1607 = arith.addf %add3A_1583, %sub3A_1597 : vector<16xf32>
        %mul3A_1608 = arith.mulf %sub3A_1592, %sub3A_1592 : vector<16xf32>
        %add3A_1609 = arith.addf %add3A_1585, %mul3A_1608 : vector<16xf32>
        %mul3A_1610 = arith.mulf %sub3A_1597, %sub3A_1597 : vector<16xf32>
        %add3A_1611 = arith.addf %add3A_1587, %mul3A_1610 : vector<16xf32>
        %get3A_1612 = arith.constant 27 : i32
        %get3A_1613 = arith.index_cast %get3A_1612 : i32 to index
        %get3A_1614 = arith.constant 0 : index
        %get3A_1615 = tpu.vector_load %arg22[%get3A_1613, %get3A_1614] {strides = array<i32>} : memref<32x32xf32, #tpu.memory_space<vmem>>, vector<16xf32>,
        %sub3A_1616 = arith.subf %get3A_1615, %gather3A_951 : vector<16xf32>
        %get3A_1617 = arith.constant 27 : i32
        %get3A_1618 = arith.index_cast %get3A_1617 : i32 to index
        %get3A_1619 = arith.constant 16 : index
        %get3A_1620 = tpu.vector_load %arg22[%get3A_1618, %get3A_1619] {strides = array<i32>} : memref<32x32xf32, #tpu.memory_space<vmem>>, vector<16xf32>,
        %sub3A_1621 = arith.subf %get3A_1620, %gather3A_955 : vector<16xf32>
        %swap3A_1622 = arith.constant 27 : i32
        %swap3A_1623 = arith.index_cast %swap3A_1622 : i32 to index
        %swap3A_1624 = arith.constant 0 : index
        %swap3A_1625 = tpu.vector_load %arg22[%swap3A_1623, %swap3A_1624] {strides = array<i32>} : memref<32x32xf32, #tpu.memory_space<vmem>>, vector<16xf32>,
        tpu.vector_store %arg22[%swap3A_1623, %swap3A_1624], %sub3A_1616 {strides = array<i32>} : memref<32x32xf32, #tpu.memory_space<vmem>>, vector<16xf32>,
        %swap3A_1626 = arith.constant 27 : i32
        %swap3A_1627 = arith.index_cast %swap3A_1626 : i32 to index
        %swap3A_1628 = arith.constant 16 : index
        %swap3A_1629 = tpu.vector_load %arg22[%swap3A_1627, %swap3A_1628] {strides = array<i32>} : memref<32x32xf32, #tpu.memory_space<vmem>>, vector<16xf32>,
        tpu.vector_store %arg22[%swap3A_1627, %swap3A_1628], %sub3A_1621 {strides = array<i32>} : memref<32x32xf32, #tpu.memory_space<vmem>>, vector<16xf32>,
        %add3A_1630 = arith.addf %add3A_1606, %sub3A_1616 : vector<16xf32>
        %add3A_1631 = arith.addf %add3A_1607, %sub3A_1621 : vector<16xf32>
        %mul3A_1632 = arith.mulf %sub3A_1616, %sub3A_1616 : vector<16xf32>
        %add3A_1633 = arith.addf %add3A_1609, %mul3A_1632 : vector<16xf32>
        %mul3A_1634 = arith.mulf %sub3A_1621, %sub3A_1621 : vector<16xf32>
        %add3A_1635 = arith.addf %add3A_1611, %mul3A_1634 : vector<16xf32>
        %get3A_1636 = arith.constant 28 : i32
        %get3A_1637 = arith.index_cast %get3A_1636 : i32 to index
        %get3A_1638 = arith.constant 0 : index
        %get3A_1639 = tpu.vector_load %arg22[%get3A_1637, %get3A_1638] {strides = array<i32>} : memref<32x32xf32, #tpu.memory_space<vmem>>, vector<16xf32>,
        %sub3A_1640 = arith.subf %get3A_1639, %gather3A_951 : vector<16xf32>
        %get3A_1641 = arith.constant 28 : i32
        %get3A_1642 = arith.index_cast %get3A_1641 : i32 to index
        %get3A_1643 = arith.constant 16 : index
        %get3A_1644 = tpu.vector_load %arg22[%get3A_1642, %get3A_1643] {strides = array<i32>} : memref<32x32xf32, #tpu.memory_space<vmem>>, vector<16xf32>,
        %sub3A_1645 = arith.subf %get3A_1644, %gather3A_955 : vector<16xf32>
        %swap3A_1646 = arith.constant 28 : i32
        %swap3A_1647 = arith.index_cast %swap3A_1646 : i32 to index
        %swap3A_1648 = arith.constant 0 : index
        %swap3A_1649 = tpu.vector_load %arg22[%swap3A_1647, %swap3A_1648] {strides = array<i32>} : memref<32x32xf32, #tpu.memory_space<vmem>>, vector<16xf32>,
        tpu.vector_store %arg22[%swap3A_1647, %swap3A_1648], %sub3A_1640 {strides = array<i32>} : memref<32x32xf32, #tpu.memory_space<vmem>>, vector<16xf32>,
        %swap3A_1650 = arith.constant 28 : i32
        %swap3A_1651 = arith.index_cast %swap3A_1650 : i32 to index
        %swap3A_1652 = arith.constant 16 : index
        %swap3A_1653 = tpu.vector_load %arg22[%swap3A_1651, %swap3A_1652] {strides = array<i32>} : memref<32x32xf32, #tpu.memory_space<vmem>>, vector<16xf32>,
        tpu.vector_store %arg22[%swap3A_1651, %swap3A_1652], %sub3A_1645 {strides = array<i32>} : memref<32x32xf32, #tpu.memory_space<vmem>>, vector<16xf32>,
        %add3A_1654 = arith.addf %add3A_1630, %sub3A_1640 : vector<16xf32>
        %add3A_1655 = arith.addf %add3A_1631, %sub3A_1645 : vector<16xf32>
        %mul3A_1656 = arith.mulf %sub3A_1640, %sub3A_1640 : vector<16xf32>
        %add3A_1657 = arith.addf %add3A_1633, %mul3A_1656 : vector<16xf32>
        %mul3A_1658 = arith.mulf %sub3A_1645, %sub3A_1645 : vector<16xf32>
        %add3A_1659 = arith.addf %add3A_1635, %mul3A_1658 : vector<16xf32>
        %get3A_1660 = arith.constant 29 : i32
        %get3A_1661 = arith.index_cast %get3A_1660 : i32 to index
        %get3A_1662 = arith.constant 0 : index
        %get3A_1663 = tpu.vector_load %arg22[%get3A_1661, %get3A_1662] {strides = array<i32>} : memref<32x32xf32, #tpu.memory_space<vmem>>, vector<16xf32>,
        %sub3A_1664 = arith.subf %get3A_1663, %gather3A_951 : vector<16xf32>
        %get3A_1665 = arith.constant 29 : i32
        %get3A_1666 = arith.index_cast %get3A_1665 : i32 to index
        %get3A_1667 = arith.constant 16 : index
        %get3A_1668 = tpu.vector_load %arg22[%get3A_1666, %get3A_1667] {strides = array<i32>} : memref<32x32xf32, #tpu.memory_space<vmem>>, vector<16xf32>,
        %sub3A_1669 = arith.subf %get3A_1668, %gather3A_955 : vector<16xf32>
        %swap3A_1670 = arith.constant 29 : i32
        %swap3A_1671 = arith.index_cast %swap3A_1670 : i32 to index
        %swap3A_1672 = arith.constant 0 : index
        %swap3A_1673 = tpu.vector_load %arg22[%swap3A_1671, %swap3A_1672] {strides = array<i32>} : memref<32x32xf32, #tpu.memory_space<vmem>>, vector<16xf32>,
        tpu.vector_store %arg22[%swap3A_1671, %swap3A_1672], %sub3A_1664 {strides = array<i32>} : memref<32x32xf32, #tpu.memory_space<vmem>>, vector<16xf32>,
        %swap3A_1674 = arith.constant 29 : i32
        %swap3A_1675 = arith.index_cast %swap3A_1674 : i32 to index
        %swap3A_1676 = arith.constant 16 : index
        %swap3A_1677 = tpu.vector_load %arg22[%swap3A_1675, %swap3A_1676] {strides = array<i32>} : memref<32x32xf32, #tpu.memory_space<vmem>>, vector<16xf32>,
        tpu.vector_store %arg22[%swap3A_1675, %swap3A_1676], %sub3A_1669 {strides = array<i32>} : memref<32x32xf32, #tpu.memory_space<vmem>>, vector<16xf32>,
        %add3A_1678 = arith.addf %add3A_1654, %sub3A_1664 : vector<16xf32>
        %add3A_1679 = arith.addf %add3A_1655, %sub3A_1669 : vector<16xf32>
        %mul3A_1680 = arith.mulf %sub3A_1664, %sub3A_1664 : vector<16xf32>
        %add3A_1681 = arith.addf %add3A_1657, %mul3A_1680 : vector<16xf32>
        %mul3A_1682 = arith.mulf %sub3A_1669, %sub3A_1669 : vector<16xf32>
        %add3A_1683 = arith.addf %add3A_1659, %mul3A_1682 : vector<16xf32>
        %get3A_1684 = arith.constant 30 : i32
        %get3A_1685 = arith.index_cast %get3A_1684 : i32 to index
        %get3A_1686 = arith.constant 0 : index
        %get3A_1687 = tpu.vector_load %arg22[%get3A_1685, %get3A_1686] {strides = array<i32>} : memref<32x32xf32, #tpu.memory_space<vmem>>, vector<16xf32>,
        %sub3A_1688 = arith.subf %get3A_1687, %gather3A_951 : vector<16xf32>
        %get3A_1689 = arith.constant 30 : i32
        %get3A_1690 = arith.index_cast %get3A_1689 : i32 to index
        %get3A_1691 = arith.constant 16 : index
        %get3A_1692 = tpu.vector_load %arg22[%get3A_1690, %get3A_1691] {strides = array<i32>} : memref<32x32xf32, #tpu.memory_space<vmem>>, vector<16xf32>,
        %sub3A_1693 = arith.subf %get3A_1692, %gather3A_955 : vector<16xf32>
        %swap3A_1694 = arith.constant 30 : i32
        %swap3A_1695 = arith.index_cast %swap3A_1694 : i32 to index
        %swap3A_1696 = arith.constant 0 : index
        %swap3A_1697 = tpu.vector_load %arg22[%swap3A_1695, %swap3A_1696] {strides = array<i32>} : memref<32x32xf32, #tpu.memory_space<vmem>>, vector<16xf32>,
        tpu.vector_store %arg22[%swap3A_1695, %swap3A_1696], %sub3A_1688 {strides = array<i32>} : memref<32x32xf32, #tpu.memory_space<vmem>>, vector<16xf32>,
        %swap3A_1698 = arith.constant 30 : i32
        %swap3A_1699 = arith.index_cast %swap3A_1698 : i32 to index
        %swap3A_1700 = arith.constant 16 : index
        %swap3A_1701 = tpu.vector_load %arg22[%swap3A_1699, %swap3A_1700] {strides = array<i32>} : memref<32x32xf32, #tpu.memory_space<vmem>>, vector<16xf32>,
        tpu.vector_store %arg22[%swap3A_1699, %swap3A_1700], %sub3A_1693 {strides = array<i32>} : memref<32x32xf32, #tpu.memory_space<vmem>>, vector<16xf32>,
        %add3A_1702 = arith.addf %add3A_1678, %sub3A_1688 : vector<16xf32>
        %add3A_1703 = arith.addf %add3A_1679, %sub3A_1693 : vector<16xf32>
        %mul3A_1704 = arith.mulf %sub3A_1688, %sub3A_1688 : vector<16xf32>
        %add3A_1705 = arith.addf %add3A_1681, %mul3A_1704 : vector<16xf32>
        %mul3A_1706 = arith.mulf %sub3A_1693, %sub3A_1693 : vector<16xf32>
        %add3A_1707 = arith.addf %add3A_1683, %mul3A_1706 : vector<16xf32>
        %get3A_1708 = arith.constant 31 : i32
        %get3A_1709 = arith.index_cast %get3A_1708 : i32 to index
        %get3A_1710 = arith.constant 0 : index
        %get3A_1711 = tpu.vector_load %arg22[%get3A_1709, %get3A_1710] {strides = array<i32>} : memref<32x32xf32, #tpu.memory_space<vmem>>, vector<16xf32>,
        %sub3A_1712 = arith.subf %get3A_1711, %gather3A_951 : vector<16xf32>
        %get3A_1713 = arith.constant 31 : i32
        %get3A_1714 = arith.index_cast %get3A_1713 : i32 to index
        %get3A_1715 = arith.constant 16 : index
        %get3A_1716 = tpu.vector_load %arg22[%get3A_1714, %get3A_1715] {strides = array<i32>} : memref<32x32xf32, #tpu.memory_space<vmem>>, vector<16xf32>,
        %sub3A_1717 = arith.subf %get3A_1716, %gather3A_955 : vector<16xf32>
        %swap3A_1718 = arith.constant 31 : i32
        %swap3A_1719 = arith.index_cast %swap3A_1718 : i32 to index
        %swap3A_1720 = arith.constant 0 : index
        %swap3A_1721 = tpu.vector_load %arg22[%swap3A_1719, %swap3A_1720] {strides = array<i32>} : memref<32x32xf32, #tpu.memory_space<vmem>>, vector<16xf32>,
        tpu.vector_store %arg22[%swap3A_1719, %swap3A_1720], %sub3A_1712 {strides = array<i32>} : memref<32x32xf32, #tpu.memory_space<vmem>>, vector<16xf32>,
        %swap3A_1722 = arith.constant 31 : i32
        %swap3A_1723 = arith.index_cast %swap3A_1722 : i32 to index
        %swap3A_1724 = arith.constant 16 : index
        %swap3A_1725 = tpu.vector_load %arg22[%swap3A_1723, %swap3A_1724] {strides = array<i32>} : memref<32x32xf32, #tpu.memory_space<vmem>>, vector<16xf32>,
        tpu.vector_store %arg22[%swap3A_1723, %swap3A_1724], %sub3A_1717 {strides = array<i32>} : memref<32x32xf32, #tpu.memory_space<vmem>>, vector<16xf32>,
        %add3A_1726 = arith.addf %add3A_1702, %sub3A_1712 : vector<16xf32>
        %add3A_1727 = arith.addf %add3A_1703, %sub3A_1717 : vector<16xf32>
        %mul3A_1728 = arith.mulf %sub3A_1712, %sub3A_1712 : vector<16xf32>
        %add3A_1729 = arith.addf %add3A_1705, %mul3A_1728 : vector<16xf32>
        %mul3A_1730 = arith.mulf %sub3A_1717, %sub3A_1717 : vector<16xf32>
        %add3A_1731 = arith.addf %add3A_1707, %mul3A_1730 : vector<16xf32>
        %swap3A_1732 = arith.constant 0 : index
        %swap3A_1733 = tpu.vector_load %arg24[%swap3A_1732] {strides = array<i32>} : memref<64xf32, #tpu.memory_space<vmem>>, vector<16xf32>,
        tpu.vector_store %arg24[%swap3A_1732], %add3A_1726 {strides = array<i32>} : memref<64xf32, #tpu.memory_space<vmem>>, vector<16xf32>,
        %swap3A_1734 = arith.constant 16 : index
        %swap3A_1735 = tpu.vector_load %arg24[%swap3A_1734] {strides = array<i32>} : memref<64xf32, #tpu.memory_space<vmem>>, vector<16xf32>,
        tpu.vector_store %arg24[%swap3A_1734], %add3A_1727 {strides = array<i32>} : memref<64xf32, #tpu.memory_space<vmem>>, vector<16xf32>,
        %swap3A_1736 = arith.constant 32 : index
        %swap3A_1737 = tpu.vector_load %arg24[%swap3A_1736] {strides = array<i32>} : memref<64xf32, #tpu.memory_space<vmem>>, vector<16xf32>,
        tpu.vector_store %arg24[%swap3A_1736], %add3A_1729 {strides = array<i32>} : memref<64xf32, #tpu.memory_space<vmem>>, vector<16xf32>,
        %swap3A_1738 = arith.constant 48 : index
        %swap3A_1739 = tpu.vector_load %arg24[%swap3A_1738] {strides = array<i32>} : memref<64xf32, #tpu.memory_space<vmem>>, vector<16xf32>,
        tpu.vector_store %arg24[%swap3A_1738], %add3A_1731 {strides = array<i32>} : memref<64xf32, #tpu.memory_space<vmem>>, vector<16xf32>,
        %add3A_1740 = arith.addi %mul3A_32, %sub3A_945 : i32
        %mul3A_1741 = arith.constant 32 : i32
        %mul3A_1742 = arith.muli %add3A_1740, %mul3A_1741 : i32
        %dma_start3A_1743 = arith.constant 0 : i32
        %dma_start3A_1744 = tpu.memref_slice %arg8[%mul3A_1742, %dma_start3A_1743] : memref<262144x32xf32, #tpu.memory_space<hbm>> -> memref<32x32xf32, #tpu.memory_space<hbm>>
        %dma_start3A_1745 = arith.constant 0 : i32
        %dma_start3A_1746 = tpu.memref_slice %arg8[%mul3A_1742, %dma_start3A_1745] : memref<262144x32xf32, #tpu.memory_space<hbm>> -> memref<32x32xf32, #tpu.memory_space<hbm>>
        tpu.enqueue_dma source(%arg22 : memref<32x32xf32, #tpu.memory_space<vmem>>) target(%dma_start3A_1746 : memref<32x32xf32, #tpu.memory_space<hbm>>) target_semaphore(%arg28 : memref<!tpu.dma_semaphore, #tpu.memory_space<semaphore_mem>>)
      } else {
      }
      %scan3A_943 = arith.constant 0 : i32
      scf.yield %scan3A_943 : i32
    }
    %scan3A_63 = arith.constant 256 : i32
    %dma_wait3A = arith.constant 0 : i32
    %dma_wait3A_64 = arith.constant 0 : i32
    %dma_wait3A_65 = tpu.memref_slice %arg7[%dma_wait3A, %dma_wait3A_64] : memref<32768x32xf32, #tpu.memory_space<hbm>> -> memref<32768x32xf32, #tpu.memory_space<hbm>>
    tpu.wait_indirect_dma semaphore(%arg27 : memref<!tpu.dma_semaphore, #tpu.memory_space<semaphore_mem>>) src(%dma_wait3A_65 : memref<32768x32xf32, #tpu.memory_space<hbm>>) dst(%arg23 : memref<32x32xf32, #tpu.memory_space<vmem>>)
    %add3A_66 = arith.constant 255 : i32
    %add3A_67 = vector.broadcast %add3A_66 : i32 to vector<16xi32>
    %add3A_68 = arith.addi %broadcast_in_dim3A_55, %add3A_67 : vector<16xi32>
    %gather3A = tpu.vector_load_idx %arg18[%add3A_68, %iota3A] : memref<256x32xf32, #tpu.memory_space<vmem>>[vector<16xi32>, vector<16xi32>], vector<16xf32>,
    %add3A_69 = arith.constant 16 : i32
    %add3A_70 = vector.broadcast %add3A_69 : i32 to vector<16xi32>
    %add3A_71 = arith.addi %iota3A, %add3A_70 : vector<16xi32>
    %gather3A_72 = tpu.vector_load_idx %arg18[%add3A_68, %add3A_71] : memref<256x32xf32, #tpu.memory_space<vmem>>[vector<16xi32>, vector<16xi32>], vector<16xf32>,
    %get3A = arith.constant 0 : index
    %get3A_73 = tpu.vector_load %arg24[%get3A] {strides = array<i32>} : memref<64xf32, #tpu.memory_space<vmem>>, vector<16xf32>,
    %get3A_74 = arith.constant 16 : index
    %get3A_75 = tpu.vector_load %arg24[%get3A_74] {strides = array<i32>} : memref<64xf32, #tpu.memory_space<vmem>>, vector<16xf32>,
    %get3A_76 = arith.constant 32 : index
    %get3A_77 = tpu.vector_load %arg24[%get3A_76] {strides = array<i32>} : memref<64xf32, #tpu.memory_space<vmem>>, vector<16xf32>,
    %get3A_78 = arith.constant 48 : index
    %get3A_79 = tpu.vector_load %arg24[%get3A_78] {strides = array<i32>} : memref<64xf32, #tpu.memory_space<vmem>>, vector<16xf32>,
    %get3A_80 = arith.constant 0 : i32
    %get3A_81 = arith.index_cast %get3A_80 : i32 to index
    %get3A_82 = arith.constant 0 : index
    %get3A_83 = tpu.vector_load %arg23[%get3A_81, %get3A_82] {strides = array<i32>} : memref<32x32xf32, #tpu.memory_space<vmem>>, vector<16xf32>,
    %sub3A_84 = arith.subf %get3A_83, %gather3A : vector<16xf32>
    %get3A_85 = arith.constant 0 : i32
    %get3A_86 = arith.index_cast %get3A_85 : i32 to index
    %get3A_87 = arith.constant 16 : index
    %get3A_88 = tpu.vector_load %arg23[%get3A_86, %get3A_87] {strides = array<i32>} : memref<32x32xf32, #tpu.memory_space<vmem>>, vector<16xf32>,
    %sub3A_89 = arith.subf %get3A_88, %gather3A_72 : vector<16xf32>
    %swap3A_90 = arith.constant 0 : i32
    %swap3A_91 = arith.index_cast %swap3A_90 : i32 to index
    %swap3A_92 = arith.constant 0 : index
    %swap3A_93 = tpu.vector_load %arg23[%swap3A_91, %swap3A_92] {strides = array<i32>} : memref<32x32xf32, #tpu.memory_space<vmem>>, vector<16xf32>,
    tpu.vector_store %arg23[%swap3A_91, %swap3A_92], %sub3A_84 {strides = array<i32>} : memref<32x32xf32, #tpu.memory_space<vmem>>, vector<16xf32>,
    %swap3A_94 = arith.constant 0 : i32
    %swap3A_95 = arith.index_cast %swap3A_94 : i32 to index
    %swap3A_96 = arith.constant 16 : index
    %swap3A_97 = tpu.vector_load %arg23[%swap3A_95, %swap3A_96] {strides = array<i32>} : memref<32x32xf32, #tpu.memory_space<vmem>>, vector<16xf32>,
    tpu.vector_store %arg23[%swap3A_95, %swap3A_96], %sub3A_89 {strides = array<i32>} : memref<32x32xf32, #tpu.memory_space<vmem>>, vector<16xf32>,
    %add3A_98 = arith.addf %get3A_73, %sub3A_84 : vector<16xf32>
    %add3A_99 = arith.addf %get3A_75, %sub3A_89 : vector<16xf32>
    %mul3A_100 = arith.mulf %sub3A_84, %sub3A_84 : vector<16xf32>
    %add3A_101 = arith.addf %get3A_77, %mul3A_100 : vector<16xf32>
    %mul3A_102 = arith.mulf %sub3A_89, %sub3A_89 : vector<16xf32>
    %add3A_103 = arith.addf %get3A_79, %mul3A_102 : vector<16xf32>
    %get3A_104 = arith.constant 1 : i32
    %get3A_105 = arith.index_cast %get3A_104 : i32 to index
    %get3A_106 = arith.constant 0 : index
    %get3A_107 = tpu.vector_load %arg23[%get3A_105, %get3A_106] {strides = array<i32>} : memref<32x32xf32, #tpu.memory_space<vmem>>, vector<16xf32>,
    %sub3A_108 = arith.subf %get3A_107, %gather3A : vector<16xf32>
    %get3A_109 = arith.constant 1 : i32
    %get3A_110 = arith.index_cast %get3A_109 : i32 to index
    %get3A_111 = arith.constant 16 : index
    %get3A_112 = tpu.vector_load %arg23[%get3A_110, %get3A_111] {strides = array<i32>} : memref<32x32xf32, #tpu.memory_space<vmem>>, vector<16xf32>,
    %sub3A_113 = arith.subf %get3A_112, %gather3A_72 : vector<16xf32>
    %swap3A_114 = arith.constant 1 : i32
    %swap3A_115 = arith.index_cast %swap3A_114 : i32 to index
    %swap3A_116 = arith.constant 0 : index
    %swap3A_117 = tpu.vector_load %arg23[%swap3A_115, %swap3A_116] {strides = array<i32>} : memref<32x32xf32, #tpu.memory_space<vmem>>, vector<16xf32>,
    tpu.vector_store %arg23[%swap3A_115, %swap3A_116], %sub3A_108 {strides = array<i32>} : memref<32x32xf32, #tpu.memory_space<vmem>>, vector<16xf32>,
    %swap3A_118 = arith.constant 1 : i32
    %swap3A_119 = arith.index_cast %swap3A_118 : i32 to index
    %swap3A_120 = arith.constant 16 : index
    %swap3A_121 = tpu.vector_load %arg23[%swap3A_119, %swap3A_120] {strides = array<i32>} : memref<32x32xf32, #tpu.memory_space<vmem>>, vector<16xf32>,
    tpu.vector_store %arg23[%swap3A_119, %swap3A_120], %sub3A_113 {strides = array<i32>} : memref<32x32xf32, #tpu.memory_space<vmem>>, vector<16xf32>,
    %add3A_122 = arith.addf %add3A_98, %sub3A_108 : vector<16xf32>
    %add3A_123 = arith.addf %add3A_99, %sub3A_113 : vector<16xf32>
    %mul3A_124 = arith.mulf %sub3A_108, %sub3A_108 : vector<16xf32>
    %add3A_125 = arith.addf %add3A_101, %mul3A_124 : vector<16xf32>
    %mul3A_126 = arith.mulf %sub3A_113, %sub3A_113 : vector<16xf32>
    %add3A_127 = arith.addf %add3A_103, %mul3A_126 : vector<16xf32>
    %get3A_128 = arith.constant 2 : i32
    %get3A_129 = arith.index_cast %get3A_128 : i32 to index
    %get3A_130 = arith.constant 0 : index
    %get3A_131 = tpu.vector_load %arg23[%get3A_129, %get3A_130] {strides = array<i32>} : memref<32x32xf32, #tpu.memory_space<vmem>>, vector<16xf32>,
    %sub3A_132 = arith.subf %get3A_131, %gather3A : vector<16xf32>
    %get3A_133 = arith.constant 2 : i32
    %get3A_134 = arith.index_cast %get3A_133 : i32 to index
    %get3A_135 = arith.constant 16 : index
    %get3A_136 = tpu.vector_load %arg23[%get3A_134, %get3A_135] {strides = array<i32>} : memref<32x32xf32, #tpu.memory_space<vmem>>, vector<16xf32>,
    %sub3A_137 = arith.subf %get3A_136, %gather3A_72 : vector<16xf32>
    %swap3A_138 = arith.constant 2 : i32
    %swap3A_139 = arith.index_cast %swap3A_138 : i32 to index
    %swap3A_140 = arith.constant 0 : index
    %swap3A_141 = tpu.vector_load %arg23[%swap3A_139, %swap3A_140] {strides = array<i32>} : memref<32x32xf32, #tpu.memory_space<vmem>>, vector<16xf32>,
    tpu.vector_store %arg23[%swap3A_139, %swap3A_140], %sub3A_132 {strides = array<i32>} : memref<32x32xf32, #tpu.memory_space<vmem>>, vector<16xf32>,
    %swap3A_142 = arith.constant 2 : i32
    %swap3A_143 = arith.index_cast %swap3A_142 : i32 to index
    %swap3A_144 = arith.constant 16 : index
    %swap3A_145 = tpu.vector_load %arg23[%swap3A_143, %swap3A_144] {strides = array<i32>} : memref<32x32xf32, #tpu.memory_space<vmem>>, vector<16xf32>,
    tpu.vector_store %arg23[%swap3A_143, %swap3A_144], %sub3A_137 {strides = array<i32>} : memref<32x32xf32, #tpu.memory_space<vmem>>, vector<16xf32>,
    %add3A_146 = arith.addf %add3A_122, %sub3A_132 : vector<16xf32>
    %add3A_147 = arith.addf %add3A_123, %sub3A_137 : vector<16xf32>
    %mul3A_148 = arith.mulf %sub3A_132, %sub3A_132 : vector<16xf32>
    %add3A_149 = arith.addf %add3A_125, %mul3A_148 : vector<16xf32>
    %mul3A_150 = arith.mulf %sub3A_137, %sub3A_137 : vector<16xf32>
    %add3A_151 = arith.addf %add3A_127, %mul3A_150 : vector<16xf32>
    %get3A_152 = arith.constant 3 : i32
    %get3A_153 = arith.index_cast %get3A_152 : i32 to index
    %get3A_154 = arith.constant 0 : index
    %get3A_155 = tpu.vector_load %arg23[%get3A_153, %get3A_154] {strides = array<i32>} : memref<32x32xf32, #tpu.memory_space<vmem>>, vector<16xf32>,
    %sub3A_156 = arith.subf %get3A_155, %gather3A : vector<16xf32>
    %get3A_157 = arith.constant 3 : i32
    %get3A_158 = arith.index_cast %get3A_157 : i32 to index
    %get3A_159 = arith.constant 16 : index
    %get3A_160 = tpu.vector_load %arg23[%get3A_158, %get3A_159] {strides = array<i32>} : memref<32x32xf32, #tpu.memory_space<vmem>>, vector<16xf32>,
    %sub3A_161 = arith.subf %get3A_160, %gather3A_72 : vector<16xf32>
    %swap3A_162 = arith.constant 3 : i32
    %swap3A_163 = arith.index_cast %swap3A_162 : i32 to index
    %swap3A_164 = arith.constant 0 : index
    %swap3A_165 = tpu.vector_load %arg23[%swap3A_163, %swap3A_164] {strides = array<i32>} : memref<32x32xf32, #tpu.memory_space<vmem>>, vector<16xf32>,
    tpu.vector_store %arg23[%swap3A_163, %swap3A_164], %sub3A_156 {strides = array<i32>} : memref<32x32xf32, #tpu.memory_space<vmem>>, vector<16xf32>,
    %swap3A_166 = arith.constant 3 : i32
    %swap3A_167 = arith.index_cast %swap3A_166 : i32 to index
    %swap3A_168 = arith.constant 16 : index
    %swap3A_169 = tpu.vector_load %arg23[%swap3A_167, %swap3A_168] {strides = array<i32>} : memref<32x32xf32, #tpu.memory_space<vmem>>, vector<16xf32>,
    tpu.vector_store %arg23[%swap3A_167, %swap3A_168], %sub3A_161 {strides = array<i32>} : memref<32x32xf32, #tpu.memory_space<vmem>>, vector<16xf32>,
    %add3A_170 = arith.addf %add3A_146, %sub3A_156 : vector<16xf32>
    %add3A_171 = arith.addf %add3A_147, %sub3A_161 : vector<16xf32>
    %mul3A_172 = arith.mulf %sub3A_156, %sub3A_156 : vector<16xf32>
    %add3A_173 = arith.addf %add3A_149, %mul3A_172 : vector<16xf32>
    %mul3A_174 = arith.mulf %sub3A_161, %sub3A_161 : vector<16xf32>
    %add3A_175 = arith.addf %add3A_151, %mul3A_174 : vector<16xf32>
    %get3A_176 = arith.constant 4 : i32
    %get3A_177 = arith.index_cast %get3A_176 : i32 to index
    %get3A_178 = arith.constant 0 : index
    %get3A_179 = tpu.vector_load %arg23[%get3A_177, %get3A_178] {strides = array<i32>} : memref<32x32xf32, #tpu.memory_space<vmem>>, vector<16xf32>,
    %sub3A_180 = arith.subf %get3A_179, %gather3A : vector<16xf32>
    %get3A_181 = arith.constant 4 : i32
    %get3A_182 = arith.index_cast %get3A_181 : i32 to index
    %get3A_183 = arith.constant 16 : index
    %get3A_184 = tpu.vector_load %arg23[%get3A_182, %get3A_183] {strides = array<i32>} : memref<32x32xf32, #tpu.memory_space<vmem>>, vector<16xf32>,
    %sub3A_185 = arith.subf %get3A_184, %gather3A_72 : vector<16xf32>
    %swap3A_186 = arith.constant 4 : i32
    %swap3A_187 = arith.index_cast %swap3A_186 : i32 to index
    %swap3A_188 = arith.constant 0 : index
    %swap3A_189 = tpu.vector_load %arg23[%swap3A_187, %swap3A_188] {strides = array<i32>} : memref<32x32xf32, #tpu.memory_space<vmem>>, vector<16xf32>,
    tpu.vector_store %arg23[%swap3A_187, %swap3A_188], %sub3A_180 {strides = array<i32>} : memref<32x32xf32, #tpu.memory_space<vmem>>, vector<16xf32>,
    %swap3A_190 = arith.constant 4 : i32
    %swap3A_191 = arith.index_cast %swap3A_190 : i32 to index
    %swap3A_192 = arith.constant 16 : index
    %swap3A_193 = tpu.vector_load %arg23[%swap3A_191, %swap3A_192] {strides = array<i32>} : memref<32x32xf32, #tpu.memory_space<vmem>>, vector<16xf32>,
    tpu.vector_store %arg23[%swap3A_191, %swap3A_192], %sub3A_185 {strides = array<i32>} : memref<32x32xf32, #tpu.memory_space<vmem>>, vector<16xf32>,
    %add3A_194 = arith.addf %add3A_170, %sub3A_180 : vector<16xf32>
    %add3A_195 = arith.addf %add3A_171, %sub3A_185 : vector<16xf32>
    %mul3A_196 = arith.mulf %sub3A_180, %sub3A_180 : vector<16xf32>
    %add3A_197 = arith.addf %add3A_173, %mul3A_196 : vector<16xf32>
    %mul3A_198 = arith.mulf %sub3A_185, %sub3A_185 : vector<16xf32>
    %add3A_199 = arith.addf %add3A_175, %mul3A_198 : vector<16xf32>
    %get3A_200 = arith.constant 5 : i32
    %get3A_201 = arith.index_cast %get3A_200 : i32 to index
    %get3A_202 = arith.constant 0 : index
    %get3A_203 = tpu.vector_load %arg23[%get3A_201, %get3A_202] {strides = array<i32>} : memref<32x32xf32, #tpu.memory_space<vmem>>, vector<16xf32>,
    %sub3A_204 = arith.subf %get3A_203, %gather3A : vector<16xf32>
    %get3A_205 = arith.constant 5 : i32
    %get3A_206 = arith.index_cast %get3A_205 : i32 to index
    %get3A_207 = arith.constant 16 : index
    %get3A_208 = tpu.vector_load %arg23[%get3A_206, %get3A_207] {strides = array<i32>} : memref<32x32xf32, #tpu.memory_space<vmem>>, vector<16xf32>,
    %sub3A_209 = arith.subf %get3A_208, %gather3A_72 : vector<16xf32>
    %swap3A_210 = arith.constant 5 : i32
    %swap3A_211 = arith.index_cast %swap3A_210 : i32 to index
    %swap3A_212 = arith.constant 0 : index
    %swap3A_213 = tpu.vector_load %arg23[%swap3A_211, %swap3A_212] {strides = array<i32>} : memref<32x32xf32, #tpu.memory_space<vmem>>, vector<16xf32>,
    tpu.vector_store %arg23[%swap3A_211, %swap3A_212], %sub3A_204 {strides = array<i32>} : memref<32x32xf32, #tpu.memory_space<vmem>>, vector<16xf32>,
    %swap3A_214 = arith.constant 5 : i32
    %swap3A_215 = arith.index_cast %swap3A_214 : i32 to index
    %swap3A_216 = arith.constant 16 : index
    %swap3A_217 = tpu.vector_load %arg23[%swap3A_215, %swap3A_216] {strides = array<i32>} : memref<32x32xf32, #tpu.memory_space<vmem>>, vector<16xf32>,
    tpu.vector_store %arg23[%swap3A_215, %swap3A_216], %sub3A_209 {strides = array<i32>} : memref<32x32xf32, #tpu.memory_space<vmem>>, vector<16xf32>,
    %add3A_218 = arith.addf %add3A_194, %sub3A_204 : vector<16xf32>
    %add3A_219 = arith.addf %add3A_195, %sub3A_209 : vector<16xf32>
    %mul3A_220 = arith.mulf %sub3A_204, %sub3A_204 : vector<16xf32>
    %add3A_221 = arith.addf %add3A_197, %mul3A_220 : vector<16xf32>
    %mul3A_222 = arith.mulf %sub3A_209, %sub3A_209 : vector<16xf32>
    %add3A_223 = arith.addf %add3A_199, %mul3A_222 : vector<16xf32>
    %get3A_224 = arith.constant 6 : i32
    %get3A_225 = arith.index_cast %get3A_224 : i32 to index
    %get3A_226 = arith.constant 0 : index
    %get3A_227 = tpu.vector_load %arg23[%get3A_225, %get3A_226] {strides = array<i32>} : memref<32x32xf32, #tpu.memory_space<vmem>>, vector<16xf32>,
    %sub3A_228 = arith.subf %get3A_227, %gather3A : vector<16xf32>
    %get3A_229 = arith.constant 6 : i32
    %get3A_230 = arith.index_cast %get3A_229 : i32 to index
    %get3A_231 = arith.constant 16 : index
    %get3A_232 = tpu.vector_load %arg23[%get3A_230, %get3A_231] {strides = array<i32>} : memref<32x32xf32, #tpu.memory_space<vmem>>, vector<16xf32>,
    %sub3A_233 = arith.subf %get3A_232, %gather3A_72 : vector<16xf32>
    %swap3A_234 = arith.constant 6 : i32
    %swap3A_235 = arith.index_cast %swap3A_234 : i32 to index
    %swap3A_236 = arith.constant 0 : index
    %swap3A_237 = tpu.vector_load %arg23[%swap3A_235, %swap3A_236] {strides = array<i32>} : memref<32x32xf32, #tpu.memory_space<vmem>>, vector<16xf32>,
    tpu.vector_store %arg23[%swap3A_235, %swap3A_236], %sub3A_228 {strides = array<i32>} : memref<32x32xf32, #tpu.memory_space<vmem>>, vector<16xf32>,
    %swap3A_238 = arith.constant 6 : i32
    %swap3A_239 = arith.index_cast %swap3A_238 : i32 to index
    %swap3A_240 = arith.constant 16 : index
    %swap3A_241 = tpu.vector_load %arg23[%swap3A_239, %swap3A_240] {strides = array<i32>} : memref<32x32xf32, #tpu.memory_space<vmem>>, vector<16xf32>,
    tpu.vector_store %arg23[%swap3A_239, %swap3A_240], %sub3A_233 {strides = array<i32>} : memref<32x32xf32, #tpu.memory_space<vmem>>, vector<16xf32>,
    %add3A_242 = arith.addf %add3A_218, %sub3A_228 : vector<16xf32>
    %add3A_243 = arith.addf %add3A_219, %sub3A_233 : vector<16xf32>
    %mul3A_244 = arith.mulf %sub3A_228, %sub3A_228 : vector<16xf32>
    %add3A_245 = arith.addf %add3A_221, %mul3A_244 : vector<16xf32>
    %mul3A_246 = arith.mulf %sub3A_233, %sub3A_233 : vector<16xf32>
    %add3A_247 = arith.addf %add3A_223, %mul3A_246 : vector<16xf32>
    %get3A_248 = arith.constant 7 : i32
    %get3A_249 = arith.index_cast %get3A_248 : i32 to index
    %get3A_250 = arith.constant 0 : index
    %get3A_251 = tpu.vector_load %arg23[%get3A_249, %get3A_250] {strides = array<i32>} : memref<32x32xf32, #tpu.memory_space<vmem>>, vector<16xf32>,
    %sub3A_252 = arith.subf %get3A_251, %gather3A : vector<16xf32>
    %get3A_253 = arith.constant 7 : i32
    %get3A_254 = arith.index_cast %get3A_253 : i32 to index
    %get3A_255 = arith.constant 16 : index
    %get3A_256 = tpu.vector_load %arg23[%get3A_254, %get3A_255] {strides = array<i32>} : memref<32x32xf32, #tpu.memory_space<vmem>>, vector<16xf32>,
    %sub3A_257 = arith.subf %get3A_256, %gather3A_72 : vector<16xf32>
    %swap3A_258 = arith.constant 7 : i32
    %swap3A_259 = arith.index_cast %swap3A_258 : i32 to index
    %swap3A_260 = arith.constant 0 : index
    %swap3A_261 = tpu.vector_load %arg23[%swap3A_259, %swap3A_260] {strides = array<i32>} : memref<32x32xf32, #tpu.memory_space<vmem>>, vector<16xf32>,
    tpu.vector_store %arg23[%swap3A_259, %swap3A_260], %sub3A_252 {strides = array<i32>} : memref<32x32xf32, #tpu.memory_space<vmem>>, vector<16xf32>,
    %swap3A_262 = arith.constant 7 : i32
    %swap3A_263 = arith.index_cast %swap3A_262 : i32 to index
    %swap3A_264 = arith.constant 16 : index
    %swap3A_265 = tpu.vector_load %arg23[%swap3A_263, %swap3A_264] {strides = array<i32>} : memref<32x32xf32, #tpu.memory_space<vmem>>, vector<16xf32>,
    tpu.vector_store %arg23[%swap3A_263, %swap3A_264], %sub3A_257 {strides = array<i32>} : memref<32x32xf32, #tpu.memory_space<vmem>>, vector<16xf32>,
    %add3A_266 = arith.addf %add3A_242, %sub3A_252 : vector<16xf32>
    %add3A_267 = arith.addf %add3A_243, %sub3A_257 : vector<16xf32>
    %mul3A_268 = arith.mulf %sub3A_252, %sub3A_252 : vector<16xf32>
    %add3A_269 = arith.addf %add3A_245, %mul3A_268 : vector<16xf32>
    %mul3A_270 = arith.mulf %sub3A_257, %sub3A_257 : vector<16xf32>
    %add3A_271 = arith.addf %add3A_247, %mul3A_270 : vector<16xf32>
    %get3A_272 = arith.constant 8 : i32
    %get3A_273 = arith.index_cast %get3A_272 : i32 to index
    %get3A_274 = arith.constant 0 : index
    %get3A_275 = tpu.vector_load %arg23[%get3A_273, %get3A_274] {strides = array<i32>} : memref<32x32xf32, #tpu.memory_space<vmem>>, vector<16xf32>,
    %sub3A_276 = arith.subf %get3A_275, %gather3A : vector<16xf32>
    %get3A_277 = arith.constant 8 : i32
    %get3A_278 = arith.index_cast %get3A_277 : i32 to index
    %get3A_279 = arith.constant 16 : index
    %get3A_280 = tpu.vector_load %arg23[%get3A_278, %get3A_279] {strides = array<i32>} : memref<32x32xf32, #tpu.memory_space<vmem>>, vector<16xf32>,
    %sub3A_281 = arith.subf %get3A_280, %gather3A_72 : vector<16xf32>
    %swap3A_282 = arith.constant 8 : i32
    %swap3A_283 = arith.index_cast %swap3A_282 : i32 to index
    %swap3A_284 = arith.constant 0 : index
    %swap3A_285 = tpu.vector_load %arg23[%swap3A_283, %swap3A_284] {strides = array<i32>} : memref<32x32xf32, #tpu.memory_space<vmem>>, vector<16xf32>,
    tpu.vector_store %arg23[%swap3A_283, %swap3A_284], %sub3A_276 {strides = array<i32>} : memref<32x32xf32, #tpu.memory_space<vmem>>, vector<16xf32>,
    %swap3A_286 = arith.constant 8 : i32
    %swap3A_287 = arith.index_cast %swap3A_286 : i32 to index
    %swap3A_288 = arith.constant 16 : index
    %swap3A_289 = tpu.vector_load %arg23[%swap3A_287, %swap3A_288] {strides = array<i32>} : memref<32x32xf32, #tpu.memory_space<vmem>>, vector<16xf32>,
    tpu.vector_store %arg23[%swap3A_287, %swap3A_288], %sub3A_281 {strides = array<i32>} : memref<32x32xf32, #tpu.memory_space<vmem>>, vector<16xf32>,
    %add3A_290 = arith.addf %add3A_266, %sub3A_276 : vector<16xf32>
    %add3A_291 = arith.addf %add3A_267, %sub3A_281 : vector<16xf32>
    %mul3A_292 = arith.mulf %sub3A_276, %sub3A_276 : vector<16xf32>
    %add3A_293 = arith.addf %add3A_269, %mul3A_292 : vector<16xf32>
    %mul3A_294 = arith.mulf %sub3A_281, %sub3A_281 : vector<16xf32>
    %add3A_295 = arith.addf %add3A_271, %mul3A_294 : vector<16xf32>
    %get3A_296 = arith.constant 9 : i32
    %get3A_297 = arith.index_cast %get3A_296 : i32 to index
    %get3A_298 = arith.constant 0 : index
    %get3A_299 = tpu.vector_load %arg23[%get3A_297, %get3A_298] {strides = array<i32>} : memref<32x32xf32, #tpu.memory_space<vmem>>, vector<16xf32>,
    %sub3A_300 = arith.subf %get3A_299, %gather3A : vector<16xf32>
    %get3A_301 = arith.constant 9 : i32
    %get3A_302 = arith.index_cast %get3A_301 : i32 to index
    %get3A_303 = arith.constant 16 : index
    %get3A_304 = tpu.vector_load %arg23[%get3A_302, %get3A_303] {strides = array<i32>} : memref<32x32xf32, #tpu.memory_space<vmem>>, vector<16xf32>,
    %sub3A_305 = arith.subf %get3A_304, %gather3A_72 : vector<16xf32>
    %swap3A_306 = arith.constant 9 : i32
    %swap3A_307 = arith.index_cast %swap3A_306 : i32 to index
    %swap3A_308 = arith.constant 0 : index
    %swap3A_309 = tpu.vector_load %arg23[%swap3A_307, %swap3A_308] {strides = array<i32>} : memref<32x32xf32, #tpu.memory_space<vmem>>, vector<16xf32>,
    tpu.vector_store %arg23[%swap3A_307, %swap3A_308], %sub3A_300 {strides = array<i32>} : memref<32x32xf32, #tpu.memory_space<vmem>>, vector<16xf32>,
    %swap3A_310 = arith.constant 9 : i32
    %swap3A_311 = arith.index_cast %swap3A_310 : i32 to index
    %swap3A_312 = arith.constant 16 : index
    %swap3A_313 = tpu.vector_load %arg23[%swap3A_311, %swap3A_312] {strides = array<i32>} : memref<32x32xf32, #tpu.memory_space<vmem>>, vector<16xf32>,
    tpu.vector_store %arg23[%swap3A_311, %swap3A_312], %sub3A_305 {strides = array<i32>} : memref<32x32xf32, #tpu.memory_space<vmem>>, vector<16xf32>,
    %add3A_314 = arith.addf %add3A_290, %sub3A_300 : vector<16xf32>
    %add3A_315 = arith.addf %add3A_291, %sub3A_305 : vector<16xf32>
    %mul3A_316 = arith.mulf %sub3A_300, %sub3A_300 : vector<16xf32>
    %add3A_317 = arith.addf %add3A_293, %mul3A_316 : vector<16xf32>
    %mul3A_318 = arith.mulf %sub3A_305, %sub3A_305 : vector<16xf32>
    %add3A_319 = arith.addf %add3A_295, %mul3A_318 : vector<16xf32>
    %get3A_320 = arith.constant 10 : i32
    %get3A_321 = arith.index_cast %get3A_320 : i32 to index
    %get3A_322 = arith.constant 0 : index
    %get3A_323 = tpu.vector_load %arg23[%get3A_321, %get3A_322] {strides = array<i32>} : memref<32x32xf32, #tpu.memory_space<vmem>>, vector<16xf32>,
    %sub3A_324 = arith.subf %get3A_323, %gather3A : vector<16xf32>
    %get3A_325 = arith.constant 10 : i32
    %get3A_326 = arith.index_cast %get3A_325 : i32 to index
    %get3A_327 = arith.constant 16 : index
    %get3A_328 = tpu.vector_load %arg23[%get3A_326, %get3A_327] {strides = array<i32>} : memref<32x32xf32, #tpu.memory_space<vmem>>, vector<16xf32>,
    %sub3A_329 = arith.subf %get3A_328, %gather3A_72 : vector<16xf32>
    %swap3A_330 = arith.constant 10 : i32
    %swap3A_331 = arith.index_cast %swap3A_330 : i32 to index
    %swap3A_332 = arith.constant 0 : index
    %swap3A_333 = tpu.vector_load %arg23[%swap3A_331, %swap3A_332] {strides = array<i32>} : memref<32x32xf32, #tpu.memory_space<vmem>>, vector<16xf32>,
    tpu.vector_store %arg23[%swap3A_331, %swap3A_332], %sub3A_324 {strides = array<i32>} : memref<32x32xf32, #tpu.memory_space<vmem>>, vector<16xf32>,
    %swap3A_334 = arith.constant 10 : i32
    %swap3A_335 = arith.index_cast %swap3A_334 : i32 to index
    %swap3A_336 = arith.constant 16 : index
    %swap3A_337 = tpu.vector_load %arg23[%swap3A_335, %swap3A_336] {strides = array<i32>} : memref<32x32xf32, #tpu.memory_space<vmem>>, vector<16xf32>,
    tpu.vector_store %arg23[%swap3A_335, %swap3A_336], %sub3A_329 {strides = array<i32>} : memref<32x32xf32, #tpu.memory_space<vmem>>, vector<16xf32>,
    %add3A_338 = arith.addf %add3A_314, %sub3A_324 : vector<16xf32>
    %add3A_339 = arith.addf %add3A_315, %sub3A_329 : vector<16xf32>
    %mul3A_340 = arith.mulf %sub3A_324, %sub3A_324 : vector<16xf32>
    %add3A_341 = arith.addf %add3A_317, %mul3A_340 : vector<16xf32>
    %mul3A_342 = arith.mulf %sub3A_329, %sub3A_329 : vector<16xf32>
    %add3A_343 = arith.addf %add3A_319, %mul3A_342 : vector<16xf32>
    %get3A_344 = arith.constant 11 : i32
    %get3A_345 = arith.index_cast %get3A_344 : i32 to index
    %get3A_346 = arith.constant 0 : index
    %get3A_347 = tpu.vector_load %arg23[%get3A_345, %get3A_346] {strides = array<i32>} : memref<32x32xf32, #tpu.memory_space<vmem>>, vector<16xf32>,
    %sub3A_348 = arith.subf %get3A_347, %gather3A : vector<16xf32>
    %get3A_349 = arith.constant 11 : i32
    %get3A_350 = arith.index_cast %get3A_349 : i32 to index
    %get3A_351 = arith.constant 16 : index
    %get3A_352 = tpu.vector_load %arg23[%get3A_350, %get3A_351] {strides = array<i32>} : memref<32x32xf32, #tpu.memory_space<vmem>>, vector<16xf32>,
    %sub3A_353 = arith.subf %get3A_352, %gather3A_72 : vector<16xf32>
    %swap3A_354 = arith.constant 11 : i32
    %swap3A_355 = arith.index_cast %swap3A_354 : i32 to index
    %swap3A_356 = arith.constant 0 : index
    %swap3A_357 = tpu.vector_load %arg23[%swap3A_355, %swap3A_356] {strides = array<i32>} : memref<32x32xf32, #tpu.memory_space<vmem>>, vector<16xf32>,
    tpu.vector_store %arg23[%swap3A_355, %swap3A_356], %sub3A_348 {strides = array<i32>} : memref<32x32xf32, #tpu.memory_space<vmem>>, vector<16xf32>,
    %swap3A_358 = arith.constant 11 : i32
    %swap3A_359 = arith.index_cast %swap3A_358 : i32 to index
    %swap3A_360 = arith.constant 16 : index
    %swap3A_361 = tpu.vector_load %arg23[%swap3A_359, %swap3A_360] {strides = array<i32>} : memref<32x32xf32, #tpu.memory_space<vmem>>, vector<16xf32>,
    tpu.vector_store %arg23[%swap3A_359, %swap3A_360], %sub3A_353 {strides = array<i32>} : memref<32x32xf32, #tpu.memory_space<vmem>>, vector<16xf32>,
    %add3A_362 = arith.addf %add3A_338, %sub3A_348 : vector<16xf32>
    %add3A_363 = arith.addf %add3A_339, %sub3A_353 : vector<16xf32>
    %mul3A_364 = arith.mulf %sub3A_348, %sub3A_348 : vector<16xf32>
    %add3A_365 = arith.addf %add3A_341, %mul3A_364 : vector<16xf32>
    %mul3A_366 = arith.mulf %sub3A_353, %sub3A_353 : vector<16xf32>
    %add3A_367 = arith.addf %add3A_343, %mul3A_366 : vector<16xf32>
    %get3A_368 = arith.constant 12 : i32
    %get3A_369 = arith.index_cast %get3A_368 : i32 to index
    %get3A_370 = arith.constant 0 : index
    %get3A_371 = tpu.vector_load %arg23[%get3A_369, %get3A_370] {strides = array<i32>} : memref<32x32xf32, #tpu.memory_space<vmem>>, vector<16xf32>,
    %sub3A_372 = arith.subf %get3A_371, %gather3A : vector<16xf32>
    %get3A_373 = arith.constant 12 : i32
    %get3A_374 = arith.index_cast %get3A_373 : i32 to index
    %get3A_375 = arith.constant 16 : index
    %get3A_376 = tpu.vector_load %arg23[%get3A_374, %get3A_375] {strides = array<i32>} : memref<32x32xf32, #tpu.memory_space<vmem>>, vector<16xf32>,
    %sub3A_377 = arith.subf %get3A_376, %gather3A_72 : vector<16xf32>
    %swap3A_378 = arith.constant 12 : i32
    %swap3A_379 = arith.index_cast %swap3A_378 : i32 to index
    %swap3A_380 = arith.constant 0 : index
    %swap3A_381 = tpu.vector_load %arg23[%swap3A_379, %swap3A_380] {strides = array<i32>} : memref<32x32xf32, #tpu.memory_space<vmem>>, vector<16xf32>,
    tpu.vector_store %arg23[%swap3A_379, %swap3A_380], %sub3A_372 {strides = array<i32>} : memref<32x32xf32, #tpu.memory_space<vmem>>, vector<16xf32>,
    %swap3A_382 = arith.constant 12 : i32
    %swap3A_383 = arith.index_cast %swap3A_382 : i32 to index
    %swap3A_384 = arith.constant 16 : index
    %swap3A_385 = tpu.vector_load %arg23[%swap3A_383, %swap3A_384] {strides = array<i32>} : memref<32x32xf32, #tpu.memory_space<vmem>>, vector<16xf32>,
    tpu.vector_store %arg23[%swap3A_383, %swap3A_384], %sub3A_377 {strides = array<i32>} : memref<32x32xf32, #tpu.memory_space<vmem>>, vector<16xf32>,
    %add3A_386 = arith.addf %add3A_362, %sub3A_372 : vector<16xf32>
    %add3A_387 = arith.addf %add3A_363, %sub3A_377 : vector<16xf32>
    %mul3A_388 = arith.mulf %sub3A_372, %sub3A_372 : vector<16xf32>
    %add3A_389 = arith.addf %add3A_365, %mul3A_388 : vector<16xf32>
    %mul3A_390 = arith.mulf %sub3A_377, %sub3A_377 : vector<16xf32>
    %add3A_391 = arith.addf %add3A_367, %mul3A_390 : vector<16xf32>
    %get3A_392 = arith.constant 13 : i32
    %get3A_393 = arith.index_cast %get3A_392 : i32 to index
    %get3A_394 = arith.constant 0 : index
    %get3A_395 = tpu.vector_load %arg23[%get3A_393, %get3A_394] {strides = array<i32>} : memref<32x32xf32, #tpu.memory_space<vmem>>, vector<16xf32>,
    %sub3A_396 = arith.subf %get3A_395, %gather3A : vector<16xf32>
    %get3A_397 = arith.constant 13 : i32
    %get3A_398 = arith.index_cast %get3A_397 : i32 to index
    %get3A_399 = arith.constant 16 : index
    %get3A_400 = tpu.vector_load %arg23[%get3A_398, %get3A_399] {strides = array<i32>} : memref<32x32xf32, #tpu.memory_space<vmem>>, vector<16xf32>,
    %sub3A_401 = arith.subf %get3A_400, %gather3A_72 : vector<16xf32>
    %swap3A_402 = arith.constant 13 : i32
    %swap3A_403 = arith.index_cast %swap3A_402 : i32 to index
    %swap3A_404 = arith.constant 0 : index
    %swap3A_405 = tpu.vector_load %arg23[%swap3A_403, %swap3A_404] {strides = array<i32>} : memref<32x32xf32, #tpu.memory_space<vmem>>, vector<16xf32>,
    tpu.vector_store %arg23[%swap3A_403, %swap3A_404], %sub3A_396 {strides = array<i32>} : memref<32x32xf32, #tpu.memory_space<vmem>>, vector<16xf32>,
    %swap3A_406 = arith.constant 13 : i32
    %swap3A_407 = arith.index_cast %swap3A_406 : i32 to index
    %swap3A_408 = arith.constant 16 : index
    %swap3A_409 = tpu.vector_load %arg23[%swap3A_407, %swap3A_408] {strides = array<i32>} : memref<32x32xf32, #tpu.memory_space<vmem>>, vector<16xf32>,
    tpu.vector_store %arg23[%swap3A_407, %swap3A_408], %sub3A_401 {strides = array<i32>} : memref<32x32xf32, #tpu.memory_space<vmem>>, vector<16xf32>,
    %add3A_410 = arith.addf %add3A_386, %sub3A_396 : vector<16xf32>
    %add3A_411 = arith.addf %add3A_387, %sub3A_401 : vector<16xf32>
    %mul3A_412 = arith.mulf %sub3A_396, %sub3A_396 : vector<16xf32>
    %add3A_413 = arith.addf %add3A_389, %mul3A_412 : vector<16xf32>
    %mul3A_414 = arith.mulf %sub3A_401, %sub3A_401 : vector<16xf32>
    %add3A_415 = arith.addf %add3A_391, %mul3A_414 : vector<16xf32>
    %get3A_416 = arith.constant 14 : i32
    %get3A_417 = arith.index_cast %get3A_416 : i32 to index
    %get3A_418 = arith.constant 0 : index
    %get3A_419 = tpu.vector_load %arg23[%get3A_417, %get3A_418] {strides = array<i32>} : memref<32x32xf32, #tpu.memory_space<vmem>>, vector<16xf32>,
    %sub3A_420 = arith.subf %get3A_419, %gather3A : vector<16xf32>
    %get3A_421 = arith.constant 14 : i32
    %get3A_422 = arith.index_cast %get3A_421 : i32 to index
    %get3A_423 = arith.constant 16 : index
    %get3A_424 = tpu.vector_load %arg23[%get3A_422, %get3A_423] {strides = array<i32>} : memref<32x32xf32, #tpu.memory_space<vmem>>, vector<16xf32>,
    %sub3A_425 = arith.subf %get3A_424, %gather3A_72 : vector<16xf32>
    %swap3A_426 = arith.constant 14 : i32
    %swap3A_427 = arith.index_cast %swap3A_426 : i32 to index
    %swap3A_428 = arith.constant 0 : index
    %swap3A_429 = tpu.vector_load %arg23[%swap3A_427, %swap3A_428] {strides = array<i32>} : memref<32x32xf32, #tpu.memory_space<vmem>>, vector<16xf32>,
    tpu.vector_store %arg23[%swap3A_427, %swap3A_428], %sub3A_420 {strides = array<i32>} : memref<32x32xf32, #tpu.memory_space<vmem>>, vector<16xf32>,
    %swap3A_430 = arith.constant 14 : i32
    %swap3A_431 = arith.index_cast %swap3A_430 : i32 to index
    %swap3A_432 = arith.constant 16 : index
    %swap3A_433 = tpu.vector_load %arg23[%swap3A_431, %swap3A_432] {strides = array<i32>} : memref<32x32xf32, #tpu.memory_space<vmem>>, vector<16xf32>,
    tpu.vector_store %arg23[%swap3A_431, %swap3A_432], %sub3A_425 {strides = array<i32>} : memref<32x32xf32, #tpu.memory_space<vmem>>, vector<16xf32>,
    %add3A_434 = arith.addf %add3A_410, %sub3A_420 : vector<16xf32>
    %add3A_435 = arith.addf %add3A_411, %sub3A_425 : vector<16xf32>
    %mul3A_436 = arith.mulf %sub3A_420, %sub3A_420 : vector<16xf32>
    %add3A_437 = arith.addf %add3A_413, %mul3A_436 : vector<16xf32>
    %mul3A_438 = arith.mulf %sub3A_425, %sub3A_425 : vector<16xf32>
    %add3A_439 = arith.addf %add3A_415, %mul3A_438 : vector<16xf32>
    %get3A_440 = arith.constant 15 : i32
    %get3A_441 = arith.index_cast %get3A_440 : i32 to index
    %get3A_442 = arith.constant 0 : index
    %get3A_443 = tpu.vector_load %arg23[%get3A_441, %get3A_442] {strides = array<i32>} : memref<32x32xf32, #tpu.memory_space<vmem>>, vector<16xf32>,
    %sub3A_444 = arith.subf %get3A_443, %gather3A : vector<16xf32>
    %get3A_445 = arith.constant 15 : i32
    %get3A_446 = arith.index_cast %get3A_445 : i32 to index
    %get3A_447 = arith.constant 16 : index
    %get3A_448 = tpu.vector_load %arg23[%get3A_446, %get3A_447] {strides = array<i32>} : memref<32x32xf32, #tpu.memory_space<vmem>>, vector<16xf32>,
    %sub3A_449 = arith.subf %get3A_448, %gather3A_72 : vector<16xf32>
    %swap3A_450 = arith.constant 15 : i32
    %swap3A_451 = arith.index_cast %swap3A_450 : i32 to index
    %swap3A_452 = arith.constant 0 : index
    %swap3A_453 = tpu.vector_load %arg23[%swap3A_451, %swap3A_452] {strides = array<i32>} : memref<32x32xf32, #tpu.memory_space<vmem>>, vector<16xf32>,
    tpu.vector_store %arg23[%swap3A_451, %swap3A_452], %sub3A_444 {strides = array<i32>} : memref<32x32xf32, #tpu.memory_space<vmem>>, vector<16xf32>,
    %swap3A_454 = arith.constant 15 : i32
    %swap3A_455 = arith.index_cast %swap3A_454 : i32 to index
    %swap3A_456 = arith.constant 16 : index
    %swap3A_457 = tpu.vector_load %arg23[%swap3A_455, %swap3A_456] {strides = array<i32>} : memref<32x32xf32, #tpu.memory_space<vmem>>, vector<16xf32>,
    tpu.vector_store %arg23[%swap3A_455, %swap3A_456], %sub3A_449 {strides = array<i32>} : memref<32x32xf32, #tpu.memory_space<vmem>>, vector<16xf32>,
    %add3A_458 = arith.addf %add3A_434, %sub3A_444 : vector<16xf32>
    %add3A_459 = arith.addf %add3A_435, %sub3A_449 : vector<16xf32>
    %mul3A_460 = arith.mulf %sub3A_444, %sub3A_444 : vector<16xf32>
    %add3A_461 = arith.addf %add3A_437, %mul3A_460 : vector<16xf32>
    %mul3A_462 = arith.mulf %sub3A_449, %sub3A_449 : vector<16xf32>
    %add3A_463 = arith.addf %add3A_439, %mul3A_462 : vector<16xf32>
    %get3A_464 = arith.constant 16 : i32
    %get3A_465 = arith.index_cast %get3A_464 : i32 to index
    %get3A_466 = arith.constant 0 : index
    %get3A_467 = tpu.vector_load %arg23[%get3A_465, %get3A_466] {strides = array<i32>} : memref<32x32xf32, #tpu.memory_space<vmem>>, vector<16xf32>,
    %sub3A_468 = arith.subf %get3A_467, %gather3A : vector<16xf32>
    %get3A_469 = arith.constant 16 : i32
    %get3A_470 = arith.index_cast %get3A_469 : i32 to index
    %get3A_471 = arith.constant 16 : index
    %get3A_472 = tpu.vector_load %arg23[%get3A_470, %get3A_471] {strides = array<i32>} : memref<32x32xf32, #tpu.memory_space<vmem>>, vector<16xf32>,
    %sub3A_473 = arith.subf %get3A_472, %gather3A_72 : vector<16xf32>
    %swap3A_474 = arith.constant 16 : i32
    %swap3A_475 = arith.index_cast %swap3A_474 : i32 to index
    %swap3A_476 = arith.constant 0 : index
    %swap3A_477 = tpu.vector_load %arg23[%swap3A_475, %swap3A_476] {strides = array<i32>} : memref<32x32xf32, #tpu.memory_space<vmem>>, vector<16xf32>,
    tpu.vector_store %arg23[%swap3A_475, %swap3A_476], %sub3A_468 {strides = array<i32>} : memref<32x32xf32, #tpu.memory_space<vmem>>, vector<16xf32>,
    %swap3A_478 = arith.constant 16 : i32
    %swap3A_479 = arith.index_cast %swap3A_478 : i32 to index
    %swap3A_480 = arith.constant 16 : index
    %swap3A_481 = tpu.vector_load %arg23[%swap3A_479, %swap3A_480] {strides = array<i32>} : memref<32x32xf32, #tpu.memory_space<vmem>>, vector<16xf32>,
    tpu.vector_store %arg23[%swap3A_479, %swap3A_480], %sub3A_473 {strides = array<i32>} : memref<32x32xf32, #tpu.memory_space<vmem>>, vector<16xf32>,
    %add3A_482 = arith.addf %add3A_458, %sub3A_468 : vector<16xf32>
    %add3A_483 = arith.addf %add3A_459, %sub3A_473 : vector<16xf32>
    %mul3A_484 = arith.mulf %sub3A_468, %sub3A_468 : vector<16xf32>
    %add3A_485 = arith.addf %add3A_461, %mul3A_484 : vector<16xf32>
    %mul3A_486 = arith.mulf %sub3A_473, %sub3A_473 : vector<16xf32>
    %add3A_487 = arith.addf %add3A_463, %mul3A_486 : vector<16xf32>
    %get3A_488 = arith.constant 17 : i32
    %get3A_489 = arith.index_cast %get3A_488 : i32 to index
    %get3A_490 = arith.constant 0 : index
    %get3A_491 = tpu.vector_load %arg23[%get3A_489, %get3A_490] {strides = array<i32>} : memref<32x32xf32, #tpu.memory_space<vmem>>, vector<16xf32>,
    %sub3A_492 = arith.subf %get3A_491, %gather3A : vector<16xf32>
    %get3A_493 = arith.constant 17 : i32
    %get3A_494 = arith.index_cast %get3A_493 : i32 to index
    %get3A_495 = arith.constant 16 : index
    %get3A_496 = tpu.vector_load %arg23[%get3A_494, %get3A_495] {strides = array<i32>} : memref<32x32xf32, #tpu.memory_space<vmem>>, vector<16xf32>,
    %sub3A_497 = arith.subf %get3A_496, %gather3A_72 : vector<16xf32>
    %swap3A_498 = arith.constant 17 : i32
    %swap3A_499 = arith.index_cast %swap3A_498 : i32 to index
    %swap3A_500 = arith.constant 0 : index
    %swap3A_501 = tpu.vector_load %arg23[%swap3A_499, %swap3A_500] {strides = array<i32>} : memref<32x32xf32, #tpu.memory_space<vmem>>, vector<16xf32>,
    tpu.vector_store %arg23[%swap3A_499, %swap3A_500], %sub3A_492 {strides = array<i32>} : memref<32x32xf32, #tpu.memory_space<vmem>>, vector<16xf32>,
    %swap3A_502 = arith.constant 17 : i32
    %swap3A_503 = arith.index_cast %swap3A_502 : i32 to index
    %swap3A_504 = arith.constant 16 : index
    %swap3A_505 = tpu.vector_load %arg23[%swap3A_503, %swap3A_504] {strides = array<i32>} : memref<32x32xf32, #tpu.memory_space<vmem>>, vector<16xf32>,
    tpu.vector_store %arg23[%swap3A_503, %swap3A_504], %sub3A_497 {strides = array<i32>} : memref<32x32xf32, #tpu.memory_space<vmem>>, vector<16xf32>,
    %add3A_506 = arith.addf %add3A_482, %sub3A_492 : vector<16xf32>
    %add3A_507 = arith.addf %add3A_483, %sub3A_497 : vector<16xf32>
    %mul3A_508 = arith.mulf %sub3A_492, %sub3A_492 : vector<16xf32>
    %add3A_509 = arith.addf %add3A_485, %mul3A_508 : vector<16xf32>
    %mul3A_510 = arith.mulf %sub3A_497, %sub3A_497 : vector<16xf32>
    %add3A_511 = arith.addf %add3A_487, %mul3A_510 : vector<16xf32>
    %get3A_512 = arith.constant 18 : i32
    %get3A_513 = arith.index_cast %get3A_512 : i32 to index
    %get3A_514 = arith.constant 0 : index
    %get3A_515 = tpu.vector_load %arg23[%get3A_513, %get3A_514] {strides = array<i32>} : memref<32x32xf32, #tpu.memory_space<vmem>>, vector<16xf32>,
    %sub3A_516 = arith.subf %get3A_515, %gather3A : vector<16xf32>
    %get3A_517 = arith.constant 18 : i32
    %get3A_518 = arith.index_cast %get3A_517 : i32 to index
    %get3A_519 = arith.constant 16 : index
    %get3A_520 = tpu.vector_load %arg23[%get3A_518, %get3A_519] {strides = array<i32>} : memref<32x32xf32, #tpu.memory_space<vmem>>, vector<16xf32>,
    %sub3A_521 = arith.subf %get3A_520, %gather3A_72 : vector<16xf32>
    %swap3A_522 = arith.constant 18 : i32
    %swap3A_523 = arith.index_cast %swap3A_522 : i32 to index
    %swap3A_524 = arith.constant 0 : index
    %swap3A_525 = tpu.vector_load %arg23[%swap3A_523, %swap3A_524] {strides = array<i32>} : memref<32x32xf32, #tpu.memory_space<vmem>>, vector<16xf32>,
    tpu.vector_store %arg23[%swap3A_523, %swap3A_524], %sub3A_516 {strides = array<i32>} : memref<32x32xf32, #tpu.memory_space<vmem>>, vector<16xf32>,
    %swap3A_526 = arith.constant 18 : i32
    %swap3A_527 = arith.index_cast %swap3A_526 : i32 to index
    %swap3A_528 = arith.constant 16 : index
    %swap3A_529 = tpu.vector_load %arg23[%swap3A_527, %swap3A_528] {strides = array<i32>} : memref<32x32xf32, #tpu.memory_space<vmem>>, vector<16xf32>,
    tpu.vector_store %arg23[%swap3A_527, %swap3A_528], %sub3A_521 {strides = array<i32>} : memref<32x32xf32, #tpu.memory_space<vmem>>, vector<16xf32>,
    %add3A_530 = arith.addf %add3A_506, %sub3A_516 : vector<16xf32>
    %add3A_531 = arith.addf %add3A_507, %sub3A_521 : vector<16xf32>
    %mul3A_532 = arith.mulf %sub3A_516, %sub3A_516 : vector<16xf32>
    %add3A_533 = arith.addf %add3A_509, %mul3A_532 : vector<16xf32>
    %mul3A_534 = arith.mulf %sub3A_521, %sub3A_521 : vector<16xf32>
    %add3A_535 = arith.addf %add3A_511, %mul3A_534 : vector<16xf32>
    %get3A_536 = arith.constant 19 : i32
    %get3A_537 = arith.index_cast %get3A_536 : i32 to index
    %get3A_538 = arith.constant 0 : index
    %get3A_539 = tpu.vector_load %arg23[%get3A_537, %get3A_538] {strides = array<i32>} : memref<32x32xf32, #tpu.memory_space<vmem>>, vector<16xf32>,
    %sub3A_540 = arith.subf %get3A_539, %gather3A : vector<16xf32>
    %get3A_541 = arith.constant 19 : i32
    %get3A_542 = arith.index_cast %get3A_541 : i32 to index
    %get3A_543 = arith.constant 16 : index
    %get3A_544 = tpu.vector_load %arg23[%get3A_542, %get3A_543] {strides = array<i32>} : memref<32x32xf32, #tpu.memory_space<vmem>>, vector<16xf32>,
    %sub3A_545 = arith.subf %get3A_544, %gather3A_72 : vector<16xf32>
    %swap3A_546 = arith.constant 19 : i32
    %swap3A_547 = arith.index_cast %swap3A_546 : i32 to index
    %swap3A_548 = arith.constant 0 : index
    %swap3A_549 = tpu.vector_load %arg23[%swap3A_547, %swap3A_548] {strides = array<i32>} : memref<32x32xf32, #tpu.memory_space<vmem>>, vector<16xf32>,
    tpu.vector_store %arg23[%swap3A_547, %swap3A_548], %sub3A_540 {strides = array<i32>} : memref<32x32xf32, #tpu.memory_space<vmem>>, vector<16xf32>,
    %swap3A_550 = arith.constant 19 : i32
    %swap3A_551 = arith.index_cast %swap3A_550 : i32 to index
    %swap3A_552 = arith.constant 16 : index
    %swap3A_553 = tpu.vector_load %arg23[%swap3A_551, %swap3A_552] {strides = array<i32>} : memref<32x32xf32, #tpu.memory_space<vmem>>, vector<16xf32>,
    tpu.vector_store %arg23[%swap3A_551, %swap3A_552], %sub3A_545 {strides = array<i32>} : memref<32x32xf32, #tpu.memory_space<vmem>>, vector<16xf32>,
    %add3A_554 = arith.addf %add3A_530, %sub3A_540 : vector<16xf32>
    %add3A_555 = arith.addf %add3A_531, %sub3A_545 : vector<16xf32>
    %mul3A_556 = arith.mulf %sub3A_540, %sub3A_540 : vector<16xf32>
    %add3A_557 = arith.addf %add3A_533, %mul3A_556 : vector<16xf32>
    %mul3A_558 = arith.mulf %sub3A_545, %sub3A_545 : vector<16xf32>
    %add3A_559 = arith.addf %add3A_535, %mul3A_558 : vector<16xf32>
    %get3A_560 = arith.constant 20 : i32
    %get3A_561 = arith.index_cast %get3A_560 : i32 to index
    %get3A_562 = arith.constant 0 : index
    %get3A_563 = tpu.vector_load %arg23[%get3A_561, %get3A_562] {strides = array<i32>} : memref<32x32xf32, #tpu.memory_space<vmem>>, vector<16xf32>,
    %sub3A_564 = arith.subf %get3A_563, %gather3A : vector<16xf32>
    %get3A_565 = arith.constant 20 : i32
    %get3A_566 = arith.index_cast %get3A_565 : i32 to index
    %get3A_567 = arith.constant 16 : index
    %get3A_568 = tpu.vector_load %arg23[%get3A_566, %get3A_567] {strides = array<i32>} : memref<32x32xf32, #tpu.memory_space<vmem>>, vector<16xf32>,
    %sub3A_569 = arith.subf %get3A_568, %gather3A_72 : vector<16xf32>
    %swap3A_570 = arith.constant 20 : i32
    %swap3A_571 = arith.index_cast %swap3A_570 : i32 to index
    %swap3A_572 = arith.constant 0 : index
    %swap3A_573 = tpu.vector_load %arg23[%swap3A_571, %swap3A_572] {strides = array<i32>} : memref<32x32xf32, #tpu.memory_space<vmem>>, vector<16xf32>,
    tpu.vector_store %arg23[%swap3A_571, %swap3A_572], %sub3A_564 {strides = array<i32>} : memref<32x32xf32, #tpu.memory_space<vmem>>, vector<16xf32>,
    %swap3A_574 = arith.constant 20 : i32
    %swap3A_575 = arith.index_cast %swap3A_574 : i32 to index
    %swap3A_576 = arith.constant 16 : index
    %swap3A_577 = tpu.vector_load %arg23[%swap3A_575, %swap3A_576] {strides = array<i32>} : memref<32x32xf32, #tpu.memory_space<vmem>>, vector<16xf32>,
    tpu.vector_store %arg23[%swap3A_575, %swap3A_576], %sub3A_569 {strides = array<i32>} : memref<32x32xf32, #tpu.memory_space<vmem>>, vector<16xf32>,
    %add3A_578 = arith.addf %add3A_554, %sub3A_564 : vector<16xf32>
    %add3A_579 = arith.addf %add3A_555, %sub3A_569 : vector<16xf32>
    %mul3A_580 = arith.mulf %sub3A_564, %sub3A_564 : vector<16xf32>
    %add3A_581 = arith.addf %add3A_557, %mul3A_580 : vector<16xf32>
    %mul3A_582 = arith.mulf %sub3A_569, %sub3A_569 : vector<16xf32>
    %add3A_583 = arith.addf %add3A_559, %mul3A_582 : vector<16xf32>
    %get3A_584 = arith.constant 21 : i32
    %get3A_585 = arith.index_cast %get3A_584 : i32 to index
    %get3A_586 = arith.constant 0 : index
    %get3A_587 = tpu.vector_load %arg23[%get3A_585, %get3A_586] {strides = array<i32>} : memref<32x32xf32, #tpu.memory_space<vmem>>, vector<16xf32>,
    %sub3A_588 = arith.subf %get3A_587, %gather3A : vector<16xf32>
    %get3A_589 = arith.constant 21 : i32
    %get3A_590 = arith.index_cast %get3A_589 : i32 to index
    %get3A_591 = arith.constant 16 : index
    %get3A_592 = tpu.vector_load %arg23[%get3A_590, %get3A_591] {strides = array<i32>} : memref<32x32xf32, #tpu.memory_space<vmem>>, vector<16xf32>,
    %sub3A_593 = arith.subf %get3A_592, %gather3A_72 : vector<16xf32>
    %swap3A_594 = arith.constant 21 : i32
    %swap3A_595 = arith.index_cast %swap3A_594 : i32 to index
    %swap3A_596 = arith.constant 0 : index
    %swap3A_597 = tpu.vector_load %arg23[%swap3A_595, %swap3A_596] {strides = array<i32>} : memref<32x32xf32, #tpu.memory_space<vmem>>, vector<16xf32>,
    tpu.vector_store %arg23[%swap3A_595, %swap3A_596], %sub3A_588 {strides = array<i32>} : memref<32x32xf32, #tpu.memory_space<vmem>>, vector<16xf32>,
    %swap3A_598 = arith.constant 21 : i32
    %swap3A_599 = arith.index_cast %swap3A_598 : i32 to index
    %swap3A_600 = arith.constant 16 : index
    %swap3A_601 = tpu.vector_load %arg23[%swap3A_599, %swap3A_600] {strides = array<i32>} : memref<32x32xf32, #tpu.memory_space<vmem>>, vector<16xf32>,
    tpu.vector_store %arg23[%swap3A_599, %swap3A_600], %sub3A_593 {strides = array<i32>} : memref<32x32xf32, #tpu.memory_space<vmem>>, vector<16xf32>,
    %add3A_602 = arith.addf %add3A_578, %sub3A_588 : vector<16xf32>
    %add3A_603 = arith.addf %add3A_579, %sub3A_593 : vector<16xf32>
    %mul3A_604 = arith.mulf %sub3A_588, %sub3A_588 : vector<16xf32>
    %add3A_605 = arith.addf %add3A_581, %mul3A_604 : vector<16xf32>
    %mul3A_606 = arith.mulf %sub3A_593, %sub3A_593 : vector<16xf32>
    %add3A_607 = arith.addf %add3A_583, %mul3A_606 : vector<16xf32>
    %get3A_608 = arith.constant 22 : i32
    %get3A_609 = arith.index_cast %get3A_608 : i32 to index
    %get3A_610 = arith.constant 0 : index
    %get3A_611 = tpu.vector_load %arg23[%get3A_609, %get3A_610] {strides = array<i32>} : memref<32x32xf32, #tpu.memory_space<vmem>>, vector<16xf32>,
    %sub3A_612 = arith.subf %get3A_611, %gather3A : vector<16xf32>
    %get3A_613 = arith.constant 22 : i32
    %get3A_614 = arith.index_cast %get3A_613 : i32 to index
    %get3A_615 = arith.constant 16 : index
    %get3A_616 = tpu.vector_load %arg23[%get3A_614, %get3A_615] {strides = array<i32>} : memref<32x32xf32, #tpu.memory_space<vmem>>, vector<16xf32>,
    %sub3A_617 = arith.subf %get3A_616, %gather3A_72 : vector<16xf32>
    %swap3A_618 = arith.constant 22 : i32
    %swap3A_619 = arith.index_cast %swap3A_618 : i32 to index
    %swap3A_620 = arith.constant 0 : index
    %swap3A_621 = tpu.vector_load %arg23[%swap3A_619, %swap3A_620] {strides = array<i32>} : memref<32x32xf32, #tpu.memory_space<vmem>>, vector<16xf32>,
    tpu.vector_store %arg23[%swap3A_619, %swap3A_620], %sub3A_612 {strides = array<i32>} : memref<32x32xf32, #tpu.memory_space<vmem>>, vector<16xf32>,
    %swap3A_622 = arith.constant 22 : i32
    %swap3A_623 = arith.index_cast %swap3A_622 : i32 to index
    %swap3A_624 = arith.constant 16 : index
    %swap3A_625 = tpu.vector_load %arg23[%swap3A_623, %swap3A_624] {strides = array<i32>} : memref<32x32xf32, #tpu.memory_space<vmem>>, vector<16xf32>,
    tpu.vector_store %arg23[%swap3A_623, %swap3A_624], %sub3A_617 {strides = array<i32>} : memref<32x32xf32, #tpu.memory_space<vmem>>, vector<16xf32>,
    %add3A_626 = arith.addf %add3A_602, %sub3A_612 : vector<16xf32>
    %add3A_627 = arith.addf %add3A_603, %sub3A_617 : vector<16xf32>
    %mul3A_628 = arith.mulf %sub3A_612, %sub3A_612 : vector<16xf32>
    %add3A_629 = arith.addf %add3A_605, %mul3A_628 : vector<16xf32>
    %mul3A_630 = arith.mulf %sub3A_617, %sub3A_617 : vector<16xf32>
    %add3A_631 = arith.addf %add3A_607, %mul3A_630 : vector<16xf32>
    %get3A_632 = arith.constant 23 : i32
    %get3A_633 = arith.index_cast %get3A_632 : i32 to index
    %get3A_634 = arith.constant 0 : index
    %get3A_635 = tpu.vector_load %arg23[%get3A_633, %get3A_634] {strides = array<i32>} : memref<32x32xf32, #tpu.memory_space<vmem>>, vector<16xf32>,
    %sub3A_636 = arith.subf %get3A_635, %gather3A : vector<16xf32>
    %get3A_637 = arith.constant 23 : i32
    %get3A_638 = arith.index_cast %get3A_637 : i32 to index
    %get3A_639 = arith.constant 16 : index
    %get3A_640 = tpu.vector_load %arg23[%get3A_638, %get3A_639] {strides = array<i32>} : memref<32x32xf32, #tpu.memory_space<vmem>>, vector<16xf32>,
    %sub3A_641 = arith.subf %get3A_640, %gather3A_72 : vector<16xf32>
    %swap3A_642 = arith.constant 23 : i32
    %swap3A_643 = arith.index_cast %swap3A_642 : i32 to index
    %swap3A_644 = arith.constant 0 : index
    %swap3A_645 = tpu.vector_load %arg23[%swap3A_643, %swap3A_644] {strides = array<i32>} : memref<32x32xf32, #tpu.memory_space<vmem>>, vector<16xf32>,
    tpu.vector_store %arg23[%swap3A_643, %swap3A_644], %sub3A_636 {strides = array<i32>} : memref<32x32xf32, #tpu.memory_space<vmem>>, vector<16xf32>,
    %swap3A_646 = arith.constant 23 : i32
    %swap3A_647 = arith.index_cast %swap3A_646 : i32 to index
    %swap3A_648 = arith.constant 16 : index
    %swap3A_649 = tpu.vector_load %arg23[%swap3A_647, %swap3A_648] {strides = array<i32>} : memref<32x32xf32, #tpu.memory_space<vmem>>, vector<16xf32>,
    tpu.vector_store %arg23[%swap3A_647, %swap3A_648], %sub3A_641 {strides = array<i32>} : memref<32x32xf32, #tpu.memory_space<vmem>>, vector<16xf32>,
    %add3A_650 = arith.addf %add3A_626, %sub3A_636 : vector<16xf32>
    %add3A_651 = arith.addf %add3A_627, %sub3A_641 : vector<16xf32>
    %mul3A_652 = arith.mulf %sub3A_636, %sub3A_636 : vector<16xf32>
    %add3A_653 = arith.addf %add3A_629, %mul3A_652 : vector<16xf32>
    %mul3A_654 = arith.mulf %sub3A_641, %sub3A_641 : vector<16xf32>
    %add3A_655 = arith.addf %add3A_631, %mul3A_654 : vector<16xf32>
    %get3A_656 = arith.constant 24 : i32
    %get3A_657 = arith.index_cast %get3A_656 : i32 to index
    %get3A_658 = arith.constant 0 : index
    %get3A_659 = tpu.vector_load %arg23[%get3A_657, %get3A_658] {strides = array<i32>} : memref<32x32xf32, #tpu.memory_space<vmem>>, vector<16xf32>,
    %sub3A_660 = arith.subf %get3A_659, %gather3A : vector<16xf32>
    %get3A_661 = arith.constant 24 : i32
    %get3A_662 = arith.index_cast %get3A_661 : i32 to index
    %get3A_663 = arith.constant 16 : index
    %get3A_664 = tpu.vector_load %arg23[%get3A_662, %get3A_663] {strides = array<i32>} : memref<32x32xf32, #tpu.memory_space<vmem>>, vector<16xf32>,
    %sub3A_665 = arith.subf %get3A_664, %gather3A_72 : vector<16xf32>
    %swap3A_666 = arith.constant 24 : i32
    %swap3A_667 = arith.index_cast %swap3A_666 : i32 to index
    %swap3A_668 = arith.constant 0 : index
    %swap3A_669 = tpu.vector_load %arg23[%swap3A_667, %swap3A_668] {strides = array<i32>} : memref<32x32xf32, #tpu.memory_space<vmem>>, vector<16xf32>,
    tpu.vector_store %arg23[%swap3A_667, %swap3A_668], %sub3A_660 {strides = array<i32>} : memref<32x32xf32, #tpu.memory_space<vmem>>, vector<16xf32>,
    %swap3A_670 = arith.constant 24 : i32
    %swap3A_671 = arith.index_cast %swap3A_670 : i32 to index
    %swap3A_672 = arith.constant 16 : index
    %swap3A_673 = tpu.vector_load %arg23[%swap3A_671, %swap3A_672] {strides = array<i32>} : memref<32x32xf32, #tpu.memory_space<vmem>>, vector<16xf32>,
    tpu.vector_store %arg23[%swap3A_671, %swap3A_672], %sub3A_665 {strides = array<i32>} : memref<32x32xf32, #tpu.memory_space<vmem>>, vector<16xf32>,
    %add3A_674 = arith.addf %add3A_650, %sub3A_660 : vector<16xf32>
    %add3A_675 = arith.addf %add3A_651, %sub3A_665 : vector<16xf32>
    %mul3A_676 = arith.mulf %sub3A_660, %sub3A_660 : vector<16xf32>
    %add3A_677 = arith.addf %add3A_653, %mul3A_676 : vector<16xf32>
    %mul3A_678 = arith.mulf %sub3A_665, %sub3A_665 : vector<16xf32>
    %add3A_679 = arith.addf %add3A_655, %mul3A_678 : vector<16xf32>
    %get3A_680 = arith.constant 25 : i32
    %get3A_681 = arith.index_cast %get3A_680 : i32 to index
    %get3A_682 = arith.constant 0 : index
    %get3A_683 = tpu.vector_load %arg23[%get3A_681, %get3A_682] {strides = array<i32>} : memref<32x32xf32, #tpu.memory_space<vmem>>, vector<16xf32>,
    %sub3A_684 = arith.subf %get3A_683, %gather3A : vector<16xf32>
    %get3A_685 = arith.constant 25 : i32
    %get3A_686 = arith.index_cast %get3A_685 : i32 to index
    %get3A_687 = arith.constant 16 : index
    %get3A_688 = tpu.vector_load %arg23[%get3A_686, %get3A_687] {strides = array<i32>} : memref<32x32xf32, #tpu.memory_space<vmem>>, vector<16xf32>,
    %sub3A_689 = arith.subf %get3A_688, %gather3A_72 : vector<16xf32>
    %swap3A_690 = arith.constant 25 : i32
    %swap3A_691 = arith.index_cast %swap3A_690 : i32 to index
    %swap3A_692 = arith.constant 0 : index
    %swap3A_693 = tpu.vector_load %arg23[%swap3A_691, %swap3A_692] {strides = array<i32>} : memref<32x32xf32, #tpu.memory_space<vmem>>, vector<16xf32>,
    tpu.vector_store %arg23[%swap3A_691, %swap3A_692], %sub3A_684 {strides = array<i32>} : memref<32x32xf32, #tpu.memory_space<vmem>>, vector<16xf32>,
    %swap3A_694 = arith.constant 25 : i32
    %swap3A_695 = arith.index_cast %swap3A_694 : i32 to index
    %swap3A_696 = arith.constant 16 : index
    %swap3A_697 = tpu.vector_load %arg23[%swap3A_695, %swap3A_696] {strides = array<i32>} : memref<32x32xf32, #tpu.memory_space<vmem>>, vector<16xf32>,
    tpu.vector_store %arg23[%swap3A_695, %swap3A_696], %sub3A_689 {strides = array<i32>} : memref<32x32xf32, #tpu.memory_space<vmem>>, vector<16xf32>,
    %add3A_698 = arith.addf %add3A_674, %sub3A_684 : vector<16xf32>
    %add3A_699 = arith.addf %add3A_675, %sub3A_689 : vector<16xf32>
    %mul3A_700 = arith.mulf %sub3A_684, %sub3A_684 : vector<16xf32>
    %add3A_701 = arith.addf %add3A_677, %mul3A_700 : vector<16xf32>
    %mul3A_702 = arith.mulf %sub3A_689, %sub3A_689 : vector<16xf32>
    %add3A_703 = arith.addf %add3A_679, %mul3A_702 : vector<16xf32>
    %get3A_704 = arith.constant 26 : i32
    %get3A_705 = arith.index_cast %get3A_704 : i32 to index
    %get3A_706 = arith.constant 0 : index
    %get3A_707 = tpu.vector_load %arg23[%get3A_705, %get3A_706] {strides = array<i32>} : memref<32x32xf32, #tpu.memory_space<vmem>>, vector<16xf32>,
    %sub3A_708 = arith.subf %get3A_707, %gather3A : vector<16xf32>
    %get3A_709 = arith.constant 26 : i32
    %get3A_710 = arith.index_cast %get3A_709 : i32 to index
    %get3A_711 = arith.constant 16 : index
    %get3A_712 = tpu.vector_load %arg23[%get3A_710, %get3A_711] {strides = array<i32>} : memref<32x32xf32, #tpu.memory_space<vmem>>, vector<16xf32>,
    %sub3A_713 = arith.subf %get3A_712, %gather3A_72 : vector<16xf32>
    %swap3A_714 = arith.constant 26 : i32
    %swap3A_715 = arith.index_cast %swap3A_714 : i32 to index
    %swap3A_716 = arith.constant 0 : index
    %swap3A_717 = tpu.vector_load %arg23[%swap3A_715, %swap3A_716] {strides = array<i32>} : memref<32x32xf32, #tpu.memory_space<vmem>>, vector<16xf32>,
    tpu.vector_store %arg23[%swap3A_715, %swap3A_716], %sub3A_708 {strides = array<i32>} : memref<32x32xf32, #tpu.memory_space<vmem>>, vector<16xf32>,
    %swap3A_718 = arith.constant 26 : i32
    %swap3A_719 = arith.index_cast %swap3A_718 : i32 to index
    %swap3A_720 = arith.constant 16 : index
    %swap3A_721 = tpu.vector_load %arg23[%swap3A_719, %swap3A_720] {strides = array<i32>} : memref<32x32xf32, #tpu.memory_space<vmem>>, vector<16xf32>,
    tpu.vector_store %arg23[%swap3A_719, %swap3A_720], %sub3A_713 {strides = array<i32>} : memref<32x32xf32, #tpu.memory_space<vmem>>, vector<16xf32>,
    %add3A_722 = arith.addf %add3A_698, %sub3A_708 : vector<16xf32>
    %add3A_723 = arith.addf %add3A_699, %sub3A_713 : vector<16xf32>
    %mul3A_724 = arith.mulf %sub3A_708, %sub3A_708 : vector<16xf32>
    %add3A_725 = arith.addf %add3A_701, %mul3A_724 : vector<16xf32>
    %mul3A_726 = arith.mulf %sub3A_713, %sub3A_713 : vector<16xf32>
    %add3A_727 = arith.addf %add3A_703, %mul3A_726 : vector<16xf32>
    %get3A_728 = arith.constant 27 : i32
    %get3A_729 = arith.index_cast %get3A_728 : i32 to index
    %get3A_730 = arith.constant 0 : index
    %get3A_731 = tpu.vector_load %arg23[%get3A_729, %get3A_730] {strides = array<i32>} : memref<32x32xf32, #tpu.memory_space<vmem>>, vector<16xf32>,
    %sub3A_732 = arith.subf %get3A_731, %gather3A : vector<16xf32>
    %get3A_733 = arith.constant 27 : i32
    %get3A_734 = arith.index_cast %get3A_733 : i32 to index
    %get3A_735 = arith.constant 16 : index
    %get3A_736 = tpu.vector_load %arg23[%get3A_734, %get3A_735] {strides = array<i32>} : memref<32x32xf32, #tpu.memory_space<vmem>>, vector<16xf32>,
    %sub3A_737 = arith.subf %get3A_736, %gather3A_72 : vector<16xf32>
    %swap3A_738 = arith.constant 27 : i32
    %swap3A_739 = arith.index_cast %swap3A_738 : i32 to index
    %swap3A_740 = arith.constant 0 : index
    %swap3A_741 = tpu.vector_load %arg23[%swap3A_739, %swap3A_740] {strides = array<i32>} : memref<32x32xf32, #tpu.memory_space<vmem>>, vector<16xf32>,
    tpu.vector_store %arg23[%swap3A_739, %swap3A_740], %sub3A_732 {strides = array<i32>} : memref<32x32xf32, #tpu.memory_space<vmem>>, vector<16xf32>,
    %swap3A_742 = arith.constant 27 : i32
    %swap3A_743 = arith.index_cast %swap3A_742 : i32 to index
    %swap3A_744 = arith.constant 16 : index
    %swap3A_745 = tpu.vector_load %arg23[%swap3A_743, %swap3A_744] {strides = array<i32>} : memref<32x32xf32, #tpu.memory_space<vmem>>, vector<16xf32>,
    tpu.vector_store %arg23[%swap3A_743, %swap3A_744], %sub3A_737 {strides = array<i32>} : memref<32x32xf32, #tpu.memory_space<vmem>>, vector<16xf32>,
    %add3A_746 = arith.addf %add3A_722, %sub3A_732 : vector<16xf32>
    %add3A_747 = arith.addf %add3A_723, %sub3A_737 : vector<16xf32>
    %mul3A_748 = arith.mulf %sub3A_732, %sub3A_732 : vector<16xf32>
    %add3A_749 = arith.addf %add3A_725, %mul3A_748 : vector<16xf32>
    %mul3A_750 = arith.mulf %sub3A_737, %sub3A_737 : vector<16xf32>
    %add3A_751 = arith.addf %add3A_727, %mul3A_750 : vector<16xf32>
    %get3A_752 = arith.constant 28 : i32
    %get3A_753 = arith.index_cast %get3A_752 : i32 to index
    %get3A_754 = arith.constant 0 : index
    %get3A_755 = tpu.vector_load %arg23[%get3A_753, %get3A_754] {strides = array<i32>} : memref<32x32xf32, #tpu.memory_space<vmem>>, vector<16xf32>,
    %sub3A_756 = arith.subf %get3A_755, %gather3A : vector<16xf32>
    %get3A_757 = arith.constant 28 : i32
    %get3A_758 = arith.index_cast %get3A_757 : i32 to index
    %get3A_759 = arith.constant 16 : index
    %get3A_760 = tpu.vector_load %arg23[%get3A_758, %get3A_759] {strides = array<i32>} : memref<32x32xf32, #tpu.memory_space<vmem>>, vector<16xf32>,
    %sub3A_761 = arith.subf %get3A_760, %gather3A_72 : vector<16xf32>
    %swap3A_762 = arith.constant 28 : i32
    %swap3A_763 = arith.index_cast %swap3A_762 : i32 to index
    %swap3A_764 = arith.constant 0 : index
    %swap3A_765 = tpu.vector_load %arg23[%swap3A_763, %swap3A_764] {strides = array<i32>} : memref<32x32xf32, #tpu.memory_space<vmem>>, vector<16xf32>,
    tpu.vector_store %arg23[%swap3A_763, %swap3A_764], %sub3A_756 {strides = array<i32>} : memref<32x32xf32, #tpu.memory_space<vmem>>, vector<16xf32>,
    %swap3A_766 = arith.constant 28 : i32
    %swap3A_767 = arith.index_cast %swap3A_766 : i32 to index
    %swap3A_768 = arith.constant 16 : index
    %swap3A_769 = tpu.vector_load %arg23[%swap3A_767, %swap3A_768] {strides = array<i32>} : memref<32x32xf32, #tpu.memory_space<vmem>>, vector<16xf32>,
    tpu.vector_store %arg23[%swap3A_767, %swap3A_768], %sub3A_761 {strides = array<i32>} : memref<32x32xf32, #tpu.memory_space<vmem>>, vector<16xf32>,
    %add3A_770 = arith.addf %add3A_746, %sub3A_756 : vector<16xf32>
    %add3A_771 = arith.addf %add3A_747, %sub3A_761 : vector<16xf32>
    %mul3A_772 = arith.mulf %sub3A_756, %sub3A_756 : vector<16xf32>
    %add3A_773 = arith.addf %add3A_749, %mul3A_772 : vector<16xf32>
    %mul3A_774 = arith.mulf %sub3A_761, %sub3A_761 : vector<16xf32>
    %add3A_775 = arith.addf %add3A_751, %mul3A_774 : vector<16xf32>
    %get3A_776 = arith.constant 29 : i32
    %get3A_777 = arith.index_cast %get3A_776 : i32 to index
    %get3A_778 = arith.constant 0 : index
    %get3A_779 = tpu.vector_load %arg23[%get3A_777, %get3A_778] {strides = array<i32>} : memref<32x32xf32, #tpu.memory_space<vmem>>, vector<16xf32>,
    %sub3A_780 = arith.subf %get3A_779, %gather3A : vector<16xf32>
    %get3A_781 = arith.constant 29 : i32
    %get3A_782 = arith.index_cast %get3A_781 : i32 to index
    %get3A_783 = arith.constant 16 : index
    %get3A_784 = tpu.vector_load %arg23[%get3A_782, %get3A_783] {strides = array<i32>} : memref<32x32xf32, #tpu.memory_space<vmem>>, vector<16xf32>,
    %sub3A_785 = arith.subf %get3A_784, %gather3A_72 : vector<16xf32>
    %swap3A_786 = arith.constant 29 : i32
    %swap3A_787 = arith.index_cast %swap3A_786 : i32 to index
    %swap3A_788 = arith.constant 0 : index
    %swap3A_789 = tpu.vector_load %arg23[%swap3A_787, %swap3A_788] {strides = array<i32>} : memref<32x32xf32, #tpu.memory_space<vmem>>, vector<16xf32>,
    tpu.vector_store %arg23[%swap3A_787, %swap3A_788], %sub3A_780 {strides = array<i32>} : memref<32x32xf32, #tpu.memory_space<vmem>>, vector<16xf32>,
    %swap3A_790 = arith.constant 29 : i32
    %swap3A_791 = arith.index_cast %swap3A_790 : i32 to index
    %swap3A_792 = arith.constant 16 : index
    %swap3A_793 = tpu.vector_load %arg23[%swap3A_791, %swap3A_792] {strides = array<i32>} : memref<32x32xf32, #tpu.memory_space<vmem>>, vector<16xf32>,
    tpu.vector_store %arg23[%swap3A_791, %swap3A_792], %sub3A_785 {strides = array<i32>} : memref<32x32xf32, #tpu.memory_space<vmem>>, vector<16xf32>,
    %add3A_794 = arith.addf %add3A_770, %sub3A_780 : vector<16xf32>
    %add3A_795 = arith.addf %add3A_771, %sub3A_785 : vector<16xf32>
    %mul3A_796 = arith.mulf %sub3A_780, %sub3A_780 : vector<16xf32>
    %add3A_797 = arith.addf %add3A_773, %mul3A_796 : vector<16xf32>
    %mul3A_798 = arith.mulf %sub3A_785, %sub3A_785 : vector<16xf32>
    %add3A_799 = arith.addf %add3A_775, %mul3A_798 : vector<16xf32>
    %get3A_800 = arith.constant 30 : i32
    %get3A_801 = arith.index_cast %get3A_800 : i32 to index
    %get3A_802 = arith.constant 0 : index
    %get3A_803 = tpu.vector_load %arg23[%get3A_801, %get3A_802] {strides = array<i32>} : memref<32x32xf32, #tpu.memory_space<vmem>>, vector<16xf32>,
    %sub3A_804 = arith.subf %get3A_803, %gather3A : vector<16xf32>
    %get3A_805 = arith.constant 30 : i32
    %get3A_806 = arith.index_cast %get3A_805 : i32 to index
    %get3A_807 = arith.constant 16 : index
    %get3A_808 = tpu.vector_load %arg23[%get3A_806, %get3A_807] {strides = array<i32>} : memref<32x32xf32, #tpu.memory_space<vmem>>, vector<16xf32>,
    %sub3A_809 = arith.subf %get3A_808, %gather3A_72 : vector<16xf32>
    %swap3A_810 = arith.constant 30 : i32
    %swap3A_811 = arith.index_cast %swap3A_810 : i32 to index
    %swap3A_812 = arith.constant 0 : index
    %swap3A_813 = tpu.vector_load %arg23[%swap3A_811, %swap3A_812] {strides = array<i32>} : memref<32x32xf32, #tpu.memory_space<vmem>>, vector<16xf32>,
    tpu.vector_store %arg23[%swap3A_811, %swap3A_812], %sub3A_804 {strides = array<i32>} : memref<32x32xf32, #tpu.memory_space<vmem>>, vector<16xf32>,
    %swap3A_814 = arith.constant 30 : i32
    %swap3A_815 = arith.index_cast %swap3A_814 : i32 to index
    %swap3A_816 = arith.constant 16 : index
    %swap3A_817 = tpu.vector_load %arg23[%swap3A_815, %swap3A_816] {strides = array<i32>} : memref<32x32xf32, #tpu.memory_space<vmem>>, vector<16xf32>,
    tpu.vector_store %arg23[%swap3A_815, %swap3A_816], %sub3A_809 {strides = array<i32>} : memref<32x32xf32, #tpu.memory_space<vmem>>, vector<16xf32>,
    %add3A_818 = arith.addf %add3A_794, %sub3A_804 : vector<16xf32>
    %add3A_819 = arith.addf %add3A_795, %sub3A_809 : vector<16xf32>
    %mul3A_820 = arith.mulf %sub3A_804, %sub3A_804 : vector<16xf32>
    %add3A_821 = arith.addf %add3A_797, %mul3A_820 : vector<16xf32>
    %mul3A_822 = arith.mulf %sub3A_809, %sub3A_809 : vector<16xf32>
    %add3A_823 = arith.addf %add3A_799, %mul3A_822 : vector<16xf32>
    %get3A_824 = arith.constant 31 : i32
    %get3A_825 = arith.index_cast %get3A_824 : i32 to index
    %get3A_826 = arith.constant 0 : index
    %get3A_827 = tpu.vector_load %arg23[%get3A_825, %get3A_826] {strides = array<i32>} : memref<32x32xf32, #tpu.memory_space<vmem>>, vector<16xf32>,
    %sub3A_828 = arith.subf %get3A_827, %gather3A : vector<16xf32>
    %get3A_829 = arith.constant 31 : i32
    %get3A_830 = arith.index_cast %get3A_829 : i32 to index
    %get3A_831 = arith.constant 16 : index
    %get3A_832 = tpu.vector_load %arg23[%get3A_830, %get3A_831] {strides = array<i32>} : memref<32x32xf32, #tpu.memory_space<vmem>>, vector<16xf32>,
    %sub3A_833 = arith.subf %get3A_832, %gather3A_72 : vector<16xf32>
    %swap3A_834 = arith.constant 31 : i32
    %swap3A_835 = arith.index_cast %swap3A_834 : i32 to index
    %swap3A_836 = arith.constant 0 : index
    %swap3A_837 = tpu.vector_load %arg23[%swap3A_835, %swap3A_836] {strides = array<i32>} : memref<32x32xf32, #tpu.memory_space<vmem>>, vector<16xf32>,
    tpu.vector_store %arg23[%swap3A_835, %swap3A_836], %sub3A_828 {strides = array<i32>} : memref<32x32xf32, #tpu.memory_space<vmem>>, vector<16xf32>,
    %swap3A_838 = arith.constant 31 : i32
    %swap3A_839 = arith.index_cast %swap3A_838 : i32 to index
    %swap3A_840 = arith.constant 16 : index
    %swap3A_841 = tpu.vector_load %arg23[%swap3A_839, %swap3A_840] {strides = array<i32>} : memref<32x32xf32, #tpu.memory_space<vmem>>, vector<16xf32>,
    tpu.vector_store %arg23[%swap3A_839, %swap3A_840], %sub3A_833 {strides = array<i32>} : memref<32x32xf32, #tpu.memory_space<vmem>>, vector<16xf32>,
    %add3A_842 = arith.addf %add3A_818, %sub3A_828 : vector<16xf32>
    %add3A_843 = arith.addf %add3A_819, %sub3A_833 : vector<16xf32>
    %mul3A_844 = arith.mulf %sub3A_828, %sub3A_828 : vector<16xf32>
    %add3A_845 = arith.addf %add3A_821, %mul3A_844 : vector<16xf32>
    %mul3A_846 = arith.mulf %sub3A_833, %sub3A_833 : vector<16xf32>
    %add3A_847 = arith.addf %add3A_823, %mul3A_846 : vector<16xf32>
    %swap3A_848 = arith.constant 0 : index
    %swap3A_849 = tpu.vector_load %arg24[%swap3A_848] {strides = array<i32>} : memref<64xf32, #tpu.memory_space<vmem>>, vector<16xf32>,
    tpu.vector_store %arg24[%swap3A_848], %add3A_842 {strides = array<i32>} : memref<64xf32, #tpu.memory_space<vmem>>, vector<16xf32>,
    %swap3A_850 = arith.constant 16 : index
    %swap3A_851 = tpu.vector_load %arg24[%swap3A_850] {strides = array<i32>} : memref<64xf32, #tpu.memory_space<vmem>>, vector<16xf32>,
    tpu.vector_store %arg24[%swap3A_850], %add3A_843 {strides = array<i32>} : memref<64xf32, #tpu.memory_space<vmem>>, vector<16xf32>,
    %swap3A_852 = arith.constant 32 : index
    %swap3A_853 = tpu.vector_load %arg24[%swap3A_852] {strides = array<i32>} : memref<64xf32, #tpu.memory_space<vmem>>, vector<16xf32>,
    tpu.vector_store %arg24[%swap3A_852], %add3A_845 {strides = array<i32>} : memref<64xf32, #tpu.memory_space<vmem>>, vector<16xf32>,
    %swap3A_854 = arith.constant 48 : index
    %swap3A_855 = tpu.vector_load %arg24[%swap3A_854] {strides = array<i32>} : memref<64xf32, #tpu.memory_space<vmem>>, vector<16xf32>,
    tpu.vector_store %arg24[%swap3A_854], %add3A_847 {strides = array<i32>} : memref<64xf32, #tpu.memory_space<vmem>>, vector<16xf32>,
    %add3A_856 = arith.constant 255 : i32
    %add3A_857 = arith.addi %mul3A_32, %add3A_856 : i32
    %mul3A_858 = arith.constant 32 : i32
    %mul3A_859 = arith.muli %add3A_857, %mul3A_858 : i32
    %dma_start3A = arith.constant 0 : i32
    %dma_start3A_860 = tpu.memref_slice %arg8[%mul3A_859, %dma_start3A] : memref<262144x32xf32, #tpu.memory_space<hbm>> -> memref<32x32xf32, #tpu.memory_space<hbm>>
    %dma_start3A_861 = arith.constant 0 : i32
    %dma_start3A_862 = tpu.memref_slice %arg8[%mul3A_859, %dma_start3A_861] : memref<262144x32xf32, #tpu.memory_space<hbm>> -> memref<32x32xf32, #tpu.memory_space<hbm>>
    tpu.enqueue_dma source(%arg23 : memref<32x32xf32, #tpu.memory_space<vmem>>) target(%dma_start3A_862 : memref<32x32xf32, #tpu.memory_space<hbm>>) target_semaphore(%arg29 : memref<!tpu.dma_semaphore, #tpu.memory_space<semaphore_mem>>)
    %mul3A_863 = arith.constant 32 : i32
    %mul3A_864 = arith.muli %mul3A_32, %mul3A_863 : i32
    %dma_wait3A_865 = arith.constant 0 : i32
    %dma_wait3A_866 = tpu.memref_slice %arg8[%mul3A_864, %dma_wait3A_865] : memref<262144x32xf32, #tpu.memory_space<hbm>> -> memref<32x32xf32, #tpu.memory_space<hbm>>
    %dma_wait3A_867 = arith.constant 0 : i32
    %dma_wait3A_868 = tpu.memref_slice %arg8[%mul3A_864, %dma_wait3A_867] : memref<262144x32xf32, #tpu.memory_space<hbm>> -> memref<32x32xf32, #tpu.memory_space<hbm>>
    tpu.wait_dma2 semaphore(%arg28 : memref<!tpu.dma_semaphore, #tpu.memory_space<semaphore_mem>>) src(%arg22 : memref<32x32xf32, #tpu.memory_space<vmem>>) dst(%dma_wait3A_868 : memref<32x32xf32, #tpu.memory_space<hbm>>)
    %mul3A_869 = arith.constant 32 : i32
    %mul3A_870 = arith.muli %mul3A_32, %mul3A_869 : i32
    %dma_wait3A_871 = arith.constant 0 : i32
    %dma_wait3A_872 = tpu.memref_slice %arg8[%mul3A_870, %dma_wait3A_871] : memref<262144x32xf32, #tpu.memory_space<hbm>> -> memref<32x32xf32, #tpu.memory_space<hbm>>
    %dma_wait3A_873 = arith.constant 0 : i32
    %dma_wait3A_874 = tpu.memref_slice %arg8[%mul3A_870, %dma_wait3A_873] : memref<262144x32xf32, #tpu.memory_space<hbm>> -> memref<32x32xf32, #tpu.memory_space<hbm>>
    tpu.wait_dma2 semaphore(%arg29 : memref<!tpu.dma_semaphore, #tpu.memory_space<semaphore_mem>>) src(%arg23 : memref<32x32xf32, #tpu.memory_space<vmem>>) dst(%dma_wait3A_874 : memref<32x32xf32, #tpu.memory_space<hbm>>)
    %get3A_875 = arith.constant 0 : index
    %get3A_876 = tpu.vector_load %arg24[%get3A_875] {strides = array<i32>} : memref<64xf32, #tpu.memory_space<vmem>>, vector<16xf32>,
    %swap3A_877 = arith.constant 0 : index
    %swap3A_878 = tpu.vector_load %arg25[%swap3A_877] {strides = array<i32>} : memref<64xf32, #tpu.memory_space<vmem>>, vector<16xf32>,
    tpu.vector_store %arg25[%swap3A_877], %get3A_876 {strides = array<i32>} : memref<64xf32, #tpu.memory_space<vmem>>, vector<16xf32>,
    %get3A_879 = arith.constant 16 : index
    %get3A_880 = tpu.vector_load %arg24[%get3A_879] {strides = array<i32>} : memref<64xf32, #tpu.memory_space<vmem>>, vector<16xf32>,
    %swap3A_881 = arith.constant 16 : index
    %swap3A_882 = tpu.vector_load %arg25[%swap3A_881] {strides = array<i32>} : memref<64xf32, #tpu.memory_space<vmem>>, vector<16xf32>,
    tpu.vector_store %arg25[%swap3A_881], %get3A_880 {strides = array<i32>} : memref<64xf32, #tpu.memory_space<vmem>>, vector<16xf32>,
    %get3A_883 = arith.constant 32 : index
    %get3A_884 = tpu.vector_load %arg24[%get3A_883] {strides = array<i32>} : memref<64xf32, #tpu.memory_space<vmem>>, vector<16xf32>,
    %swap3A_885 = arith.constant 32 : index
    %swap3A_886 = tpu.vector_load %arg25[%swap3A_885] {strides = array<i32>} : memref<64xf32, #tpu.memory_space<vmem>>, vector<16xf32>,
    tpu.vector_store %arg25[%swap3A_885], %get3A_884 {strides = array<i32>} : memref<64xf32, #tpu.memory_space<vmem>>, vector<16xf32>,
    %get3A_887 = arith.constant 48 : index
    %get3A_888 = tpu.vector_load %arg24[%get3A_887] {strides = array<i32>} : memref<64xf32, #tpu.memory_space<vmem>>, vector<16xf32>,
    %swap3A_889 = arith.constant 48 : index
    %swap3A_890 = tpu.vector_load %arg25[%swap3A_889] {strides = array<i32>} : memref<64xf32, #tpu.memory_space<vmem>>, vector<16xf32>,
    tpu.vector_store %arg25[%swap3A_889], %get3A_888 {strides = array<i32>} : memref<64xf32, #tpu.memory_space<vmem>>, vector<16xf32>,
    "tpu.region"() ({
      %run_scoped3A_891 = tpu.sem_alloc : memref<!tpu.dma_semaphore, #tpu.memory_space<semaphore_mem>>
      %dma_start3A_892 = arith.constant 0 : i32
      %dma_start3A_893 = tpu.memref_slice %arg9[%add3A, %dma_start3A_892] : memref<32x64xf32, #tpu.memory_space<hbm>> -> memref<1x64xf32, #tpu.memory_space<hbm>>
      %dma_start3A_894 = tpu.memref_squeeze %dma_start3A_893 : memref<1x64xf32, #tpu.memory_space<hbm>> -> memref<64xf32, #tpu.memory_space<hbm>>
      %dma_start3A_895 = arith.constant 0 : i32
      %dma_start3A_896 = tpu.memref_slice %arg9[%add3A, %dma_start3A_895] : memref<32x64xf32, #tpu.memory_space<hbm>> -> memref<1x64xf32, #tpu.memory_space<hbm>>
      %dma_start3A_897 = tpu.memref_squeeze %dma_start3A_896 : memref<1x64xf32, #tpu.memory_space<hbm>> -> memref<64xf32, #tpu.memory_space<hbm>>
      tpu.enqueue_dma source(%arg25 : memref<64xf32, #tpu.memory_space<vmem>>) target(%dma_start3A_897 : memref<64xf32, #tpu.memory_space<hbm>>) target_semaphore(%run_scoped3A_891 : memref<!tpu.dma_semaphore, #tpu.memory_space<semaphore_mem>>)
      %dma_wait3A_898 = arith.constant 0 : i32
      %dma_wait3A_899 = tpu.memref_slice %arg9[%add3A, %dma_wait3A_898] : memref<32x64xf32, #tpu.memory_space<hbm>> -> memref<1x64xf32, #tpu.memory_space<hbm>>
      %dma_wait3A_900 = tpu.memref_squeeze %dma_wait3A_899 : memref<1x64xf32, #tpu.memory_space<hbm>> -> memref<64xf32, #tpu.memory_space<hbm>>
      %dma_wait3A_901 = arith.constant 0 : i32
      %dma_wait3A_902 = tpu.memref_slice %arg9[%add3A, %dma_wait3A_901] : memref<32x64xf32, #tpu.memory_space<hbm>> -> memref<1x64xf32, #tpu.memory_space<hbm>>
      %dma_wait3A_903 = tpu.memref_squeeze %dma_wait3A_902 : memref<1x64xf32, #tpu.memory_space<hbm>> -> memref<64xf32, #tpu.memory_space<hbm>>
      tpu.wait_dma2 semaphore(%run_scoped3A_891 : memref<!tpu.dma_semaphore, #tpu.memory_space<semaphore_mem>>) src(%arg25 : memref<64xf32, #tpu.memory_space<vmem>>) dst(%dma_wait3A_903 : memref<64xf32, #tpu.memory_space<hbm>>)
      tpu.yield
    }) : () -> ()
    return
  }
}

module attributes {stable_mosaic.version = 14 : i64} {
  func.func @_fps_body(%arg0: memref<3x8x4096xf32, #tpu.memory_space<vmem>>, %arg1: memref<3x8x1024xf32, #tpu.memory_space<vmem>>) attributes {dimension_semantics = [], scalar_prefetch = 0 : i64, scratch_operands = 0 : i64, tpu.core_type = #tpu.core_type<tc>} {
    %get3A = arith.constant 0 : index
    %get3A_0 = arith.constant 0 : index
    %get3A_1 = arith.constant 0 : index
    %get3A_2 = vector.load %arg0[%get3A, %get3A_0, %get3A_1] : memref<3x8x4096xf32, #tpu.memory_space<vmem>>, vector<1x8x4096xf32>
    %get3A_3 = vector.shape_cast %get3A_2 : vector<1x8x4096xf32> to vector<8x4096xf32>
    %get3A_4 = arith.constant 1 : index
    %get3A_5 = arith.constant 0 : index
    %get3A_6 = arith.constant 0 : index
    %get3A_7 = vector.load %arg0[%get3A_4, %get3A_5, %get3A_6] : memref<3x8x4096xf32, #tpu.memory_space<vmem>>, vector<1x8x4096xf32>
    %get3A_8 = vector.shape_cast %get3A_7 : vector<1x8x4096xf32> to vector<8x4096xf32>
    %get3A_9 = arith.constant 2 : index
    %get3A_10 = arith.constant 0 : index
    %get3A_11 = arith.constant 0 : index
    %get3A_12 = vector.load %arg0[%get3A_9, %get3A_10, %get3A_11] : memref<3x8x4096xf32, #tpu.memory_space<vmem>>, vector<1x8x4096xf32>
    %get3A_13 = vector.shape_cast %get3A_12 : vector<1x8x4096xf32> to vector<8x4096xf32>
    %iota3A = tpu.iota {dimensions = array<i32: 1>} : vector<8x4096xi32>
    %iota3A_14 = tpu.iota {dimensions = array<i32: 1>} : vector<8x128xi32>
    %broadcast_in_dim3A = arith.constant 1.000000e+10 : f32
    %broadcast_in_dim3A_15 = vector.broadcast %broadcast_in_dim3A : f32 to vector<8x4096xf32>
    %broadcast_in_dim3A_16 = arith.constant 0 : i32
    %broadcast_in_dim3A_17 = vector.broadcast %broadcast_in_dim3A_16 : i32 to vector<8x1xi32>
    %scan3A = arith.constant 0 : i32
    %scan3A_18 = arith.constant 8 : i32
    %scan3A_19 = arith.addi %scan3A, %scan3A_18 : i32
    %scan3A_20 = arith.constant 1 : i32
    %scan3A_21:2 = scf.for %scan3A_23 = %scan3A to %scan3A_19 step %scan3A_20 iter_args(%scan3A_24 = %broadcast_in_dim3A_15, %scan3A_25 = %broadcast_in_dim3A_17) -> (vector<8x4096xf32>, vector<8x1xi32>)  : i32 {
      %broadcast_in_dim3A_26 = arith.constant 0.000000e+00 : f32
      %broadcast_in_dim3A_27 = vector.broadcast %broadcast_in_dim3A_26 : f32 to vector<8x128xf32>
      %scan3A_28 = arith.constant 0 : i32
      %scan3A_29 = arith.constant 128 : i32
      %scan3A_30 = arith.addi %scan3A_28, %scan3A_29 : i32
      %scan3A_31 = arith.constant 1 : i32
      %scan3A_32:5 = scf.for %scan3A_52 = %scan3A_28 to %scan3A_30 step %scan3A_31 iter_args(%scan3A_53 = %scan3A_24, %scan3A_54 = %scan3A_25, %scan3A_55 = %broadcast_in_dim3A_27, %scan3A_56 = %broadcast_in_dim3A_27, %scan3A_57 = %broadcast_in_dim3A_27) -> (vector<8x4096xf32>, vector<8x1xi32>, vector<8x128xf32>, vector<8x128xf32>, vector<8x128xf32>)  : i32 {
        %eq3A = vector.broadcast %scan3A_54 : vector<8x1xi32> to vector<8x4096xi32>
        %eq3A_58 = arith.cmpi eq, %iota3A, %eq3A : vector<8x4096xi32>
        %jit3A = arith.constant 0.000000e+00 : f32
        %broadcast_in_dim3A_59 = vector.broadcast %jit3A : f32 to vector<8x4096xf32>
        %select_n3A = arith.select %eq3A_58, %get3A_3, %broadcast_in_dim3A_59 : vector<8x4096xi1>, vector<8x4096xf32>
        %reduce_sum3A = arith.constant dense<0.000000e+00> : vector<8xf32>
        %reduce_sum3A_60 = vector.multi_reduction <add>, %select_n3A, %reduce_sum3A [1] : vector<8x4096xf32> to vector<8xf32>
        %broadcast_in_dim3A_61 = vector.shape_cast %reduce_sum3A_60 : vector<8xf32> to vector<8x1xf32>
        %jit3A_62 = arith.constant 0.000000e+00 : f32
        %broadcast_in_dim3A_63 = vector.broadcast %jit3A_62 : f32 to vector<8x4096xf32>
        %select_n3A_64 = arith.select %eq3A_58, %get3A_8, %broadcast_in_dim3A_63 : vector<8x4096xi1>, vector<8x4096xf32>
        %reduce_sum3A_65 = arith.constant dense<0.000000e+00> : vector<8xf32>
        %reduce_sum3A_66 = vector.multi_reduction <add>, %select_n3A_64, %reduce_sum3A_65 [1] : vector<8x4096xf32> to vector<8xf32>
        %broadcast_in_dim3A_67 = vector.shape_cast %reduce_sum3A_66 : vector<8xf32> to vector<8x1xf32>
        %jit3A_68 = arith.constant 0.000000e+00 : f32
        %broadcast_in_dim3A_69 = vector.broadcast %jit3A_68 : f32 to vector<8x4096xf32>
        %select_n3A_70 = arith.select %eq3A_58, %get3A_13, %broadcast_in_dim3A_69 : vector<8x4096xi1>, vector<8x4096xf32>
        %reduce_sum3A_71 = arith.constant dense<0.000000e+00> : vector<8xf32>
        %reduce_sum3A_72 = vector.multi_reduction <add>, %select_n3A_70, %reduce_sum3A_71 [1] : vector<8x4096xf32> to vector<8xf32>
        %broadcast_in_dim3A_73 = vector.shape_cast %reduce_sum3A_72 : vector<8xf32> to vector<8x1xf32>
        %eq3A_74 = vector.broadcast %scan3A_52 : i32 to vector<8x128xi32>
        %eq3A_75 = arith.cmpi eq, %iota3A_14, %eq3A_74 : vector<8x128xi32>
        %broadcast_in_dim3A_76 = vector.shape_cast %broadcast_in_dim3A_61 : vector<8x1xf32> to vector<8x1xf32>
        %broadcast_in_dim3A_77 = vector.broadcast %broadcast_in_dim3A_76 : vector<8x1xf32> to vector<8x128xf32>
        %select_n3A_78 = arith.select %eq3A_75, %broadcast_in_dim3A_77, %scan3A_55 : vector<8x128xi1>, vector<8x128xf32>
        %broadcast_in_dim3A_79 = vector.shape_cast %broadcast_in_dim3A_67 : vector<8x1xf32> to vector<8x1xf32>
        %broadcast_in_dim3A_80 = vector.broadcast %broadcast_in_dim3A_79 : vector<8x1xf32> to vector<8x128xf32>
        %select_n3A_81 = arith.select %eq3A_75, %broadcast_in_dim3A_80, %scan3A_56 : vector<8x128xi1>, vector<8x128xf32>
        %broadcast_in_dim3A_82 = vector.shape_cast %broadcast_in_dim3A_73 : vector<8x1xf32> to vector<8x1xf32>
        %broadcast_in_dim3A_83 = vector.broadcast %broadcast_in_dim3A_82 : vector<8x1xf32> to vector<8x128xf32>
        %select_n3A_84 = arith.select %eq3A_75, %broadcast_in_dim3A_83, %scan3A_57 : vector<8x128xi1>, vector<8x128xf32>
        %sub3A = vector.broadcast %broadcast_in_dim3A_61 : vector<8x1xf32> to vector<8x4096xf32>
        %sub3A_85 = arith.subf %get3A_3, %sub3A : vector<8x4096xf32>
        %sub3A_86 = vector.broadcast %broadcast_in_dim3A_67 : vector<8x1xf32> to vector<8x4096xf32>
        %sub3A_87 = arith.subf %get3A_8, %sub3A_86 : vector<8x4096xf32>
        %sub3A_88 = vector.broadcast %broadcast_in_dim3A_73 : vector<8x1xf32> to vector<8x4096xf32>
        %sub3A_89 = arith.subf %get3A_13, %sub3A_88 : vector<8x4096xf32>
        %mul3A_90 = arith.mulf %sub3A_85, %sub3A_85 : vector<8x4096xf32>
        %mul3A_91 = arith.mulf %sub3A_87, %sub3A_87 : vector<8x4096xf32>
        %add3A = arith.addf %mul3A_90, %mul3A_91 : vector<8x4096xf32>
        %mul3A_92 = arith.mulf %sub3A_89, %sub3A_89 : vector<8x4096xf32>
        %add3A_93 = arith.addf %add3A, %mul3A_92 : vector<8x4096xf32>
        %min3A = arith.minimumf %scan3A_53, %add3A_93 : vector<8x4096xf32>
        %reduce_max3A = arith.constant dense<0xFF800000> : vector<8xf32>
        %reduce_max3A_94 = vector.multi_reduction <maximumf>, %min3A, %reduce_max3A [1] : vector<8x4096xf32> to vector<8xf32>
        %broadcast_in_dim3A_95 = vector.shape_cast %reduce_max3A_94 : vector<8xf32> to vector<8x1xf32>
        %eq3A_96 = vector.broadcast %broadcast_in_dim3A_95 : vector<8x1xf32> to vector<8x4096xf32>
        %eq3A_97 = arith.cmpf oeq, %min3A, %eq3A_96 : vector<8x4096xf32>
        %jit3A_98 = arith.constant 4096 : i32
        %broadcast_in_dim3A_99 = vector.broadcast %jit3A_98 : i32 to vector<8x4096xi32>
        %select_n3A_100 = arith.select %eq3A_97, %iota3A, %broadcast_in_dim3A_99 : vector<8x4096xi1>, vector<8x4096xi32>
        %reduce_min3A = arith.constant dense<2147483647> : vector<8xi32>
        %reduce_min3A_101 = vector.multi_reduction <minsi>, %select_n3A_100, %reduce_min3A [1] : vector<8x4096xi32> to vector<8xi32>
        %broadcast_in_dim3A_102 = vector.shape_cast %reduce_min3A_101 : vector<8xi32> to vector<8x1xi32>
        scf.yield %min3A, %broadcast_in_dim3A_102, %select_n3A_78, %select_n3A_81, %select_n3A_84 : vector<8x4096xf32>, vector<8x1xi32>, vector<8x128xf32>, vector<8x128xf32>, vector<8x128xf32>
      }
      %scan3A_33 = arith.constant 128 : i32
      %mul3A = arith.constant 128 : i32
      %mul3A_34 = arith.muli %scan3A_23, %mul3A : i32
      %multiple_of3A = tpu.assume_multiple %mul3A_34, 128 : i32
      %swap3A = arith.constant 0 : index
      %swap3A_35 = arith.constant 0 : index
      %swap3A_36 = arith.index_cast %multiple_of3A : i32 to index
      %swap3A_37 = vector.load %arg1[%swap3A, %swap3A_35, %swap3A_36] : memref<3x8x1024xf32, #tpu.memory_space<vmem>>, vector<1x8x128xf32>
      %swap3A_38 = vector.shape_cast %swap3A_37 : vector<1x8x128xf32> to vector<8x128xf32>
      %swap3A_39 = vector.shape_cast %scan3A_32#2 : vector<8x128xf32> to vector<1x8x128xf32>
      tpu.vector_store %arg1[%swap3A, %swap3A_35, %swap3A_36], %swap3A_39 {strides = array<i32>} : memref<3x8x1024xf32, #tpu.memory_space<vmem>>, vector<1x8x128xf32>,
      %swap3A_40 = arith.constant 1 : index
      %swap3A_41 = arith.constant 0 : index
      %swap3A_42 = arith.index_cast %multiple_of3A : i32 to index
      %swap3A_43 = vector.load %arg1[%swap3A_40, %swap3A_41, %swap3A_42] : memref<3x8x1024xf32, #tpu.memory_space<vmem>>, vector<1x8x128xf32>
      %swap3A_44 = vector.shape_cast %swap3A_43 : vector<1x8x128xf32> to vector<8x128xf32>
      %swap3A_45 = vector.shape_cast %scan3A_32#3 : vector<8x128xf32> to vector<1x8x128xf32>
      tpu.vector_store %arg1[%swap3A_40, %swap3A_41, %swap3A_42], %swap3A_45 {strides = array<i32>} : memref<3x8x1024xf32, #tpu.memory_space<vmem>>, vector<1x8x128xf32>,
      %swap3A_46 = arith.constant 2 : index
      %swap3A_47 = arith.constant 0 : index
      %swap3A_48 = arith.index_cast %multiple_of3A : i32 to index
      %swap3A_49 = vector.load %arg1[%swap3A_46, %swap3A_47, %swap3A_48] : memref<3x8x1024xf32, #tpu.memory_space<vmem>>, vector<1x8x128xf32>
      %swap3A_50 = vector.shape_cast %swap3A_49 : vector<1x8x128xf32> to vector<8x128xf32>
      %swap3A_51 = vector.shape_cast %scan3A_32#4 : vector<8x128xf32> to vector<1x8x128xf32>
      tpu.vector_store %arg1[%swap3A_46, %swap3A_47, %swap3A_48], %swap3A_51 {strides = array<i32>} : memref<3x8x1024xf32, #tpu.memory_space<vmem>>, vector<1x8x128xf32>,
      scf.yield %scan3A_32#0, %scan3A_32#1 : vector<8x4096xf32>, vector<8x1xi32>
    }
    %scan3A_22 = arith.constant 8 : i32
    return
  }
}

module attributes {stable_mosaic.version = 14 : i64} {
  func.func @_proj_c_body(%arg0: memref<8192x3xf32, #tpu.memory_space<vmem>>, %arg1: memref<3x32xf32, #tpu.memory_space<vmem>>, %arg2: memref<8192x32xf32, #tpu.memory_space<vmem>>, %arg3: memref<8192x1xf32, #tpu.memory_space<vmem>>) attributes {dimension_semantics = [], scalar_prefetch = 0 : i64, scratch_operands = 0 : i64, tpu.core_type = #tpu.core_type<tc>} {
    %get3A = arith.constant 0 : index
    %get3A_0 = arith.constant 0 : index
    %get3A_1 = vector.load %arg0[%get3A, %get3A_0] : memref<8192x3xf32, #tpu.memory_space<vmem>>, vector<8192x3xf32>
    %mul3A = arith.mulf %get3A_1, %get3A_1 : vector<8192x3xf32>
    %reduce_sum3A = arith.constant dense<0.000000e+00> : vector<8192xf32>
    %reduce_sum3A_2 = vector.multi_reduction <add>, %mul3A, %reduce_sum3A [1] : vector<8192x3xf32> to vector<8192xf32>
    %broadcast_in_dim3A = vector.shape_cast %reduce_sum3A_2 : vector<8192xf32> to vector<8192x1xf32>
    %swap3A = arith.constant 0 : index
    %swap3A_3 = arith.constant 0 : index
    %swap3A_4 = vector.load %arg3[%swap3A, %swap3A_3] : memref<8192x1xf32, #tpu.memory_space<vmem>>, vector<8192x1xf32>
    tpu.vector_store %arg3[%swap3A, %swap3A_3], %broadcast_in_dim3A {strides = array<i32>} : memref<8192x1xf32, #tpu.memory_space<vmem>>, vector<8192x1xf32>,
    %get3A_5 = arith.constant 0 : index
    %get3A_6 = arith.constant 0 : index
    %get3A_7 = vector.load %arg1[%get3A_5, %get3A_6] : memref<3x32xf32, #tpu.memory_space<vmem>>, vector<3x32xf32>
    %dot_general3A = arith.constant dense<0.000000e+00> : vector<8192x32xf32>
    %dot_general3A_8 = tpu.matmul %get3A_1, %get3A_7, %dot_general3A {dimension_numbers = #tpu.dot_dimension_numbers<[1], [0], [0], [1], [0, 0, 1, 1], [], []>, transpose_lhs_hint = false} : vector<8192x3xf32>, vector<3x32xf32>, vector<8192x32xf32> -> vector<8192x32xf32>
    %swap3A_9 = arith.constant 0 : index
    %swap3A_10 = arith.constant 0 : index
    %swap3A_11 = vector.load %arg2[%swap3A_9, %swap3A_10] : memref<8192x32xf32, #tpu.memory_space<vmem>>, vector<8192x32xf32>
    tpu.vector_store %arg2[%swap3A_9, %swap3A_10], %dot_general3A_8 {strides = array<i32>} : memref<8192x32xf32, #tpu.memory_space<vmem>>, vector<8192x32xf32>,
    return
  }
}

module attributes {stable_mosaic.version = 14 : i64} {
  func.func @_proj_y_body(%arg0: i32, %arg1: memref<4096x3xf32, #tpu.memory_space<vmem>>, %arg2: memref<4096x32xf32, #tpu.memory_space<vmem>>, %arg3: memref<3x32xf32, #tpu.memory_space<vmem>>, %arg4: memref<32x32xf32, #tpu.memory_space<vmem>>, %arg5: memref<4096x32xf32, #tpu.memory_space<vmem>>, %arg6: memref<4096x1xf32, #tpu.memory_space<vmem>>) attributes {dimension_semantics = [#tpu.dimension_semantics<arbitrary>], iteration_bounds = array<i64: 8>, scalar_prefetch = 0 : i64, scratch_operands = 0 : i64, tpu.core_type = #tpu.core_type<tc>, window_params = [{transform_indices = @transform_0, window_bounds = array<i64: 4096, 3>}, {transform_indices = @transform_1, window_bounds = array<i64: 4096, 32>}, {pipeline_mode = #tpu.pipeline_mode<synchronous>, transform_indices = @transform_2, window_bounds = array<i64: 3, 32>}, {pipeline_mode = #tpu.pipeline_mode<synchronous>, transform_indices = @transform_3, window_bounds = array<i64: 32, 32>}, {transform_indices = @transform_4, window_bounds = array<i64: 4096, 32>}, {transform_indices = @transform_5, window_bounds = array<i64: 4096, 1>}]} {
    %get3A = arith.constant 0 : index
    %get3A_0 = arith.constant 0 : index
    %get3A_1 = vector.load %arg1[%get3A, %get3A_0] : memref<4096x3xf32, #tpu.memory_space<vmem>>, vector<4096x3xf32>
    %get3A_2 = arith.constant 0 : index
    %get3A_3 = arith.constant 0 : index
    %get3A_4 = vector.load %arg2[%get3A_2, %get3A_3] : memref<4096x32xf32, #tpu.memory_space<vmem>>, vector<4096x32xf32>
    %mul3A = arith.mulf %get3A_1, %get3A_1 : vector<4096x3xf32>
    %reduce_sum3A = arith.constant dense<0.000000e+00> : vector<4096xf32>
    %reduce_sum3A_5 = vector.multi_reduction <add>, %mul3A, %reduce_sum3A [1] : vector<4096x3xf32> to vector<4096xf32>
    %broadcast_in_dim3A = vector.shape_cast %reduce_sum3A_5 : vector<4096xf32> to vector<4096x1xf32>
    %swap3A = arith.constant 0 : index
    %swap3A_6 = arith.constant 0 : index
    %swap3A_7 = vector.load %arg6[%swap3A, %swap3A_6] : memref<4096x1xf32, #tpu.memory_space<vmem>>, vector<4096x1xf32>
    tpu.vector_store %arg6[%swap3A, %swap3A_6], %broadcast_in_dim3A {strides = array<i32>} : memref<4096x1xf32, #tpu.memory_space<vmem>>, vector<4096x1xf32>,
    %get3A_8 = arith.constant 0 : index
    %get3A_9 = arith.constant 0 : index
    %get3A_10 = vector.load %arg3[%get3A_8, %get3A_9] : memref<3x32xf32, #tpu.memory_space<vmem>>, vector<3x32xf32>
    %dot_general3A = arith.constant dense<0.000000e+00> : vector<4096x32xf32>
    %dot_general3A_11 = tpu.matmul %get3A_1, %get3A_10, %dot_general3A {dimension_numbers = #tpu.dot_dimension_numbers<[1], [0], [0], [1], [0, 0, 1, 1], [], []>, transpose_lhs_hint = false} : vector<4096x3xf32>, vector<3x32xf32>, vector<4096x32xf32> -> vector<4096x32xf32>
    %get3A_12 = arith.constant 0 : index
    %get3A_13 = arith.constant 0 : index
    %get3A_14 = vector.load %arg4[%get3A_12, %get3A_13] : memref<32x32xf32, #tpu.memory_space<vmem>>, vector<32x32xf32>
    %dot_general3A_15 = arith.constant dense<0.000000e+00> : vector<4096x32xf32>
    %dot_general3A_16 = tpu.matmul %get3A_4, %get3A_14, %dot_general3A_15 {dimension_numbers = #tpu.dot_dimension_numbers<[1], [0], [0], [1], [0, 0, 1, 1], [], []>, transpose_lhs_hint = false} : vector<4096x32xf32>, vector<32x32xf32>, vector<4096x32xf32> -> vector<4096x32xf32>
    %add3A = arith.addf %dot_general3A_11, %dot_general3A_16 : vector<4096x32xf32>
    %swap3A_17 = arith.constant 0 : index
    %swap3A_18 = arith.constant 0 : index
    %swap3A_19 = vector.load %arg5[%swap3A_17, %swap3A_18] : memref<4096x32xf32, #tpu.memory_space<vmem>>, vector<4096x32xf32>
    tpu.vector_store %arg5[%swap3A_17, %swap3A_18], %add3A {strides = array<i32>} : memref<4096x32xf32, #tpu.memory_space<vmem>>, vector<4096x32xf32>,
    return
  }
  func.func @transform_0(%arg0: i32) -> (i32, i32) {
    %c0_i32 = arith.constant 0 : i32
    %c0_i32_0 = arith.constant 0 : i32
    return %arg0, %c0_i32 : i32, i32
  }
  func.func @transform_1(%arg0: i32) -> (i32, i32) {
    %c0_i32 = arith.constant 0 : i32
    %c0_i32_0 = arith.constant 0 : i32
    return %arg0, %c0_i32 : i32, i32
  }
  func.func @transform_2(%arg0: i32) -> (i32, i32) {
    %c0_i32 = arith.constant 0 : i32
    %c0_i32_0 = arith.constant 0 : i32
    %c0_i32_1 = arith.constant 0 : i32
    return %c0_i32, %c0_i32_0 : i32, i32
  }
  func.func @transform_3(%arg0: i32) -> (i32, i32) {
    %c0_i32 = arith.constant 0 : i32
    %c0_i32_0 = arith.constant 0 : i32
    %c0_i32_1 = arith.constant 0 : i32
    return %c0_i32, %c0_i32_0 : i32, i32
  }
  func.func @transform_4(%arg0: i32) -> (i32, i32) {
    %c0_i32 = arith.constant 0 : i32
    %c0_i32_0 = arith.constant 0 : i32
    return %arg0, %c0_i32 : i32, i32
  }
  func.func @transform_5(%arg0: i32) -> (i32, i32) {
    %c0_i32 = arith.constant 0 : i32
    %c0_i32_0 = arith.constant 0 : i32
    return %arg0, %c0_i32 : i32, i32
  }
}

module attributes {stable_mosaic.version = 14 : i64} {
  func.func @_mlp1_body(%arg0: i32, %arg1: memref<32x64xf32, #tpu.memory_space<vmem>>, %arg2: memref<1x32xf32, #tpu.memory_space<vmem>>, %arg3: memref<1x32xf32, #tpu.memory_space<vmem>>, %arg4: memref<128x128xf32, #tpu.memory_space<vmem>>, %arg5: memref<8192x128xf32, #tpu.memory_space<vmem>>, %arg6: memref<8192x128xf32, #tpu.memory_space<vmem>>, %arg7: memref<2x128xf32, #tpu.memory_space<vmem>>, %arg8: memref<1x128xf32, #tpu.memory_space<vmem>>, %arg9: memref<1x128xf32, #tpu.memory_space<vmem>>, %arg10: memref<1x128xf32, #tpu.memory_space<vmem>>, %arg11: memref<1x128xf32, #tpu.memory_space<vmem>>) attributes {dimension_semantics = [#tpu.dimension_semantics<arbitrary>], iteration_bounds = array<i64: 8>, scalar_prefetch = 0 : i64, scratch_operands = 4 : i64, tpu.core_type = #tpu.core_type<tc>, window_params = [{pipeline_mode = #tpu.pipeline_mode<synchronous>, transform_indices = @transform_0, window_bounds = array<i64: 32, 64>}, {pipeline_mode = #tpu.pipeline_mode<synchronous>, transform_indices = @transform_1, window_bounds = array<i64: 1, 32>}, {pipeline_mode = #tpu.pipeline_mode<synchronous>, transform_indices = @transform_2, window_bounds = array<i64: 1, 32>}, {pipeline_mode = #tpu.pipeline_mode<synchronous>, transform_indices = @transform_3, window_bounds = array<i64: 128, 128>}, {transform_indices = @transform_4, window_bounds = array<i64: 8192, 128>}, {transform_indices = @transform_5, window_bounds = array<i64: 8192, 128>}, {pipeline_mode = #tpu.pipeline_mode<synchronous>, transform_indices = @transform_6, window_bounds = array<i64: 2, 128>}]} {
    %eq3A = arith.constant 0 : i32
    %eq3A_0 = arith.cmpi eq, %arg0, %eq3A : i32
    %convert_element_type3A = arith.extui %eq3A_0 : i1 to i32
    %cond3A = arith.constant 0 : i32
    %cond3A_1 = arith.cmpi ne, %convert_element_type3A, %cond3A : i32
    scf.if %cond3A_1 {
      %get3A_44 = arith.constant 0 : index
      %get3A_45 = arith.constant 0 : index
      %get3A_46 = vector.load %arg1[%get3A_44, %get3A_45] : memref<32x64xf32, #tpu.memory_space<vmem>>, vector<32x64xf32>
      %reduce_sum3A_47 = arith.constant dense<0.000000e+00> : vector<64xf32>
      %reduce_sum3A_48 = vector.multi_reduction <add>, %get3A_46, %reduce_sum3A_47 [0] : vector<32x64xf32> to vector<64xf32>
      %broadcast_in_dim3A_49 = vector.shape_cast %reduce_sum3A_48 : vector<64xf32> to vector<1x64xf32>
      %slice3A = vector.extract_strided_slice %broadcast_in_dim3A_49 {offsets = [0, 0], sizes = [1, 32], strides = [1, 1]} : vector<1x64xf32> to vector<1x32xf32>
      %slice3A_50 = vector.extract_strided_slice %broadcast_in_dim3A_49 {offsets = [0, 32], sizes = [1, 32], strides = [1, 1]} : vector<1x64xf32> to vector<1x32xf32>
      %div3A = arith.constant 2.621440e+05 : f32
      %div3A_51 = vector.broadcast %div3A : f32 to vector<1x32xf32>
      %div3A_52 = arith.divf %slice3A, %div3A_51 : vector<1x32xf32>
      %div3A_53 = arith.constant 2.621440e+05 : f32
      %div3A_54 = vector.broadcast %div3A_53 : f32 to vector<1x32xf32>
      %div3A_55 = arith.divf %slice3A_50, %div3A_54 : vector<1x32xf32>
      %mul3A_56 = arith.mulf %div3A_52, %div3A_52 : vector<1x32xf32>
      %sub3A = arith.subf %div3A_55, %mul3A_56 : vector<1x32xf32>
      %get3A_57 = arith.constant 0 : index
      %get3A_58 = arith.constant 0 : index
      %get3A_59 = vector.load %arg2[%get3A_57, %get3A_58] : memref<1x32xf32, #tpu.memory_space<vmem>>, vector<1x32xf32>
      %add3A_60 = arith.constant 1.000000e-03 : f32
      %add3A_61 = vector.broadcast %add3A_60 : f32 to vector<1x32xf32>
      %add3A_62 = arith.addf %sub3A, %add3A_61 : vector<1x32xf32>
      %sqrt3A = math.sqrt %add3A_62 : vector<1x32xf32>
      %div3A_63 = arith.divf %get3A_59, %sqrt3A : vector<1x32xf32>
      %get3A_64 = arith.constant 0 : index
      %get3A_65 = arith.constant 0 : index
      %get3A_66 = vector.load %arg3[%get3A_64, %get3A_65] : memref<1x32xf32, #tpu.memory_space<vmem>>, vector<1x32xf32>
      %mul3A_67 = arith.mulf %div3A_52, %div3A_63 : vector<1x32xf32>
      %sub3A_68 = arith.subf %get3A_66, %mul3A_67 : vector<1x32xf32>
      %concatenate3A = tpu.concatenate %div3A_63, %div3A_63, %div3A_63, %div3A_63 in 1 : vector<1x32xf32>, vector<1x32xf32>, vector<1x32xf32>, vector<1x32xf32> -> vector<1x128xf32>
      %concatenate3A_69 = tpu.concatenate %sub3A_68, %sub3A_68, %sub3A_68, %sub3A_68 in 1 : vector<1x32xf32>, vector<1x32xf32>, vector<1x32xf32>, vector<1x32xf32> -> vector<1x128xf32>
      %swap3A_70 = arith.constant 0 : index
      %swap3A_71 = arith.constant 0 : index
      %swap3A_72 = vector.load %arg8[%swap3A_70, %swap3A_71] : memref<1x128xf32, #tpu.memory_space<vmem>>, vector<1x128xf32>
      tpu.vector_store %arg8[%swap3A_70, %swap3A_71], %concatenate3A {strides = array<i32>} : memref<1x128xf32, #tpu.memory_space<vmem>>, vector<1x128xf32>,
      %swap3A_73 = arith.constant 0 : index
      %swap3A_74 = arith.constant 0 : index
      %swap3A_75 = vector.load %arg9[%swap3A_73, %swap3A_74] : memref<1x128xf32, #tpu.memory_space<vmem>>, vector<1x128xf32>
      tpu.vector_store %arg9[%swap3A_73, %swap3A_74], %concatenate3A_69 {strides = array<i32>} : memref<1x128xf32, #tpu.memory_space<vmem>>, vector<1x128xf32>,
      %broadcast_in_dim3A_76 = arith.constant 0.000000e+00 : f32
      %broadcast_in_dim3A_77 = vector.broadcast %broadcast_in_dim3A_76 : f32 to vector<1x128xf32>
      %swap3A_78 = arith.constant 0 : index
      %swap3A_79 = arith.constant 0 : index
      %swap3A_80 = vector.load %arg10[%swap3A_78, %swap3A_79] : memref<1x128xf32, #tpu.memory_space<vmem>>, vector<1x128xf32>
      tpu.vector_store %arg10[%swap3A_78, %swap3A_79], %broadcast_in_dim3A_77 {strides = array<i32>} : memref<1x128xf32, #tpu.memory_space<vmem>>, vector<1x128xf32>,
      %broadcast_in_dim3A_81 = arith.constant 0.000000e+00 : f32
      %broadcast_in_dim3A_82 = vector.broadcast %broadcast_in_dim3A_81 : f32 to vector<1x128xf32>
      %swap3A_83 = arith.constant 0 : index
      %swap3A_84 = arith.constant 0 : index
      %swap3A_85 = vector.load %arg11[%swap3A_83, %swap3A_84] : memref<1x128xf32, #tpu.memory_space<vmem>>, vector<1x128xf32>
      tpu.vector_store %arg11[%swap3A_83, %swap3A_84], %broadcast_in_dim3A_82 {strides = array<i32>} : memref<1x128xf32, #tpu.memory_space<vmem>>, vector<1x128xf32>,
    } else {
    }
    %get3A = arith.constant 0 : index
    %get3A_2 = arith.constant 0 : index
    %get3A_3 = vector.load %arg5[%get3A, %get3A_2] : memref<8192x128xf32, #tpu.memory_space<vmem>>, vector<8192x128xf32>
    %get3A_4 = arith.constant 0 : index
    %get3A_5 = arith.constant 0 : index
    %get3A_6 = vector.load %arg8[%get3A_4, %get3A_5] : memref<1x128xf32, #tpu.memory_space<vmem>>, vector<1x128xf32>
    %mul3A = vector.broadcast %get3A_6 : vector<1x128xf32> to vector<8192x128xf32>
    %mul3A_7 = arith.mulf %get3A_3, %mul3A : vector<8192x128xf32>
    %get3A_8 = arith.constant 0 : index
    %get3A_9 = arith.constant 0 : index
    %get3A_10 = vector.load %arg9[%get3A_8, %get3A_9] : memref<1x128xf32, #tpu.memory_space<vmem>>, vector<1x128xf32>
    %add3A = vector.broadcast %get3A_10 : vector<1x128xf32> to vector<8192x128xf32>
    %add3A_11 = arith.addf %mul3A_7, %add3A : vector<8192x128xf32>
    %max3A = arith.constant 0.000000e+00 : f32
    %max3A_12 = vector.broadcast %max3A : f32 to vector<8192x128xf32>
    %max3A_13 = arith.maximumf %add3A_11, %max3A_12 : vector<8192x128xf32>
    %get3A_14 = arith.constant 0 : index
    %get3A_15 = arith.constant 0 : index
    %get3A_16 = vector.load %arg4[%get3A_14, %get3A_15] : memref<128x128xf32, #tpu.memory_space<vmem>>, vector<128x128xf32>
    %dot_general3A = arith.constant dense<0.000000e+00> : vector<8192x128xf32>
    %dot_general3A_17 = tpu.matmul %max3A_13, %get3A_16, %dot_general3A {dimension_numbers = #tpu.dot_dimension_numbers<[1], [0], [0], [1], [0, 0, 1, 1], [], []>, transpose_lhs_hint = false} : vector<8192x128xf32>, vector<128x128xf32>, vector<8192x128xf32> -> vector<8192x128xf32>
    %swap3A = arith.constant 0 : index
    %swap3A_18 = arith.constant 0 : index
    %swap3A_19 = vector.load %arg6[%swap3A, %swap3A_18] : memref<8192x128xf32, #tpu.memory_space<vmem>>, vector<8192x128xf32>
    tpu.vector_store %arg6[%swap3A, %swap3A_18], %dot_general3A_17 {strides = array<i32>} : memref<8192x128xf32, #tpu.memory_space<vmem>>, vector<8192x128xf32>,
    %get3A_20 = arith.constant 0 : index
    %get3A_21 = arith.constant 0 : index
    %get3A_22 = vector.load %arg10[%get3A_20, %get3A_21] : memref<1x128xf32, #tpu.memory_space<vmem>>, vector<1x128xf32>
    %reduce_sum3A = arith.constant dense<0.000000e+00> : vector<128xf32>
    %reduce_sum3A_23 = vector.multi_reduction <add>, %dot_general3A_17, %reduce_sum3A [0] : vector<8192x128xf32> to vector<128xf32>
    %broadcast_in_dim3A = vector.shape_cast %reduce_sum3A_23 : vector<128xf32> to vector<1x128xf32>
    %add3A_24 = arith.addf %get3A_22, %broadcast_in_dim3A : vector<1x128xf32>
    %swap3A_25 = arith.constant 0 : index
    %swap3A_26 = arith.constant 0 : index
    %swap3A_27 = vector.load %arg10[%swap3A_25, %swap3A_26] : memref<1x128xf32, #tpu.memory_space<vmem>>, vector<1x128xf32>
    tpu.vector_store %arg10[%swap3A_25, %swap3A_26], %add3A_24 {strides = array<i32>} : memref<1x128xf32, #tpu.memory_space<vmem>>, vector<1x128xf32>,
    %get3A_28 = arith.constant 0 : index
    %get3A_29 = arith.constant 0 : index
    %get3A_30 = vector.load %arg11[%get3A_28, %get3A_29] : memref<1x128xf32, #tpu.memory_space<vmem>>, vector<1x128xf32>
    %mul3A_31 = arith.mulf %dot_general3A_17, %dot_general3A_17 : vector<8192x128xf32>
    %reduce_sum3A_32 = arith.constant dense<0.000000e+00> : vector<128xf32>
    %reduce_sum3A_33 = vector.multi_reduction <add>, %mul3A_31, %reduce_sum3A_32 [0] : vector<8192x128xf32> to vector<128xf32>
    %broadcast_in_dim3A_34 = vector.shape_cast %reduce_sum3A_33 : vector<128xf32> to vector<1x128xf32>
    %add3A_35 = arith.addf %get3A_30, %broadcast_in_dim3A_34 : vector<1x128xf32>
    %swap3A_36 = arith.constant 0 : index
    %swap3A_37 = arith.constant 0 : index
    %swap3A_38 = vector.load %arg11[%swap3A_36, %swap3A_37] : memref<1x128xf32, #tpu.memory_space<vmem>>, vector<1x128xf32>
    tpu.vector_store %arg11[%swap3A_36, %swap3A_37], %add3A_35 {strides = array<i32>} : memref<1x128xf32, #tpu.memory_space<vmem>>, vector<1x128xf32>,
    %eq3A_39 = arith.constant 7 : i32
    %eq3A_40 = arith.cmpi eq, %arg0, %eq3A_39 : i32
    %convert_element_type3A_41 = arith.extui %eq3A_40 : i1 to i32
    %cond3A_42 = arith.constant 0 : i32
    %cond3A_43 = arith.cmpi ne, %convert_element_type3A_41, %cond3A_42 : i32
    scf.if %cond3A_43 {
      %get3A_44 = arith.constant 0 : index
      %get3A_45 = arith.constant 0 : index
      %get3A_46 = vector.load %arg10[%get3A_44, %get3A_45] : memref<1x128xf32, #tpu.memory_space<vmem>>, vector<1x128xf32>
      %swap3A_47 = arith.constant 0 : index
      %swap3A_48 = arith.constant 0 : index
      %swap3A_49 = vector.load %arg7[%swap3A_47, %swap3A_48] : memref<2x128xf32, #tpu.memory_space<vmem>>, vector<1x128xf32>
      tpu.vector_store %arg7[%swap3A_47, %swap3A_48], %get3A_46 {strides = array<i32>} : memref<2x128xf32, #tpu.memory_space<vmem>>, vector<1x128xf32>,
      %get3A_50 = arith.constant 0 : index
      %get3A_51 = arith.constant 0 : index
      %get3A_52 = vector.load %arg11[%get3A_50, %get3A_51] : memref<1x128xf32, #tpu.memory_space<vmem>>, vector<1x128xf32>
      %swap3A_53 = arith.constant 1 : index
      %swap3A_54 = arith.constant 0 : index
      %swap3A_55 = vector.load %arg7[%swap3A_53, %swap3A_54] : memref<2x128xf32, #tpu.memory_space<vmem>>, vector<1x128xf32>
      tpu.vector_store %arg7[%swap3A_53, %swap3A_54], %get3A_52 {strides = array<i32>} : memref<2x128xf32, #tpu.memory_space<vmem>>, vector<1x128xf32>,
    } else {
    }
    return
  }
  func.func @transform_0(%arg0: i32) -> (i32, i32) {
    %c0_i32 = arith.constant 0 : i32
    %c0_i32_0 = arith.constant 0 : i32
    %c0_i32_1 = arith.constant 0 : i32
    return %c0_i32, %c0_i32_0 : i32, i32
  }
  func.func @transform_1(%arg0: i32) -> (i32, i32) {
    %c0_i32 = arith.constant 0 : i32
    %c0_i32_0 = arith.constant 0 : i32
    %c0_i32_1 = arith.constant 0 : i32
    return %c0_i32, %c0_i32_0 : i32, i32
  }
  func.func @transform_2(%arg0: i32) -> (i32, i32) {
    %c0_i32 = arith.constant 0 : i32
    %c0_i32_0 = arith.constant 0 : i32
    %c0_i32_1 = arith.constant 0 : i32
    return %c0_i32, %c0_i32_0 : i32, i32
  }
  func.func @transform_3(%arg0: i32) -> (i32, i32) {
    %c0_i32 = arith.constant 0 : i32
    %c0_i32_0 = arith.constant 0 : i32
    %c0_i32_1 = arith.constant 0 : i32
    return %c0_i32, %c0_i32_0 : i32, i32
  }
  func.func @transform_4(%arg0: i32) -> (i32, i32) {
    %c0_i32 = arith.constant 0 : i32
    %c0_i32_0 = arith.constant 0 : i32
    return %arg0, %c0_i32 : i32, i32
  }
  func.func @transform_5(%arg0: i32) -> (i32, i32) {
    %c0_i32 = arith.constant 0 : i32
    %c0_i32_0 = arith.constant 0 : i32
    return %arg0, %c0_i32 : i32, i32
  }
  func.func @transform_6(%arg0: i32) -> (i32, i32) {
    %c0_i32 = arith.constant 0 : i32
    %c0_i32_0 = arith.constant 0 : i32
    %c0_i32_1 = arith.constant 0 : i32
    return %c0_i32, %c0_i32_0 : i32, i32
  }
}

module attributes {stable_mosaic.version = 14 : i64} {
  func.func @_mlp2_body(%arg0: i32, %arg1: memref<2x128xf32, #tpu.memory_space<vmem>>, %arg2: memref<1x32xf32, #tpu.memory_space<vmem>>, %arg3: memref<1x32xf32, #tpu.memory_space<vmem>>, %arg4: memref<128x256xf32, #tpu.memory_space<vmem>>, %arg5: memref<8192x128xf32, #tpu.memory_space<vmem>>, %arg6: memref<1024x64xf32, #tpu.memory_space<vmem>>, %arg7: memref<2x256xf32, #tpu.memory_space<vmem>>, %arg8: memref<1x128xf32, #tpu.memory_space<vmem>>, %arg9: memref<1x128xf32, #tpu.memory_space<vmem>>, %arg10: memref<1x256xf32, #tpu.memory_space<vmem>>, %arg11: memref<1x256xf32, #tpu.memory_space<vmem>>) attributes {dimension_semantics = [#tpu.dimension_semantics<arbitrary>], iteration_bounds = array<i64: 8>, scalar_prefetch = 0 : i64, scratch_operands = 4 : i64, tpu.core_type = #tpu.core_type<tc>, window_params = [{pipeline_mode = #tpu.pipeline_mode<synchronous>, transform_indices = @transform_0, window_bounds = array<i64: 2, 128>}, {pipeline_mode = #tpu.pipeline_mode<synchronous>, transform_indices = @transform_1, window_bounds = array<i64: 1, 32>}, {pipeline_mode = #tpu.pipeline_mode<synchronous>, transform_indices = @transform_2, window_bounds = array<i64: 1, 32>}, {pipeline_mode = #tpu.pipeline_mode<synchronous>, transform_indices = @transform_3, window_bounds = array<i64: 128, 256>}, {transform_indices = @transform_4, window_bounds = array<i64: 8192, 128>}, {transform_indices = @transform_5, window_bounds = array<i64: 1024, 64>}, {pipeline_mode = #tpu.pipeline_mode<synchronous>, transform_indices = @transform_6, window_bounds = array<i64: 2, 256>}]} {
    %eq3A = arith.constant 0 : i32
    %eq3A_0 = arith.cmpi eq, %arg0, %eq3A : i32
    %convert_element_type3A = arith.extui %eq3A_0 : i1 to i32
    %cond3A = arith.constant 0 : i32
    %cond3A_1 = arith.cmpi ne, %convert_element_type3A, %cond3A : i32
    scf.if %cond3A_1 {
      %get3A_51 = arith.constant 0 : index
      %get3A_52 = arith.constant 0 : index
      %get3A_53 = vector.load %arg1[%get3A_51, %get3A_52] : memref<2x128xf32, #tpu.memory_space<vmem>>, vector<2x128xf32>
      %slice3A_54 = vector.extract_strided_slice %get3A_53 {offsets = [0, 0], sizes = [1, 32], strides = [1, 1]} : vector<2x128xf32> to vector<1x32xf32>
      %slice3A_55 = vector.extract_strided_slice %get3A_53 {offsets = [0, 32], sizes = [1, 32], strides = [1, 1]} : vector<2x128xf32> to vector<1x32xf32>
      %add3A_56 = arith.addf %slice3A_54, %slice3A_55 : vector<1x32xf32>
      %slice3A_57 = vector.extract_strided_slice %get3A_53 {offsets = [0, 64], sizes = [1, 32], strides = [1, 1]} : vector<2x128xf32> to vector<1x32xf32>
      %add3A_58 = arith.addf %add3A_56, %slice3A_57 : vector<1x32xf32>
      %slice3A_59 = vector.extract_strided_slice %get3A_53 {offsets = [0, 96], sizes = [1, 32], strides = [1, 1]} : vector<2x128xf32> to vector<1x32xf32>
      %add3A_60 = arith.addf %add3A_58, %slice3A_59 : vector<1x32xf32>
      %slice3A_61 = vector.extract_strided_slice %get3A_53 {offsets = [1, 0], sizes = [1, 32], strides = [1, 1]} : vector<2x128xf32> to vector<1x32xf32>
      %slice3A_62 = vector.extract_strided_slice %get3A_53 {offsets = [1, 32], sizes = [1, 32], strides = [1, 1]} : vector<2x128xf32> to vector<1x32xf32>
      %add3A_63 = arith.addf %slice3A_61, %slice3A_62 : vector<1x32xf32>
      %slice3A_64 = vector.extract_strided_slice %get3A_53 {offsets = [1, 64], sizes = [1, 32], strides = [1, 1]} : vector<2x128xf32> to vector<1x32xf32>
      %add3A_65 = arith.addf %add3A_63, %slice3A_64 : vector<1x32xf32>
      %slice3A_66 = vector.extract_strided_slice %get3A_53 {offsets = [1, 96], sizes = [1, 32], strides = [1, 1]} : vector<2x128xf32> to vector<1x32xf32>
      %add3A_67 = arith.addf %add3A_65, %slice3A_66 : vector<1x32xf32>
      %div3A = arith.constant 2.621440e+05 : f32
      %div3A_68 = vector.broadcast %div3A : f32 to vector<1x32xf32>
      %div3A_69 = arith.divf %add3A_60, %div3A_68 : vector<1x32xf32>
      %div3A_70 = arith.constant 2.621440e+05 : f32
      %div3A_71 = vector.broadcast %div3A_70 : f32 to vector<1x32xf32>
      %div3A_72 = arith.divf %add3A_67, %div3A_71 : vector<1x32xf32>
      %mul3A_73 = arith.mulf %div3A_69, %div3A_69 : vector<1x32xf32>
      %sub3A = arith.subf %div3A_72, %mul3A_73 : vector<1x32xf32>
      %get3A_74 = arith.constant 0 : index
      %get3A_75 = arith.constant 0 : index
      %get3A_76 = vector.load %arg2[%get3A_74, %get3A_75] : memref<1x32xf32, #tpu.memory_space<vmem>>, vector<1x32xf32>
      %add3A_77 = arith.constant 1.000000e-03 : f32
      %add3A_78 = vector.broadcast %add3A_77 : f32 to vector<1x32xf32>
      %add3A_79 = arith.addf %sub3A, %add3A_78 : vector<1x32xf32>
      %sqrt3A = math.sqrt %add3A_79 : vector<1x32xf32>
      %div3A_80 = arith.divf %get3A_76, %sqrt3A : vector<1x32xf32>
      %get3A_81 = arith.constant 0 : index
      %get3A_82 = arith.constant 0 : index
      %get3A_83 = vector.load %arg3[%get3A_81, %get3A_82] : memref<1x32xf32, #tpu.memory_space<vmem>>, vector<1x32xf32>
      %mul3A_84 = arith.mulf %div3A_69, %div3A_80 : vector<1x32xf32>
      %sub3A_85 = arith.subf %get3A_83, %mul3A_84 : vector<1x32xf32>
      %concatenate3A = tpu.concatenate %div3A_80, %div3A_80, %div3A_80, %div3A_80 in 1 : vector<1x32xf32>, vector<1x32xf32>, vector<1x32xf32>, vector<1x32xf32> -> vector<1x128xf32>
      %concatenate3A_86 = tpu.concatenate %sub3A_85, %sub3A_85, %sub3A_85, %sub3A_85 in 1 : vector<1x32xf32>, vector<1x32xf32>, vector<1x32xf32>, vector<1x32xf32> -> vector<1x128xf32>
      %swap3A_87 = arith.constant 0 : index
      %swap3A_88 = arith.constant 0 : index
      %swap3A_89 = vector.load %arg8[%swap3A_87, %swap3A_88] : memref<1x128xf32, #tpu.memory_space<vmem>>, vector<1x128xf32>
      tpu.vector_store %arg8[%swap3A_87, %swap3A_88], %concatenate3A {strides = array<i32>} : memref<1x128xf32, #tpu.memory_space<vmem>>, vector<1x128xf32>,
      %swap3A_90 = arith.constant 0 : index
      %swap3A_91 = arith.constant 0 : index
      %swap3A_92 = vector.load %arg9[%swap3A_90, %swap3A_91] : memref<1x128xf32, #tpu.memory_space<vmem>>, vector<1x128xf32>
      tpu.vector_store %arg9[%swap3A_90, %swap3A_91], %concatenate3A_86 {strides = array<i32>} : memref<1x128xf32, #tpu.memory_space<vmem>>, vector<1x128xf32>,
      %broadcast_in_dim3A_93 = arith.constant 0.000000e+00 : f32
      %broadcast_in_dim3A_94 = vector.broadcast %broadcast_in_dim3A_93 : f32 to vector<1x256xf32>
      %swap3A_95 = arith.constant 0 : index
      %swap3A_96 = arith.constant 0 : index
      %swap3A_97 = vector.load %arg10[%swap3A_95, %swap3A_96] : memref<1x256xf32, #tpu.memory_space<vmem>>, vector<1x256xf32>
      tpu.vector_store %arg10[%swap3A_95, %swap3A_96], %broadcast_in_dim3A_94 {strides = array<i32>} : memref<1x256xf32, #tpu.memory_space<vmem>>, vector<1x256xf32>,
      %broadcast_in_dim3A_98 = arith.constant 0.000000e+00 : f32
      %broadcast_in_dim3A_99 = vector.broadcast %broadcast_in_dim3A_98 : f32 to vector<1x256xf32>
      %swap3A_100 = arith.constant 0 : index
      %swap3A_101 = arith.constant 0 : index
      %swap3A_102 = vector.load %arg11[%swap3A_100, %swap3A_101] : memref<1x256xf32, #tpu.memory_space<vmem>>, vector<1x256xf32>
      tpu.vector_store %arg11[%swap3A_100, %swap3A_101], %broadcast_in_dim3A_99 {strides = array<i32>} : memref<1x256xf32, #tpu.memory_space<vmem>>, vector<1x256xf32>,
    } else {
    }
    %get3A = arith.constant 0 : index
    %get3A_2 = arith.constant 0 : index
    %get3A_3 = vector.load %arg5[%get3A, %get3A_2] : memref<8192x128xf32, #tpu.memory_space<vmem>>, vector<8192x128xf32>
    %get3A_4 = arith.constant 0 : index
    %get3A_5 = arith.constant 0 : index
    %get3A_6 = vector.load %arg8[%get3A_4, %get3A_5] : memref<1x128xf32, #tpu.memory_space<vmem>>, vector<1x128xf32>
    %mul3A = vector.broadcast %get3A_6 : vector<1x128xf32> to vector<8192x128xf32>
    %mul3A_7 = arith.mulf %get3A_3, %mul3A : vector<8192x128xf32>
    %get3A_8 = arith.constant 0 : index
    %get3A_9 = arith.constant 0 : index
    %get3A_10 = vector.load %arg9[%get3A_8, %get3A_9] : memref<1x128xf32, #tpu.memory_space<vmem>>, vector<1x128xf32>
    %add3A = vector.broadcast %get3A_10 : vector<1x128xf32> to vector<8192x128xf32>
    %add3A_11 = arith.addf %mul3A_7, %add3A : vector<8192x128xf32>
    %max3A = arith.constant 0.000000e+00 : f32
    %max3A_12 = vector.broadcast %max3A : f32 to vector<8192x128xf32>
    %max3A_13 = arith.maximumf %add3A_11, %max3A_12 : vector<8192x128xf32>
    %get3A_14 = arith.constant 0 : index
    %get3A_15 = arith.constant 0 : index
    %get3A_16 = vector.load %arg4[%get3A_14, %get3A_15] : memref<128x256xf32, #tpu.memory_space<vmem>>, vector<128x256xf32>
    %dot_general3A = arith.constant dense<0.000000e+00> : vector<8192x256xf32>
    %dot_general3A_17 = tpu.matmul %max3A_13, %get3A_16, %dot_general3A {dimension_numbers = #tpu.dot_dimension_numbers<[1], [0], [0], [1], [0, 0, 1, 1], [], []>, transpose_lhs_hint = false} : vector<8192x128xf32>, vector<128x256xf32>, vector<8192x256xf32> -> vector<8192x256xf32>
    %get3A_18 = arith.constant 0 : index
    %get3A_19 = arith.constant 0 : index
    %get3A_20 = vector.load %arg10[%get3A_18, %get3A_19] : memref<1x256xf32, #tpu.memory_space<vmem>>, vector<1x256xf32>
    %reduce_sum3A = arith.constant dense<0.000000e+00> : vector<256xf32>
    %reduce_sum3A_21 = vector.multi_reduction <add>, %dot_general3A_17, %reduce_sum3A [0] : vector<8192x256xf32> to vector<256xf32>
    %broadcast_in_dim3A = vector.shape_cast %reduce_sum3A_21 : vector<256xf32> to vector<1x256xf32>
    %add3A_22 = arith.addf %get3A_20, %broadcast_in_dim3A : vector<1x256xf32>
    %swap3A = arith.constant 0 : index
    %swap3A_23 = arith.constant 0 : index
    %swap3A_24 = vector.load %arg10[%swap3A, %swap3A_23] : memref<1x256xf32, #tpu.memory_space<vmem>>, vector<1x256xf32>
    tpu.vector_store %arg10[%swap3A, %swap3A_23], %add3A_22 {strides = array<i32>} : memref<1x256xf32, #tpu.memory_space<vmem>>, vector<1x256xf32>,
    %get3A_25 = arith.constant 0 : index
    %get3A_26 = arith.constant 0 : index
    %get3A_27 = vector.load %arg11[%get3A_25, %get3A_26] : memref<1x256xf32, #tpu.memory_space<vmem>>, vector<1x256xf32>
    %mul3A_28 = arith.mulf %dot_general3A_17, %dot_general3A_17 : vector<8192x256xf32>
    %reduce_sum3A_29 = arith.constant dense<0.000000e+00> : vector<256xf32>
    %reduce_sum3A_30 = vector.multi_reduction <add>, %mul3A_28, %reduce_sum3A_29 [0] : vector<8192x256xf32> to vector<256xf32>
    %broadcast_in_dim3A_31 = vector.shape_cast %reduce_sum3A_30 : vector<256xf32> to vector<1x256xf32>
    %add3A_32 = arith.addf %get3A_27, %broadcast_in_dim3A_31 : vector<1x256xf32>
    %swap3A_33 = arith.constant 0 : index
    %swap3A_34 = arith.constant 0 : index
    %swap3A_35 = vector.load %arg11[%swap3A_33, %swap3A_34] : memref<1x256xf32, #tpu.memory_space<vmem>>, vector<1x256xf32>
    tpu.vector_store %arg11[%swap3A_33, %swap3A_34], %add3A_32 {strides = array<i32>} : memref<1x256xf32, #tpu.memory_space<vmem>>, vector<1x256xf32>,
    %reshape3A = vector.shape_cast %dot_general3A_17 : vector<8192x256xf32> to vector<1024x8x256xf32>
    %reduce_max3A = arith.constant dense<0xFF800000> : vector<1024x256xf32>
    %reduce_max3A_36 = vector.multi_reduction <maximumf>, %reshape3A, %reduce_max3A [1] : vector<1024x8x256xf32> to vector<1024x256xf32>
    %slice3A = vector.extract_strided_slice %reduce_max3A_36 {offsets = [0, 0], sizes = [1024, 64], strides = [1, 1]} : vector<1024x256xf32> to vector<1024x64xf32>
    %slice3A_37 = vector.extract_strided_slice %reduce_max3A_36 {offsets = [0, 64], sizes = [1024, 64], strides = [1, 1]} : vector<1024x256xf32> to vector<1024x64xf32>
    %max3A_38 = arith.maximumf %slice3A, %slice3A_37 : vector<1024x64xf32>
    %slice3A_39 = vector.extract_strided_slice %reduce_max3A_36 {offsets = [0, 128], sizes = [1024, 64], strides = [1, 1]} : vector<1024x256xf32> to vector<1024x64xf32>
    %slice3A_40 = vector.extract_strided_slice %reduce_max3A_36 {offsets = [0, 192], sizes = [1024, 64], strides = [1, 1]} : vector<1024x256xf32> to vector<1024x64xf32>
    %max3A_41 = arith.maximumf %slice3A_39, %slice3A_40 : vector<1024x64xf32>
    %max3A_42 = arith.maximumf %max3A_38, %max3A_41 : vector<1024x64xf32>
    %swap3A_43 = arith.constant 0 : index
    %swap3A_44 = arith.constant 0 : index
    %swap3A_45 = vector.load %arg6[%swap3A_43, %swap3A_44] : memref<1024x64xf32, #tpu.memory_space<vmem>>, vector<1024x64xf32>
    tpu.vector_store %arg6[%swap3A_43, %swap3A_44], %max3A_42 {strides = array<i32>} : memref<1024x64xf32, #tpu.memory_space<vmem>>, vector<1024x64xf32>,
    %eq3A_46 = arith.constant 7 : i32
    %eq3A_47 = arith.cmpi eq, %arg0, %eq3A_46 : i32
    %convert_element_type3A_48 = arith.extui %eq3A_47 : i1 to i32
    %cond3A_49 = arith.constant 0 : i32
    %cond3A_50 = arith.cmpi ne, %convert_element_type3A_48, %cond3A_49 : i32
    scf.if %cond3A_50 {
      %get3A_51 = arith.constant 0 : index
      %get3A_52 = arith.constant 0 : index
      %get3A_53 = vector.load %arg10[%get3A_51, %get3A_52] : memref<1x256xf32, #tpu.memory_space<vmem>>, vector<1x256xf32>
      %swap3A_54 = arith.constant 0 : index
      %swap3A_55 = arith.constant 0 : index
      %swap3A_56 = vector.load %arg7[%swap3A_54, %swap3A_55] : memref<2x256xf32, #tpu.memory_space<vmem>>, vector<1x256xf32>
      tpu.vector_store %arg7[%swap3A_54, %swap3A_55], %get3A_53 {strides = array<i32>} : memref<2x256xf32, #tpu.memory_space<vmem>>, vector<1x256xf32>,
      %get3A_57 = arith.constant 0 : index
      %get3A_58 = arith.constant 0 : index
      %get3A_59 = vector.load %arg11[%get3A_57, %get3A_58] : memref<1x256xf32, #tpu.memory_space<vmem>>, vector<1x256xf32>
      %swap3A_60 = arith.constant 1 : index
      %swap3A_61 = arith.constant 0 : index
      %swap3A_62 = vector.load %arg7[%swap3A_60, %swap3A_61] : memref<2x256xf32, #tpu.memory_space<vmem>>, vector<1x256xf32>
      tpu.vector_store %arg7[%swap3A_60, %swap3A_61], %get3A_59 {strides = array<i32>} : memref<2x256xf32, #tpu.memory_space<vmem>>, vector<1x256xf32>,
    } else {
    }
    return
  }
  func.func @transform_0(%arg0: i32) -> (i32, i32) {
    %c0_i32 = arith.constant 0 : i32
    %c0_i32_0 = arith.constant 0 : i32
    %c0_i32_1 = arith.constant 0 : i32
    return %c0_i32, %c0_i32_0 : i32, i32
  }
  func.func @transform_1(%arg0: i32) -> (i32, i32) {
    %c0_i32 = arith.constant 0 : i32
    %c0_i32_0 = arith.constant 0 : i32
    %c0_i32_1 = arith.constant 0 : i32
    return %c0_i32, %c0_i32_0 : i32, i32
  }
  func.func @transform_2(%arg0: i32) -> (i32, i32) {
    %c0_i32 = arith.constant 0 : i32
    %c0_i32_0 = arith.constant 0 : i32
    %c0_i32_1 = arith.constant 0 : i32
    return %c0_i32, %c0_i32_0 : i32, i32
  }
  func.func @transform_3(%arg0: i32) -> (i32, i32) {
    %c0_i32 = arith.constant 0 : i32
    %c0_i32_0 = arith.constant 0 : i32
    %c0_i32_1 = arith.constant 0 : i32
    return %c0_i32, %c0_i32_0 : i32, i32
  }
  func.func @transform_4(%arg0: i32) -> (i32, i32) {
    %c0_i32 = arith.constant 0 : i32
    %c0_i32_0 = arith.constant 0 : i32
    return %arg0, %c0_i32 : i32, i32
  }
  func.func @transform_5(%arg0: i32) -> (i32, i32) {
    %c0_i32 = arith.constant 0 : i32
    %c0_i32_0 = arith.constant 0 : i32
    return %arg0, %c0_i32 : i32, i32
  }
  func.func @transform_6(%arg0: i32) -> (i32, i32) {
    %c0_i32 = arith.constant 0 : i32
    %c0_i32_0 = arith.constant 0 : i32
    %c0_i32_1 = arith.constant 0 : i32
    return %c0_i32, %c0_i32_0 : i32, i32
  }
}

module attributes {stable_mosaic.version = 14 : i64} {
  func.func @_final_body(%arg0: memref<2x256xf32, #tpu.memory_space<vmem>>, %arg1: memref<1x64xf32, #tpu.memory_space<vmem>>, %arg2: memref<1x64xf32, #tpu.memory_space<vmem>>, %arg3: memref<8192x64xf32, #tpu.memory_space<vmem>>, %arg4: memref<8192x64xf32, #tpu.memory_space<vmem>>) attributes {dimension_semantics = [], scalar_prefetch = 0 : i64, scratch_operands = 0 : i64, tpu.core_type = #tpu.core_type<tc>} {
    %get3A = arith.constant 0 : index
    %get3A_0 = arith.constant 0 : index
    %get3A_1 = vector.load %arg0[%get3A, %get3A_0] : memref<2x256xf32, #tpu.memory_space<vmem>>, vector<2x256xf32>
    %slice3A = vector.extract_strided_slice %get3A_1 {offsets = [0, 0], sizes = [2, 64], strides = [1, 1]} : vector<2x256xf32> to vector<2x64xf32>
    %slice3A_2 = vector.extract_strided_slice %get3A_1 {offsets = [0, 64], sizes = [2, 64], strides = [1, 1]} : vector<2x256xf32> to vector<2x64xf32>
    %add3A = arith.addf %slice3A, %slice3A_2 : vector<2x64xf32>
    %slice3A_3 = vector.extract_strided_slice %get3A_1 {offsets = [0, 128], sizes = [2, 64], strides = [1, 1]} : vector<2x256xf32> to vector<2x64xf32>
    %slice3A_4 = vector.extract_strided_slice %get3A_1 {offsets = [0, 192], sizes = [2, 64], strides = [1, 1]} : vector<2x256xf32> to vector<2x64xf32>
    %add3A_5 = arith.addf %slice3A_3, %slice3A_4 : vector<2x64xf32>
    %add3A_6 = arith.addf %add3A, %add3A_5 : vector<2x64xf32>
    %slice3A_7 = vector.extract_strided_slice %add3A_6 {offsets = [0, 0], sizes = [1, 64], strides = [1, 1]} : vector<2x64xf32> to vector<1x64xf32>
    %div3A = arith.constant 2.621440e+05 : f32
    %div3A_8 = vector.broadcast %div3A : f32 to vector<1x64xf32>
    %div3A_9 = arith.divf %slice3A_7, %div3A_8 : vector<1x64xf32>
    %slice3A_10 = vector.extract_strided_slice %add3A_6 {offsets = [1, 0], sizes = [1, 64], strides = [1, 1]} : vector<2x64xf32> to vector<1x64xf32>
    %div3A_11 = arith.constant 2.621440e+05 : f32
    %div3A_12 = vector.broadcast %div3A_11 : f32 to vector<1x64xf32>
    %div3A_13 = arith.divf %slice3A_10, %div3A_12 : vector<1x64xf32>
    %mul3A = arith.mulf %div3A_9, %div3A_9 : vector<1x64xf32>
    %sub3A = arith.subf %div3A_13, %mul3A : vector<1x64xf32>
    %get3A_14 = arith.constant 0 : index
    %get3A_15 = arith.constant 0 : index
    %get3A_16 = vector.load %arg1[%get3A_14, %get3A_15] : memref<1x64xf32, #tpu.memory_space<vmem>>, vector<1x64xf32>
    %add3A_17 = arith.constant 1.000000e-03 : f32
    %add3A_18 = vector.broadcast %add3A_17 : f32 to vector<1x64xf32>
    %add3A_19 = arith.addf %sub3A, %add3A_18 : vector<1x64xf32>
    %sqrt3A = math.sqrt %add3A_19 : vector<1x64xf32>
    %div3A_20 = arith.divf %get3A_16, %sqrt3A : vector<1x64xf32>
    %get3A_21 = arith.constant 0 : index
    %get3A_22 = arith.constant 0 : index
    %get3A_23 = vector.load %arg2[%get3A_21, %get3A_22] : memref<1x64xf32, #tpu.memory_space<vmem>>, vector<1x64xf32>
    %mul3A_24 = arith.mulf %div3A_9, %div3A_20 : vector<1x64xf32>
    %sub3A_25 = arith.subf %get3A_23, %mul3A_24 : vector<1x64xf32>
    %get3A_26 = arith.constant 0 : index
    %get3A_27 = arith.constant 0 : index
    %get3A_28 = vector.load %arg3[%get3A_26, %get3A_27] : memref<8192x64xf32, #tpu.memory_space<vmem>>, vector<8192x64xf32>
    %mul3A_29 = vector.broadcast %div3A_20 : vector<1x64xf32> to vector<8192x64xf32>
    %mul3A_30 = arith.mulf %get3A_28, %mul3A_29 : vector<8192x64xf32>
    %add3A_31 = vector.broadcast %sub3A_25 : vector<1x64xf32> to vector<8192x64xf32>
    %add3A_32 = arith.addf %mul3A_30, %add3A_31 : vector<8192x64xf32>
    %max3A = arith.constant 0.000000e+00 : f32
    %max3A_33 = vector.broadcast %max3A : f32 to vector<8192x64xf32>
    %max3A_34 = arith.maximumf %add3A_32, %max3A_33 : vector<8192x64xf32>
    %swap3A = arith.constant 0 : index
    %swap3A_35 = arith.constant 0 : index
    %swap3A_36 = vector.load %arg4[%swap3A, %swap3A_35] : memref<8192x64xf32, #tpu.memory_space<vmem>>, vector<8192x64xf32>
    tpu.vector_store %arg4[%swap3A, %swap3A_35], %max3A_34 {strides = array<i32>} : memref<8192x64xf32, #tpu.memory_space<vmem>>, vector<8192x64xf32>,
    return
  }
}

</mosaic_0001>

<sc_bundles>
// kernel: kernel.9.cloned.1.call-start
scs
__scs_entry_jumppad:
0x0: {  	(pc) =	sbr.rel $0x88, $3  }
0x1: {  	(tag) =	ssettag $0x0;
	lr =	simm.s32 $0x1  }
0x2: {  	[smem:$0x3F96] =	sst lr;
	_ =	strace $0xD0000000  }
0x3: {  	_ = 	snop  }
0x4: {  	_ = 	snop  }
0x5: {  	_ = 	snop  }
0x6: {  	_ = 	snop  }
0x7: {  	_ = 	snop  }
__scs_overlays_trampoline_lowered:
0x8: {  	[smem:$0x3FA5] =	sst s0  }
0x9: {  	[smem:$0x3FA6] =	sst s1  }
0xa: {  	[smem:$0x3FA7] =	sst s2  }
0xb: {  	[smem:$0x3FA8] =	sst s3  }
0xc: {  	[smem:$0x3FA9] =	sst s4  }
0xd: {  	[smem:$0x3FAA] =	sst s5  }
0xe: {  	[smem:$0x3FAB] =	sst s6  }
0xf: {  	[smem:$0x3FAC] =	sst s7  }
0x10: {  	[smem:$0x3FAD] =	sst s8  }
0x11: {  	[smem:$0x3FAE] =	sst s9;
	s0 =	simm.s32 @!p0 $0x0  }
0x12: {  	s1 =	sld [smem:$0x3F94];
	s0 =	simm.s32 @p0 $0x1  }
0x13: {  	[smem:$0x3FAF] =	sst s0;
	s0 =	simm.s32 @!p1 $0x0  }
0x14: {  	s2 =	sld [smem:$0x3F93];
	s0 =	simm.s32 @p1 $0x1  }
0x15: {  	[smem:$0x3FB0] =	sst s0;
	s0 =	simm.s32 @!p2 $0x0  }
0x16: {  	s3 =	sld [smem:$0x3FDB];
	s0 =	simm.s32 @p2 $0x1  }
0x17: {  	s4 =	simm.s32 $0x1BF5;
	[smem:$0x3FB2] =	sst s0  }
0x18: {  	s0 =	sld [smem:$0x3F95];
	_ =	swait.ge [sflag:s4], $0x0  }
0x19: {  	s7 =	sld [smem:$0x3F96]  }
0x1a: {  	s8 =	sadd.s32 $0xFFFFE003, lr  }
0x1b: {  	s9 =	sadd.s32 $0xFFFFFEF7, lr;
	s5 =	simm.s32 $0xFFFFFFFF;
	p2 =	slt.u32 s8, $0xFFFFF086  }
0x1c: {  	p1 =	slt.u32 s9, $0xF7A;
	s5 =	simm.s32 @!p2 $0x0  }
0x1d: {  	s5 =	simm.s32 @p1 $0x1;
	p0 =	seq.s32 s7, s2  }
0x1e: {  	s7 =	smul.u32 @!p0 $0xF7A, s2;
	p2 =	seq.s32 @!p0 s5, $0x0  }
0x1f: {  	s9 =	smul.u32 $0xF7A, s1;
	s8 =	simm.s32 @!p0 $0x1BF5;
	p2 =	por !p2, p0  }
0x20: {  	[sflag:s8] =	ssyncset.s32 @!p0 $0xFFFFF086;
	s6 =	sadd.s32 @!p0 s3, s7;
	s7 =	simm.s32 @!p0 $0x108  }
0x21: {  	s3 =	sadd.s32 s3, s9;
	s6 =	sadd.s32 @!p0 $0x88, s6;
	s7 =	simm.s32 @p2 $0x1082  }
0x22: {  	[simem:s7], [sflag:s8] =	dma.local @!p0 [hbm:s6], $0xF7A  }
0x23: {  	s9 =	sor.u32 $0xD0000000, s2;
	s6 =	simm.s32 $0x108;
	_ =	swait.ge @!p0 [sflag:s8], $0x0  }
0x24: {  	s3 =	sadd.s32 $0x88, s3;
	s6 =	simm.s32 @!p1 $0x1082;
	[sflag:s4] =	ssyncset.s32 $0xFFFFF086  }
0x25: {  	[simem:s6], [sflag:s4] =	dma.local [hbm:s3], $0xF7A  }
0x26: {  	[smem:$0x3F96] =	sst s1;
	(tag) =	ssettag s2;
	_ =	strace s9  }
0x27: {  	s1 =	sld [smem:$0x3FA6]  }
0x28: {  	s2 =	sld [smem:$0x3FA7]  }
0x29: {  	s4 =	sld [smem:$0x3FA9]  }
0x2a: {  	p0 =	seq.s32 s5, $0x0;
	s5 =	sld [smem:$0x3FAA]  }
0x2b: {  	s6 =	sld [smem:$0x3FAB]  }
0x2c: {  	s7 =	sld [smem:$0x3FAC]  }
0x2d: {  	s3 =	simm.s32 $0x108;
	s8 =	sld [smem:$0x3FAD]  }
0x2e: {  	s3 =	simm.s32 @!p0 $0x1082;
	s9 =	sld [smem:$0x3FAE]  }
0x2f: {  	lr =	sadd.s32 s0, s3;
	s0 =	sld [smem:$0x3FA5]  }
0x30: {  	s3 =	sld [smem:$0x3FA8]  }
0x31: {  	[smem:$0x3FB1] =	sst s10  }
0x32: {  	s10 =	sld [smem:$0x3FAF];
	_ =	sdelay $0x3  }
0x33: {  	p0 =	seq.s32 s10, $0x1;
	s10 =	sld [smem:$0x3FB1];
	_ =	sdelay $0x3  }
0x34: {  	[smem:$0x3FB1] =	sst s10  }
0x35: {  	s10 =	sld [smem:$0x3FB0];
	_ =	sdelay $0x3  }
0x36: {  	p1 =	seq.s32 s10, $0x1;
	s10 =	sld [smem:$0x3FB1];
	_ =	sdelay $0x3  }
0x37: {  	[smem:$0x3FB1] =	sst s10  }
0x38: {  	s10 =	sld [smem:$0x3FB2]  }
0x39: {  	_ = 	snop;
	(pc) =	sbr.ind lr, $3  }
0x3a: {  	_ = 	snop  }
0x3b: {  	_ = 	snop  }
0x3c: {  	p2 =	seq.s32 s10, $0x1;
	s10 =	sld [smem:$0x3FB1]  }
0x3d: {  	_ =	shalt  }
0x3e: {  	_ =	shalt  }
0x3f: {  	_ =	shalt  }
0x40: {  	_ =	shalt  }
0x41: {  	_ =	shalt  }
0x42: {  	_ =	shalt  }
0x43: {  	_ =	shalt  }
0x44: {  	_ =	shalt  }
0x45: {  	_ =	shalt  }
0x46: {  	_ =	shalt  }
0x47: {  	_ =	shalt  }
0x48: {  	_ =	shalt  }
0x49: {  	_ =	shalt  }
0x4a: {  	_ =	shalt  }
0x4b: {  	_ =	shalt  }
0x4c: {  	_ =	shalt  }
0x4d: {  	_ =	shalt  }
0x4e: {  	_ =	shalt  }
0x4f: {  	_ =	shalt  }
0x50: {  	_ =	shalt  }
0x51: {  	_ =	shalt  }
0x52: {  	_ =	shalt  }
0x53: {  	_ =	shalt  }
0x54: {  	_ =	shalt  }
0x55: {  	_ =	shalt  }
0x56: {  	_ =	shalt  }
0x57: {  	_ =	shalt  }
0x58: {  	_ =	shalt  }
0x59: {  	_ =	shalt  }
0x5a: {  	_ =	shalt  }
0x5b: {  	_ =	shalt  }
0x5c: {  	_ =	shalt  }
0x5d: {  	_ =	shalt  }
0x5e: {  	_ =	shalt  }
0x5f: {  	_ =	shalt  }
0x60: {  	_ =	shalt  }
0x61: {  	_ =	shalt  }
0x62: {  	_ =	shalt  }
0x63: {  	_ =	shalt  }
0x64: {  	_ =	shalt  }
0x65: {  	_ =	shalt  }
0x66: {  	_ =	shalt  }
0x67: {  	_ =	shalt  }
0x68: {  	_ =	shalt  }
0x69: {  	_ =	shalt  }
0x6a: {  	_ =	shalt  }
0x6b: {  	_ =	shalt  }
0x6c: {  	_ =	shalt  }
0x6d: {  	_ =	shalt  }
0x6e: {  	_ =	shalt  }
0x6f: {  	_ =	shalt  }
0x70: {  	_ =	shalt  }
0x71: {  	_ =	shalt  }
0x72: {  	_ =	shalt  }
0x73: {  	_ =	shalt  }
0x74: {  	_ =	shalt  }
0x75: {  	_ =	shalt  }
0x76: {  	_ =	shalt  }
0x77: {  	_ =	shalt  }
0x78: {  	_ =	shalt  }
0x79: {  	_ =	shalt  }
0x7a: {  	_ =	shalt  }
0x7b: {  	_ =	shalt  }
0x7c: {  	_ =	shalt  }
0x7d: {  	_ =	shalt  }
0x7e: {  	_ =	shalt  }
0x7f: {  	_ =	shalt  }
0x80: {  	_ =	shalt  }
0x81: {  	_ =	shalt  }
0x82: {  	_ =	shalt  }
0x83: {  	_ =	shalt  }
0x84: {  	_ =	shalt  }
0x85: {  	_ =	shalt  }
0x86: {  	_ =	shalt  }
0x87: {  	_ =	shalt  }
.Lfunc_end0:
.L_simem_size_0:
called_computation_lowered:
.L_overlay_start_0:
0x88: {  	s2 =	sld [smem:$0x3FD9]  }
0x89: {  	s3 =	sld [smem:$0x3FFE];
	_ =	sdelay $0x1  }
0x8a: {  	s1 =	srdreg.scid  }
0x8b: {  	s0 =	sand.u32 $0x1, s1  }
0x8c: {  	s14 =	sshll.u32 s0, $0xA;
	s2 =	sadd.s32 s3, s2  }
0x8d: {  	s2 =	sadd.s32 s2, s14  }
0x8e: {  	[smem:$0x3FBD] =	sst s2  }
0x8f: {  	_ = 	snop  }
0x90: {  	s2 =	sld [smem:$0x3FD0];
	_ =	sdelay $0x2  }
0x91: {  	s15 =	simm.s32 $0xA;
	s4 =	simm.s32 $0x10  }
0x92: {  	[smem:s4], [sflag:s15] =	dma.local [hbm:s2], $0x1  }
0x93: {  	_ =	swait.eq [sflag:s15], $0x1  }
0x94: {  	[sflag:s15] =	ssyncset.done $0x0  }
0x95: {  	[sflag:s15] =	ssyncadd.s32 $0xFFFFFFFF  }
0x96: {  	s16 =	sld [smem:$0x11];
	(tm) =	ssettm $0x1  }
0x97: {  	s17 =	sld [smem:$0x3FFB];
	_ =	sdelay $0x3  }
0x98: {  	_ =	strace s17  }
0x99: {  	s3 =	sld [smem:$0x3FFC];
	_ =	sdelay $0x3  }
0x9a: {  	_ =	strace s3  }
0x9b: {  	s3 =	sld [smem:$0x3FFD];
	_ =	sdelay $0x3  }
0x9c: {  	_ =	strace s3  }
0x9d: {  	_ =	strace $0x8FFFFFFF  }
0x9e: {  	s18 =	sld [smem:$0x3FDB];
	_ =	sdelay $0x1  }
0x9f: {  	s19 =	simm.s32 $_scs_section_size  }
0xa0: {  	s5 =	simm.s32 $_size__tile_overlayer_lowered;
	s6 =	simm.s32 $_tile_overlayer_lowered  }
0xa1: {  	s22 =	simm.s32 $0x1BFF;
	s21 =	sshll.u32 s6, $0x1;
	s3 =	sadd.s32 s19, s18  }
0xa2: {  	s7 =	simm.s32 $0x0;
	s20 =	sshll.u32 s5, $0x1;
	s5 =	sadd.s32 s21, s3  }
0xa3: {  	[timem:s7], [sflag:s22] =	dma.local [hbm:s5], s20  }
0xa4: {  	_ =	swait.ge [sflag:s22], s20  }
0xa5: {  	s4 =	ssub.s32 $0x0, s20;
	[sflag:s22] =	ssyncset.done $0x0  }
0xa6: {  	[sflag:s22] =	ssyncadd.s32 s4;
	_ =	sdelay $0x1  }
0xa7: {  	s23 =	simm.s32 $0x1B8B  }
0xa8: {  	_ =	swait.ge [sflag:s23], $0x1  }
0xa9: {  	[sflag:s23] =	ssyncset.done $0x0  }
0xaa: {  	s25 =	simm.s32 $0x1B8E;
	s24 =	sld [smem:$0x3FFE];
	[sflag:s23] =	ssyncadd.s32 $0xFFFFFFFF  }
0xab: {  	s26 =	simm.s32 $execute0_lowered;
	[smem:$0x3FD2] =	sst s25  }
0xac: {  	s5 =	sshll.u32 s26, $0x1;
	_ =	strace $0x80000046;
	[dreg:$0x1] =	wrdreg $0xFFFFFFFF  }
0xad: {  	s28 =	simm.s32 $_size_execute0_lowered;
	s3 =	sadd.s32 s3, s5;
	[dreg:$0x0] =	wrdreg $0x0  }
0xae: {  	s5 =	sshll.u32 s28, $0x1;
	[dreg:$0x2] =	wrdreg s3  }
0xaf: {  	[dreg:$0x3] =	wrdreg s5  }
0xb0: {  	[dreg:$0x4] =	wrdreg $0xC0  }
0xb1: {  	_ =	task [dreg:s7], $0x5FFFF  }
0xb2: {  	[dreg:$0x1] =	wrdreg $0xFFFFFFFF  }
0xb3: {  	[dreg:$0x0] =	wrdreg $0x60  }
0xb4: {  	[dreg:$0x2] =	wrdreg s24  }
0xb5: {  	[dreg:$0x3] =	wrdreg s16  }
0xb6: {  	[dreg:$0x4] =	wrdreg $0x9  }
0xb7: {  	_ =	task.clear_ibuf [dreg:s7], $0x5FFFF;
	_ =	strace $0x90000046  }
0xb8: {  	s29 =	simm.s32 $0x9;
	_ =	strace $0x80000048  }
0xb9: {  	_ =	swait.ge [sflag:s29], $0x1  }
0xba: {  	[sflag:s29] =	ssyncadd.s32 $0xFFFFFFFF  }
0xbb: {  	_ =	strace $0x90000048  }
0xbc: {  	_ =	sfence  }
0xbd: {  	s30 =	sld [smem:$0x0];
	_ =	sdelay $0x2  }
0xbe: {  	s31 =	sshll.u32 s1, $0xD;
	s1 =	sshrl.u32 s1, $0x2  }
0xbf: {  	s3 =	sand.u32 $0x4000, s31;
	s1 =	sadd.s32 s1, s30  }
0xc0: {  	s0 =	sor.u32 s3, s0;
	s1 =	sshll.u32 s1, $0x11  }
0xc1: {  	s0 =	sor.u32 s1, s0  }
0xc2: {  	s0 =	sadd.s32 $0x8F2B, s0  }
0xc3: {  	[sflag:s0] =	ssyncadd.remote.s32 $0x1  }
0xc4: {  	_ =	sfence.sel $0xFFFF  }
0xc5: {  	[dreg:$0x0] =	wrdreg $0xFFFFFFFF;
	(pc) =	sbr.abs _section_cstart, $3  }
0xc6: {  	[dreg:$0x1] =	wrdreg $0xFFFFFFFF  }
0xc7: {  	_ =	task.clear_ibuf [dreg:s7], $0x2FFFF;
	_ =	strace $0x9FFFFFFF  }
0xc8: {  	(tm) =	ssettm $0x7FFFFFFF  }
0xc9: {  	_ =	shalt  }
tec
execute0_lowered:
.L_overlay_start_1:
0x0: {  	(tag) =	ssettag $0x1  }
0x1: {  	s0 =	srdreg.scid;
	s1 =	rddreg [dreg:$0x0]  }
0x2: {  	s3 =	stileid.u32;
	s6 =	rddreg [dreg:$0x1]  }
0x3: {  	s28 =	simm.s32 $0x20;
	s29 =	simm.s32 $0x6480;
	s30 =	simm.s32 $0x64C0  }
0x4: {  	s31 =	simm.s32 $0x64A0;
	s0 =	sand.u32 $0x1, s0;
	s2 =	sshll.u32 s3, $0x1  }
0x5: {  	s8 =	sshrl.u32 s3, $0x1;
	s3 =	simm.s32 $0x0;
	s7 =	sor.u32 s0, s2  }
0x6: {  	s5 =	sshll.u32 s8, $0xA;
	[smem:$0x7FF] =	sst s3;
	s16 =	sshll.u32 s8, $0x9  }
0x7: {  	s0 =	ssub.s32 $0x2, s0;
	s8 =	sshll.u32 s8, $0xC;
	s2 =	sshll.u32 s7, $0x8  }
0x8: {  	_ =	strace $0x80000047;
	s17 =	sshll.u32 s7, $0x5;
	s10 =	sadd.s32 s16, s1  }
0x9: {  	s12 =	sshll.u32 s7, $0x3;
	s13 =	sshrl.u32 s0, $0x1;
	s24 =	sshll.u32 s7, $0xF  }
0xa: {  	s7 =	sshll.u32 s7, $0xA;
	s4 =	sand.u32 $0x300, s2;
	s18 =	sadd.s32 $0x81E00, s10  }
0xb: {  	s11 =	sadd.s32 s17, s1;
	s19 =	sadd.s32 $0x82E00, s10;
	[dreg:$0x3] =	wrdreg s18  }
0xc: {  	s0 =	ssub.s32 s0, s13;
	s20 =	sadd.s32 $0x83E00, s10;
	[dreg:$0x4] =	wrdreg s19  }
0xd: {  	s23 =	sadd.s32 $0x1E00, s10;
	s6 =	sadd.s32 s6, s7;
	[dreg:$0x5] =	wrdreg s20  }
0xe: {  	s4 =	sor.u32 s5, s4;
	s5 =	sadd.s32 $0x85A00, s1;
	[dreg:$0x9] =	wrdreg s23  }
0xf: {  	s25 =	sadd.s32 $0x2E00, s11;
	[dreg:$0xb] =	wrdreg s6;
	s0 =	smax.u32 s0, $0x1  }
0x10: {  	s18 =	simm.s32 $0x5;
	s23 =	simm.s32 $0x3200;
	s19 =	simm.s32 $0x1  }
0x11: {  	s20 =	simm.s32 $0x3;
	s4 =	sshrl.u32 s4, $0x3;
	[dreg:$0xa] =	wrdreg s25  }
0x12: {  	s6 =	simm.s32 $0x0;
	[dreg:$0xe] =	wrdreg s0;
	s9 =	sadd.s32 s4, s1  }
0x13: {  	s25 =	simm.s32 $0x4300;
	s4 =	sadd.s32 $0x3200, s1;
	s21 =	sadd.s32 $0x84E00, s9  }
0x14: {  	s1 =	sadd.s32 s12, s1;
	s22 =	sadd.s32 $0x85200, s9;
	[dreg:$0x6] =	wrdreg s21  }
.Ltmp0:
0x15: {  	s9 =	sadd.s32 $0x85600, s9;
	[dreg:$0x7] =	wrdreg s22;
	(pc) =	sbr.rel .LBB2_1-.Ltmp0, $4  }
0x16: {  	s0 =	simm.s32 $0x2;
	s1 =	sadd.s32 $0x23200, s1;
	[dreg:$0x8] =	wrdreg s9  }
0x17: {  	s9 =	sadd.s32 s24, s5;
	[dreg:$0xd] =	wrdreg s1;
	s21 =	simm.s32 $0x3000  }
0x18: {  	v0 =	vlaneseq.u32;
	s22 =	simm.s32 $0x3100;
	s1 =	simm.s32 $0x68C0;
	s26 =	sadd.s32 $0x7F80, s9  }
0x19: {  	v2 =	vimm.f32 $0.0e+00;
	v3 =	vor.u32 $0x10, v0;
	v1 =	vmov s8;
	s24 =	simm.s32 $0x4;
	[dreg:$0xc] =	wrdreg s26;
	s26 =	simm.s32 $0x4400  }
.LBB2_15:
0x1a: {  	_ =	swait.ge [sflag:s0], $0x400  }
0x1b: {  	[sflag:s0] =	ssyncset.done $0x0  }
0x1c: {  	[sflag:s0] =	ssyncadd.s32 $0xFFFFFC00  }
0x1d: {  	v39 =	vld [tilespmem:$0x6CC0]  }
0x1e: {  	v7 =	vld [tilespmem:$0x6CD0]  }
0x1f: {  	v8 =	vld [tilespmem:$0x68C0]  }
0x20: {  	v9 =	vld [tilespmem:$0x68D0]  }
0x21: {  	v10 =	vld [tilespmem:$0x6CE0]  }
0x22: {  	v11 =	vld [tilespmem:$0x68E0]  }
0x23: {  	v4 =	vor.u32 $0x1FE0, v0;
	v12 =	vld [tilespmem:$0x68F0]  }
0x24: {  	v6 =	vor.u32 $0x1FF0, v0;
	v14 =	vld [tilespmem:$0x6900]  }
0x25: {  	v16 =	vld [tilespmem:$0x6910]  }
0x26: {  	v18 =	vld [tilespmem:$0x6930]  }
0x27: {  	v20 =	vld [tilespmem:$0x6950]  }
0x28: {  	v5 =	vld.idx.msk [tilespmem:v4+s26+$0x0], $0xffff  }
0x29: {  	v4 =	vld.idx.msk [tilespmem:v6+s26+$0x0], $0xffff  }
0x2a: {  	v22 =	vld [tilespmem:$0x6970]  }
0x2b: {  	v24 =	vld [tilespmem:$0x6990]  }
0x2c: {  	v26 =	vld [tilespmem:$0x69B0]  }
0x2d: {  	v28 =	vld [tilespmem:$0x69D0];
	v8 =	vsub.f32 v8, v5  }
0x2e: {  	v32 =	vld [tilespmem:$0x6A00];
	v9 =	vsub.f32 v9, v4;
	v11 =	vsub.f32 v11, v5  }
0x2f: {  	v34 =	vld [tilespmem:$0x6A20];
	v12 =	vsub.f32 v12, v4;
	v14 =	vsub.f32 v14, v5  }
0x30: {  	v13 =	vld [tilespmem:$0x6CF0];
	v16 =	vsub.f32 v16, v4;
	v18 =	vsub.f32 v18, v4  }
0x31: {  	v40 =	vld [tilespmem:$0x6920];
	v20 =	vsub.f32 v20, v4;
	v22 =	vsub.f32 v22, v4  }
0x32: {  	v42 =	vld [tilespmem:$0x6940];
	v24 =	vsub.f32 v24, v4;
	v26 =	vsub.f32 v26, v4  }
0x33: {  	v61 =	vld [tilespmem:$0x6A50];
	v28 =	vsub.f32 v28, v4;
	v32 =	vsub.f32 v32, v5  }
0x34: {  	v38 =	vld [tilespmem:$0x6A70];
	v34 =	vsub.f32 v34, v5;
	v15 =	vmul.f32 v8, v8;
	v17 =	vmul.f32 v9, v9  }
0x35: {  	v6 =	vadd.f32 v8, v39;
	v7 =	vadd.f32 v9, v7  }
0x36: {  	v44 =	vld [tilespmem:$0x6960];
	v10 =	vadd.f32 v15, v10;
	v13 =	vadd.f32 v17, v13  }
0x37: {  	v36 =	vld [tilespmem:$0x6A40];
	v41 =	vmul.f32 v11, v11;
	v6 =	vadd.f32 v11, v6;
	v7 =	vadd.f32 v12, v7  }
0x38: {  	v19 =	vmul.f32 v12, v12;
	v15 =	vsub.f32 v40, v5;
	v17 =	vsub.f32 v42, v5  }
0x39: {  	[tilespmem:$0x68E0] =	vst v11;
	v42 =	vsub.f32 v61, v4;
	v11 =	vsub.f32 v38, v4  }
0x3a: {  	v46 =	vld [tilespmem:$0x6980];
	v43 =	vmul.f32 v14, v14;
	v10 =	vadd.f32 v41, v10;
	v13 =	vadd.f32 v19, v13  }
0x3b: {  	v21 =	vmul.f32 v16, v16;
	v6 =	vadd.f32 v14, v6;
	v7 =	vadd.f32 v16, v7  }
0x3c: {  	v48 =	vld [tilespmem:$0x69A0];
	v19 =	vsub.f32 v44, v5;
	v41 =	vsub.f32 v36, v5  }
0x3d: {  	v37 =	vld [tilespmem:$0x6A60];
	v45 =	vmul.f32 v15, v15;
	v10 =	vadd.f32 v43, v10;
	v13 =	vadd.f32 v21, v13  }
0x3e: {  	v23 =	vmul.f32 v18, v18;
	v6 =	vadd.f32 v15, v6;
	v7 =	vadd.f32 v18, v7  }
0x3f: {  	v50 =	vld [tilespmem:$0x69C0];
	v21 =	vsub.f32 v46, v5;
	v10 =	vadd.f32 v45, v10  }
0x40: {  	v47 =	vmul.f32 v17, v17;
	v43 =	vld [tilespmem:$0x6A90];
	v13 =	vadd.f32 v23, v13;
	v6 =	vadd.f32 v17, v6  }
0x41: {  	v52 =	vld [tilespmem:$0x69E0];
	v25 =	vmul.f32 v20, v20;
	v7 =	vadd.f32 v20, v7;
	v23 =	vsub.f32 v48, v5  }
0x42: {  	v61 =	vld [tilespmem:$0x6B00];
	v45 =	vsub.f32 v37, v5;
	v10 =	vadd.f32 v47, v10  }
0x43: {  	v49 =	vmul.f32 v19, v19;
	v48 =	vld [tilespmem:$0x6AA0];
	v13 =	vadd.f32 v25, v13;
	v6 =	vadd.f32 v19, v6  }
0x44: {  	v27 =	vmul.f32 v22, v22;
	v7 =	vadd.f32 v22, v7;
	v25 =	vsub.f32 v50, v5  }
0x45: {  	[tilespmem:$0x6920] =	vst v15;
	v15 =	vsub.f32 v43, v4;
	v10 =	vadd.f32 v49, v10  }
0x46: {  	v31 =	vld [tilespmem:$0x69F0];
	v29 =	vmul.f32 v24, v24;
	v13 =	vadd.f32 v27, v13;
	v6 =	vadd.f32 v21, v6  }
0x47: {  	[tilespmem:$0x6990] =	vst v24;
	v51 =	vmul.f32 v21, v21;
	v7 =	vadd.f32 v24, v7;
	v27 =	vsub.f32 v52, v5  }
0x48: {  	v55 =	vld [tilespmem:$0x6A10];
	[tilespmem:$0x6940] =	vst v17;
	v24 =	vsub.f32 v61, v5;
	v17 =	vsub.f32 v48, v5  }
0x49: {  	v53 =	vmul.f32 v23, v23;
	v52 =	vld [tilespmem:$0x6AC0];
	v10 =	vadd.f32 v51, v10;
	v13 =	vadd.f32 v29, v13  }
0x4a: {  	v30 =	vmul.f32 v26, v26;
	v6 =	vadd.f32 v23, v6;
	v7 =	vadd.f32 v26, v7  }
0x4b: {  	v29 =	vsub.f32 v31, v4;
	v10 =	vadd.f32 v53, v10  }
0x4c: {  	v40 =	vld [tilespmem:$0x6A80];
	v54 =	vmul.f32 v25, v25;
	v13 =	vadd.f32 v30, v13;
	v6 =	vadd.f32 v25, v6  }
0x4d: {  	v33 =	vmul.f32 v28, v28;
	v7 =	vadd.f32 v28, v7;
	v30 =	vsub.f32 v55, v4;
	v53 =	vld [tilespmem:$0x6AD0]  }
0x4e: {  	[tilespmem:$0x6960] =	vst v19;
	v57 =	vmul.f32 v27, v27;
	v55 =	vld [tilespmem:$0x6AE0];
	v19 =	vsub.f32 v52, v5;
	v10 =	vadd.f32 v54, v10  }
0x4f: {  	v56 =	vld [tilespmem:$0x6A30];
	v35 =	vmul.f32 v29, v29;
	v13 =	vadd.f32 v33, v13;
	v6 =	vadd.f32 v27, v6  }
0x50: {  	v50 =	vld [tilespmem:$0x6AB0];
	v7 =	vadd.f32 v29, v7;
	v10 =	vadd.f32 v57, v10  }
0x51: {  	[tilespmem:$0x68C0] =	vst v8;
	v33 =	vld [tilespmem:$0x6B20];
	v59 =	vadd.f32 v35, v13;
	v6 =	vadd.f32 v32, v6  }
0x52: {  	v58 =	vmul.f32 v32, v32;
	[tilespmem:$0x6930] =	vst v18;
	v7 =	vadd.f32 v30, v7;
	v13 =	vsub.f32 v40, v5;
	v57 =	vld [tilespmem:$0x6AF0]  }
0x53: {  	[tilespmem:$0x6980] =	vst v21;
	v60 =	vmul.f32 v30, v30;
	v35 =	vld [tilespmem:$0x6B30];
	v18 =	vsub.f32 v53, v4;
	v21 =	vsub.f32 v55, v5  }
0x54: {  	v63 =	vmul.f32 v34, v34;
	[tilespmem:$0x6A00] =	vst v32;
	v32 =	vld [tilespmem:$0x6C10];
	v62 =	vadd.f32 v58, v10;
	v10 =	vsub.f32 v56, v4  }
0x55: {  	[tilespmem:$0x68D0] =	vst v9;
	v8 =	vadd.f32 v60, v59;
	v6 =	vadd.f32 v34, v6  }
0x56: {  	[tilespmem:$0x6900] =	vst v14;
	v37 =	vld [tilespmem:$0x6B40];
	v56 =	vsub.f32 v50, v4;
	v9 =	vadd.f32 v63, v62  }
0x57: {  	[tilespmem:$0x6950] =	vst v20;
	v44 =	vmul.f32 v41, v41;
	v50 =	vld [tilespmem:$0x6B80];
	v7 =	vadd.f32 v10, v7;
	v6 =	vadd.f32 v41, v6  }
0x58: {  	[tilespmem:$0x6A40] =	vst v41;
	v39 =	vmul.f32 v10, v10;
	v41 =	vsub.f32 v33, v5;
	v20 =	vsub.f32 v57, v4  }
0x59: {  	[tilespmem:$0x69A0] =	vst v23;
	v55 =	vld [tilespmem:$0x6BB0];
	v23 =	vsub.f32 v35, v4;
	v14 =	vsub.f32 v32, v4  }
0x5a: {  	v46 =	vmul.f32 v42, v42;
	v63 =	vld [tilespmem:$0x6B10];
	v8 =	vadd.f32 v39, v8;
	v7 =	vadd.f32 v42, v7  }
0x5b: {  	[tilespmem:$0x68F0] =	vst v12;
	v47 =	vmul.f32 v45, v45;
	v9 =	vadd.f32 v44, v9;
	v6 =	vadd.f32 v45, v6  }
0x5c: {  	[tilespmem:$0x69E0] =	vst v27;
	v27 =	vld [tilespmem:$0x6BE0];
	v44 =	vsub.f32 v37, v5;
	v57 =	vsub.f32 v50, v5  }
0x5d: {  	[tilespmem:$0x6910] =	vst v16;
	v49 =	vmul.f32 v11, v11;
	v53 =	vld [tilespmem:$0x6BA0];
	v8 =	vadd.f32 v46, v8;
	v9 =	vadd.f32 v47, v9  }
0x5e: {  	[tilespmem:$0x6970] =	vst v22;
	v51 =	vmul.f32 v13, v13;
	v39 =	vld [tilespmem:$0x6B50];
	v7 =	vadd.f32 v11, v7;
	v6 =	vadd.f32 v13, v6  }
0x5f: {  	[tilespmem:$0x69D0] =	vst v28;
	v28 =	vld [tilespmem:$0x6BF0];
	v38 =	vsub.f32 v63, v4;
	v63 =	vsub.f32 v55, v4  }
0x60: {  	[tilespmem:$0x6A60] =	vst v45;
	v45 =	vld [tilespmem:$0x6B60];
	v8 =	vadd.f32 v49, v8;
	v9 =	vadd.f32 v51, v9  }
0x61: {  	[tilespmem:$0x6A90] =	vst v15;
	v54 =	vmul.f32 v15, v15;
	v37 =	vld [tilespmem:$0x6C20];
	v7 =	vadd.f32 v15, v7;
	v6 =	vadd.f32 v17, v6  }
0x62: {  	[tilespmem:$0x6AA0] =	vst v17;
	v58 =	vmul.f32 v17, v17;
	v47 =	vld [tilespmem:$0x6B70];
	v15 =	vsub.f32 v53, v5;
	v17 =	vsub.f32 v27, v5  }
0x63: {  	[tilespmem:$0x69B0] =	vst v26;
	v48 =	vsub.f32 v39, v4;
	v8 =	vadd.f32 v54, v8  }
0x64: {  	[tilespmem:$0x6A20] =	vst v34;
	v51 =	vld [tilespmem:$0x6B90];
	v7 =	vadd.f32 v56, v7;
	v9 =	vadd.f32 v58, v9  }
0x65: {  	[tilespmem:$0x6A50] =	vst v42;
	v59 =	vmul.f32 v56, v56;
	v6 =	vadd.f32 v19, v6;
	v54 =	vsub.f32 v45, v5  }
0x66: {  	[tilespmem:$0x6AC0] =	vst v19;
	v60 =	vmul.f32 v19, v19;
	v19 =	vsub.f32 v28, v4;
	v45 =	vsub.f32 v37, v5  }
0x67: {  	[tilespmem:$0x6A70] =	vst v11;
	v12 =	vsub.f32 v47, v4;
	v8 =	vadd.f32 v59, v8  }
0x68: {  	[tilespmem:$0x6A10] =	vst v30;
	v30 =	vld [tilespmem:$0x6C00];
	v62 =	vmul.f32 v18, v18;
	v9 =	vadd.f32 v60, v9;
	v7 =	vadd.f32 v18, v7  }
0x69: {  	[tilespmem:$0x69F0] =	vst v29;
	v29 =	vmul.f32 v21, v21;
	v6 =	vadd.f32 v21, v6;
	v60 =	vld [tilespmem:$0x6BC0];
	v11 =	vsub.f32 v51, v4  }
0x6a: {  	[tilespmem:$0x69C0] =	vst v25;
	v36 =	vmul.f32 v20, v20;
	v53 =	vld [tilespmem:$0x6C90];
	v8 =	vadd.f32 v62, v8;
	v7 =	vadd.f32 v20, v7  }
0x6b: {  	[tilespmem:$0x6B00] =	vst v24;
	v40 =	vmul.f32 v24, v24;
	v9 =	vadd.f32 v29, v9;
	v6 =	vadd.f32 v24, v6  }
0x6c: {  	[tilespmem:$0x6A80] =	vst v13;
	v62 =	vld [tilespmem:$0x6BD0];
	v8 =	vadd.f32 v36, v8;
	v7 =	vadd.f32 v38, v7  }
0x6d: {  	[tilespmem:$0x6AD0] =	vst v18;
	v42 =	vmul.f32 v38, v38;
	v9 =	vadd.f32 v40, v9;
	v6 =	vadd.f32 v41, v6  }
0x6e: {  	v43 =	vmul.f32 v41, v41;
	[tilespmem:$0x6AF0] =	vst v20;
	v39 =	vld [tilespmem:$0x6C30];
	v36 =	vsub.f32 v30, v5;
	v20 =	vsub.f32 v60, v5  }
0x6f: {  	[tilespmem:$0x6AE0] =	vst v21;
	v46 =	vmul.f32 v23, v23;
	v47 =	vld [tilespmem:$0x6C70];
	v60 =	vsub.f32 v53, v4;
	v8 =	vadd.f32 v42, v8  }
0x70: {  	[tilespmem:$0x6B20] =	vst v41;
	v49 =	vmul.f32 v44, v44;
	v41 =	vld [tilespmem:$0x6C40];
	v9 =	vadd.f32 v43, v9;
	v7 =	vadd.f32 v23, v7  }
0x71: {  	[tilespmem:$0x6A30] =	vst v10;
	v6 =	vadd.f32 v44, v6;
	v31 =	vsub.f32 v62, v4  }
0x72: {  	[tilespmem:$0x6AB0] =	vst v56;
	v42 =	vld [tilespmem:$0x6C50];
	v8 =	vadd.f32 v46, v8;
	v9 =	vadd.f32 v49, v9  }
0x73: {  	[tilespmem:$0x6B30] =	vst v23;
	v52 =	vmul.f32 v48, v48;
	v7 =	vadd.f32 v48, v7;
	v6 =	vadd.f32 v54, v6  }
0x74: {  	v56 =	vmul.f32 v54, v54;
	[tilespmem:$0x6B60] =	vst v54;
	v51 =	vld [tilespmem:$0x6C80];
	v46 =	vsub.f32 v39, v4;
	v54 =	vsub.f32 v47, v4  }
0x75: {  	[tilespmem:$0x6B40] =	vst v44;
	v59 =	vmul.f32 v57, v57;
	v44 =	vld [tilespmem:$0x6C60];
	v16 =	vsub.f32 v41, v5;
	v8 =	vadd.f32 v52, v8  }
0x76: {  	[tilespmem:$0x6C10] =	vst v14;
	v58 =	vmul.f32 v12, v12;
	v7 =	vadd.f32 v12, v7;
	v9 =	vadd.f32 v56, v9  }
0x77: {  	[tilespmem:$0x6B80] =	vst v57;
	v6 =	vadd.f32 v57, v6;
	v56 =	vld [tilespmem:$0x6CA0];
	v10 =	vsub.f32 v42, v4  }
0x78: {  	[tilespmem:$0x6B10] =	vst v38;
	v24 =	vmul.f32 v15, v15;
	v57 =	vld [tilespmem:$0x6CB0];
	v8 =	vadd.f32 v58, v8;
	v9 =	vadd.f32 v59, v9  }
0x79: {  	[tilespmem:$0x6BB0] =	vst v63;
	v61 =	vmul.f32 v11, v11;
	v7 =	vadd.f32 v11, v7;
	v6 =	vadd.f32 v15, v6  }
0x7a: {  	[tilespmem:$0x6BA0] =	vst v15;
	v15 =	vsub.f32 v44, v5;
	v59 =	vsub.f32 v51, v5  }
0x7b: {  	[tilespmem:$0x6BE0] =	vst v17;
	v8 =	vadd.f32 v61, v8;
	v9 =	vadd.f32 v24, v9  }
0x7c: {  	[tilespmem:$0x6B50] =	vst v48;
	v29 =	vmul.f32 v63, v63;
	v7 =	vadd.f32 v63, v7;
	v6 =	vadd.f32 v20, v6  }
0x7d: {  	[tilespmem:$0x6BF0] =	vst v19;
	v33 =	vmul.f32 v20, v20;
	v5 =	vsub.f32 v56, v5;
	v4 =	vsub.f32 v57, v4  }
0x7e: {  	[tilespmem:$0x6C20] =	vst v45;
	v34 =	vmul.f32 v31, v31;
	v8 =	vadd.f32 v29, v8;
	v7 =	vadd.f32 v31, v7  }
0x7f: {  	v35 =	vmul.f32 v17, v17;
	[tilespmem:$0x6B70] =	vst v12;
	v9 =	vadd.f32 v33, v9;
	v6 =	vadd.f32 v17, v6  }
0x80: {  	[tilespmem:$0x6B90] =	vst v11;
	v38 =	vmul.f32 v19, v19;
	v8 =	vadd.f32 v34, v8;
	v7 =	vadd.f32 v19, v7  }
0x81: {  	v40 =	vmul.f32 v36, v36;
	[tilespmem:$0x6C00] =	vst v36;
	v9 =	vadd.f32 v35, v9;
	v6 =	vadd.f32 v36, v6  }
0x82: {  	v43 =	vmul.f32 v14, v14;
	[tilespmem:$0x6BC0] =	vst v20;
	v8 =	vadd.f32 v38, v8;
	v7 =	vadd.f32 v14, v7  }
0x83: {  	[tilespmem:$0x6C90] =	vst v60;
	v48 =	vmul.f32 v45, v45;
	v9 =	vadd.f32 v40, v9;
	v6 =	vadd.f32 v45, v6  }
0x84: {  	[tilespmem:$0x6BD0] =	vst v31;
	v49 =	vmul.f32 v46, v46;
	v8 =	vadd.f32 v43, v8;
	v7 =	vadd.f32 v46, v7  }
0x85: {  	[tilespmem:$0x6C30] =	vst v46;
	v50 =	vmul.f32 v16, v16;
	v9 =	vadd.f32 v48, v9;
	v6 =	vadd.f32 v16, v6  }
0x86: {  	[tilespmem:$0x6C70] =	vst v54;
	v52 =	vmul.f32 v10, v10;
	v8 =	vadd.f32 v49, v8;
	v7 =	vadd.f32 v10, v7  }
0x87: {  	[tilespmem:$0x6C40] =	vst v16;
	v55 =	vmul.f32 v15, v15;
	v9 =	vadd.f32 v50, v9;
	v6 =	vadd.f32 v15, v6  }
0x88: {  	v58 =	vmul.f32 v54, v54;
	[tilespmem:$0x6C50] =	vst v10;
	v8 =	vadd.f32 v52, v8;
	v7 =	vadd.f32 v54, v7  }
0x89: {  	[tilespmem:$0x6C60] =	vst v15;
	v61 =	vmul.f32 v59, v59;
	v9 =	vadd.f32 v55, v9;
	v6 =	vadd.f32 v59, v6  }
0x8a: {  	[tilespmem:$0x6C80] =	vst v59;
	v10 =	vmul.f32 v60, v60;
	v8 =	vadd.f32 v58, v8;
	v7 =	vadd.f32 v60, v7  }
0x8b: {  	[tilespmem:$0x6CA0] =	vst v5;
	v9 =	vadd.f32 v61, v9;
	v6 =	vadd.f32 v5, v6;
	v5 =	vmul.f32 v5, v5  }
0x8c: {  	[tilespmem:$0x6CB0] =	vst v4;
	v8 =	vadd.f32 v10, v8;
	v7 =	vadd.f32 v4, v7;
	v4 =	vmul.f32 v4, v4  }
0x8d: {  	v5 =	vadd.f32 v5, v9;
	[tilespmem:$0x6CC0] =	vst v6  }
0x8e: {  	v4 =	vadd.f32 v4, v8;
	[tilespmem:$0x6CD0] =	vst v7  }
0x8f: {  	[tilespmem:$0x6CE0] =	vst v5  }
0x90: {  	s7 =	rddreg [dreg:$0xc];
	[tilespmem:$0x6CF0] =	vst v4  }
0x91: {  	[hbm4b:s7+s3] =	stream.linear.scatter [tilespmem:s1], [sflag:$0x4], $0x400, $0x38;
	[tilespmem:$0x6D40] =	vst v63  }
0x92: {  	_ =	swait.ge [sflag:s20], $0x400  }
0x93: {  	[sflag:s20] =	ssyncset.done $0x0  }
0x94: {  	[sflag:s20] =	ssyncadd.s32 $0xFFFFFC00  }
0x95: {  	_ =	swait.ge [sflag:s24], $0x400  }
0x96: {  	[sflag:s24] =	ssyncset.done $0x0  }
0x97: {  	[sflag:s24] =	ssyncadd.s32 $0xFFFFFC00  }
0x98: {  	v4 =	vld [tilespmem:$0x6CC0]  }
0x99: {  	v5 =	vld [tilespmem:$0x6CD0]  }
0x9a: {  	v62 =	vld [tilespmem:$0x6CE0]  }
0x9b: {  	v63 =	vld [tilespmem:$0x6CF0];
	_ =	sdelay $0x1  }
0x9c: {  	[tilespmem:$0x6D00] =	vst v4  }
0x9d: {  	[tilespmem:$0x6D10] =	vst v5  }
0x9e: {  	[tilespmem:$0x6D20] =	vst v62  }
0x9f: {  	s8 =	simm.s32 $0x6D00;
	s16 =	rddreg [dreg:$0xd];
	[tilespmem:$0x6D30] =	vst v63  }
0xa0: {  	[hbm4b:s16+s3] =	stream.linear.scatter [tilespmem:s8], [sflag:$0x5], $0x40, $0x38;
	[tilespmem:$0x6D40] =	vst v63  }
0xa1: {  	_ =	swait.ge [sflag:s18], $0x40  }
0xa2: {  	s6 =	sadd.s32 $0x1, s6;
	s17 =	rddreg [dreg:$0xe]  }
0xa3: {  	p0 =	sne.s32 s6, s17  }
.Ltmp1:
0xa4: {  	_ = 	snop;
	(pc) =	sbr.rel @!p0 .LBB2_16-.Ltmp1, $3  }
0xa5: {  	_ =	sdelay $0x1  }
0xa6: {  	[sflag:s18] =	ssyncset.done $0x0  }
0xa7: {  	[sflag:s18] =	ssyncadd.s32 $0xFFFFFFC0  }
.LBB2_1:
0xa8: {  	s7 =	rddreg [dreg:$0x3]  }
0xa9: {  	[tilespmem:s3], [sflag:$0x5] =	stream.linear.gather [hbm4b:s7+s3], $0x1000, $0x38;
	[tilespmem:$0x6D40] =	vst v63  }
0xaa: {  	_ =	swait.ge [sflag:s18], $0x1000  }
0xab: {  	[sflag:s18] =	ssyncset.done $0x0  }
0xac: {  	s8 =	simm.s32 $0x1000;
	s17 =	rddreg [dreg:$0x4];
	[sflag:s18] =	ssyncadd.s32 $0xFFFFF000  }
0xad: {  	[tilespmem:s8], [sflag:$0x5] =	stream.linear.gather [hbm4b:s17+s3], $0x1000, $0x38;
	[tilespmem:$0x6D40] =	vst v63  }
0xae: {  	_ =	swait.ge [sflag:s18], $0x1000  }
0xaf: {  	[sflag:s18] =	ssyncset.done $0x0  }
0xb0: {  	s10 =	simm.s32 $0x2000;
	s9 =	rddreg [dreg:$0x5];
	[sflag:s18] =	ssyncadd.s32 $0xFFFFF000  }
0xb1: {  	[tilespmem:s10], [sflag:$0x5] =	stream.linear.gather [hbm4b:s9+s3], $0x1000, $0x38;
	[tilespmem:$0x6D40] =	vst v63  }
0xb2: {  	_ =	swait.ge [sflag:s18], $0x1000  }
0xb3: {  	[sflag:s18] =	ssyncset.done $0x0  }
0xb4: {  	s11 =	rddreg [dreg:$0x6];
	[sflag:s18] =	ssyncadd.s32 $0xFFFFF000  }
0xb5: {  	[tilespmem:s21], [sflag:$0x5] =	stream.linear.gather [hbm4b:s11+s3], $0x100, $0x38;
	[tilespmem:$0x6D40] =	vst v63  }
0xb6: {  	_ =	swait.ge [sflag:s18], $0x100  }
0xb7: {  	[sflag:s18] =	ssyncset.done $0x0  }
0xb8: {  	s12 =	rddreg [dreg:$0x7];
	[sflag:s18] =	ssyncadd.s32 $0xFFFFFF00  }
0xb9: {  	[tilespmem:s22], [sflag:$0x5] =	stream.linear.gather [hbm4b:s12+s3], $0x100, $0x38;
	[tilespmem:$0x6D40] =	vst v63  }
0xba: {  	_ =	swait.ge [sflag:s18], $0x100  }
0xbb: {  	[sflag:s18] =	ssyncset.done $0x0  }
0xbc: {  	s13 =	rddreg [dreg:$0x8];
	[sflag:s18] =	ssyncadd.s32 $0xFFFFFF00  }
0xbd: {  	[tilespmem:s23], [sflag:$0x5] =	stream.linear.gather [hbm4b:s13+s3], $0x100, $0x38;
	[tilespmem:$0x6D40] =	vst v63  }
0xbe: {  	_ =	swait.ge [sflag:s18], $0x100  }
0xbf: {  	[sflag:s18] =	ssyncset.done $0x0  }
0xc0: {  	s15 =	simm.s32 $0x3300;
	s14 =	rddreg [dreg:$0x9];
	[sflag:s18] =	ssyncadd.s32 $0xFFFFFF00  }
0xc1: {  	[tilespmem:s15], [sflag:$0x5] =	stream.linear.gather [hbm4b:s14+s3], $0x1000, $0x38;
	[tilespmem:$0x6D40] =	vst v63  }
0xc2: {  	_ =	swait.ge [sflag:s18], $0x1000  }
0xc3: {  	[sflag:s18] =	ssyncset.done $0x0  }
0xc4: {  	s16 =	rddreg [dreg:$0xa];
	[sflag:s18] =	ssyncadd.s32 $0xFFFFF000  }
0xc5: {  	[tilespmem:s25], [sflag:$0x5] =	stream.linear.gather [hbm4b:s16+s3], $0x100, $0x38;
	[tilespmem:$0x6D40] =	vst v63  }
0xc6: {  	_ =	swait.ge [sflag:s18], $0x100  }
0xc7: {  	[sflag:s18] =	ssyncset.done $0x0  }
0xc8: {  	s17 =	rddreg [dreg:$0xb];
	[sflag:s18] =	ssyncadd.s32 $0xFFFFFF00  }
0xc9: {  	[tilespmem:s26], [sflag:$0x5] =	stream.linear.gather [hbm4b:s17+s3], $0x2000, $0x38;
	[tilespmem:$0x6D40] =	vst v63  }
0xca: {  	_ =	swait.ge [sflag:s18], $0x2000  }
0xcb: {  	[sflag:s18] =	ssyncset.done $0x0  }
.Ltmp2:
0xcc: {  	[sflag:s18] =	ssyncadd.s32 $0xFFFFE000;
	(pc) =	sbr.rel .LBB2_2-.Ltmp2, $4  }
0xcd: {  	[tilespmem:$0x6CC0] =	vst v2  }
0xce: {  	[tilespmem:$0x6CD0] =	vst v2  }
0xcf: {  	[tilespmem:$0x6CE0] =	vst v2  }
0xd0: {  	s7 =	simm.s32 $0x0;
	[tilespmem:$0x6CF0] =	vst v2  }
.LBB2_14:
0xd1: {  	s7 =	sadd.s32 $0x1, s7  }
0xd2: {  	p0 =	sne.s32 s7, $0x100  }
.Ltmp3:
0xd3: {  	_ = 	snop;
	(pc) =	sbr.rel @!p0 .LBB2_15-.Ltmp3, $1  }
0xd4: {  	_ =	sdelay $0x3  }
.LBB2_2:
0xd5: {  	s8 =	sand.u32 $0x1, s7;
	p1 =	slt.u32 s7, $0x2  }
0xd6: {  	p0 =	sne.s32 @!p1 s8, $0x0  }
0xd7: {  	p2 =	por p0, p1  }
0xd8: {  	s9 =	simm.s32 @!p2 $0x3  }
0xd9: {  	_ =	swait.ge @!p2 [sflag:s9], $0x400  }
0xda: {  	[sflag:s9] =	ssyncset.done @!p2 $0x0  }
0xdb: {  	p0 =	seq.s32 s8, $0x1;
	[sflag:s9] =	ssyncadd.s32 @!p2 $0xFFFFFC00;
	p2 =	sne.s32 s8, $0x0  }
.Ltmp4:
0xdc: {  	p1 =	por !p0, p1;
	(pc) =	sbr.rel @p2 .LBB2_6-.Ltmp4, $4  }
0xdd: {  	s9 =	simm.s32 @!p1 $0x4  }
0xde: {  	_ =	swait.ge @!p1 [sflag:s9], $0x400  }
0xdf: {  	[sflag:s9] =	ssyncset.done @!p1 $0x0  }
0xe0: {  	v4 =	vmov s7;
	[sflag:s9] =	ssyncadd.s32 @!p1 $0xFFFFFC00  }
0xe1: {  	v5 =	vand.u32 $0xFFFFFFFE, v4  }
0xe2: {  	v8 =	vbroadcast v5, $0x0;
	_ =	sdelay $0x5  }
0xe3: {  	v5 =	vld.idx.msk [tilespmem:v8+s21+$0x0], $0xffff  }
0xe4: {  	s15 =	simm.s32 $0x0;
	v6 =	vld.idx.msk [tilespmem:v8+s22+$0x0], $0xffff  }
0xe5: {  	s9 =	simm.s32 $0x1010;
	s10 =	simm.s32 $0x2010;
	s11 =	simm.s32 $0x3310;
	v7 =	vld.idx.msk [tilespmem:v8+s23+$0x0], $0xffff  }
0xe6: {  	s12 =	simm.s32 $0x10;
	s13 =	simm.s32 $0x0;
	s14 =	simm.s32 $0x0;
	v8 =	vld.idx.msk [tilespmem:v8+s25+$0x0], $0xffff  }
.LBB2_4:
0xe7: {  	v9 =	vld [tilespmem:s12+$0xFFFFFFF0]  }
0xe8: {  	v10 =	vld [tilespmem:s9+$0xFFFFFFF0];
	_ =	sdelay $0x1  }
0xe9: {  	v11 =	vld [tilespmem:s10+$0xFFFFFFF0];
	_ =	sdelay $0x2  }
0xea: {  	v9 =	vmul.f32 v9, v5;
	v10 =	vmul.f32 v10, v6  }
0xeb: {  	v12 =	vld [tilespmem:s11+$0xFFFFFFF0]  }
0xec: {  	v9 =	vadd.f32 v10, v9;
	v10 =	vmul.f32 v11, v7;
	_ =	sdelay $0x1  }
0xed: {  	v9 =	vadd.f32 v10, v9;
	_ =	sdelay $0x1  }
0xee: {  	v10 =	vadd.f32 v12, v8;
	v9 =	vadd.f32 v9, v9;
	_ =	sdelay $0x1  }
0xef: {  	v9 =	vsub.f32 v10, v9;
	_ =	sdelay $0x1  }
0xf0: {  	vm0 =	vle.f32 v9, $3.999999910e-02;
	v9 =	vor.u32 s13, v0  }
0xf1: {  	[tilespmem:s14+$0x6400] =	vst.msk vm0, v9  }
0xf2: {  	v9 =	vld [tilespmem:s12+$0x0]  }
0xf3: {  	v10 =	vld [tilespmem:s9+$0x0];
	_ =	sdelay $0x1  }
0xf4: {  	v11 =	vld [tilespmem:s10+$0x0];
	_ =	sdelay $0x2  }
0xf5: {  	v9 =	vmul.f32 v9, v5;
	v10 =	vmul.f32 v10, v6  }
0xf6: {  	v63 =	vld [tilespmem:s11+$0x0]  }
0xf7: {  	v9 =	vadd.f32 v10, v9;
	v10 =	vmul.f32 v11, v7;
	_ =	sdelay $0x1  }
0xf8: {  	v9 =	vadd.f32 v10, v9;
	_ =	sdelay $0x1  }
0xf9: {  	v10 =	vadd.f32 v63, v8;
	v9 =	vadd.f32 v9, v9;
	_ =	sdelay $0x1  }
0xfa: {  	v9 =	vsub.f32 v10, v9  }
0xfb: {  	v10 =	vmpcnt.ones.xlane vm0  }
0xfc: {  	vm15 =	vle.f32 v9, $3.999999910e-02  }
0xfd: {  	v9 =	vxor.u32 $0x80000000, v10;
	v10 =	vmpcnt.ones.xlane vm15  }
0xfe: {  	(xrf0) =	vmax.scan.msk.u32 $0xffff, v9  }
0xff: {  	v9 =	vxor.u32 $0x80000000, v10  }
0x100: {  	(xrf0) =	vmax.scan.msk.u32 $0xffff, v9;
	_ =	sdelay $0x3  }
0x101: {  	v9, _, _ =	vpop (xrf0)  }
0x102: {  	(v2sf) =	vpush v9, $0xF  }
0x103: {  	v9, _, _ =	vpop (xrf0)  }
0x104: {  	(v2sf) =	vpush v9, $0xF;
	_ =	sdelay $0xc  }
0x105: {  	s16 =	spop (v2sf)  }
0x106: {  	s16 =	sadd.s32 s16, s14  }
0x107: {  	s16 =	sadd.s32 $0x80000000, s16;
	s17 =	spop (v2sf)  }
0x108: {  	s14 =	sadd.s32 s17, s16  }
0x109: {  	p1 =	sgt.u32 s15, $0x7E;
	s14 =	sadd.s32 $0x80000000, s14  }
0x10a: {  	p2 =	slt.s32 @!p1 s14, $0x20  }
0x10b: {  	p1 =	por p1, !p2  }
.Ltmp5:
0x10c: {  	_ = 	snop;
	(pc) =	sbr.rel @!p1 .LBB2_4-.Ltmp5, $4  }
0x10d: {  	_ = 	snop  }
0x10e: {  	s17 =	sadd.s32 $0x10, s13  }
0x10f: {  	s15 =	sadd.s32 $0x1, s15;
	s9 =	sadd.s32 $0x20, s9;
	s10 =	sadd.s32 $0x20, s10;
	v9 =	vor.u32 s17, v0  }
0x110: {  	s11 =	sadd.s32 $0x20, s11;
	s12 =	sadd.s32 $0x20, s12;
	s13 =	sadd.s32 $0x20, s13;
	[tilespmem:s16+$0x6400] =	vst.msk vm15, v9  }
0x111: {  	v5 =	vld [tilespmem:$0x6400];
	_ =	sdelay $0x3  }
0x112: {  	v6 =	vmov s14  }
0x113: {  	vm0 =	vgt.s32 v6, v0;
	v7 =	vxor.u32 $0x80000000, v5  }
0x114: {  	v7 =	vnsel vm0, $0xFFFFFFFF, v7  }
0x115: {  	(xrf0) =	vmin.scan.msk.u32 $0xffff, v7;
	_ =	sdelay $0x5  }
0x116: {  	v7, _, _ =	vpop (xrf0)  }
0x117: {  	(v2sf) =	vpush v7, $0xF;
	_ =	sdelay $0xc  }
0x118: {  	v7 =	vld [tilespmem:$0x6410];
	_ =	sdelay $0x1  }
0x119: {  	s9 =	spop (v2sf)  }
0x11a: {  	s9 =	sxor.u32 $0x80000000, s9  }
0x11b: {  	vm15 =	vgt.s32 v6, v3;
	v5 =	vnsel vm0, s9, v5  }
0x11c: {  	v6 =	vnsel vm15, s9, v7;
	v5 =	vadd.s32 v1, v5  }
0x11d: {  	[tilespmem:$0x6480] =	vst v5;
	v5 =	vadd.s32 v1, v6  }
0x11e: {  	[tilespmem:$0x6490] =	vst v5  }
0x11f: {  	[tilespmem:s30], [sflag:$0x1] =	stream.indirect.gather [hbm4b:s4+s28], $0x20, s29, s28, $0xb8;
	[tilespmem:$0x6D40] =	vst v63  }
.LBB2_6:
.Ltmp6:
0x120: {  	(pc) =	sbr.rel @!p0 .LBB2_10-.Ltmp6, $1  }
0x121: {  	_ =	sdelay $0x3  }
0x122: {  	_ =	sdelay $0x3  }
0x123: {  	v5 =	vld.idx.msk [tilespmem:v4+s21+$0x0], $0xffff  }
0x124: {  	v6 =	vld.idx.msk [tilespmem:v4+s22+$0x0], $0xffff;
	s15 =	simm.s32 $0x0  }
0x125: {  	v7 =	vld.idx.msk [tilespmem:v4+s23+$0x0], $0xffff;
	s9 =	simm.s32 $0x1010;
	s10 =	simm.s32 $0x2010;
	s11 =	simm.s32 $0x3310  }
0x126: {  	v4 =	vld.idx.msk [tilespmem:v4+s25+$0x0], $0xffff;
	s12 =	simm.s32 $0x10;
	s13 =	simm.s32 $0x0;
	s14 =	simm.s32 $0x0  }
.LBB2_8:
0x127: {  	v8 =	vld [tilespmem:s12+$0xFFFFFFF0]  }
0x128: {  	v9 =	vld [tilespmem:s9+$0xFFFFFFF0];
	_ =	sdelay $0x1  }
0x129: {  	v10 =	vld [tilespmem:s10+$0xFFFFFFF0];
	_ =	sdelay $0x2  }
0x12a: {  	v8 =	vmul.f32 v8, v5;
	v9 =	vmul.f32 v9, v6  }
0x12b: {  	v11 =	vld [tilespmem:s11+$0xFFFFFFF0]  }
0x12c: {  	v55 =	vmul.f32 v10, v7;
	v8 =	vadd.f32 v9, v8;
	_ =	sdelay $0x1  }
0x12d: {  	v8 =	vadd.f32 v55, v8;
	_ =	sdelay $0x1  }
0x12e: {  	v56 =	vadd.f32 v11, v4;
	v8 =	vadd.f32 v8, v8;
	_ =	sdelay $0x1  }
0x12f: {  	v8 =	vsub.f32 v56, v8;
	_ =	sdelay $0x1  }
0x130: {  	vm0 =	vle.f32 v8, $3.999999910e-02;
	v8 =	vor.u32 s13, v0  }
0x131: {  	[tilespmem:s14+$0x6400] =	vst.msk vm0, v8  }
0x132: {  	v8 =	vld [tilespmem:s12+$0x0]  }
0x133: {  	v57 =	vld [tilespmem:s9+$0x0];
	_ =	sdelay $0x1  }
0x134: {  	v58 =	vld [tilespmem:s10+$0x0];
	_ =	sdelay $0x2  }
0x135: {  	v8 =	vmul.f32 v8, v5;
	v9 =	vmul.f32 v57, v6  }
0x136: {  	v59 =	vld [tilespmem:s11+$0x0]  }
0x137: {  	v60 =	vmul.f32 v58, v7;
	v8 =	vadd.f32 v9, v8;
	_ =	sdelay $0x1  }
0x138: {  	v8 =	vadd.f32 v60, v8;
	_ =	sdelay $0x1  }
0x139: {  	v61 =	vadd.f32 v59, v4;
	v8 =	vadd.f32 v8, v8;
	_ =	sdelay $0x1  }
0x13a: {  	v8 =	vsub.f32 v61, v8  }
0x13b: {  	v62 =	vmpcnt.ones.xlane vm0  }
0x13c: {  	vm15 =	vle.f32 v8, $3.999999910e-02  }
0x13d: {  	v8 =	vxor.u32 $0x80000000, v62;
	v63 =	vmpcnt.ones.xlane vm15  }
0x13e: {  	(xrf0) =	vmax.scan.msk.u32 $0xffff, v8  }
0x13f: {  	v8 =	vxor.u32 $0x80000000, v63  }
0x140: {  	(xrf0) =	vmax.scan.msk.u32 $0xffff, v8;
	_ =	sdelay $0x3  }
0x141: {  	v8, _, _ =	vpop (xrf0)  }
0x142: {  	(v2sf) =	vpush v8, $0xF  }
0x143: {  	v8, _, _ =	vpop (xrf0)  }
0x144: {  	(v2sf) =	vpush v8, $0xF;
	_ =	sdelay $0xc  }
0x145: {  	s16 =	spop (v2sf)  }
0x146: {  	s16 =	sadd.s32 s16, s14  }
0x147: {  	s16 =	sadd.s32 $0x80000000, s16;
	s17 =	spop (v2sf)  }
0x148: {  	s14 =	sadd.s32 s17, s16  }
0x149: {  	p1 =	sgt.u32 s15, $0x7E;
	s14 =	sadd.s32 $0x80000000, s14  }
0x14a: {  	p2 =	slt.s32 @!p1 s14, $0x20  }
0x14b: {  	p1 =	por p1, !p2  }
.Ltmp7:
0x14c: {  	_ = 	snop;
	(pc) =	sbr.rel @!p1 .LBB2_8-.Ltmp7, $4  }
0x14d: {  	_ = 	snop  }
0x14e: {  	s17 =	sadd.s32 $0x10, s13  }
0x14f: {  	s15 =	sadd.s32 $0x1, s15;
	s9 =	sadd.s32 $0x20, s9;
	s10 =	sadd.s32 $0x20, s10;
	v8 =	vor.u32 s17, v0  }
0x150: {  	s11 =	sadd.s32 $0x20, s11;
	s12 =	sadd.s32 $0x20, s12;
	s13 =	sadd.s32 $0x20, s13;
	[tilespmem:s16+$0x6400] =	vst.msk vm15, v8  }
0x151: {  	v4 =	vld [tilespmem:$0x6400];
	_ =	sdelay $0x3  }
0x152: {  	v5 =	vmov s14  }
0x153: {  	vm0 =	vgt.s32 v5, v0;
	v6 =	vxor.u32 $0x80000000, v4  }
0x154: {  	v6 =	vnsel vm0, $0xFFFFFFFF, v6  }
0x155: {  	(xrf0) =	vmin.scan.msk.u32 $0xffff, v6;
	_ =	sdelay $0x5  }
0x156: {  	v6, _, _ =	vpop (xrf0)  }
0x157: {  	(v2sf) =	vpush v6, $0xF;
	_ =	sdelay $0xc  }
0x158: {  	v63 =	vld [tilespmem:$0x6410];
	_ =	sdelay $0x1  }
0x159: {  	s9 =	spop (v2sf)  }
0x15a: {  	s9 =	sxor.u32 $0x80000000, s9  }
0x15b: {  	vm15 =	vgt.s32 v5, v3;
	v4 =	vnsel vm0, s9, v4  }
0x15c: {  	v5 =	vnsel vm15, s9, v63;
	v4 =	vadd.s32 v1, v4  }
0x15d: {  	[tilespmem:$0x64A0] =	vst v4;
	v4 =	vadd.s32 v1, v5  }
0x15e: {  	[tilespmem:$0x64B0] =	vst v4  }
0x15f: {  	[tilespmem:s1], [sflag:$0x2] =	stream.indirect.gather [hbm4b:s4+s28], $0x20, s31, s28, $0xb8;
	[tilespmem:$0x6D40] =	vst v63  }
.LBB2_10:
0x160: {  	p1 =	seq.s32 s7, $0x0  }
0x161: {  	p2 =	sne.s32 @!p1 s8, $0x0  }
0x162: {  	p1 =	por p1, p2  }
.Ltmp8:
0x163: {  	_ = 	snop;
	(pc) =	sbr.rel @p1 .LBB2_12-.Ltmp8, $3  }
0x164: {  	_ =	sdelay $0x1  }
0x165: {  	s8 =	sadd.s32 $0xFFFFFFFF, s7  }
0x166: {  	s9 =	sshll.u32 s8, $0x5  }
0x167: {  	_ =	swait.ge [sflag:s0], $0x400  }
0x168: {  	[sflag:s0] =	ssyncset.done $0x0  }
0x169: {  	[sflag:s0] =	ssyncadd.s32 $0xFFFFFC00  }
0x16a: {  	v41 =	vld [tilespmem:$0x6CC0]  }
0x16b: {  	v7 =	vld [tilespmem:$0x6CD0]  }
0x16c: {  	v8 =	vld [tilespmem:$0x68C0]  }
0x16d: {  	v9 =	vld [tilespmem:$0x68D0]  }
0x16e: {  	v10 =	vld [tilespmem:$0x6CE0]  }
0x16f: {  	v11 =	vld [tilespmem:$0x68E0]  }
0x170: {  	v4 =	vor.u32 s9, v0;
	v12 =	vld [tilespmem:$0x68F0]  }
0x171: {  	v6 =	vor.u32 s9, v3;
	v14 =	vld [tilespmem:$0x6900]  }
0x172: {  	v16 =	vld [tilespmem:$0x6910]  }
0x173: {  	v18 =	vld [tilespmem:$0x6930]  }
0x174: {  	v20 =	vld [tilespmem:$0x6950]  }
0x175: {  	v5 =	vld.idx.msk [tilespmem:v4+s26+$0x0], $0xffff  }
0x176: {  	v4 =	vld.idx.msk [tilespmem:v6+s26+$0x0], $0xffff  }
0x177: {  	v22 =	vld [tilespmem:$0x6970]  }
0x178: {  	v24 =	vld [tilespmem:$0x6990]  }
0x179: {  	v26 =	vld [tilespmem:$0x69B0]  }
0x17a: {  	v28 =	vld [tilespmem:$0x69D0];
	v8 =	vsub.f32 v8, v5  }
0x17b: {  	v32 =	vld [tilespmem:$0x6A00];
	v9 =	vsub.f32 v9, v4;
	v11 =	vsub.f32 v11, v5  }
0x17c: {  	v34 =	vld [tilespmem:$0x6A20];
	v12 =	vsub.f32 v12, v4;
	v14 =	vsub.f32 v14, v5  }
0x17d: {  	v13 =	vld [tilespmem:$0x6CF0];
	v16 =	vsub.f32 v16, v4;
	v18 =	vsub.f32 v18, v4  }
0x17e: {  	v42 =	vld [tilespmem:$0x6920];
	v20 =	vsub.f32 v20, v4;
	v22 =	vsub.f32 v22, v4  }
0x17f: {  	v44 =	vld [tilespmem:$0x6940];
	v24 =	vsub.f32 v24, v4;
	v26 =	vsub.f32 v26, v4  }
0x180: {  	v63 =	vld [tilespmem:$0x6A50];
	v28 =	vsub.f32 v28, v4;
	v32 =	vsub.f32 v32, v5  }
0x181: {  	v40 =	vld [tilespmem:$0x6A70];
	v34 =	vsub.f32 v34, v5;
	v15 =	vmul.f32 v8, v8;
	v17 =	vmul.f32 v9, v9  }
0x182: {  	v6 =	vadd.f32 v8, v41;
	v7 =	vadd.f32 v9, v7  }
0x183: {  	v46 =	vld [tilespmem:$0x6960];
	v10 =	vadd.f32 v15, v10;
	v13 =	vadd.f32 v17, v13  }
0x184: {  	v36 =	vld [tilespmem:$0x6A40];
	v43 =	vmul.f32 v11, v11;
	v6 =	vadd.f32 v11, v6;
	v7 =	vadd.f32 v12, v7  }
0x185: {  	v19 =	vmul.f32 v12, v12;
	v15 =	vsub.f32 v42, v5;
	v17 =	vsub.f32 v44, v5  }
0x186: {  	[tilespmem:$0x68E0] =	vst v11;
	v44 =	vsub.f32 v63, v4;
	v11 =	vsub.f32 v40, v4  }
0x187: {  	v48 =	vld [tilespmem:$0x6980];
	v45 =	vmul.f32 v14, v14;
	v10 =	vadd.f32 v43, v10;
	v13 =	vadd.f32 v19, v13  }
0x188: {  	v21 =	vmul.f32 v16, v16;
	v6 =	vadd.f32 v14, v6;
	v7 =	vadd.f32 v16, v7  }
0x189: {  	v50 =	vld [tilespmem:$0x69A0];
	v19 =	vsub.f32 v46, v5;
	v43 =	vsub.f32 v36, v5  }
0x18a: {  	v39 =	vld [tilespmem:$0x6A60];
	v47 =	vmul.f32 v15, v15;
	v10 =	vadd.f32 v45, v10;
	v13 =	vadd.f32 v21, v13  }
0x18b: {  	v23 =	vmul.f32 v18, v18;
	v6 =	vadd.f32 v15, v6;
	v7 =	vadd.f32 v18, v7  }
0x18c: {  	v52 =	vld [tilespmem:$0x69C0];
	v21 =	vsub.f32 v48, v5;
	v10 =	vadd.f32 v47, v10  }
0x18d: {  	v49 =	vmul.f32 v17, v17;
	v45 =	vld [tilespmem:$0x6A90];
	v13 =	vadd.f32 v23, v13;
	v6 =	vadd.f32 v17, v6  }
0x18e: {  	v54 =	vld [tilespmem:$0x69E0];
	v25 =	vmul.f32 v20, v20;
	v7 =	vadd.f32 v20, v7;
	v23 =	vsub.f32 v50, v5  }
0x18f: {  	v63 =	vld [tilespmem:$0x6B00];
	v47 =	vsub.f32 v39, v5;
	v10 =	vadd.f32 v49, v10  }
0x190: {  	v51 =	vmul.f32 v19, v19;
	v50 =	vld [tilespmem:$0x6AA0];
	v13 =	vadd.f32 v25, v13;
	v6 =	vadd.f32 v19, v6  }
0x191: {  	v27 =	vmul.f32 v22, v22;
	v7 =	vadd.f32 v22, v7;
	v25 =	vsub.f32 v52, v5  }
0x192: {  	[tilespmem:$0x6920] =	vst v15;
	v15 =	vsub.f32 v45, v4;
	v10 =	vadd.f32 v51, v10  }
0x193: {  	v31 =	vld [tilespmem:$0x69F0];
	v29 =	vmul.f32 v24, v24;
	v13 =	vadd.f32 v27, v13;
	v6 =	vadd.f32 v21, v6  }
0x194: {  	[tilespmem:$0x6990] =	vst v24;
	v53 =	vmul.f32 v21, v21;
	v7 =	vadd.f32 v24, v7;
	v27 =	vsub.f32 v54, v5  }
0x195: {  	v57 =	vld [tilespmem:$0x6A10];
	[tilespmem:$0x6940] =	vst v17;
	v24 =	vsub.f32 v63, v5;
	v17 =	vsub.f32 v50, v5  }
0x196: {  	v55 =	vmul.f32 v23, v23;
	v54 =	vld [tilespmem:$0x6AC0];
	v10 =	vadd.f32 v53, v10;
	v13 =	vadd.f32 v29, v13  }
0x197: {  	v30 =	vmul.f32 v26, v26;
	v6 =	vadd.f32 v23, v6;
	v7 =	vadd.f32 v26, v7  }
0x198: {  	v29 =	vsub.f32 v31, v4;
	v10 =	vadd.f32 v55, v10  }
0x199: {  	v42 =	vld [tilespmem:$0x6A80];
	v56 =	vmul.f32 v25, v25;
	v13 =	vadd.f32 v30, v13;
	v6 =	vadd.f32 v25, v6  }
0x19a: {  	v33 =	vmul.f32 v28, v28;
	v7 =	vadd.f32 v28, v7;
	v30 =	vsub.f32 v57, v4;
	v55 =	vld [tilespmem:$0x6AD0]  }
0x19b: {  	[tilespmem:$0x6960] =	vst v19;
	v59 =	vmul.f32 v27, v27;
	v57 =	vld [tilespmem:$0x6AE0];
	v19 =	vsub.f32 v54, v5;
	v10 =	vadd.f32 v56, v10  }
0x19c: {  	v58 =	vld [tilespmem:$0x6A30];
	v35 =	vmul.f32 v29, v29;
	v13 =	vadd.f32 v33, v13;
	v6 =	vadd.f32 v27, v6  }
0x19d: {  	v52 =	vld [tilespmem:$0x6AB0];
	v7 =	vadd.f32 v29, v7;
	v10 =	vadd.f32 v59, v10  }
0x19e: {  	v33 =	vld [tilespmem:$0x6B10];
	v61 =	vadd.f32 v35, v13;
	v6 =	vadd.f32 v32, v6  }
0x19f: {  	v60 =	vmul.f32 v32, v32;
	[tilespmem:$0x6930] =	vst v18;
	v7 =	vadd.f32 v30, v7;
	v13 =	vsub.f32 v42, v5  }
0x1a0: {  	v36 =	vld [tilespmem:$0x6B20];
	[tilespmem:$0x6980] =	vst v21;
	v62 =	vmul.f32 v30, v30;
	v18 =	vsub.f32 v55, v4;
	v21 =	vsub.f32 v57, v5  }
0x1a1: {  	[tilespmem:$0x68C0] =	vst v8;
	v59 =	vld [tilespmem:$0x6AF0];
	v37 =	vadd.f32 v60, v10;
	v10 =	vsub.f32 v58, v4  }
0x1a2: {  	[tilespmem:$0x68D0] =	vst v9;
	v38 =	vmul.f32 v34, v34;
	v39 =	vld [tilespmem:$0x6B40];
	v8 =	vadd.f32 v62, v61;
	v6 =	vadd.f32 v34, v6  }
0x1a3: {  	[tilespmem:$0x68F0] =	vst v12;
	v57 =	vld [tilespmem:$0x6BB0];
	v58 =	vsub.f32 v52, v4;
	v40 =	vsub.f32 v33, v4  }
0x1a4: {  	[tilespmem:$0x6A20] =	vst v34;
	v52 =	vld [tilespmem:$0x6B80];
	v9 =	vadd.f32 v38, v37;
	v41 =	vmul.f32 v10, v10;
	v7 =	vadd.f32 v10, v7  }
0x1a5: {  	v46 =	vmul.f32 v43, v43;
	[tilespmem:$0x6A40] =	vst v43;
	v34 =	vld [tilespmem:$0x6C10];
	v6 =	vadd.f32 v43, v6;
	v43 =	vsub.f32 v36, v5  }
0x1a6: {  	[tilespmem:$0x6950] =	vst v20;
	v20 =	vsub.f32 v59, v4;
	v8 =	vadd.f32 v41, v8  }
0x1a7: {  	[tilespmem:$0x6900] =	vst v14;
	v37 =	vld [tilespmem:$0x6B30];
	v7 =	vadd.f32 v44, v7;
	v9 =	vadd.f32 v46, v9  }
0x1a8: {  	v48 =	vmul.f32 v44, v44;
	[tilespmem:$0x69E0] =	vst v27;
	v6 =	vadd.f32 v47, v6;
	v46 =	vsub.f32 v39, v5  }
0x1a9: {  	v49 =	vmul.f32 v47, v47;
	[tilespmem:$0x69F0] =	vst v29;
	v29 =	vld [tilespmem:$0x6BE0];
	v27 =	vsub.f32 v57, v4;
	v59 =	vsub.f32 v52, v5  }
0x1aa: {  	[tilespmem:$0x6910] =	vst v16;
	v51 =	vmul.f32 v11, v11;
	v55 =	vld [tilespmem:$0x6BA0];
	v14 =	vsub.f32 v34, v4;
	v8 =	vadd.f32 v48, v8  }
0x1ab: {  	[tilespmem:$0x69A0] =	vst v23;
	v53 =	vmul.f32 v13, v13;
	v41 =	vld [tilespmem:$0x6B50];
	v9 =	vadd.f32 v49, v9;
	v7 =	vadd.f32 v11, v7  }
0x1ac: {  	[tilespmem:$0x6A10] =	vst v30;
	v30 =	vld [tilespmem:$0x6BF0];
	v6 =	vadd.f32 v13, v6;
	v23 =	vsub.f32 v37, v4  }
0x1ad: {  	[tilespmem:$0x6A60] =	vst v47;
	v47 =	vld [tilespmem:$0x6B60];
	v8 =	vadd.f32 v51, v8;
	v9 =	vadd.f32 v53, v9  }
0x1ae: {  	[tilespmem:$0x6A90] =	vst v15;
	v56 =	vmul.f32 v15, v15;
	v39 =	vld [tilespmem:$0x6C20];
	v7 =	vadd.f32 v15, v7;
	v6 =	vadd.f32 v17, v6  }
0x1af: {  	[tilespmem:$0x6AA0] =	vst v17;
	v60 =	vmul.f32 v17, v17;
	v49 =	vld [tilespmem:$0x6B70];
	v15 =	vsub.f32 v55, v5;
	v17 =	vsub.f32 v29, v5  }
0x1b0: {  	[tilespmem:$0x6970] =	vst v22;
	v50 =	vsub.f32 v41, v4;
	v8 =	vadd.f32 v56, v8  }
0x1b1: {  	[tilespmem:$0x69B0] =	vst v26;
	v53 =	vld [tilespmem:$0x6B90];
	v7 =	vadd.f32 v58, v7;
	v9 =	vadd.f32 v60, v9  }
0x1b2: {  	[tilespmem:$0x69D0] =	vst v28;
	v61 =	vmul.f32 v58, v58;
	v6 =	vadd.f32 v19, v6;
	v56 =	vsub.f32 v47, v5  }
0x1b3: {  	[tilespmem:$0x6AC0] =	vst v19;
	v62 =	vmul.f32 v19, v19;
	v19 =	vsub.f32 v30, v4;
	v47 =	vsub.f32 v39, v5  }
0x1b4: {  	[tilespmem:$0x6A00] =	vst v32;
	v12 =	vsub.f32 v49, v4;
	v8 =	vadd.f32 v61, v8  }
0x1b5: {  	[tilespmem:$0x6A50] =	vst v44;
	v32 =	vld [tilespmem:$0x6C00];
	v28 =	vmul.f32 v18, v18;
	v9 =	vadd.f32 v62, v9;
	v7 =	vadd.f32 v18, v7  }
0x1b6: {  	[tilespmem:$0x6A70] =	vst v11;
	v35 =	vmul.f32 v21, v21;
	v6 =	vadd.f32 v21, v6;
	v62 =	vld [tilespmem:$0x6BC0];
	v11 =	vsub.f32 v53, v4  }
0x1b7: {  	[tilespmem:$0x69C0] =	vst v25;
	v38 =	vmul.f32 v20, v20;
	v55 =	vld [tilespmem:$0x6C90];
	v8 =	vadd.f32 v28, v8;
	v7 =	vadd.f32 v20, v7  }
0x1b8: {  	[tilespmem:$0x6B00] =	vst v24;
	v42 =	vmul.f32 v24, v24;
	v9 =	vadd.f32 v35, v9;
	v6 =	vadd.f32 v24, v6  }
0x1b9: {  	[tilespmem:$0x6A80] =	vst v13;
	v24 =	vld [tilespmem:$0x6BD0];
	v8 =	vadd.f32 v38, v8;
	v7 =	vadd.f32 v40, v7  }
0x1ba: {  	[tilespmem:$0x6AD0] =	vst v18;
	v44 =	vmul.f32 v40, v40;
	v9 =	vadd.f32 v42, v9;
	v6 =	vadd.f32 v43, v6  }
0x1bb: {  	v45 =	vmul.f32 v43, v43;
	[tilespmem:$0x6AF0] =	vst v20;
	v41 =	vld [tilespmem:$0x6C30];
	v38 =	vsub.f32 v32, v5;
	v20 =	vsub.f32 v62, v5  }
0x1bc: {  	[tilespmem:$0x6AE0] =	vst v21;
	v51 =	vmul.f32 v46, v46;
	v49 =	vld [tilespmem:$0x6C70];
	v62 =	vsub.f32 v55, v4;
	v8 =	vadd.f32 v44, v8  }
0x1bd: {  	[tilespmem:$0x6B20] =	vst v43;
	v48 =	vmul.f32 v23, v23;
	v43 =	vld [tilespmem:$0x6C40];
	v9 =	vadd.f32 v45, v9;
	v7 =	vadd.f32 v23, v7  }
0x1be: {  	[tilespmem:$0x6A30] =	vst v10;
	v6 =	vadd.f32 v46, v6;
	v33 =	vsub.f32 v24, v4  }
0x1bf: {  	[tilespmem:$0x6AB0] =	vst v58;
	v44 =	vld [tilespmem:$0x6C50];
	v8 =	vadd.f32 v48, v8;
	v9 =	vadd.f32 v51, v9  }
0x1c0: {  	[tilespmem:$0x6B10] =	vst v40;
	v54 =	vmul.f32 v50, v50;
	v7 =	vadd.f32 v50, v7;
	v6 =	vadd.f32 v56, v6  }
0x1c1: {  	v58 =	vmul.f32 v56, v56;
	[tilespmem:$0x6B60] =	vst v56;
	v53 =	vld [tilespmem:$0x6C80];
	v48 =	vsub.f32 v41, v4;
	v56 =	vsub.f32 v49, v4  }
0x1c2: {  	[tilespmem:$0x6B40] =	vst v46;
	v61 =	vmul.f32 v59, v59;
	v46 =	vld [tilespmem:$0x6C60];
	v16 =	vsub.f32 v43, v5;
	v8 =	vadd.f32 v54, v8  }
0x1c3: {  	[tilespmem:$0x6BB0] =	vst v27;
	v60 =	vmul.f32 v12, v12;
	v7 =	vadd.f32 v12, v7;
	v9 =	vadd.f32 v58, v9  }
0x1c4: {  	[tilespmem:$0x6B80] =	vst v59;
	v6 =	vadd.f32 v59, v6;
	v58 =	vld [tilespmem:$0x6CA0];
	v10 =	vsub.f32 v44, v4  }
0x1c5: {  	[tilespmem:$0x6C10] =	vst v14;
	v28 =	vmul.f32 v15, v15;
	v59 =	vld [tilespmem:$0x6CB0];
	v8 =	vadd.f32 v60, v8;
	v9 =	vadd.f32 v61, v9  }
0x1c6: {  	[tilespmem:$0x6B30] =	vst v23;
	v63 =	vmul.f32 v11, v11;
	v7 =	vadd.f32 v11, v7;
	v6 =	vadd.f32 v15, v6  }
0x1c7: {  	[tilespmem:$0x6BA0] =	vst v15;
	v15 =	vsub.f32 v46, v5;
	v61 =	vsub.f32 v53, v5  }
0x1c8: {  	[tilespmem:$0x6BE0] =	vst v17;
	v8 =	vadd.f32 v63, v8;
	v9 =	vadd.f32 v28, v9  }
0x1c9: {  	v31 =	vmul.f32 v27, v27;
	[tilespmem:$0x6B50] =	vst v50;
	v7 =	vadd.f32 v27, v7;
	v6 =	vadd.f32 v20, v6  }
0x1ca: {  	[tilespmem:$0x6BF0] =	vst v19;
	v35 =	vmul.f32 v20, v20;
	v5 =	vsub.f32 v58, v5;
	v4 =	vsub.f32 v59, v4  }
0x1cb: {  	[tilespmem:$0x6C20] =	vst v47;
	v36 =	vmul.f32 v33, v33;
	v8 =	vadd.f32 v31, v8;
	v7 =	vadd.f32 v33, v7  }
0x1cc: {  	v37 =	vmul.f32 v17, v17;
	[tilespmem:$0x6B70] =	vst v12;
	v9 =	vadd.f32 v35, v9;
	v6 =	vadd.f32 v17, v6  }
0x1cd: {  	[tilespmem:$0x6B90] =	vst v11;
	v40 =	vmul.f32 v19, v19;
	v8 =	vadd.f32 v36, v8;
	v7 =	vadd.f32 v19, v7  }
0x1ce: {  	v42 =	vmul.f32 v38, v38;
	[tilespmem:$0x6C00] =	vst v38;
	v9 =	vadd.f32 v37, v9;
	v6 =	vadd.f32 v38, v6  }
0x1cf: {  	v45 =	vmul.f32 v14, v14;
	[tilespmem:$0x6BC0] =	vst v20;
	v8 =	vadd.f32 v40, v8;
	v7 =	vadd.f32 v14, v7  }
0x1d0: {  	[tilespmem:$0x6C90] =	vst v62;
	v50 =	vmul.f32 v47, v47;
	v9 =	vadd.f32 v42, v9;
	v6 =	vadd.f32 v47, v6  }
0x1d1: {  	[tilespmem:$0x6BD0] =	vst v33;
	v51 =	vmul.f32 v48, v48;
	v8 =	vadd.f32 v45, v8;
	v7 =	vadd.f32 v48, v7  }
0x1d2: {  	[tilespmem:$0x6C30] =	vst v48;
	v52 =	vmul.f32 v16, v16;
	v9 =	vadd.f32 v50, v9;
	v6 =	vadd.f32 v16, v6  }
0x1d3: {  	[tilespmem:$0x6C70] =	vst v56;
	v54 =	vmul.f32 v10, v10;
	v8 =	vadd.f32 v51, v8;
	v7 =	vadd.f32 v10, v7  }
0x1d4: {  	[tilespmem:$0x6C40] =	vst v16;
	v57 =	vmul.f32 v15, v15;
	v9 =	vadd.f32 v52, v9;
	v6 =	vadd.f32 v15, v6  }
0x1d5: {  	v60 =	vmul.f32 v56, v56;
	[tilespmem:$0x6C50] =	vst v10;
	v8 =	vadd.f32 v54, v8;
	v7 =	vadd.f32 v56, v7  }
0x1d6: {  	[tilespmem:$0x6C60] =	vst v15;
	v63 =	vmul.f32 v61, v61;
	v9 =	vadd.f32 v57, v9;
	v6 =	vadd.f32 v61, v6  }
0x1d7: {  	[tilespmem:$0x6C80] =	vst v61;
	v10 =	vmul.f32 v62, v62;
	v8 =	vadd.f32 v60, v8;
	v7 =	vadd.f32 v62, v7  }
0x1d8: {  	[tilespmem:$0x6CA0] =	vst v5;
	v9 =	vadd.f32 v63, v9;
	v6 =	vadd.f32 v5, v6;
	v5 =	vmul.f32 v5, v5  }
0x1d9: {  	[tilespmem:$0x6CB0] =	vst v4;
	v8 =	vadd.f32 v10, v8;
	v7 =	vadd.f32 v4, v7;
	v4 =	vmul.f32 v4, v4  }
0x1da: {  	s10 =	sadd.s32 s2, s8;
	v5 =	vadd.f32 v5, v9;
	[tilespmem:$0x6CC0] =	vst v6  }
0x1db: {  	s10 =	sshll.u32 s10, $0x7;
	v4 =	vadd.f32 v4, v8;
	[tilespmem:$0x6CD0] =	vst v7  }
0x1dc: {  	s10 =	sand.u32 $0x1FFFFF80, s10;
	[tilespmem:$0x6CE0] =	vst v5  }
0x1dd: {  	s10 =	sadd.s32 s5, s10;
	[tilespmem:$0x6CF0] =	vst v4  }
0x1de: {  	[hbm4b:s10+s3] =	stream.linear.scatter [tilespmem:s1], [sflag:$0x4], $0x400, $0x38;
	[tilespmem:$0x6D40] =	vst v63  }
.LBB2_12:
.Ltmp9:
0x1df: {  	(pc) =	sbr.rel @!p0 .LBB2_14-.Ltmp9, $1  }
0x1e0: {  	_ =	sdelay $0x3  }
0x1e1: {  	_ =	swait.ge [sflag:s19], $0x400  }
0x1e2: {  	[sflag:s19] =	ssyncset.done $0x0  }
0x1e3: {  	[sflag:s19] =	ssyncadd.s32 $0xFFFFFC00  }
0x1e4: {  	v41 =	vld [tilespmem:$0x6CC0]  }
0x1e5: {  	v7 =	vld [tilespmem:$0x6CD0]  }
0x1e6: {  	v8 =	vld [tilespmem:$0x64C0]  }
0x1e7: {  	v9 =	vld [tilespmem:$0x64D0]  }
0x1e8: {  	v10 =	vld [tilespmem:$0x6CE0]  }
0x1e9: {  	v11 =	vld [tilespmem:$0x64E0]  }
0x1ea: {  	v4 =	vor.u32 s9, v0;
	v12 =	vld [tilespmem:$0x64F0]  }
0x1eb: {  	v6 =	vor.u32 s9, v3;
	v14 =	vld [tilespmem:$0x6500]  }
0x1ec: {  	v16 =	vld [tilespmem:$0x6510]  }
0x1ed: {  	v18 =	vld [tilespmem:$0x6530]  }
0x1ee: {  	v20 =	vld [tilespmem:$0x6550]  }
0x1ef: {  	v5 =	vld.idx.msk [tilespmem:v4+s26+$0x0], $0xffff  }
0x1f0: {  	v4 =	vld.idx.msk [tilespmem:v6+s26+$0x0], $0xffff  }
0x1f1: {  	v22 =	vld [tilespmem:$0x6570]  }
0x1f2: {  	v24 =	vld [tilespmem:$0x6590]  }
0x1f3: {  	v26 =	vld [tilespmem:$0x65B0]  }
0x1f4: {  	v28 =	vld [tilespmem:$0x65D0];
	v8 =	vsub.f32 v8, v5  }
0x1f5: {  	v32 =	vld [tilespmem:$0x6600];
	v9 =	vsub.f32 v9, v4;
	v11 =	vsub.f32 v11, v5  }
0x1f6: {  	v34 =	vld [tilespmem:$0x6620];
	v12 =	vsub.f32 v12, v4;
	v14 =	vsub.f32 v14, v5  }
0x1f7: {  	v13 =	vld [tilespmem:$0x6CF0];
	v16 =	vsub.f32 v16, v4;
	v18 =	vsub.f32 v18, v4  }
0x1f8: {  	v42 =	vld [tilespmem:$0x6520];
	v20 =	vsub.f32 v20, v4;
	v22 =	vsub.f32 v22, v4  }
0x1f9: {  	v44 =	vld [tilespmem:$0x6540];
	v24 =	vsub.f32 v24, v4;
	v26 =	vsub.f32 v26, v4  }
0x1fa: {  	v63 =	vld [tilespmem:$0x6650];
	v28 =	vsub.f32 v28, v4;
	v32 =	vsub.f32 v32, v5  }
0x1fb: {  	v40 =	vld [tilespmem:$0x6670];
	v34 =	vsub.f32 v34, v5;
	v15 =	vmul.f32 v8, v8;
	v17 =	vmul.f32 v9, v9  }
0x1fc: {  	v6 =	vadd.f32 v8, v41;
	v7 =	vadd.f32 v9, v7  }
0x1fd: {  	v46 =	vld [tilespmem:$0x6560];
	v10 =	vadd.f32 v15, v10;
	v13 =	vadd.f32 v17, v13  }
0x1fe: {  	v36 =	vld [tilespmem:$0x6640];
	v43 =	vmul.f32 v11, v11;
	v6 =	vadd.f32 v11, v6;
	v7 =	vadd.f32 v12, v7  }
0x1ff: {  	v19 =	vmul.f32 v12, v12;
	v15 =	vsub.f32 v42, v5;
	v17 =	vsub.f32 v44, v5  }
0x200: {  	[tilespmem:$0x64E0] =	vst v11;
	v44 =	vsub.f32 v63, v4;
	v11 =	vsub.f32 v40, v4  }
0x201: {  	v48 =	vld [tilespmem:$0x6580];
	v45 =	vmul.f32 v14, v14;
	v10 =	vadd.f32 v43, v10;
	v13 =	vadd.f32 v19, v13  }
0x202: {  	v21 =	vmul.f32 v16, v16;
	v6 =	vadd.f32 v14, v6;
	v7 =	vadd.f32 v16, v7  }
0x203: {  	v50 =	vld [tilespmem:$0x65A0];
	v19 =	vsub.f32 v46, v5;
	v43 =	vsub.f32 v36, v5  }
0x204: {  	v39 =	vld [tilespmem:$0x6660];
	v47 =	vmul.f32 v15, v15;
	v10 =	vadd.f32 v45, v10;
	v13 =	vadd.f32 v21, v13  }
0x205: {  	v23 =	vmul.f32 v18, v18;
	v6 =	vadd.f32 v15, v6;
	v7 =	vadd.f32 v18, v7  }
0x206: {  	v52 =	vld [tilespmem:$0x65C0];
	v21 =	vsub.f32 v48, v5;
	v10 =	vadd.f32 v47, v10  }
0x207: {  	v49 =	vmul.f32 v17, v17;
	v45 =	vld [tilespmem:$0x6690];
	v13 =	vadd.f32 v23, v13;
	v6 =	vadd.f32 v17, v6  }
0x208: {  	v54 =	vld [tilespmem:$0x65E0];
	v25 =	vmul.f32 v20, v20;
	v7 =	vadd.f32 v20, v7;
	v23 =	vsub.f32 v50, v5  }
0x209: {  	v63 =	vld [tilespmem:$0x6700];
	v47 =	vsub.f32 v39, v5;
	v10 =	vadd.f32 v49, v10  }
0x20a: {  	v51 =	vmul.f32 v19, v19;
	v50 =	vld [tilespmem:$0x66A0];
	v13 =	vadd.f32 v25, v13;
	v6 =	vadd.f32 v19, v6  }
0x20b: {  	v27 =	vmul.f32 v22, v22;
	v7 =	vadd.f32 v22, v7;
	v25 =	vsub.f32 v52, v5  }
0x20c: {  	[tilespmem:$0x6520] =	vst v15;
	v15 =	vsub.f32 v45, v4;
	v10 =	vadd.f32 v51, v10  }
0x20d: {  	v31 =	vld [tilespmem:$0x65F0];
	v29 =	vmul.f32 v24, v24;
	v13 =	vadd.f32 v27, v13;
	v6 =	vadd.f32 v21, v6  }
0x20e: {  	[tilespmem:$0x6590] =	vst v24;
	v53 =	vmul.f32 v21, v21;
	v7 =	vadd.f32 v24, v7;
	v27 =	vsub.f32 v54, v5  }
0x20f: {  	v57 =	vld [tilespmem:$0x6610];
	[tilespmem:$0x6540] =	vst v17;
	v24 =	vsub.f32 v63, v5;
	v17 =	vsub.f32 v50, v5  }
0x210: {  	v55 =	vmul.f32 v23, v23;
	v54 =	vld [tilespmem:$0x66C0];
	v10 =	vadd.f32 v53, v10;
	v13 =	vadd.f32 v29, v13  }
0x211: {  	v30 =	vmul.f32 v26, v26;
	v6 =	vadd.f32 v23, v6;
	v7 =	vadd.f32 v26, v7  }
0x212: {  	v29 =	vsub.f32 v31, v4;
	v10 =	vadd.f32 v55, v10  }
0x213: {  	v42 =	vld [tilespmem:$0x6680];
	v56 =	vmul.f32 v25, v25;
	v13 =	vadd.f32 v30, v13;
	v6 =	vadd.f32 v25, v6  }
0x214: {  	v33 =	vmul.f32 v28, v28;
	v7 =	vadd.f32 v28, v7;
	v30 =	vsub.f32 v57, v4;
	v55 =	vld [tilespmem:$0x66D0]  }
0x215: {  	[tilespmem:$0x6560] =	vst v19;
	v59 =	vmul.f32 v27, v27;
	v57 =	vld [tilespmem:$0x66E0];
	v19 =	vsub.f32 v54, v5;
	v10 =	vadd.f32 v56, v10  }
0x216: {  	v58 =	vld [tilespmem:$0x6630];
	v35 =	vmul.f32 v29, v29;
	v13 =	vadd.f32 v33, v13;
	v6 =	vadd.f32 v27, v6  }
0x217: {  	v52 =	vld [tilespmem:$0x66B0];
	v7 =	vadd.f32 v29, v7;
	v10 =	vadd.f32 v59, v10  }
0x218: {  	v33 =	vld [tilespmem:$0x6710];
	v61 =	vadd.f32 v35, v13;
	v6 =	vadd.f32 v32, v6  }
0x219: {  	v60 =	vmul.f32 v32, v32;
	[tilespmem:$0x6530] =	vst v18;
	v7 =	vadd.f32 v30, v7;
	v13 =	vsub.f32 v42, v5  }
0x21a: {  	v36 =	vld [tilespmem:$0x6720];
	[tilespmem:$0x6580] =	vst v21;
	v62 =	vmul.f32 v30, v30;
	v18 =	vsub.f32 v55, v4;
	v21 =	vsub.f32 v57, v5  }
0x21b: {  	[tilespmem:$0x64C0] =	vst v8;
	v59 =	vld [tilespmem:$0x66F0];
	v37 =	vadd.f32 v60, v10;
	v10 =	vsub.f32 v58, v4  }
0x21c: {  	[tilespmem:$0x64D0] =	vst v9;
	v38 =	vmul.f32 v34, v34;
	v39 =	vld [tilespmem:$0x6740];
	v8 =	vadd.f32 v62, v61;
	v6 =	vadd.f32 v34, v6  }
0x21d: {  	[tilespmem:$0x64F0] =	vst v12;
	v57 =	vld [tilespmem:$0x67B0];
	v58 =	vsub.f32 v52, v4;
	v40 =	vsub.f32 v33, v4  }
0x21e: {  	[tilespmem:$0x6620] =	vst v34;
	v52 =	vld [tilespmem:$0x6780];
	v9 =	vadd.f32 v38, v37;
	v41 =	vmul.f32 v10, v10;
	v7 =	vadd.f32 v10, v7  }
0x21f: {  	v46 =	vmul.f32 v43, v43;
	[tilespmem:$0x6640] =	vst v43;
	v34 =	vld [tilespmem:$0x6810];
	v6 =	vadd.f32 v43, v6;
	v43 =	vsub.f32 v36, v5  }
0x220: {  	[tilespmem:$0x6550] =	vst v20;
	v20 =	vsub.f32 v59, v4;
	v8 =	vadd.f32 v41, v8  }
0x221: {  	[tilespmem:$0x6500] =	vst v14;
	v37 =	vld [tilespmem:$0x6730];
	v7 =	vadd.f32 v44, v7;
	v9 =	vadd.f32 v46, v9  }
0x222: {  	v48 =	vmul.f32 v44, v44;
	[tilespmem:$0x65E0] =	vst v27;
	v6 =	vadd.f32 v47, v6;
	v46 =	vsub.f32 v39, v5  }
0x223: {  	v49 =	vmul.f32 v47, v47;
	[tilespmem:$0x65F0] =	vst v29;
	v29 =	vld [tilespmem:$0x67E0];
	v27 =	vsub.f32 v57, v4;
	v59 =	vsub.f32 v52, v5  }
0x224: {  	[tilespmem:$0x6510] =	vst v16;
	v51 =	vmul.f32 v11, v11;
	v55 =	vld [tilespmem:$0x67A0];
	v14 =	vsub.f32 v34, v4;
	v8 =	vadd.f32 v48, v8  }
0x225: {  	[tilespmem:$0x65A0] =	vst v23;
	v53 =	vmul.f32 v13, v13;
	v41 =	vld [tilespmem:$0x6750];
	v9 =	vadd.f32 v49, v9;
	v7 =	vadd.f32 v11, v7  }
0x226: {  	[tilespmem:$0x6610] =	vst v30;
	v30 =	vld [tilespmem:$0x67F0];
	v6 =	vadd.f32 v13, v6;
	v23 =	vsub.f32 v37, v4  }
0x227: {  	[tilespmem:$0x6660] =	vst v47;
	v47 =	vld [tilespmem:$0x6760];
	v8 =	vadd.f32 v51, v8;
	v9 =	vadd.f32 v53, v9  }
0x228: {  	[tilespmem:$0x6690] =	vst v15;
	v56 =	vmul.f32 v15, v15;
	v39 =	vld [tilespmem:$0x6820];
	v7 =	vadd.f32 v15, v7;
	v6 =	vadd.f32 v17, v6  }
0x229: {  	[tilespmem:$0x66A0] =	vst v17;
	v60 =	vmul.f32 v17, v17;
	v49 =	vld [tilespmem:$0x6770];
	v15 =	vsub.f32 v55, v5;
	v17 =	vsub.f32 v29, v5  }
0x22a: {  	[tilespmem:$0x6570] =	vst v22;
	v50 =	vsub.f32 v41, v4;
	v8 =	vadd.f32 v56, v8  }
0x22b: {  	[tilespmem:$0x65B0] =	vst v26;
	v53 =	vld [tilespmem:$0x6790];
	v7 =	vadd.f32 v58, v7;
	v9 =	vadd.f32 v60, v9  }
0x22c: {  	[tilespmem:$0x65D0] =	vst v28;
	v61 =	vmul.f32 v58, v58;
	v6 =	vadd.f32 v19, v6;
	v56 =	vsub.f32 v47, v5  }
0x22d: {  	[tilespmem:$0x66C0] =	vst v19;
	v62 =	vmul.f32 v19, v19;
	v19 =	vsub.f32 v30, v4;
	v47 =	vsub.f32 v39, v5  }
0x22e: {  	[tilespmem:$0x6600] =	vst v32;
	v12 =	vsub.f32 v49, v4;
	v8 =	vadd.f32 v61, v8  }
0x22f: {  	[tilespmem:$0x6650] =	vst v44;
	v32 =	vld [tilespmem:$0x6800];
	v28 =	vmul.f32 v18, v18;
	v9 =	vadd.f32 v62, v9;
	v7 =	vadd.f32 v18, v7  }
0x230: {  	[tilespmem:$0x6670] =	vst v11;
	v35 =	vmul.f32 v21, v21;
	v6 =	vadd.f32 v21, v6;
	v62 =	vld [tilespmem:$0x67C0];
	v11 =	vsub.f32 v53, v4  }
0x231: {  	[tilespmem:$0x65C0] =	vst v25;
	v38 =	vmul.f32 v20, v20;
	v55 =	vld [tilespmem:$0x6890];
	v8 =	vadd.f32 v28, v8;
	v7 =	vadd.f32 v20, v7  }
0x232: {  	[tilespmem:$0x6700] =	vst v24;
	v42 =	vmul.f32 v24, v24;
	v9 =	vadd.f32 v35, v9;
	v6 =	vadd.f32 v24, v6  }
0x233: {  	[tilespmem:$0x6680] =	vst v13;
	v24 =	vld [tilespmem:$0x67D0];
	v8 =	vadd.f32 v38, v8;
	v7 =	vadd.f32 v40, v7  }
0x234: {  	[tilespmem:$0x66D0] =	vst v18;
	v44 =	vmul.f32 v40, v40;
	v9 =	vadd.f32 v42, v9;
	v6 =	vadd.f32 v43, v6  }
0x235: {  	v45 =	vmul.f32 v43, v43;
	[tilespmem:$0x66F0] =	vst v20;
	v41 =	vld [tilespmem:$0x6830];
	v38 =	vsub.f32 v32, v5;
	v20 =	vsub.f32 v62, v5  }
0x236: {  	[tilespmem:$0x66E0] =	vst v21;
	v51 =	vmul.f32 v46, v46;
	v49 =	vld [tilespmem:$0x6870];
	v62 =	vsub.f32 v55, v4;
	v8 =	vadd.f32 v44, v8  }
0x237: {  	[tilespmem:$0x6720] =	vst v43;
	v48 =	vmul.f32 v23, v23;
	v43 =	vld [tilespmem:$0x6840];
	v9 =	vadd.f32 v45, v9;
	v7 =	vadd.f32 v23, v7  }
0x238: {  	[tilespmem:$0x6630] =	vst v10;
	v6 =	vadd.f32 v46, v6;
	v33 =	vsub.f32 v24, v4  }
0x239: {  	[tilespmem:$0x66B0] =	vst v58;
	v44 =	vld [tilespmem:$0x6850];
	v8 =	vadd.f32 v48, v8;
	v9 =	vadd.f32 v51, v9  }
0x23a: {  	[tilespmem:$0x6710] =	vst v40;
	v54 =	vmul.f32 v50, v50;
	v7 =	vadd.f32 v50, v7;
	v6 =	vadd.f32 v56, v6  }
0x23b: {  	v58 =	vmul.f32 v56, v56;
	[tilespmem:$0x6760] =	vst v56;
	v53 =	vld [tilespmem:$0x6880];
	v48 =	vsub.f32 v41, v4;
	v56 =	vsub.f32 v49, v4  }
0x23c: {  	[tilespmem:$0x6740] =	vst v46;
	v61 =	vmul.f32 v59, v59;
	v46 =	vld [tilespmem:$0x6860];
	v16 =	vsub.f32 v43, v5;
	v8 =	vadd.f32 v54, v8  }
0x23d: {  	[tilespmem:$0x67B0] =	vst v27;
	v60 =	vmul.f32 v12, v12;
	v7 =	vadd.f32 v12, v7;
	v9 =	vadd.f32 v58, v9  }
0x23e: {  	[tilespmem:$0x6780] =	vst v59;
	v6 =	vadd.f32 v59, v6;
	v58 =	vld [tilespmem:$0x68A0];
	v10 =	vsub.f32 v44, v4  }
0x23f: {  	[tilespmem:$0x6810] =	vst v14;
	v28 =	vmul.f32 v15, v15;
	v59 =	vld [tilespmem:$0x68B0];
	v8 =	vadd.f32 v60, v8;
	v9 =	vadd.f32 v61, v9  }
0x240: {  	[tilespmem:$0x6730] =	vst v23;
	v63 =	vmul.f32 v11, v11;
	v7 =	vadd.f32 v11, v7;
	v6 =	vadd.f32 v15, v6  }
0x241: {  	[tilespmem:$0x67A0] =	vst v15;
	v15 =	vsub.f32 v46, v5;
	v61 =	vsub.f32 v53, v5  }
0x242: {  	[tilespmem:$0x67E0] =	vst v17;
	v8 =	vadd.f32 v63, v8;
	v9 =	vadd.f32 v28, v9  }
0x243: {  	v31 =	vmul.f32 v27, v27;
	[tilespmem:$0x6750] =	vst v50;
	v7 =	vadd.f32 v27, v7;
	v6 =	vadd.f32 v20, v6  }
0x244: {  	[tilespmem:$0x67F0] =	vst v19;
	v35 =	vmul.f32 v20, v20;
	v5 =	vsub.f32 v58, v5;
	v4 =	vsub.f32 v59, v4  }
0x245: {  	[tilespmem:$0x6820] =	vst v47;
	v36 =	vmul.f32 v33, v33;
	v8 =	vadd.f32 v31, v8;
	v7 =	vadd.f32 v33, v7  }
0x246: {  	v37 =	vmul.f32 v17, v17;
	[tilespmem:$0x6770] =	vst v12;
	v9 =	vadd.f32 v35, v9;
	v6 =	vadd.f32 v17, v6  }
0x247: {  	[tilespmem:$0x6790] =	vst v11;
	v40 =	vmul.f32 v19, v19;
	v8 =	vadd.f32 v36, v8;
	v7 =	vadd.f32 v19, v7  }
0x248: {  	v42 =	vmul.f32 v38, v38;
	[tilespmem:$0x6800] =	vst v38;
	v9 =	vadd.f32 v37, v9;
	v6 =	vadd.f32 v38, v6  }
0x249: {  	v45 =	vmul.f32 v14, v14;
	[tilespmem:$0x67C0] =	vst v20;
	v8 =	vadd.f32 v40, v8;
	v7 =	vadd.f32 v14, v7  }
0x24a: {  	[tilespmem:$0x6890] =	vst v62;
	v50 =	vmul.f32 v47, v47;
	v9 =	vadd.f32 v42, v9;
	v6 =	vadd.f32 v47, v6  }
0x24b: {  	[tilespmem:$0x67D0] =	vst v33;
	v51 =	vmul.f32 v48, v48;
	v8 =	vadd.f32 v45, v8;
	v7 =	vadd.f32 v48, v7  }
0x24c: {  	[tilespmem:$0x6830] =	vst v48;
	v52 =	vmul.f32 v16, v16;
	v9 =	vadd.f32 v50, v9;
	v6 =	vadd.f32 v16, v6  }
0x24d: {  	[tilespmem:$0x6870] =	vst v56;
	v54 =	vmul.f32 v10, v10;
	v8 =	vadd.f32 v51, v8;
	v7 =	vadd.f32 v10, v7  }
0x24e: {  	[tilespmem:$0x6840] =	vst v16;
	v57 =	vmul.f32 v15, v15;
	v9 =	vadd.f32 v52, v9;
	v6 =	vadd.f32 v15, v6  }
0x24f: {  	v60 =	vmul.f32 v56, v56;
	[tilespmem:$0x6850] =	vst v10;
	v8 =	vadd.f32 v54, v8;
	v7 =	vadd.f32 v56, v7  }
0x250: {  	[tilespmem:$0x6860] =	vst v15;
	v63 =	vmul.f32 v61, v61;
	v9 =	vadd.f32 v57, v9;
	v6 =	vadd.f32 v61, v6  }
0x251: {  	[tilespmem:$0x6880] =	vst v61;
	v10 =	vmul.f32 v62, v62;
	v8 =	vadd.f32 v60, v8;
	v7 =	vadd.f32 v62, v7  }
0x252: {  	[tilespmem:$0x68A0] =	vst v5;
	v9 =	vadd.f32 v63, v9;
	v6 =	vadd.f32 v5, v6;
	v5 =	vmul.f32 v5, v5  }
0x253: {  	[tilespmem:$0x68B0] =	vst v4;
	v8 =	vadd.f32 v10, v8;
	v7 =	vadd.f32 v4, v7;
	v4 =	vmul.f32 v4, v4  }
.Ltmp10:
0x254: {  	s8 =	sadd.s32 s2, s8;
	v5 =	vadd.f32 v5, v9;
	[tilespmem:$0x6CC0] =	vst v6;
	(pc) =	sbr.rel .LBB2_14-.Ltmp10, $4  }
0x255: {  	s8 =	sshll.u32 s8, $0x7;
	v4 =	vadd.f32 v4, v8;
	[tilespmem:$0x6CD0] =	vst v7  }
0x256: {  	s8 =	sand.u32 $0x1FFFFF00, s8;
	[tilespmem:$0x6CE0] =	vst v5  }
0x257: {  	s8 =	sadd.s32 s5, s8;
	[tilespmem:$0x6CF0] =	vst v4  }
0x258: {  	[hbm4b:s8+s3] =	stream.linear.scatter [tilespmem:s30], [sflag:$0x3], $0x400, $0x38;
	[tilespmem:$0x6D40] =	vst v63  }
.LBB2_16:
0x259: {  	_ =	sfence.sel $0x180000  }
0x25a: {  	[bflag:$0x0] =	sbarrier.arrive $0xFFFF  }
0x25b: {  	_ =	strace $0x90000047  }
0x25c: {  	s0 =	stileid.u32;
	[bflag:$0x2] =	sbarrier.arrive $0xFFFF  }
0x25d: {  	p0 =	sne.s32 s0, $0x0;
	s0 =	rddreg [dreg:$0x2]  }
0x25e: {  	s0 =	sadd.s32 @!p0 $0x100000, s0  }
0x25f: {  	[sflag:s0] =	ssyncadd.tile.s32 @!p0 $0x1;
	_ =	shalt  }
.Lfunc_end2:
_tile_overlayer_lowered:
.L_overlay_start_2:
0x260: {  	(tag) =	ssettag $0x2  }
0x261: {  	s0 =	rddreg [dreg:$0x0];
	s2 =	stileid.u32  }
0x262: {  	s1 =	rddreg [dreg:$0x1];
	p0 =	sne.s32 s2, $0x0  }
0x263: {  	s3 =	rddreg [dreg:$0x2];
	[bflag:$0x3] =	sbarrier.arrive $0xFFFF;
	s2 =	simm.s32 @!p0 $0x1C05  }
0x264: {  	[timem:s3], [sflag:s2] =	dma.local @!p0 [hbm:s0], s1  }
0x265: {  	s0 =	simm.s32 @!p0 $0x5  }
0x266: {  	_ =	swait.ge @!p0 [sflag:s0], s1  }
0x267: {  	s1 =	ssub.s32 @!p0 $0x0, s1;
	[sflag:s0] =	ssyncset.done @!p0 $0x0  }
0x268: {  	[sflag:s0] =	ssyncadd.s32 @!p0 s1  }
0x269: {  	[bflag:$0x3] =	sbarrier.arrive $0xFFFF  }
0x26a: {  	_ =	shalt  }

</sc_bundles>
